<compile_context>
chip_gen: v7x
topology: tpu7x:2x2x1
jax: 0.10.2.dev20260603
libtpu: 0.0.44.dev20260713+nightly
codegen_flags: <defaults>
</compile_context>

<pallas_src>
import dataclasses
import functools

import jax
import jax.numpy as jnp
from jax import lax
from jax.experimental import pallas as pl
from jax.experimental.pallas import tpu as pltpu
from jax.experimental.pallas import tpu_sc as plsc

NFEAT = 128
MAX_SIZE = 100
NUM_STAMPS = 8
NUM_PAIRS = NUM_STAMPS // 2
PAIR_PAD = 104
PAIR_SIZE = MAX_SIZE * PAIR_PAD
LANES = 16

NUM_CORES = 2
NUM_SUBCORES = 16
NUM_WORKERS = NUM_CORES * NUM_SUBCORES

ROWS_PER_CHUNK = 32
GATHER_ROWS = ROWS_PER_CHUNK * NUM_PAIRS
RAW_COLS = 128
SEQ = 50
SEQ_PAD = 56
NBUF = 2
NACC = 4


def _pair_table_kernel(t_ref, o_ref):
    a = t_ref[0]
    b = t_ref[1]
    o_ref[0, :, pl.ds(0, MAX_SIZE), :] = a[:, None, :] + b[None, :, :]


def _build_pair_tables(tables):
    return pl.pallas_call(
        _pair_table_kernel,
        grid=(NUM_PAIRS,),
        in_specs=[pl.BlockSpec((2, MAX_SIZE, NFEAT), lambda p: (p, 0, 0))],
        out_specs=pl.BlockSpec((1, MAX_SIZE, PAIR_PAD, NFEAT),
                               lambda p: (p, 0, 0, 0)),
        out_shape=jax.ShapeDtypeStruct(
            (NUM_PAIRS, MAX_SIZE, PAIR_PAD, NFEAT), tables.dtype),
    )(tables[:NUM_STAMPS])


def _sc_kernel(bsz, seq, x2d_hbm, ptab_hbm, out_hbm,
               raw_v, rows_v, acc_v, gsems, osems):
    n_rows = bsz * seq
    rows_per_worker = n_rows // NUM_WORKERS
    e_per_worker = rows_per_worker // seq
    chunks = rows_per_worker // ROWS_PER_CHUNK
    raw_rows = rows_per_worker * NUM_STAMPS // RAW_COLS
    wid = lax.axis_index("s") * NUM_CORES + lax.axis_index("c")
    base_e = wid * e_per_worker

    pltpu.sync_copy(x2d_hbm.at[pl.ds(wid * raw_rows, raw_rows)], raw_v)

    iota = lax.iota(jnp.int32, LANES)
    pbase = (iota % NUM_PAIRS) * PAIR_SIZE
    groups = rows_per_worker * NUM_PAIRS // LANES

    @pl.loop(0, groups)
    def _(g):
        qa = g * 2 * LANES + 2 * iota
        qb = qa + 1
        a = plsc.load_gather(raw_v, [qa >> 7, qa & 127])
        b = plsc.load_gather(raw_v, [qb >> 7, qb & 127])
        v = a * PAIR_PAD + b + pbase
        q = g * LANES + iota
        plsc.store_scatter(raw_v, [q >> 7, q & 127], v)

    def start_gather(ch, b):
        pltpu.async_copy(ptab_hbm.at[raw_v.at[ch]], rows_v.at[b], gsems[b])

    def wait_gather(ch, b):
        pltpu.make_async_copy(ptab_hbm.at[raw_v.at[ch]], rows_v.at[b],
                              gsems[b]).wait()

    def compute(ch, b):
        @plsc.parallel_loop(0, ROWS_PER_CHUNK, unroll=2)
        def _(n):
            g0 = ch * ROWS_PER_CHUNK + n
            e = g0 // seq
            l = g0 - e * seq
            slot = e & (NACC - 1)
            for f in range(NFEAT // LANES):
                sl = pl.ds(f * LANES, LANES)
                v = [rows_v[b, n * NUM_PAIRS + i, sl]
                     for i in range(NUM_PAIRS)]
                while len(v) > 1:
                    v = [v[i] + v[i + 1] for i in range(0, len(v), 2)]
                acc_v[slot, l, sl] = v[0]

    def start_out(e, s):
        pltpu.async_copy(acc_v.at[e & (NACC - 1)],
                         out_hbm.at[pl.ds((base_e + e) * SEQ_PAD, SEQ_PAD)],
                         osems[s])

    def wait_out(e, s):
        pltpu.make_async_copy(acc_v.at[e & (NACC - 1)],
                              out_hbm.at[pl.ds((base_e + e) * SEQ_PAD,
                                               SEQ_PAD)],
                              osems[s]).wait()

    def entry_flow(ch):
        if isinstance(ch, int):
            s_new = (ch * ROWS_PER_CHUNK + ROWS_PER_CHUNK - 1) // seq
            s_old = (ch * ROWS_PER_CHUNK - 1) // seq if ch else -1
            if s_new > s_old and s_new >= NACC:
                wait_out(s_new - NACC, (s_new - NACC) & (NACC - 1))
        else:
            s_new = (ch * ROWS_PER_CHUNK + ROWS_PER_CHUNK - 1) // seq
            s_old = (ch * ROWS_PER_CHUNK - 1) // seq
            began = jnp.logical_and(s_new > s_old, s_new >= NACC)
            for s in range(NACC):
                @pl.when(jnp.logical_and(
                    began, ((s_new - NACC) & (NACC - 1)) == s))
                def _():
                    wait_out(s_new - NACC, s)

    def fire_flow(ch):
        if isinstance(ch, int):
            ndone = (ch * ROWS_PER_CHUNK + ROWS_PER_CHUNK) // seq
            nprev = (ch * ROWS_PER_CHUNK) // seq
            if ndone > nprev:
                start_out(ndone - 1, (ndone - 1) & (NACC - 1))
        else:
            ndone = (ch * ROWS_PER_CHUNK + ROWS_PER_CHUNK) // seq
            nprev = (ch * ROWS_PER_CHUNK) // seq
            fire = ndone > nprev
            for s in range(NACC):
                @pl.when(jnp.logical_and(fire, ((ndone - 1) & (NACC - 1)) == s))
                def _():
                    start_out(ndone - 1, s)

    for b in range(NBUF):
        start_gather(b, b)

    @pl.loop(0, chunks - NBUF, step=NBUF)
    def _(c):
        for b in range(NBUF):
            ch = c + b
            entry_flow(ch)
            wait_gather(ch, b)
            compute(ch, b)
            fire_flow(ch)
            start_gather(ch + NBUF, b)

    for b in range(NBUF):
        ch = chunks - NBUF + b
        entry_flow(ch)
        wait_gather(ch, b)
        compute(ch, b)
        fire_flow(ch)
    for e in range(e_per_worker - NACC, e_per_worker):
        wait_out(e, e & (NACC - 1))


def kernel(x, tables):
    bsz, seq, num_stamps = x.shape
    n_rows = bsz * seq
    x2d = jnp.asarray(x, jnp.int32).reshape(
        n_rows * num_stamps // RAW_COLS, RAW_COLS)

    ptab = _build_pair_tables(tables)
    ptab = ptab.reshape(NUM_PAIRS * PAIR_SIZE, NFEAT)

    raw_rows = n_rows * num_stamps // NUM_WORKERS // RAW_COLS

    mesh = plsc.VectorSubcoreMesh(core_axis_name="c", subcore_axis_name="s")
    cp = pltpu.CompilerParams()
    if "needs_layout_passes" in pltpu.CompilerParams.__dataclass_fields__:
        cp = dataclasses.replace(cp, needs_layout_passes=False)
    run = pl.kernel(
        functools.partial(_sc_kernel, bsz, seq),
        out_type=jax.ShapeDtypeStruct((bsz * SEQ_PAD, NFEAT), tables.dtype),
        mesh=mesh,
        scratch_types=[
            pltpu.VMEM((raw_rows, RAW_COLS), jnp.int32),
            pltpu.VMEM((NBUF, GATHER_ROWS, NFEAT), jnp.float32),
            pltpu.VMEM((NACC, SEQ_PAD, NFEAT), jnp.float32),
            [pltpu.SemaphoreType.DMA] * NBUF,
            [pltpu.SemaphoreType.DMA] * NACC,
        ],
        compiler_params=cp,
    )
    out = run(x2d, ptab).reshape(bsz, SEQ_PAD, NFEAT)
    return out[:, :seq, :]

# --- scband reference (transcript-rebuilt; emitter-appended) ---
"""Pipeline reference for scband-temporal-embedding-49185965473997 (READ-ONLY COPY).

The authoritative reference and input builder live on the scoring server;
editing this copy changes nothing except your own understanding.
"""

import jax, jax.numpy as jnp
import numpy as np

NFEAT = 128
MAX_SIZE = 100
MAX_STAMPS = 20
B, L, NUM_STAMPS = 4096, 50, 8


def setup_inputs(seed: int = 0) -> dict:
    key = jax.random.key(seed)
    k_x, k_tab = jax.random.split(key)
    x = jax.random.randint(k_x, (B, L, NUM_STAMPS), 0, MAX_SIZE, dtype=jnp.int64)
    # One embedding table per timestamp slot, matching nn.Embedding init N(0,1)
    tables = jax.random.normal(k_tab, (MAX_STAMPS, MAX_SIZE, NFEAT), dtype=jnp.float32)
    return {"x": x, "tables": tables}


def reference(x, tables):
    # Faithful translation of TemporalEmbedding.forward:
    # sum over the last-dim timestamp slots of per-slot embedding lookups.
    num_stamps = x.shape[-1]
    xi = x.astype(jnp.int32)
    out = jnp.zeros((x.shape[0], x.shape[1], tables.shape[-1]), dtype=tables.dtype)
    for i in range(num_stamps):
        out = out + jnp.take(tables[i], xi[:, :, i], axis=0)
    return out

if __name__ == "__main__":
    import jax
    _d = setup_inputs()
    print(jax.jit(kernel)(*tuple(_d.values())))

</pallas_src>

<mosaic_0001>
#map = affine_map<(d0, d1) -> (0, 0)>
module attributes {stable_mosaic.version = 14 : i64} {
  func.func @_sc_kernel(%arg0: i32, %arg1: i32, %arg2: memref<12800x128xi32, #tpu.memory_space<hbm>>, %arg3: memref<41600x128xf32, #tpu.memory_space<hbm>>, %arg4: memref<229376x128xf32, #tpu.memory_space<hbm>>, %arg5: memref<400x128xi32, #tpu.memory_space<vmem>>, %arg6: memref<2x128x128xf32, #tpu.memory_space<vmem>>, %arg7: memref<4x56x128xf32, #tpu.memory_space<vmem>>, %arg8: memref<!tpu.dma_semaphore, #tpu.memory_space<semaphore_mem>>, %arg9: memref<!tpu.dma_semaphore, #tpu.memory_space<semaphore_mem>>, %arg10: memref<!tpu.dma_semaphore, #tpu.memory_space<semaphore_mem>>, %arg11: memref<!tpu.dma_semaphore, #tpu.memory_space<semaphore_mem>>, %arg12: memref<!tpu.dma_semaphore, #tpu.memory_space<semaphore_mem>>, %arg13: memref<!tpu.dma_semaphore, #tpu.memory_space<semaphore_mem>>) attributes {dimension_semantics = [#tpu.dimension_semantics<core_parallel>, #tpu.dimension_semantics<subcore_parallel>], iteration_bounds = array<i64: 2, 16>, scalar_prefetch = 0 : i64, scratch_operands = 9 : i64, tpu.core_type = #tpu.core_type<sc_vector_subcore>, window_params = [{transform_indices = #map}, {transform_indices = #map}, {transform_indices = #map}]} {
    %mul3A = arith.constant 2 : i32
    %mul3A_0 = arith.muli %arg1, %mul3A : i32
    %add3A = arith.addi %mul3A_0, %arg0 : i32
    %mul3A_1 = arith.constant 128 : i32
    %mul3A_2 = arith.muli %add3A, %mul3A_1 : i32
    %mul3A_3 = arith.constant 400 : i32
    %mul3A_4 = arith.muli %add3A, %mul3A_3 : i32
    "tpu.region"() ({
      %run_scoped3A = tpu.sem_alloc : memref<!tpu.dma_semaphore, #tpu.memory_space<semaphore_mem>>
      %dma_start3A_202 = arith.constant 0 : i32
      %dma_start3A_203 = tpu.memref_slice %arg2[%mul3A_4, %dma_start3A_202] : memref<12800x128xi32, #tpu.memory_space<hbm>> -> memref<400x128xi32, #tpu.memory_space<hbm>>
      %dma_start3A_204 = arith.constant 0 : i32
      %dma_start3A_205 = tpu.memref_slice %arg2[%mul3A_4, %dma_start3A_204] : memref<12800x128xi32, #tpu.memory_space<hbm>> -> memref<400x128xi32, #tpu.memory_space<hbm>>
      tpu.enqueue_dma source(%dma_start3A_205 : memref<400x128xi32, #tpu.memory_space<hbm>>) target(%arg5 : memref<400x128xi32, #tpu.memory_space<vmem>>) target_semaphore(%run_scoped3A : memref<!tpu.dma_semaphore, #tpu.memory_space<semaphore_mem>>)
      %dma_wait3A_206 = arith.constant 0 : i32
      %dma_wait3A_207 = tpu.memref_slice %arg2[%mul3A_4, %dma_wait3A_206] : memref<12800x128xi32, #tpu.memory_space<hbm>> -> memref<400x128xi32, #tpu.memory_space<hbm>>
      %dma_wait3A_208 = arith.constant 0 : i32
      %dma_wait3A_209 = tpu.memref_slice %arg2[%mul3A_4, %dma_wait3A_208] : memref<12800x128xi32, #tpu.memory_space<hbm>> -> memref<400x128xi32, #tpu.memory_space<hbm>>
      tpu.wait_dma2 semaphore(%run_scoped3A : memref<!tpu.dma_semaphore, #tpu.memory_space<semaphore_mem>>) src(%dma_wait3A_209 : memref<400x128xi32, #tpu.memory_space<hbm>>) dst(%arg5 : memref<400x128xi32, #tpu.memory_space<vmem>>)
      tpu.yield
    }) : () -> ()
    %iota3A = tpu.iota {dimensions = array<i32: 0>} : vector<16xi32>
    %jit3A = arith.constant 4 : i32
    %eq3A = arith.constant 0 : i32
    %eq3A_5 = arith.cmpi eq, %jit3A, %eq3A : i32
    %jit3A_6 = arith.constant 1 : i32
    %select_n3A = arith.select %eq3A_5, %jit3A_6, %jit3A : i32
    %rem3A = vector.broadcast %select_n3A : i32 to vector<16xi32>
    %rem3A_7 = arith.remsi %iota3A, %rem3A : vector<16xi32>
    %ne3A = arith.constant 0 : i32
    %ne3A_8 = vector.broadcast %ne3A : i32 to vector<16xi32>
    %ne3A_9 = arith.cmpi ne, %rem3A_7, %ne3A_8 : vector<16xi32>
    %lt3A = arith.constant 0 : i32
    %lt3A_10 = vector.broadcast %lt3A : i32 to vector<16xi32>
    %lt3A_11 = arith.cmpi slt, %rem3A_7, %lt3A_10 : vector<16xi32>
    %lt3A_12 = arith.constant 0 : i32
    %lt3A_13 = arith.cmpi slt, %select_n3A, %lt3A_12 : i32
    %ne3A_14 = vector.broadcast %lt3A_13 : i1 to vector<16xi1>
    %ne3A_15 = vector.broadcast %ne3A_14 : vector<16xi1> to vector<16xi1>
    %ne3A_16 = arith.xori %lt3A_11, %ne3A_15 : vector<16xi1>
    %and3A = arith.andi %ne3A_16, %ne3A_9 : vector<16xi1>
    %add3A_17 = vector.broadcast %select_n3A : i32 to vector<16xi32>
    %add3A_18 = arith.addi %rem3A_7, %add3A_17 : vector<16xi32>
    %select_n3A_19 = arith.select %and3A, %add3A_18, %rem3A_7 : vector<16xi1>, vector<16xi32>
    %mul3A_20 = arith.constant 10400 : i32
    %mul3A_21 = vector.broadcast %mul3A_20 : i32 to vector<16xi32>
    %mul3A_22 = arith.muli %select_n3A_19, %mul3A_21 : vector<16xi32>
    %scan3A = arith.constant 0 : i32
    %scan3A_23 = arith.constant 1600 : i32
    %scan3A_24 = arith.addi %scan3A, %scan3A_23 : i32
    %scan3A_25 = arith.constant 1 : i32
    scf.for %scan3A_202 = %scan3A to %scan3A_24 step %scan3A_25  : i32 {
      %mul3A_203 = arith.constant 1 : i32
      %mul3A_204 = arith.muli %scan3A_202, %mul3A_203 : i32
      %add3A_205 = arith.constant 0 : i32
      %add3A_206 = arith.addi %add3A_205, %mul3A_204 : i32
      %mul3A_207 = arith.constant 2 : i32
      %mul3A_208 = arith.muli %add3A_206, %mul3A_207 : i32
      %mul3A_209 = arith.constant 16 : i32
      %mul3A_210 = arith.muli %mul3A_208, %mul3A_209 : i32
      %mul3A_211 = arith.constant 2 : i32
      %mul3A_212 = vector.broadcast %mul3A_211 : i32 to vector<16xi32>
      %mul3A_213 = arith.muli %mul3A_212, %iota3A : vector<16xi32>
      %add3A_214 = vector.broadcast %mul3A_210 : i32 to vector<16xi32>
      %add3A_215 = arith.addi %add3A_214, %mul3A_213 : vector<16xi32>
      %add3A_216 = arith.constant 1 : i32
      %add3A_217 = vector.broadcast %add3A_216 : i32 to vector<16xi32>
      %add3A_218 = arith.addi %add3A_215, %add3A_217 : vector<16xi32>
      %shift_right_arithmetic3A = arith.constant 7 : i32
      %shift_right_arithmetic3A_219 = vector.broadcast %shift_right_arithmetic3A : i32 to vector<16xi32>
      %shift_right_arithmetic3A_220 = arith.shrsi %add3A_215, %shift_right_arithmetic3A_219 : vector<16xi32>
      %and3A_221 = arith.constant 127 : i32
      %and3A_222 = vector.broadcast %and3A_221 : i32 to vector<16xi32>
      %and3A_223 = arith.andi %add3A_215, %and3A_222 : vector<16xi32>
      %gather3A = tpu.vector_load_idx %arg5[%shift_right_arithmetic3A_220, %and3A_223] : memref<400x128xi32, #tpu.memory_space<vmem>>[vector<16xi32>, vector<16xi32>], vector<16xi32>,
      %shift_right_arithmetic3A_224 = arith.constant 7 : i32
      %shift_right_arithmetic3A_225 = vector.broadcast %shift_right_arithmetic3A_224 : i32 to vector<16xi32>
      %shift_right_arithmetic3A_226 = arith.shrsi %add3A_218, %shift_right_arithmetic3A_225 : vector<16xi32>
      %and3A_227 = arith.constant 127 : i32
      %and3A_228 = vector.broadcast %and3A_227 : i32 to vector<16xi32>
      %and3A_229 = arith.andi %add3A_218, %and3A_228 : vector<16xi32>
      %gather3A_230 = tpu.vector_load_idx %arg5[%shift_right_arithmetic3A_226, %and3A_229] : memref<400x128xi32, #tpu.memory_space<vmem>>[vector<16xi32>, vector<16xi32>], vector<16xi32>,
      %mul3A_231 = arith.constant 104 : i32
      %mul3A_232 = vector.broadcast %mul3A_231 : i32 to vector<16xi32>
      %mul3A_233 = arith.muli %gather3A, %mul3A_232 : vector<16xi32>
      %add3A_234 = arith.addi %mul3A_233, %gather3A_230 : vector<16xi32>
      %add3A_235 = arith.addi %add3A_234, %mul3A_22 : vector<16xi32>
      %mul3A_236 = arith.constant 16 : i32
      %mul3A_237 = arith.muli %add3A_206, %mul3A_236 : i32
      %add3A_238 = vector.broadcast %mul3A_237 : i32 to vector<16xi32>
      %add3A_239 = arith.addi %add3A_238, %iota3A : vector<16xi32>
      %shift_right_arithmetic3A_240 = arith.constant 7 : i32
      %shift_right_arithmetic3A_241 = vector.broadcast %shift_right_arithmetic3A_240 : i32 to vector<16xi32>
      %shift_right_arithmetic3A_242 = arith.shrsi %add3A_239, %shift_right_arithmetic3A_241 : vector<16xi32>
      %and3A_243 = arith.constant 127 : i32
      %and3A_244 = vector.broadcast %and3A_243 : i32 to vector<16xi32>
      %and3A_245 = arith.andi %add3A_239, %and3A_244 : vector<16xi32>
      tpu.vector_store_idx %arg5[%shift_right_arithmetic3A_242, %and3A_245], %add3A_235 : memref<400x128xi32, #tpu.memory_space<vmem>>[vector<16xi32>, vector<16xi32>], vector<16xi32>,
    }
    %scan3A_26 = arith.constant 1600 : i32
    %dma_start3A = arith.constant 0 : i32
    %dma_start3A_27 = arith.constant 0 : i32
    %dma_start3A_28 = arith.constant 0 : i32
    %dma_start3A_29 = arith.constant 0 : i32
    %dma_start3A_30 = tpu.memref_slice %arg6[%dma_start3A_27, %dma_start3A_28, %dma_start3A_29] : memref<2x128x128xf32, #tpu.memory_space<vmem>> -> memref<1x128x128xf32, #tpu.memory_space<vmem>>
    %dma_start3A_31 = tpu.memref_squeeze %dma_start3A_30 : memref<1x128x128xf32, #tpu.memory_space<vmem>> -> memref<128x128xf32, #tpu.memory_space<vmem>>
    %dma_start3A_32 = arith.constant 0 : i32
    %dma_start3A_33 = tpu.memref_slice %arg5[%dma_start3A, %dma_start3A_32] : memref<400x128xi32, #tpu.memory_space<vmem>> -> memref<1x128xi32, #tpu.memory_space<vmem>>
    %dma_start3A_34 = tpu.memref_squeeze %dma_start3A_33 : memref<1x128xi32, #tpu.memory_space<vmem>> -> memref<128xi32, #tpu.memory_space<vmem>>
    %dma_start3A_35 = arith.constant 0 : i32
    %dma_start3A_36 = arith.constant 0 : i32
    %dma_start3A_37 = tpu.memref_slice %arg3[%dma_start3A_35, %dma_start3A_36] : memref<41600x128xf32, #tpu.memory_space<hbm>> -> memref<41600x128xf32, #tpu.memory_space<hbm>>
    tpu.enqueue_indirect_dma source(%dma_start3A_37 : memref<41600x128xf32, #tpu.memory_space<hbm>>) target(%dma_start3A_31 : memref<128x128xf32, #tpu.memory_space<vmem>>) offsets(%dma_start3A_34 : memref<128xi32, #tpu.memory_space<vmem>>) semaphore(%arg8 : memref<!tpu.dma_semaphore, #tpu.memory_space<semaphore_mem>>)
    %dma_start3A_38 = arith.constant 1 : i32
    %dma_start3A_39 = arith.constant 1 : i32
    %dma_start3A_40 = arith.constant 0 : i32
    %dma_start3A_41 = arith.constant 0 : i32
    %dma_start3A_42 = tpu.memref_slice %arg6[%dma_start3A_39, %dma_start3A_40, %dma_start3A_41] : memref<2x128x128xf32, #tpu.memory_space<vmem>> -> memref<1x128x128xf32, #tpu.memory_space<vmem>>
    %dma_start3A_43 = tpu.memref_squeeze %dma_start3A_42 : memref<1x128x128xf32, #tpu.memory_space<vmem>> -> memref<128x128xf32, #tpu.memory_space<vmem>>
    %dma_start3A_44 = arith.constant 0 : i32
    %dma_start3A_45 = tpu.memref_slice %arg5[%dma_start3A_38, %dma_start3A_44] : memref<400x128xi32, #tpu.memory_space<vmem>> -> memref<1x128xi32, #tpu.memory_space<vmem>>
    %dma_start3A_46 = tpu.memref_squeeze %dma_start3A_45 : memref<1x128xi32, #tpu.memory_space<vmem>> -> memref<128xi32, #tpu.memory_space<vmem>>
    %dma_start3A_47 = arith.constant 0 : i32
    %dma_start3A_48 = arith.constant 0 : i32
    %dma_start3A_49 = tpu.memref_slice %arg3[%dma_start3A_47, %dma_start3A_48] : memref<41600x128xf32, #tpu.memory_space<hbm>> -> memref<41600x128xf32, #tpu.memory_space<hbm>>
    tpu.enqueue_indirect_dma source(%dma_start3A_49 : memref<41600x128xf32, #tpu.memory_space<hbm>>) target(%dma_start3A_43 : memref<128x128xf32, #tpu.memory_space<vmem>>) offsets(%dma_start3A_46 : memref<128xi32, #tpu.memory_space<vmem>>) semaphore(%arg9 : memref<!tpu.dma_semaphore, #tpu.memory_space<semaphore_mem>>)
    %scan3A_50 = arith.constant 0 : i32
    %scan3A_51 = arith.constant 99 : i32
    %scan3A_52 = arith.addi %scan3A_50, %scan3A_51 : i32
    %scan3A_53 = arith.constant 1 : i32
    scf.for %scan3A_202 = %scan3A_50 to %scan3A_52 step %scan3A_53  : i32 {
      %mul3A_203 = arith.constant 2 : i32
      %mul3A_204 = arith.muli %scan3A_202, %mul3A_203 : i32
      %add3A_205 = arith.constant 0 : i32
      %add3A_206 = arith.addi %add3A_205, %mul3A_204 : i32
      %add3A_207 = arith.constant 0 : i32
      %add3A_208 = arith.addi %add3A_206, %add3A_207 : i32
      %mul3A_209 = arith.constant 32 : i32
      %mul3A_210 = arith.muli %add3A_208, %mul3A_209 : i32
      %add3A_211 = arith.constant 32 : i32
      %add3A_212 = arith.addi %mul3A_210, %add3A_211 : i32
      %sub3A = arith.constant 1 : i32
      %sub3A_213 = arith.subi %add3A_212, %sub3A : i32
      %jit3A_214 = arith.constant 50 : i32
      %div3A = arith.divsi %sub3A_213, %jit3A_214 : i32
      %sign3A = arith.constant 0 : i32
      %sign3A_215 = arith.cmpi sgt, %sub3A_213, %sign3A : i32
      %sign3A_216 = arith.extui %sign3A_215 : i1 to i32
      %sign3A_217 = arith.constant 0 : i32
      %sign3A_218 = arith.cmpi slt, %sub3A_213, %sign3A_217 : i32
      %sign3A_219 = arith.extui %sign3A_218 : i1 to i32
      %sign3A_220 = arith.subi %sign3A_216, %sign3A_219 : i32
      %sign3A_221 = arith.constant 0 : i32
      %sign3A_222 = arith.cmpi sgt, %jit3A_214, %sign3A_221 : i32
      %sign3A_223 = arith.extui %sign3A_222 : i1 to i32
      %sign3A_224 = arith.constant 0 : i32
      %sign3A_225 = arith.cmpi slt, %jit3A_214, %sign3A_224 : i32
      %sign3A_226 = arith.extui %sign3A_225 : i1 to i32
      %sign3A_227 = arith.subi %sign3A_223, %sign3A_226 : i32
      %ne3A_228 = arith.cmpi ne, %sign3A_220, %sign3A_227 : i32
      %rem3A_229 = arith.remsi %sub3A_213, %jit3A_214 : i32
      %ne3A_230 = arith.constant 0 : i32
      %ne3A_231 = arith.cmpi ne, %rem3A_229, %ne3A_230 : i32
      %and3A_232 = arith.andi %ne3A_228, %ne3A_231 : i1
      %sub3A_233 = arith.constant 1 : i32
      %sub3A_234 = arith.subi %div3A, %sub3A_233 : i32
      %select_n3A_235 = arith.select %and3A_232, %sub3A_234, %div3A : i32
      %mul3A_236 = arith.constant 32 : i32
      %mul3A_237 = arith.muli %add3A_208, %mul3A_236 : i32
      %sub3A_238 = arith.constant 1 : i32
      %sub3A_239 = arith.subi %mul3A_237, %sub3A_238 : i32
      %jit3A_240 = arith.constant 50 : i32
      %div3A_241 = arith.divsi %sub3A_239, %jit3A_240 : i32
      %sign3A_242 = arith.constant 0 : i32
      %sign3A_243 = arith.cmpi sgt, %sub3A_239, %sign3A_242 : i32
      %sign3A_244 = arith.extui %sign3A_243 : i1 to i32
      %sign3A_245 = arith.constant 0 : i32
      %sign3A_246 = arith.cmpi slt, %sub3A_239, %sign3A_245 : i32
      %sign3A_247 = arith.extui %sign3A_246 : i1 to i32
      %sign3A_248 = arith.subi %sign3A_244, %sign3A_247 : i32
      %sign3A_249 = arith.constant 0 : i32
      %sign3A_250 = arith.cmpi sgt, %jit3A_240, %sign3A_249 : i32
      %sign3A_251 = arith.extui %sign3A_250 : i1 to i32
      %sign3A_252 = arith.constant 0 : i32
      %sign3A_253 = arith.cmpi slt, %jit3A_240, %sign3A_252 : i32
      %sign3A_254 = arith.extui %sign3A_253 : i1 to i32
      %sign3A_255 = arith.subi %sign3A_251, %sign3A_254 : i32
      %ne3A_256 = arith.cmpi ne, %sign3A_248, %sign3A_255 : i32
      %rem3A_257 = arith.remsi %sub3A_239, %jit3A_240 : i32
      %ne3A_258 = arith.constant 0 : i32
      %ne3A_259 = arith.cmpi ne, %rem3A_257, %ne3A_258 : i32
      %and3A_260 = arith.andi %ne3A_256, %ne3A_259 : i1
      %sub3A_261 = arith.constant 1 : i32
      %sub3A_262 = arith.subi %div3A_241, %sub3A_261 : i32
      %select_n3A_263 = arith.select %and3A_260, %sub3A_262, %div3A_241 : i32
      %gt3A = arith.cmpi sgt, %select_n3A_235, %select_n3A_263 : i32
      %ge3A = arith.constant 4 : i32
      %ge3A_264 = arith.cmpi sge, %select_n3A_235, %ge3A : i32
      %and3A_265 = arith.andi %gt3A, %ge3A_264 : i1
      %sub3A_266 = arith.constant 4 : i32
      %sub3A_267 = arith.subi %select_n3A_235, %sub3A_266 : i32
      %and3A_268 = arith.constant 3 : i32
      %and3A_269 = arith.andi %sub3A_267, %and3A_268 : i32
      %eq3A_270 = arith.constant 0 : i32
      %eq3A_271 = arith.cmpi eq, %and3A_269, %eq3A_270 : i32
      %and3A_272 = arith.andi %and3A_265, %eq3A_271 : i1
      %convert_element_type3A = arith.extui %and3A_272 : i1 to i32
      %cond3A = arith.constant 0 : i32
      %cond3A_273 = arith.cmpi ne, %convert_element_type3A, %cond3A : i32
      scf.if %cond3A_273 {
        %sub3A_652 = arith.constant 4 : i32
        %sub3A_653 = arith.subi %select_n3A_235, %sub3A_652 : i32
        %and3A_654 = arith.constant 3 : i32
        %and3A_655 = arith.andi %sub3A_653, %and3A_654 : i32
        %add3A_656 = arith.addi %mul3A_2, %sub3A_653 : i32
        %mul3A_657 = arith.constant 56 : i32
        %mul3A_658 = arith.muli %add3A_656, %mul3A_657 : i32
        %dma_wait3A_659 = arith.constant 0 : i32
        %dma_wait3A_660 = arith.constant 0 : i32
        %dma_wait3A_661 = tpu.memref_slice %arg7[%and3A_655, %dma_wait3A_659, %dma_wait3A_660] : memref<4x56x128xf32, #tpu.memory_space<vmem>> -> memref<1x56x128xf32, #tpu.memory_space<vmem>>
        %dma_wait3A_662 = tpu.memref_squeeze %dma_wait3A_661 : memref<1x56x128xf32, #tpu.memory_space<vmem>> -> memref<56x128xf32, #tpu.memory_space<vmem>>
        %dma_wait3A_663 = arith.constant 0 : i32
        %dma_wait3A_664 = tpu.memref_slice %arg4[%mul3A_658, %dma_wait3A_663] : memref<229376x128xf32, #tpu.memory_space<hbm>> -> memref<56x128xf32, #tpu.memory_space<hbm>>
        %dma_wait3A_665 = arith.constant 0 : i32
        %dma_wait3A_666 = tpu.memref_slice %arg4[%mul3A_658, %dma_wait3A_665] : memref<229376x128xf32, #tpu.memory_space<hbm>> -> memref<56x128xf32, #tpu.memory_space<hbm>>
        %dma_wait3A_667 = arith.constant 0 : i32
        %dma_wait3A_668 = arith.constant 0 : i32
        %dma_wait3A_669 = tpu.memref_slice %arg7[%and3A_655, %dma_wait3A_667, %dma_wait3A_668] : memref<4x56x128xf32, #tpu.memory_space<vmem>> -> memref<1x56x128xf32, #tpu.memory_space<vmem>>
        %dma_wait3A_670 = tpu.memref_squeeze %dma_wait3A_669 : memref<1x56x128xf32, #tpu.memory_space<vmem>> -> memref<56x128xf32, #tpu.memory_space<vmem>>
        tpu.wait_dma2 semaphore(%arg10 : memref<!tpu.dma_semaphore, #tpu.memory_space<semaphore_mem>>) src(%dma_wait3A_670 : memref<56x128xf32, #tpu.memory_space<vmem>>) dst(%dma_wait3A_666 : memref<56x128xf32, #tpu.memory_space<hbm>>)
      } else {
      }
      %sub3A_274 = arith.constant 4 : i32
      %sub3A_275 = arith.subi %select_n3A_235, %sub3A_274 : i32
      %and3A_276 = arith.constant 3 : i32
      %and3A_277 = arith.andi %sub3A_275, %and3A_276 : i32
      %eq3A_278 = arith.constant 1 : i32
      %eq3A_279 = arith.cmpi eq, %and3A_277, %eq3A_278 : i32
      %and3A_280 = arith.andi %and3A_265, %eq3A_279 : i1
      %convert_element_type3A_281 = arith.extui %and3A_280 : i1 to i32
      %cond3A_282 = arith.constant 0 : i32
      %cond3A_283 = arith.cmpi ne, %convert_element_type3A_281, %cond3A_282 : i32
      scf.if %cond3A_283 {
        %sub3A_652 = arith.constant 4 : i32
        %sub3A_653 = arith.subi %select_n3A_235, %sub3A_652 : i32
        %and3A_654 = arith.constant 3 : i32
        %and3A_655 = arith.andi %sub3A_653, %and3A_654 : i32
        %add3A_656 = arith.addi %mul3A_2, %sub3A_653 : i32
        %mul3A_657 = arith.constant 56 : i32
        %mul3A_658 = arith.muli %add3A_656, %mul3A_657 : i32
        %dma_wait3A_659 = arith.constant 0 : i32
        %dma_wait3A_660 = arith.constant 0 : i32
        %dma_wait3A_661 = tpu.memref_slice %arg7[%and3A_655, %dma_wait3A_659, %dma_wait3A_660] : memref<4x56x128xf32, #tpu.memory_space<vmem>> -> memref<1x56x128xf32, #tpu.memory_space<vmem>>
        %dma_wait3A_662 = tpu.memref_squeeze %dma_wait3A_661 : memref<1x56x128xf32, #tpu.memory_space<vmem>> -> memref<56x128xf32, #tpu.memory_space<vmem>>
        %dma_wait3A_663 = arith.constant 0 : i32
        %dma_wait3A_664 = tpu.memref_slice %arg4[%mul3A_658, %dma_wait3A_663] : memref<229376x128xf32, #tpu.memory_space<hbm>> -> memref<56x128xf32, #tpu.memory_space<hbm>>
        %dma_wait3A_665 = arith.constant 0 : i32
        %dma_wait3A_666 = tpu.memref_slice %arg4[%mul3A_658, %dma_wait3A_665] : memref<229376x128xf32, #tpu.memory_space<hbm>> -> memref<56x128xf32, #tpu.memory_space<hbm>>
        %dma_wait3A_667 = arith.constant 0 : i32
        %dma_wait3A_668 = arith.constant 0 : i32
        %dma_wait3A_669 = tpu.memref_slice %arg7[%and3A_655, %dma_wait3A_667, %dma_wait3A_668] : memref<4x56x128xf32, #tpu.memory_space<vmem>> -> memref<1x56x128xf32, #tpu.memory_space<vmem>>
        %dma_wait3A_670 = tpu.memref_squeeze %dma_wait3A_669 : memref<1x56x128xf32, #tpu.memory_space<vmem>> -> memref<56x128xf32, #tpu.memory_space<vmem>>
        tpu.wait_dma2 semaphore(%arg11 : memref<!tpu.dma_semaphore, #tpu.memory_space<semaphore_mem>>) src(%dma_wait3A_670 : memref<56x128xf32, #tpu.memory_space<vmem>>) dst(%dma_wait3A_666 : memref<56x128xf32, #tpu.memory_space<hbm>>)
      } else {
      }
      %sub3A_284 = arith.constant 4 : i32
      %sub3A_285 = arith.subi %select_n3A_235, %sub3A_284 : i32
      %and3A_286 = arith.constant 3 : i32
      %and3A_287 = arith.andi %sub3A_285, %and3A_286 : i32
      %eq3A_288 = arith.constant 2 : i32
      %eq3A_289 = arith.cmpi eq, %and3A_287, %eq3A_288 : i32
      %and3A_290 = arith.andi %and3A_265, %eq3A_289 : i1
      %convert_element_type3A_291 = arith.extui %and3A_290 : i1 to i32
      %cond3A_292 = arith.constant 0 : i32
      %cond3A_293 = arith.cmpi ne, %convert_element_type3A_291, %cond3A_292 : i32
      scf.if %cond3A_293 {
        %sub3A_652 = arith.constant 4 : i32
        %sub3A_653 = arith.subi %select_n3A_235, %sub3A_652 : i32
        %and3A_654 = arith.constant 3 : i32
        %and3A_655 = arith.andi %sub3A_653, %and3A_654 : i32
        %add3A_656 = arith.addi %mul3A_2, %sub3A_653 : i32
        %mul3A_657 = arith.constant 56 : i32
        %mul3A_658 = arith.muli %add3A_656, %mul3A_657 : i32
        %dma_wait3A_659 = arith.constant 0 : i32
        %dma_wait3A_660 = arith.constant 0 : i32
        %dma_wait3A_661 = tpu.memref_slice %arg7[%and3A_655, %dma_wait3A_659, %dma_wait3A_660] : memref<4x56x128xf32, #tpu.memory_space<vmem>> -> memref<1x56x128xf32, #tpu.memory_space<vmem>>
        %dma_wait3A_662 = tpu.memref_squeeze %dma_wait3A_661 : memref<1x56x128xf32, #tpu.memory_space<vmem>> -> memref<56x128xf32, #tpu.memory_space<vmem>>
        %dma_wait3A_663 = arith.constant 0 : i32
        %dma_wait3A_664 = tpu.memref_slice %arg4[%mul3A_658, %dma_wait3A_663] : memref<229376x128xf32, #tpu.memory_space<hbm>> -> memref<56x128xf32, #tpu.memory_space<hbm>>
        %dma_wait3A_665 = arith.constant 0 : i32
        %dma_wait3A_666 = tpu.memref_slice %arg4[%mul3A_658, %dma_wait3A_665] : memref<229376x128xf32, #tpu.memory_space<hbm>> -> memref<56x128xf32, #tpu.memory_space<hbm>>
        %dma_wait3A_667 = arith.constant 0 : i32
        %dma_wait3A_668 = arith.constant 0 : i32
        %dma_wait3A_669 = tpu.memref_slice %arg7[%and3A_655, %dma_wait3A_667, %dma_wait3A_668] : memref<4x56x128xf32, #tpu.memory_space<vmem>> -> memref<1x56x128xf32, #tpu.memory_space<vmem>>
        %dma_wait3A_670 = tpu.memref_squeeze %dma_wait3A_669 : memref<1x56x128xf32, #tpu.memory_space<vmem>> -> memref<56x128xf32, #tpu.memory_space<vmem>>
        tpu.wait_dma2 semaphore(%arg12 : memref<!tpu.dma_semaphore, #tpu.memory_space<semaphore_mem>>) src(%dma_wait3A_670 : memref<56x128xf32, #tpu.memory_space<vmem>>) dst(%dma_wait3A_666 : memref<56x128xf32, #tpu.memory_space<hbm>>)
      } else {
      }
      %sub3A_294 = arith.constant 4 : i32
      %sub3A_295 = arith.subi %select_n3A_235, %sub3A_294 : i32
      %and3A_296 = arith.constant 3 : i32
      %and3A_297 = arith.andi %sub3A_295, %and3A_296 : i32
      %eq3A_298 = arith.constant 3 : i32
      %eq3A_299 = arith.cmpi eq, %and3A_297, %eq3A_298 : i32
      %and3A_300 = arith.andi %and3A_265, %eq3A_299 : i1
      %convert_element_type3A_301 = arith.extui %and3A_300 : i1 to i32
      %cond3A_302 = arith.constant 0 : i32
      %cond3A_303 = arith.cmpi ne, %convert_element_type3A_301, %cond3A_302 : i32
      scf.if %cond3A_303 {
        %sub3A_652 = arith.constant 4 : i32
        %sub3A_653 = arith.subi %select_n3A_235, %sub3A_652 : i32
        %and3A_654 = arith.constant 3 : i32
        %and3A_655 = arith.andi %sub3A_653, %and3A_654 : i32
        %add3A_656 = arith.addi %mul3A_2, %sub3A_653 : i32
        %mul3A_657 = arith.constant 56 : i32
        %mul3A_658 = arith.muli %add3A_656, %mul3A_657 : i32
        %dma_wait3A_659 = arith.constant 0 : i32
        %dma_wait3A_660 = arith.constant 0 : i32
        %dma_wait3A_661 = tpu.memref_slice %arg7[%and3A_655, %dma_wait3A_659, %dma_wait3A_660] : memref<4x56x128xf32, #tpu.memory_space<vmem>> -> memref<1x56x128xf32, #tpu.memory_space<vmem>>
        %dma_wait3A_662 = tpu.memref_squeeze %dma_wait3A_661 : memref<1x56x128xf32, #tpu.memory_space<vmem>> -> memref<56x128xf32, #tpu.memory_space<vmem>>
        %dma_wait3A_663 = arith.constant 0 : i32
        %dma_wait3A_664 = tpu.memref_slice %arg4[%mul3A_658, %dma_wait3A_663] : memref<229376x128xf32, #tpu.memory_space<hbm>> -> memref<56x128xf32, #tpu.memory_space<hbm>>
        %dma_wait3A_665 = arith.constant 0 : i32
        %dma_wait3A_666 = tpu.memref_slice %arg4[%mul3A_658, %dma_wait3A_665] : memref<229376x128xf32, #tpu.memory_space<hbm>> -> memref<56x128xf32, #tpu.memory_space<hbm>>
        %dma_wait3A_667 = arith.constant 0 : i32
        %dma_wait3A_668 = arith.constant 0 : i32
        %dma_wait3A_669 = tpu.memref_slice %arg7[%and3A_655, %dma_wait3A_667, %dma_wait3A_668] : memref<4x56x128xf32, #tpu.memory_space<vmem>> -> memref<1x56x128xf32, #tpu.memory_space<vmem>>
        %dma_wait3A_670 = tpu.memref_squeeze %dma_wait3A_669 : memref<1x56x128xf32, #tpu.memory_space<vmem>> -> memref<56x128xf32, #tpu.memory_space<vmem>>
        tpu.wait_dma2 semaphore(%arg13 : memref<!tpu.dma_semaphore, #tpu.memory_space<semaphore_mem>>) src(%dma_wait3A_670 : memref<56x128xf32, #tpu.memory_space<vmem>>) dst(%dma_wait3A_666 : memref<56x128xf32, #tpu.memory_space<hbm>>)
      } else {
      }
      %dma_wait3A_304 = arith.constant 0 : i32
      %dma_wait3A_305 = arith.constant 0 : i32
      %dma_wait3A_306 = arith.constant 0 : i32
      %dma_wait3A_307 = tpu.memref_slice %arg6[%dma_wait3A_304, %dma_wait3A_305, %dma_wait3A_306] : memref<2x128x128xf32, #tpu.memory_space<vmem>> -> memref<1x128x128xf32, #tpu.memory_space<vmem>>
      %dma_wait3A_308 = tpu.memref_squeeze %dma_wait3A_307 : memref<1x128x128xf32, #tpu.memory_space<vmem>> -> memref<128x128xf32, #tpu.memory_space<vmem>>
      %dma_wait3A_309 = arith.constant 0 : i32
      %dma_wait3A_310 = tpu.memref_slice %arg5[%add3A_208, %dma_wait3A_309] : memref<400x128xi32, #tpu.memory_space<vmem>> -> memref<1x128xi32, #tpu.memory_space<vmem>>
      %dma_wait3A_311 = tpu.memref_squeeze %dma_wait3A_310 : memref<1x128xi32, #tpu.memory_space<vmem>> -> memref<128xi32, #tpu.memory_space<vmem>>
      %dma_wait3A_312 = arith.constant 0 : i32
      %dma_wait3A_313 = arith.constant 0 : i32
      %dma_wait3A_314 = tpu.memref_slice %arg3[%dma_wait3A_312, %dma_wait3A_313] : memref<41600x128xf32, #tpu.memory_space<hbm>> -> memref<41600x128xf32, #tpu.memory_space<hbm>>
      tpu.wait_indirect_dma semaphore(%arg8 : memref<!tpu.dma_semaphore, #tpu.memory_space<semaphore_mem>>) src(%dma_wait3A_314 : memref<41600x128xf32, #tpu.memory_space<hbm>>) dst(%dma_wait3A_308 : memref<128x128xf32, #tpu.memory_space<vmem>>)
      %parallel_loop3A_315 = arith.constant 0 : i32
      %parallel_loop3A_316 = arith.constant 32 : i32
      %parallel_loop3A_317 = arith.constant 1 : i32
      scf.for %parallel_loop3A_652 = %parallel_loop3A_315 to %parallel_loop3A_316 step %parallel_loop3A_317  : i32 {
        %parallel_loop3A_653 = arith.constant 32 : i32
        %parallel_loop3A_654 = arith.muli %add3A_208, %parallel_loop3A_653 : i32
        %parallel_loop3A_655 = arith.addi %parallel_loop3A_654, %parallel_loop3A_652 : i32
        %parallel_loop3A_656 = arith.constant 50 : i32
        %parallel_loop3A_657 = arith.divsi %parallel_loop3A_655, %parallel_loop3A_656 : i32
        %parallel_loop3A_658 = arith.constant 0 : i32
        %parallel_loop3A_659 = arith.cmpi sgt, %parallel_loop3A_655, %parallel_loop3A_658 : i32
        %parallel_loop3A_660 = arith.extui %parallel_loop3A_659 : i1 to i32
        %parallel_loop3A_661 = arith.constant 0 : i32
        %parallel_loop3A_662 = arith.cmpi slt, %parallel_loop3A_655, %parallel_loop3A_661 : i32
        %parallel_loop3A_663 = arith.extui %parallel_loop3A_662 : i1 to i32
        %parallel_loop3A_664 = arith.subi %parallel_loop3A_660, %parallel_loop3A_663 : i32
        %parallel_loop3A_665 = arith.constant 0 : i32
        %parallel_loop3A_666 = arith.cmpi sgt, %parallel_loop3A_656, %parallel_loop3A_665 : i32
        %parallel_loop3A_667 = arith.extui %parallel_loop3A_666 : i1 to i32
        %parallel_loop3A_668 = arith.constant 0 : i32
        %parallel_loop3A_669 = arith.cmpi slt, %parallel_loop3A_656, %parallel_loop3A_668 : i32
        %parallel_loop3A_670 = arith.extui %parallel_loop3A_669 : i1 to i32
        %parallel_loop3A_671 = arith.subi %parallel_loop3A_667, %parallel_loop3A_670 : i32
        %parallel_loop3A_672 = arith.cmpi ne, %parallel_loop3A_664, %parallel_loop3A_671 : i32
        %parallel_loop3A_673 = arith.remsi %parallel_loop3A_655, %parallel_loop3A_656 : i32
        %parallel_loop3A_674 = arith.constant 0 : i32
        %parallel_loop3A_675 = arith.cmpi ne, %parallel_loop3A_673, %parallel_loop3A_674 : i32
        %parallel_loop3A_676 = arith.andi %parallel_loop3A_672, %parallel_loop3A_675 : i1
        %parallel_loop3A_677 = arith.constant 1 : i32
        %parallel_loop3A_678 = arith.subi %parallel_loop3A_657, %parallel_loop3A_677 : i32
        %parallel_loop3A_679 = arith.select %parallel_loop3A_676, %parallel_loop3A_678, %parallel_loop3A_657 : i32
        %parallel_loop3A_680 = arith.constant 50 : i32
        %parallel_loop3A_681 = arith.muli %parallel_loop3A_679, %parallel_loop3A_680 : i32
        %parallel_loop3A_682 = arith.subi %parallel_loop3A_655, %parallel_loop3A_681 : i32
        %parallel_loop3A_683 = arith.constant 3 : i32
        %parallel_loop3A_684 = arith.andi %parallel_loop3A_679, %parallel_loop3A_683 : i32
        %parallel_loop3A_685 = arith.constant 4 : i32
        %parallel_loop3A_686 = arith.muli %parallel_loop3A_652, %parallel_loop3A_685 : i32
        %parallel_loop3A_687 = arith.constant 0 : i32
        %parallel_loop3A_688 = arith.addi %parallel_loop3A_686, %parallel_loop3A_687 : i32
        %parallel_loop3A_689 = arith.constant 0 : i32
        %parallel_loop3A_690 = arith.index_cast %parallel_loop3A_689 : i32 to index
        %parallel_loop3A_691 = arith.index_cast %parallel_loop3A_688 : i32 to index
        %parallel_loop3A_692 = arith.constant 0 : index
        %parallel_loop3A_693 = tpu.vector_load %arg6[%parallel_loop3A_690, %parallel_loop3A_691, %parallel_loop3A_692] {strides = array<i32>} : memref<2x128x128xf32, #tpu.memory_space<vmem>>, vector<16xf32>,
        %parallel_loop3A_694 = arith.constant 4 : i32
        %parallel_loop3A_695 = arith.muli %parallel_loop3A_652, %parallel_loop3A_694 : i32
        %parallel_loop3A_696 = arith.constant 1 : i32
        %parallel_loop3A_697 = arith.addi %parallel_loop3A_695, %parallel_loop3A_696 : i32
        %parallel_loop3A_698 = arith.constant 0 : i32
        %parallel_loop3A_699 = arith.index_cast %parallel_loop3A_698 : i32 to index
        %parallel_loop3A_700 = arith.index_cast %parallel_loop3A_697 : i32 to index
        %parallel_loop3A_701 = arith.constant 0 : index
        %parallel_loop3A_702 = tpu.vector_load %arg6[%parallel_loop3A_699, %parallel_loop3A_700, %parallel_loop3A_701] {strides = array<i32>} : memref<2x128x128xf32, #tpu.memory_space<vmem>>, vector<16xf32>,
        %parallel_loop3A_703 = arith.constant 4 : i32
        %parallel_loop3A_704 = arith.muli %parallel_loop3A_652, %parallel_loop3A_703 : i32
        %parallel_loop3A_705 = arith.constant 2 : i32
        %parallel_loop3A_706 = arith.addi %parallel_loop3A_704, %parallel_loop3A_705 : i32
        %parallel_loop3A_707 = arith.constant 0 : i32
        %parallel_loop3A_708 = arith.index_cast %parallel_loop3A_707 : i32 to index
        %parallel_loop3A_709 = arith.index_cast %parallel_loop3A_706 : i32 to index
        %parallel_loop3A_710 = arith.constant 0 : index
        %parallel_loop3A_711 = tpu.vector_load %arg6[%parallel_loop3A_708, %parallel_loop3A_709, %parallel_loop3A_710] {strides = array<i32>} : memref<2x128x128xf32, #tpu.memory_space<vmem>>, vector<16xf32>,
        %parallel_loop3A_712 = arith.constant 4 : i32
        %parallel_loop3A_713 = arith.muli %parallel_loop3A_652, %parallel_loop3A_712 : i32
        %parallel_loop3A_714 = arith.constant 3 : i32
        %parallel_loop3A_715 = arith.addi %parallel_loop3A_713, %parallel_loop3A_714 : i32
        %parallel_loop3A_716 = arith.constant 0 : i32
        %parallel_loop3A_717 = arith.index_cast %parallel_loop3A_716 : i32 to index
        %parallel_loop3A_718 = arith.index_cast %parallel_loop3A_715 : i32 to index
        %parallel_loop3A_719 = arith.constant 0 : index
        %parallel_loop3A_720 = tpu.vector_load %arg6[%parallel_loop3A_717, %parallel_loop3A_718, %parallel_loop3A_719] {strides = array<i32>} : memref<2x128x128xf32, #tpu.memory_space<vmem>>, vector<16xf32>,
        %parallel_loop3A_721 = arith.addf %parallel_loop3A_693, %parallel_loop3A_702 : vector<16xf32>
        %parallel_loop3A_722 = arith.addf %parallel_loop3A_711, %parallel_loop3A_720 : vector<16xf32>
        %parallel_loop3A_723 = arith.addf %parallel_loop3A_721, %parallel_loop3A_722 : vector<16xf32>
        %parallel_loop3A_724 = arith.index_cast %parallel_loop3A_684 : i32 to index
        %parallel_loop3A_725 = arith.index_cast %parallel_loop3A_682 : i32 to index
        %parallel_loop3A_726 = arith.constant 0 : index
        %parallel_loop3A_727 = tpu.vector_load %arg7[%parallel_loop3A_724, %parallel_loop3A_725, %parallel_loop3A_726] {strides = array<i32>} : memref<4x56x128xf32, #tpu.memory_space<vmem>>, vector<16xf32>,
        tpu.vector_store %arg7[%parallel_loop3A_724, %parallel_loop3A_725, %parallel_loop3A_726], %parallel_loop3A_723 {strides = array<i32>} : memref<4x56x128xf32, #tpu.memory_space<vmem>>, vector<16xf32>,
        %parallel_loop3A_728 = arith.constant 4 : i32
        %parallel_loop3A_729 = arith.muli %parallel_loop3A_652, %parallel_loop3A_728 : i32
        %parallel_loop3A_730 = arith.constant 0 : i32
        %parallel_loop3A_731 = arith.addi %parallel_loop3A_729, %parallel_loop3A_730 : i32
        %parallel_loop3A_732 = arith.constant 0 : i32
        %parallel_loop3A_733 = arith.index_cast %parallel_loop3A_732 : i32 to index
        %parallel_loop3A_734 = arith.index_cast %parallel_loop3A_731 : i32 to index
        %parallel_loop3A_735 = arith.constant 16 : index
        %parallel_loop3A_736 = tpu.vector_load %arg6[%parallel_loop3A_733, %parallel_loop3A_734, %parallel_loop3A_735] {strides = array<i32>} : memref<2x128x128xf32, #tpu.memory_space<vmem>>, vector<16xf32>,
        %parallel_loop3A_737 = arith.constant 4 : i32
        %parallel_loop3A_738 = arith.muli %parallel_loop3A_652, %parallel_loop3A_737 : i32
        %parallel_loop3A_739 = arith.constant 1 : i32
        %parallel_loop3A_740 = arith.addi %parallel_loop3A_738, %parallel_loop3A_739 : i32
        %parallel_loop3A_741 = arith.constant 0 : i32
        %parallel_loop3A_742 = arith.index_cast %parallel_loop3A_741 : i32 to index
        %parallel_loop3A_743 = arith.index_cast %parallel_loop3A_740 : i32 to index
        %parallel_loop3A_744 = arith.constant 16 : index
        %parallel_loop3A_745 = tpu.vector_load %arg6[%parallel_loop3A_742, %parallel_loop3A_743, %parallel_loop3A_744] {strides = array<i32>} : memref<2x128x128xf32, #tpu.memory_space<vmem>>, vector<16xf32>,
        %parallel_loop3A_746 = arith.constant 4 : i32
        %parallel_loop3A_747 = arith.muli %parallel_loop3A_652, %parallel_loop3A_746 : i32
        %parallel_loop3A_748 = arith.constant 2 : i32
        %parallel_loop3A_749 = arith.addi %parallel_loop3A_747, %parallel_loop3A_748 : i32
        %parallel_loop3A_750 = arith.constant 0 : i32
        %parallel_loop3A_751 = arith.index_cast %parallel_loop3A_750 : i32 to index
        %parallel_loop3A_752 = arith.index_cast %parallel_loop3A_749 : i32 to index
        %parallel_loop3A_753 = arith.constant 16 : index
        %parallel_loop3A_754 = tpu.vector_load %arg6[%parallel_loop3A_751, %parallel_loop3A_752, %parallel_loop3A_753] {strides = array<i32>} : memref<2x128x128xf32, #tpu.memory_space<vmem>>, vector<16xf32>,
        %parallel_loop3A_755 = arith.constant 4 : i32
        %parallel_loop3A_756 = arith.muli %parallel_loop3A_652, %parallel_loop3A_755 : i32
        %parallel_loop3A_757 = arith.constant 3 : i32
        %parallel_loop3A_758 = arith.addi %parallel_loop3A_756, %parallel_loop3A_757 : i32
        %parallel_loop3A_759 = arith.constant 0 : i32
        %parallel_loop3A_760 = arith.index_cast %parallel_loop3A_759 : i32 to index
        %parallel_loop3A_761 = arith.index_cast %parallel_loop3A_758 : i32 to index
        %parallel_loop3A_762 = arith.constant 16 : index
        %parallel_loop3A_763 = tpu.vector_load %arg6[%parallel_loop3A_760, %parallel_loop3A_761, %parallel_loop3A_762] {strides = array<i32>} : memref<2x128x128xf32, #tpu.memory_space<vmem>>, vector<16xf32>,
        %parallel_loop3A_764 = arith.addf %parallel_loop3A_736, %parallel_loop3A_745 : vector<16xf32>
        %parallel_loop3A_765 = arith.addf %parallel_loop3A_754, %parallel_loop3A_763 : vector<16xf32>
        %parallel_loop3A_766 = arith.addf %parallel_loop3A_764, %parallel_loop3A_765 : vector<16xf32>
        %parallel_loop3A_767 = arith.index_cast %parallel_loop3A_684 : i32 to index
        %parallel_loop3A_768 = arith.index_cast %parallel_loop3A_682 : i32 to index
        %parallel_loop3A_769 = arith.constant 16 : index
        %parallel_loop3A_770 = tpu.vector_load %arg7[%parallel_loop3A_767, %parallel_loop3A_768, %parallel_loop3A_769] {strides = array<i32>} : memref<4x56x128xf32, #tpu.memory_space<vmem>>, vector<16xf32>,
        tpu.vector_store %arg7[%parallel_loop3A_767, %parallel_loop3A_768, %parallel_loop3A_769], %parallel_loop3A_766 {strides = array<i32>} : memref<4x56x128xf32, #tpu.memory_space<vmem>>, vector<16xf32>,
        %parallel_loop3A_771 = arith.constant 4 : i32
        %parallel_loop3A_772 = arith.muli %parallel_loop3A_652, %parallel_loop3A_771 : i32
        %parallel_loop3A_773 = arith.constant 0 : i32
        %parallel_loop3A_774 = arith.addi %parallel_loop3A_772, %parallel_loop3A_773 : i32
        %parallel_loop3A_775 = arith.constant 0 : i32
        %parallel_loop3A_776 = arith.index_cast %parallel_loop3A_775 : i32 to index
        %parallel_loop3A_777 = arith.index_cast %parallel_loop3A_774 : i32 to index
        %parallel_loop3A_778 = arith.constant 32 : index
        %parallel_loop3A_779 = tpu.vector_load %arg6[%parallel_loop3A_776, %parallel_loop3A_777, %parallel_loop3A_778] {strides = array<i32>} : memref<2x128x128xf32, #tpu.memory_space<vmem>>, vector<16xf32>,
        %parallel_loop3A_780 = arith.constant 4 : i32
        %parallel_loop3A_781 = arith.muli %parallel_loop3A_652, %parallel_loop3A_780 : i32
        %parallel_loop3A_782 = arith.constant 1 : i32
        %parallel_loop3A_783 = arith.addi %parallel_loop3A_781, %parallel_loop3A_782 : i32
        %parallel_loop3A_784 = arith.constant 0 : i32
        %parallel_loop3A_785 = arith.index_cast %parallel_loop3A_784 : i32 to index
        %parallel_loop3A_786 = arith.index_cast %parallel_loop3A_783 : i32 to index
        %parallel_loop3A_787 = arith.constant 32 : index
        %parallel_loop3A_788 = tpu.vector_load %arg6[%parallel_loop3A_785, %parallel_loop3A_786, %parallel_loop3A_787] {strides = array<i32>} : memref<2x128x128xf32, #tpu.memory_space<vmem>>, vector<16xf32>,
        %parallel_loop3A_789 = arith.constant 4 : i32
        %parallel_loop3A_790 = arith.muli %parallel_loop3A_652, %parallel_loop3A_789 : i32
        %parallel_loop3A_791 = arith.constant 2 : i32
        %parallel_loop3A_792 = arith.addi %parallel_loop3A_790, %parallel_loop3A_791 : i32
        %parallel_loop3A_793 = arith.constant 0 : i32
        %parallel_loop3A_794 = arith.index_cast %parallel_loop3A_793 : i32 to index
        %parallel_loop3A_795 = arith.index_cast %parallel_loop3A_792 : i32 to index
        %parallel_loop3A_796 = arith.constant 32 : index
        %parallel_loop3A_797 = tpu.vector_load %arg6[%parallel_loop3A_794, %parallel_loop3A_795, %parallel_loop3A_796] {strides = array<i32>} : memref<2x128x128xf32, #tpu.memory_space<vmem>>, vector<16xf32>,
        %parallel_loop3A_798 = arith.constant 4 : i32
        %parallel_loop3A_799 = arith.muli %parallel_loop3A_652, %parallel_loop3A_798 : i32
        %parallel_loop3A_800 = arith.constant 3 : i32
        %parallel_loop3A_801 = arith.addi %parallel_loop3A_799, %parallel_loop3A_800 : i32
        %parallel_loop3A_802 = arith.constant 0 : i32
        %parallel_loop3A_803 = arith.index_cast %parallel_loop3A_802 : i32 to index
        %parallel_loop3A_804 = arith.index_cast %parallel_loop3A_801 : i32 to index
        %parallel_loop3A_805 = arith.constant 32 : index
        %parallel_loop3A_806 = tpu.vector_load %arg6[%parallel_loop3A_803, %parallel_loop3A_804, %parallel_loop3A_805] {strides = array<i32>} : memref<2x128x128xf32, #tpu.memory_space<vmem>>, vector<16xf32>,
        %parallel_loop3A_807 = arith.addf %parallel_loop3A_779, %parallel_loop3A_788 : vector<16xf32>
        %parallel_loop3A_808 = arith.addf %parallel_loop3A_797, %parallel_loop3A_806 : vector<16xf32>
        %parallel_loop3A_809 = arith.addf %parallel_loop3A_807, %parallel_loop3A_808 : vector<16xf32>
        %parallel_loop3A_810 = arith.index_cast %parallel_loop3A_684 : i32 to index
        %parallel_loop3A_811 = arith.index_cast %parallel_loop3A_682 : i32 to index
        %parallel_loop3A_812 = arith.constant 32 : index
        %parallel_loop3A_813 = tpu.vector_load %arg7[%parallel_loop3A_810, %parallel_loop3A_811, %parallel_loop3A_812] {strides = array<i32>} : memref<4x56x128xf32, #tpu.memory_space<vmem>>, vector<16xf32>,
        tpu.vector_store %arg7[%parallel_loop3A_810, %parallel_loop3A_811, %parallel_loop3A_812], %parallel_loop3A_809 {strides = array<i32>} : memref<4x56x128xf32, #tpu.memory_space<vmem>>, vector<16xf32>,
        %parallel_loop3A_814 = arith.constant 4 : i32
        %parallel_loop3A_815 = arith.muli %parallel_loop3A_652, %parallel_loop3A_814 : i32
        %parallel_loop3A_816 = arith.constant 0 : i32
        %parallel_loop3A_817 = arith.addi %parallel_loop3A_815, %parallel_loop3A_816 : i32
        %parallel_loop3A_818 = arith.constant 0 : i32
        %parallel_loop3A_819 = arith.index_cast %parallel_loop3A_818 : i32 to index
        %parallel_loop3A_820 = arith.index_cast %parallel_loop3A_817 : i32 to index
        %parallel_loop3A_821 = arith.constant 48 : index
        %parallel_loop3A_822 = tpu.vector_load %arg6[%parallel_loop3A_819, %parallel_loop3A_820, %parallel_loop3A_821] {strides = array<i32>} : memref<2x128x128xf32, #tpu.memory_space<vmem>>, vector<16xf32>,
        %parallel_loop3A_823 = arith.constant 4 : i32
        %parallel_loop3A_824 = arith.muli %parallel_loop3A_652, %parallel_loop3A_823 : i32
        %parallel_loop3A_825 = arith.constant 1 : i32
        %parallel_loop3A_826 = arith.addi %parallel_loop3A_824, %parallel_loop3A_825 : i32
        %parallel_loop3A_827 = arith.constant 0 : i32
        %parallel_loop3A_828 = arith.index_cast %parallel_loop3A_827 : i32 to index
        %parallel_loop3A_829 = arith.index_cast %parallel_loop3A_826 : i32 to index
        %parallel_loop3A_830 = arith.constant 48 : index
        %parallel_loop3A_831 = tpu.vector_load %arg6[%parallel_loop3A_828, %parallel_loop3A_829, %parallel_loop3A_830] {strides = array<i32>} : memref<2x128x128xf32, #tpu.memory_space<vmem>>, vector<16xf32>,
        %parallel_loop3A_832 = arith.constant 4 : i32
        %parallel_loop3A_833 = arith.muli %parallel_loop3A_652, %parallel_loop3A_832 : i32
        %parallel_loop3A_834 = arith.constant 2 : i32
        %parallel_loop3A_835 = arith.addi %parallel_loop3A_833, %parallel_loop3A_834 : i32
        %parallel_loop3A_836 = arith.constant 0 : i32
        %parallel_loop3A_837 = arith.index_cast %parallel_loop3A_836 : i32 to index
        %parallel_loop3A_838 = arith.index_cast %parallel_loop3A_835 : i32 to index
        %parallel_loop3A_839 = arith.constant 48 : index
        %parallel_loop3A_840 = tpu.vector_load %arg6[%parallel_loop3A_837, %parallel_loop3A_838, %parallel_loop3A_839] {strides = array<i32>} : memref<2x128x128xf32, #tpu.memory_space<vmem>>, vector<16xf32>,
        %parallel_loop3A_841 = arith.constant 4 : i32
        %parallel_loop3A_842 = arith.muli %parallel_loop3A_652, %parallel_loop3A_841 : i32
        %parallel_loop3A_843 = arith.constant 3 : i32
        %parallel_loop3A_844 = arith.addi %parallel_loop3A_842, %parallel_loop3A_843 : i32
        %parallel_loop3A_845 = arith.constant 0 : i32
        %parallel_loop3A_846 = arith.index_cast %parallel_loop3A_845 : i32 to index
        %parallel_loop3A_847 = arith.index_cast %parallel_loop3A_844 : i32 to index
        %parallel_loop3A_848 = arith.constant 48 : index
        %parallel_loop3A_849 = tpu.vector_load %arg6[%parallel_loop3A_846, %parallel_loop3A_847, %parallel_loop3A_848] {strides = array<i32>} : memref<2x128x128xf32, #tpu.memory_space<vmem>>, vector<16xf32>,
        %parallel_loop3A_850 = arith.addf %parallel_loop3A_822, %parallel_loop3A_831 : vector<16xf32>
        %parallel_loop3A_851 = arith.addf %parallel_loop3A_840, %parallel_loop3A_849 : vector<16xf32>
        %parallel_loop3A_852 = arith.addf %parallel_loop3A_850, %parallel_loop3A_851 : vector<16xf32>
        %parallel_loop3A_853 = arith.index_cast %parallel_loop3A_684 : i32 to index
        %parallel_loop3A_854 = arith.index_cast %parallel_loop3A_682 : i32 to index
        %parallel_loop3A_855 = arith.constant 48 : index
        %parallel_loop3A_856 = tpu.vector_load %arg7[%parallel_loop3A_853, %parallel_loop3A_854, %parallel_loop3A_855] {strides = array<i32>} : memref<4x56x128xf32, #tpu.memory_space<vmem>>, vector<16xf32>,
        tpu.vector_store %arg7[%parallel_loop3A_853, %parallel_loop3A_854, %parallel_loop3A_855], %parallel_loop3A_852 {strides = array<i32>} : memref<4x56x128xf32, #tpu.memory_space<vmem>>, vector<16xf32>,
        %parallel_loop3A_857 = arith.constant 4 : i32
        %parallel_loop3A_858 = arith.muli %parallel_loop3A_652, %parallel_loop3A_857 : i32
        %parallel_loop3A_859 = arith.constant 0 : i32
        %parallel_loop3A_860 = arith.addi %parallel_loop3A_858, %parallel_loop3A_859 : i32
        %parallel_loop3A_861 = arith.constant 0 : i32
        %parallel_loop3A_862 = arith.index_cast %parallel_loop3A_861 : i32 to index
        %parallel_loop3A_863 = arith.index_cast %parallel_loop3A_860 : i32 to index
        %parallel_loop3A_864 = arith.constant 64 : index
        %parallel_loop3A_865 = tpu.vector_load %arg6[%parallel_loop3A_862, %parallel_loop3A_863, %parallel_loop3A_864] {strides = array<i32>} : memref<2x128x128xf32, #tpu.memory_space<vmem>>, vector<16xf32>,
        %parallel_loop3A_866 = arith.constant 4 : i32
        %parallel_loop3A_867 = arith.muli %parallel_loop3A_652, %parallel_loop3A_866 : i32
        %parallel_loop3A_868 = arith.constant 1 : i32
        %parallel_loop3A_869 = arith.addi %parallel_loop3A_867, %parallel_loop3A_868 : i32
        %parallel_loop3A_870 = arith.constant 0 : i32
        %parallel_loop3A_871 = arith.index_cast %parallel_loop3A_870 : i32 to index
        %parallel_loop3A_872 = arith.index_cast %parallel_loop3A_869 : i32 to index
        %parallel_loop3A_873 = arith.constant 64 : index
        %parallel_loop3A_874 = tpu.vector_load %arg6[%parallel_loop3A_871, %parallel_loop3A_872, %parallel_loop3A_873] {strides = array<i32>} : memref<2x128x128xf32, #tpu.memory_space<vmem>>, vector<16xf32>,
        %parallel_loop3A_875 = arith.constant 4 : i32
        %parallel_loop3A_876 = arith.muli %parallel_loop3A_652, %parallel_loop3A_875 : i32
        %parallel_loop3A_877 = arith.constant 2 : i32
        %parallel_loop3A_878 = arith.addi %parallel_loop3A_876, %parallel_loop3A_877 : i32
        %parallel_loop3A_879 = arith.constant 0 : i32
        %parallel_loop3A_880 = arith.index_cast %parallel_loop3A_879 : i32 to index
        %parallel_loop3A_881 = arith.index_cast %parallel_loop3A_878 : i32 to index
        %parallel_loop3A_882 = arith.constant 64 : index
        %parallel_loop3A_883 = tpu.vector_load %arg6[%parallel_loop3A_880, %parallel_loop3A_881, %parallel_loop3A_882] {strides = array<i32>} : memref<2x128x128xf32, #tpu.memory_space<vmem>>, vector<16xf32>,
        %parallel_loop3A_884 = arith.constant 4 : i32
        %parallel_loop3A_885 = arith.muli %parallel_loop3A_652, %parallel_loop3A_884 : i32
        %parallel_loop3A_886 = arith.constant 3 : i32
        %parallel_loop3A_887 = arith.addi %parallel_loop3A_885, %parallel_loop3A_886 : i32
        %parallel_loop3A_888 = arith.constant 0 : i32
        %parallel_loop3A_889 = arith.index_cast %parallel_loop3A_888 : i32 to index
        %parallel_loop3A_890 = arith.index_cast %parallel_loop3A_887 : i32 to index
        %parallel_loop3A_891 = arith.constant 64 : index
        %parallel_loop3A_892 = tpu.vector_load %arg6[%parallel_loop3A_889, %parallel_loop3A_890, %parallel_loop3A_891] {strides = array<i32>} : memref<2x128x128xf32, #tpu.memory_space<vmem>>, vector<16xf32>,
        %parallel_loop3A_893 = arith.addf %parallel_loop3A_865, %parallel_loop3A_874 : vector<16xf32>
        %parallel_loop3A_894 = arith.addf %parallel_loop3A_883, %parallel_loop3A_892 : vector<16xf32>
        %parallel_loop3A_895 = arith.addf %parallel_loop3A_893, %parallel_loop3A_894 : vector<16xf32>
        %parallel_loop3A_896 = arith.index_cast %parallel_loop3A_684 : i32 to index
        %parallel_loop3A_897 = arith.index_cast %parallel_loop3A_682 : i32 to index
        %parallel_loop3A_898 = arith.constant 64 : index
        %parallel_loop3A_899 = tpu.vector_load %arg7[%parallel_loop3A_896, %parallel_loop3A_897, %parallel_loop3A_898] {strides = array<i32>} : memref<4x56x128xf32, #tpu.memory_space<vmem>>, vector<16xf32>,
        tpu.vector_store %arg7[%parallel_loop3A_896, %parallel_loop3A_897, %parallel_loop3A_898], %parallel_loop3A_895 {strides = array<i32>} : memref<4x56x128xf32, #tpu.memory_space<vmem>>, vector<16xf32>,
        %parallel_loop3A_900 = arith.constant 4 : i32
        %parallel_loop3A_901 = arith.muli %parallel_loop3A_652, %parallel_loop3A_900 : i32
        %parallel_loop3A_902 = arith.constant 0 : i32
        %parallel_loop3A_903 = arith.addi %parallel_loop3A_901, %parallel_loop3A_902 : i32
        %parallel_loop3A_904 = arith.constant 0 : i32
        %parallel_loop3A_905 = arith.index_cast %parallel_loop3A_904 : i32 to index
        %parallel_loop3A_906 = arith.index_cast %parallel_loop3A_903 : i32 to index
        %parallel_loop3A_907 = arith.constant 80 : index
        %parallel_loop3A_908 = tpu.vector_load %arg6[%parallel_loop3A_905, %parallel_loop3A_906, %parallel_loop3A_907] {strides = array<i32>} : memref<2x128x128xf32, #tpu.memory_space<vmem>>, vector<16xf32>,
        %parallel_loop3A_909 = arith.constant 4 : i32
        %parallel_loop3A_910 = arith.muli %parallel_loop3A_652, %parallel_loop3A_909 : i32
        %parallel_loop3A_911 = arith.constant 1 : i32
        %parallel_loop3A_912 = arith.addi %parallel_loop3A_910, %parallel_loop3A_911 : i32
        %parallel_loop3A_913 = arith.constant 0 : i32
        %parallel_loop3A_914 = arith.index_cast %parallel_loop3A_913 : i32 to index
        %parallel_loop3A_915 = arith.index_cast %parallel_loop3A_912 : i32 to index
        %parallel_loop3A_916 = arith.constant 80 : index
        %parallel_loop3A_917 = tpu.vector_load %arg6[%parallel_loop3A_914, %parallel_loop3A_915, %parallel_loop3A_916] {strides = array<i32>} : memref<2x128x128xf32, #tpu.memory_space<vmem>>, vector<16xf32>,
        %parallel_loop3A_918 = arith.constant 4 : i32
        %parallel_loop3A_919 = arith.muli %parallel_loop3A_652, %parallel_loop3A_918 : i32
        %parallel_loop3A_920 = arith.constant 2 : i32
        %parallel_loop3A_921 = arith.addi %parallel_loop3A_919, %parallel_loop3A_920 : i32
        %parallel_loop3A_922 = arith.constant 0 : i32
        %parallel_loop3A_923 = arith.index_cast %parallel_loop3A_922 : i32 to index
        %parallel_loop3A_924 = arith.index_cast %parallel_loop3A_921 : i32 to index
        %parallel_loop3A_925 = arith.constant 80 : index
        %parallel_loop3A_926 = tpu.vector_load %arg6[%parallel_loop3A_923, %parallel_loop3A_924, %parallel_loop3A_925] {strides = array<i32>} : memref<2x128x128xf32, #tpu.memory_space<vmem>>, vector<16xf32>,
        %parallel_loop3A_927 = arith.constant 4 : i32
        %parallel_loop3A_928 = arith.muli %parallel_loop3A_652, %parallel_loop3A_927 : i32
        %parallel_loop3A_929 = arith.constant 3 : i32
        %parallel_loop3A_930 = arith.addi %parallel_loop3A_928, %parallel_loop3A_929 : i32
        %parallel_loop3A_931 = arith.constant 0 : i32
        %parallel_loop3A_932 = arith.index_cast %parallel_loop3A_931 : i32 to index
        %parallel_loop3A_933 = arith.index_cast %parallel_loop3A_930 : i32 to index
        %parallel_loop3A_934 = arith.constant 80 : index
        %parallel_loop3A_935 = tpu.vector_load %arg6[%parallel_loop3A_932, %parallel_loop3A_933, %parallel_loop3A_934] {strides = array<i32>} : memref<2x128x128xf32, #tpu.memory_space<vmem>>, vector<16xf32>,
        %parallel_loop3A_936 = arith.addf %parallel_loop3A_908, %parallel_loop3A_917 : vector<16xf32>
        %parallel_loop3A_937 = arith.addf %parallel_loop3A_926, %parallel_loop3A_935 : vector<16xf32>
        %parallel_loop3A_938 = arith.addf %parallel_loop3A_936, %parallel_loop3A_937 : vector<16xf32>
        %parallel_loop3A_939 = arith.index_cast %parallel_loop3A_684 : i32 to index
        %parallel_loop3A_940 = arith.index_cast %parallel_loop3A_682 : i32 to index
        %parallel_loop3A_941 = arith.constant 80 : index
        %parallel_loop3A_942 = tpu.vector_load %arg7[%parallel_loop3A_939, %parallel_loop3A_940, %parallel_loop3A_941] {strides = array<i32>} : memref<4x56x128xf32, #tpu.memory_space<vmem>>, vector<16xf32>,
        tpu.vector_store %arg7[%parallel_loop3A_939, %parallel_loop3A_940, %parallel_loop3A_941], %parallel_loop3A_938 {strides = array<i32>} : memref<4x56x128xf32, #tpu.memory_space<vmem>>, vector<16xf32>,
        %parallel_loop3A_943 = arith.constant 4 : i32
        %parallel_loop3A_944 = arith.muli %parallel_loop3A_652, %parallel_loop3A_943 : i32
        %parallel_loop3A_945 = arith.constant 0 : i32
        %parallel_loop3A_946 = arith.addi %parallel_loop3A_944, %parallel_loop3A_945 : i32
        %parallel_loop3A_947 = arith.constant 0 : i32
        %parallel_loop3A_948 = arith.index_cast %parallel_loop3A_947 : i32 to index
        %parallel_loop3A_949 = arith.index_cast %parallel_loop3A_946 : i32 to index
        %parallel_loop3A_950 = arith.constant 96 : index
        %parallel_loop3A_951 = tpu.vector_load %arg6[%parallel_loop3A_948, %parallel_loop3A_949, %parallel_loop3A_950] {strides = array<i32>} : memref<2x128x128xf32, #tpu.memory_space<vmem>>, vector<16xf32>,
        %parallel_loop3A_952 = arith.constant 4 : i32
        %parallel_loop3A_953 = arith.muli %parallel_loop3A_652, %parallel_loop3A_952 : i32
        %parallel_loop3A_954 = arith.constant 1 : i32
        %parallel_loop3A_955 = arith.addi %parallel_loop3A_953, %parallel_loop3A_954 : i32
        %parallel_loop3A_956 = arith.constant 0 : i32
        %parallel_loop3A_957 = arith.index_cast %parallel_loop3A_956 : i32 to index
        %parallel_loop3A_958 = arith.index_cast %parallel_loop3A_955 : i32 to index
        %parallel_loop3A_959 = arith.constant 96 : index
        %parallel_loop3A_960 = tpu.vector_load %arg6[%parallel_loop3A_957, %parallel_loop3A_958, %parallel_loop3A_959] {strides = array<i32>} : memref<2x128x128xf32, #tpu.memory_space<vmem>>, vector<16xf32>,
        %parallel_loop3A_961 = arith.constant 4 : i32
        %parallel_loop3A_962 = arith.muli %parallel_loop3A_652, %parallel_loop3A_961 : i32
        %parallel_loop3A_963 = arith.constant 2 : i32
        %parallel_loop3A_964 = arith.addi %parallel_loop3A_962, %parallel_loop3A_963 : i32
        %parallel_loop3A_965 = arith.constant 0 : i32
        %parallel_loop3A_966 = arith.index_cast %parallel_loop3A_965 : i32 to index
        %parallel_loop3A_967 = arith.index_cast %parallel_loop3A_964 : i32 to index
        %parallel_loop3A_968 = arith.constant 96 : index
        %parallel_loop3A_969 = tpu.vector_load %arg6[%parallel_loop3A_966, %parallel_loop3A_967, %parallel_loop3A_968] {strides = array<i32>} : memref<2x128x128xf32, #tpu.memory_space<vmem>>, vector<16xf32>,
        %parallel_loop3A_970 = arith.constant 4 : i32
        %parallel_loop3A_971 = arith.muli %parallel_loop3A_652, %parallel_loop3A_970 : i32
        %parallel_loop3A_972 = arith.constant 3 : i32
        %parallel_loop3A_973 = arith.addi %parallel_loop3A_971, %parallel_loop3A_972 : i32
        %parallel_loop3A_974 = arith.constant 0 : i32
        %parallel_loop3A_975 = arith.index_cast %parallel_loop3A_974 : i32 to index
        %parallel_loop3A_976 = arith.index_cast %parallel_loop3A_973 : i32 to index
        %parallel_loop3A_977 = arith.constant 96 : index
        %parallel_loop3A_978 = tpu.vector_load %arg6[%parallel_loop3A_975, %parallel_loop3A_976, %parallel_loop3A_977] {strides = array<i32>} : memref<2x128x128xf32, #tpu.memory_space<vmem>>, vector<16xf32>,
        %parallel_loop3A_979 = arith.addf %parallel_loop3A_951, %parallel_loop3A_960 : vector<16xf32>
        %parallel_loop3A_980 = arith.addf %parallel_loop3A_969, %parallel_loop3A_978 : vector<16xf32>
        %parallel_loop3A_981 = arith.addf %parallel_loop3A_979, %parallel_loop3A_980 : vector<16xf32>
        %parallel_loop3A_982 = arith.index_cast %parallel_loop3A_684 : i32 to index
        %parallel_loop3A_983 = arith.index_cast %parallel_loop3A_682 : i32 to index
        %parallel_loop3A_984 = arith.constant 96 : index
        %parallel_loop3A_985 = tpu.vector_load %arg7[%parallel_loop3A_982, %parallel_loop3A_983, %parallel_loop3A_984] {strides = array<i32>} : memref<4x56x128xf32, #tpu.memory_space<vmem>>, vector<16xf32>,
        tpu.vector_store %arg7[%parallel_loop3A_982, %parallel_loop3A_983, %parallel_loop3A_984], %parallel_loop3A_981 {strides = array<i32>} : memref<4x56x128xf32, #tpu.memory_space<vmem>>, vector<16xf32>,
        %parallel_loop3A_986 = arith.constant 4 : i32
        %parallel_loop3A_987 = arith.muli %parallel_loop3A_652, %parallel_loop3A_986 : i32
        %parallel_loop3A_988 = arith.constant 0 : i32
        %parallel_loop3A_989 = arith.addi %parallel_loop3A_987, %parallel_loop3A_988 : i32
        %parallel_loop3A_990 = arith.constant 0 : i32
        %parallel_loop3A_991 = arith.index_cast %parallel_loop3A_990 : i32 to index
        %parallel_loop3A_992 = arith.index_cast %parallel_loop3A_989 : i32 to index
        %parallel_loop3A_993 = arith.constant 112 : index
        %parallel_loop3A_994 = tpu.vector_load %arg6[%parallel_loop3A_991, %parallel_loop3A_992, %parallel_loop3A_993] {strides = array<i32>} : memref<2x128x128xf32, #tpu.memory_space<vmem>>, vector<16xf32>,
        %parallel_loop3A_995 = arith.constant 4 : i32
        %parallel_loop3A_996 = arith.muli %parallel_loop3A_652, %parallel_loop3A_995 : i32
        %parallel_loop3A_997 = arith.constant 1 : i32
        %parallel_loop3A_998 = arith.addi %parallel_loop3A_996, %parallel_loop3A_997 : i32
        %parallel_loop3A_999 = arith.constant 0 : i32
        %parallel_loop3A_1000 = arith.index_cast %parallel_loop3A_999 : i32 to index
        %parallel_loop3A_1001 = arith.index_cast %parallel_loop3A_998 : i32 to index
        %parallel_loop3A_1002 = arith.constant 112 : index
        %parallel_loop3A_1003 = tpu.vector_load %arg6[%parallel_loop3A_1000, %parallel_loop3A_1001, %parallel_loop3A_1002] {strides = array<i32>} : memref<2x128x128xf32, #tpu.memory_space<vmem>>, vector<16xf32>,
        %parallel_loop3A_1004 = arith.constant 4 : i32
        %parallel_loop3A_1005 = arith.muli %parallel_loop3A_652, %parallel_loop3A_1004 : i32
        %parallel_loop3A_1006 = arith.constant 2 : i32
        %parallel_loop3A_1007 = arith.addi %parallel_loop3A_1005, %parallel_loop3A_1006 : i32
        %parallel_loop3A_1008 = arith.constant 0 : i32
        %parallel_loop3A_1009 = arith.index_cast %parallel_loop3A_1008 : i32 to index
        %parallel_loop3A_1010 = arith.index_cast %parallel_loop3A_1007 : i32 to index
        %parallel_loop3A_1011 = arith.constant 112 : index
        %parallel_loop3A_1012 = tpu.vector_load %arg6[%parallel_loop3A_1009, %parallel_loop3A_1010, %parallel_loop3A_1011] {strides = array<i32>} : memref<2x128x128xf32, #tpu.memory_space<vmem>>, vector<16xf32>,
        %parallel_loop3A_1013 = arith.constant 4 : i32
        %parallel_loop3A_1014 = arith.muli %parallel_loop3A_652, %parallel_loop3A_1013 : i32
        %parallel_loop3A_1015 = arith.constant 3 : i32
        %parallel_loop3A_1016 = arith.addi %parallel_loop3A_1014, %parallel_loop3A_1015 : i32
        %parallel_loop3A_1017 = arith.constant 0 : i32
        %parallel_loop3A_1018 = arith.index_cast %parallel_loop3A_1017 : i32 to index
        %parallel_loop3A_1019 = arith.index_cast %parallel_loop3A_1016 : i32 to index
        %parallel_loop3A_1020 = arith.constant 112 : index
        %parallel_loop3A_1021 = tpu.vector_load %arg6[%parallel_loop3A_1018, %parallel_loop3A_1019, %parallel_loop3A_1020] {strides = array<i32>} : memref<2x128x128xf32, #tpu.memory_space<vmem>>, vector<16xf32>,
        %parallel_loop3A_1022 = arith.addf %parallel_loop3A_994, %parallel_loop3A_1003 : vector<16xf32>
        %parallel_loop3A_1023 = arith.addf %parallel_loop3A_1012, %parallel_loop3A_1021 : vector<16xf32>
        %parallel_loop3A_1024 = arith.addf %parallel_loop3A_1022, %parallel_loop3A_1023 : vector<16xf32>
        %parallel_loop3A_1025 = arith.index_cast %parallel_loop3A_684 : i32 to index
        %parallel_loop3A_1026 = arith.index_cast %parallel_loop3A_682 : i32 to index
        %parallel_loop3A_1027 = arith.constant 112 : index
        %parallel_loop3A_1028 = tpu.vector_load %arg7[%parallel_loop3A_1025, %parallel_loop3A_1026, %parallel_loop3A_1027] {strides = array<i32>} : memref<4x56x128xf32, #tpu.memory_space<vmem>>, vector<16xf32>,
        tpu.vector_store %arg7[%parallel_loop3A_1025, %parallel_loop3A_1026, %parallel_loop3A_1027], %parallel_loop3A_1024 {strides = array<i32>} : memref<4x56x128xf32, #tpu.memory_space<vmem>>, vector<16xf32>,
      } {sc.loop_unroll_factor = 2 : i64, sc.parallel_access}
      %mul3A_318 = arith.constant 32 : i32
      %mul3A_319 = arith.muli %add3A_208, %mul3A_318 : i32
      %add3A_320 = arith.constant 32 : i32
      %add3A_321 = arith.addi %mul3A_319, %add3A_320 : i32
      %jit3A_322 = arith.constant 50 : i32
      %div3A_323 = arith.divsi %add3A_321, %jit3A_322 : i32
      %sign3A_324 = arith.constant 0 : i32
      %sign3A_325 = arith.cmpi sgt, %add3A_321, %sign3A_324 : i32
      %sign3A_326 = arith.extui %sign3A_325 : i1 to i32
      %sign3A_327 = arith.constant 0 : i32
      %sign3A_328 = arith.cmpi slt, %add3A_321, %sign3A_327 : i32
      %sign3A_329 = arith.extui %sign3A_328 : i1 to i32
      %sign3A_330 = arith.subi %sign3A_326, %sign3A_329 : i32
      %sign3A_331 = arith.constant 0 : i32
      %sign3A_332 = arith.cmpi sgt, %jit3A_322, %sign3A_331 : i32
      %sign3A_333 = arith.extui %sign3A_332 : i1 to i32
      %sign3A_334 = arith.constant 0 : i32
      %sign3A_335 = arith.cmpi slt, %jit3A_322, %sign3A_334 : i32
      %sign3A_336 = arith.extui %sign3A_335 : i1 to i32
      %sign3A_337 = arith.subi %sign3A_333, %sign3A_336 : i32
      %ne3A_338 = arith.cmpi ne, %sign3A_330, %sign3A_337 : i32
      %rem3A_339 = arith.remsi %add3A_321, %jit3A_322 : i32
      %ne3A_340 = arith.constant 0 : i32
      %ne3A_341 = arith.cmpi ne, %rem3A_339, %ne3A_340 : i32
      %and3A_342 = arith.andi %ne3A_338, %ne3A_341 : i1
      %sub3A_343 = arith.constant 1 : i32
      %sub3A_344 = arith.subi %div3A_323, %sub3A_343 : i32
      %select_n3A_345 = arith.select %and3A_342, %sub3A_344, %div3A_323 : i32
      %mul3A_346 = arith.constant 32 : i32
      %mul3A_347 = arith.muli %add3A_208, %mul3A_346 : i32
      %jit3A_348 = arith.constant 50 : i32
      %div3A_349 = arith.divsi %mul3A_347, %jit3A_348 : i32
      %sign3A_350 = arith.constant 0 : i32
      %sign3A_351 = arith.cmpi sgt, %mul3A_347, %sign3A_350 : i32
      %sign3A_352 = arith.extui %sign3A_351 : i1 to i32
      %sign3A_353 = arith.constant 0 : i32
      %sign3A_354 = arith.cmpi slt, %mul3A_347, %sign3A_353 : i32
      %sign3A_355 = arith.extui %sign3A_354 : i1 to i32
      %sign3A_356 = arith.subi %sign3A_352, %sign3A_355 : i32
      %sign3A_357 = arith.constant 0 : i32
      %sign3A_358 = arith.cmpi sgt, %jit3A_348, %sign3A_357 : i32
      %sign3A_359 = arith.extui %sign3A_358 : i1 to i32
      %sign3A_360 = arith.constant 0 : i32
      %sign3A_361 = arith.cmpi slt, %jit3A_348, %sign3A_360 : i32
      %sign3A_362 = arith.extui %sign3A_361 : i1 to i32
      %sign3A_363 = arith.subi %sign3A_359, %sign3A_362 : i32
      %ne3A_364 = arith.cmpi ne, %sign3A_356, %sign3A_363 : i32
      %rem3A_365 = arith.remsi %mul3A_347, %jit3A_348 : i32
      %ne3A_366 = arith.constant 0 : i32
      %ne3A_367 = arith.cmpi ne, %rem3A_365, %ne3A_366 : i32
      %and3A_368 = arith.andi %ne3A_364, %ne3A_367 : i1
      %sub3A_369 = arith.constant 1 : i32
      %sub3A_370 = arith.subi %div3A_349, %sub3A_369 : i32
      %select_n3A_371 = arith.select %and3A_368, %sub3A_370, %div3A_349 : i32
      %gt3A_372 = arith.cmpi sgt, %select_n3A_345, %select_n3A_371 : i32
      %sub3A_373 = arith.constant 1 : i32
      %sub3A_374 = arith.subi %select_n3A_345, %sub3A_373 : i32
      %and3A_375 = arith.constant 3 : i32
      %and3A_376 = arith.andi %sub3A_374, %and3A_375 : i32
      %eq3A_377 = arith.constant 0 : i32
      %eq3A_378 = arith.cmpi eq, %and3A_376, %eq3A_377 : i32
      %and3A_379 = arith.andi %gt3A_372, %eq3A_378 : i1
      %convert_element_type3A_380 = arith.extui %and3A_379 : i1 to i32
      %cond3A_381 = arith.constant 0 : i32
      %cond3A_382 = arith.cmpi ne, %convert_element_type3A_380, %cond3A_381 : i32
      scf.if %cond3A_382 {
        %sub3A_652 = arith.constant 1 : i32
        %sub3A_653 = arith.subi %select_n3A_345, %sub3A_652 : i32
        %and3A_654 = arith.constant 3 : i32
        %and3A_655 = arith.andi %sub3A_653, %and3A_654 : i32
        %add3A_656 = arith.addi %mul3A_2, %sub3A_653 : i32
        %mul3A_657 = arith.constant 56 : i32
        %mul3A_658 = arith.muli %add3A_656, %mul3A_657 : i32
        %dma_start3A_659 = arith.constant 0 : i32
        %dma_start3A_660 = arith.constant 0 : i32
        %dma_start3A_661 = tpu.memref_slice %arg7[%and3A_655, %dma_start3A_659, %dma_start3A_660] : memref<4x56x128xf32, #tpu.memory_space<vmem>> -> memref<1x56x128xf32, #tpu.memory_space<vmem>>
        %dma_start3A_662 = tpu.memref_squeeze %dma_start3A_661 : memref<1x56x128xf32, #tpu.memory_space<vmem>> -> memref<56x128xf32, #tpu.memory_space<vmem>>
        %dma_start3A_663 = arith.constant 0 : i32
        %dma_start3A_664 = tpu.memref_slice %arg4[%mul3A_658, %dma_start3A_663] : memref<229376x128xf32, #tpu.memory_space<hbm>> -> memref<56x128xf32, #tpu.memory_space<hbm>>
        %dma_start3A_665 = arith.constant 0 : i32
        %dma_start3A_666 = tpu.memref_slice %arg4[%mul3A_658, %dma_start3A_665] : memref<229376x128xf32, #tpu.memory_space<hbm>> -> memref<56x128xf32, #tpu.memory_space<hbm>>
        %dma_start3A_667 = arith.constant 0 : i32
        %dma_start3A_668 = arith.constant 0 : i32
        %dma_start3A_669 = tpu.memref_slice %arg7[%and3A_655, %dma_start3A_667, %dma_start3A_668] : memref<4x56x128xf32, #tpu.memory_space<vmem>> -> memref<1x56x128xf32, #tpu.memory_space<vmem>>
        %dma_start3A_670 = tpu.memref_squeeze %dma_start3A_669 : memref<1x56x128xf32, #tpu.memory_space<vmem>> -> memref<56x128xf32, #tpu.memory_space<vmem>>
        tpu.enqueue_dma source(%dma_start3A_670 : memref<56x128xf32, #tpu.memory_space<vmem>>) target(%dma_start3A_666 : memref<56x128xf32, #tpu.memory_space<hbm>>) target_semaphore(%arg10 : memref<!tpu.dma_semaphore, #tpu.memory_space<semaphore_mem>>)
      } else {
      }
      %sub3A_383 = arith.constant 1 : i32
      %sub3A_384 = arith.subi %select_n3A_345, %sub3A_383 : i32
      %and3A_385 = arith.constant 3 : i32
      %and3A_386 = arith.andi %sub3A_384, %and3A_385 : i32
      %eq3A_387 = arith.constant 1 : i32
      %eq3A_388 = arith.cmpi eq, %and3A_386, %eq3A_387 : i32
      %and3A_389 = arith.andi %gt3A_372, %eq3A_388 : i1
      %convert_element_type3A_390 = arith.extui %and3A_389 : i1 to i32
      %cond3A_391 = arith.constant 0 : i32
      %cond3A_392 = arith.cmpi ne, %convert_element_type3A_390, %cond3A_391 : i32
      scf.if %cond3A_392 {
        %sub3A_652 = arith.constant 1 : i32
        %sub3A_653 = arith.subi %select_n3A_345, %sub3A_652 : i32
        %and3A_654 = arith.constant 3 : i32
        %and3A_655 = arith.andi %sub3A_653, %and3A_654 : i32
        %add3A_656 = arith.addi %mul3A_2, %sub3A_653 : i32
        %mul3A_657 = arith.constant 56 : i32
        %mul3A_658 = arith.muli %add3A_656, %mul3A_657 : i32
        %dma_start3A_659 = arith.constant 0 : i32
        %dma_start3A_660 = arith.constant 0 : i32
        %dma_start3A_661 = tpu.memref_slice %arg7[%and3A_655, %dma_start3A_659, %dma_start3A_660] : memref<4x56x128xf32, #tpu.memory_space<vmem>> -> memref<1x56x128xf32, #tpu.memory_space<vmem>>
        %dma_start3A_662 = tpu.memref_squeeze %dma_start3A_661 : memref<1x56x128xf32, #tpu.memory_space<vmem>> -> memref<56x128xf32, #tpu.memory_space<vmem>>
        %dma_start3A_663 = arith.constant 0 : i32
        %dma_start3A_664 = tpu.memref_slice %arg4[%mul3A_658, %dma_start3A_663] : memref<229376x128xf32, #tpu.memory_space<hbm>> -> memref<56x128xf32, #tpu.memory_space<hbm>>
        %dma_start3A_665 = arith.constant 0 : i32
        %dma_start3A_666 = tpu.memref_slice %arg4[%mul3A_658, %dma_start3A_665] : memref<229376x128xf32, #tpu.memory_space<hbm>> -> memref<56x128xf32, #tpu.memory_space<hbm>>
        %dma_start3A_667 = arith.constant 0 : i32
        %dma_start3A_668 = arith.constant 0 : i32
        %dma_start3A_669 = tpu.memref_slice %arg7[%and3A_655, %dma_start3A_667, %dma_start3A_668] : memref<4x56x128xf32, #tpu.memory_space<vmem>> -> memref<1x56x128xf32, #tpu.memory_space<vmem>>
        %dma_start3A_670 = tpu.memref_squeeze %dma_start3A_669 : memref<1x56x128xf32, #tpu.memory_space<vmem>> -> memref<56x128xf32, #tpu.memory_space<vmem>>
        tpu.enqueue_dma source(%dma_start3A_670 : memref<56x128xf32, #tpu.memory_space<vmem>>) target(%dma_start3A_666 : memref<56x128xf32, #tpu.memory_space<hbm>>) target_semaphore(%arg11 : memref<!tpu.dma_semaphore, #tpu.memory_space<semaphore_mem>>)
      } else {
      }
      %sub3A_393 = arith.constant 1 : i32
      %sub3A_394 = arith.subi %select_n3A_345, %sub3A_393 : i32
      %and3A_395 = arith.constant 3 : i32
      %and3A_396 = arith.andi %sub3A_394, %and3A_395 : i32
      %eq3A_397 = arith.constant 2 : i32
      %eq3A_398 = arith.cmpi eq, %and3A_396, %eq3A_397 : i32
      %and3A_399 = arith.andi %gt3A_372, %eq3A_398 : i1
      %convert_element_type3A_400 = arith.extui %and3A_399 : i1 to i32
      %cond3A_401 = arith.constant 0 : i32
      %cond3A_402 = arith.cmpi ne, %convert_element_type3A_400, %cond3A_401 : i32
      scf.if %cond3A_402 {
        %sub3A_652 = arith.constant 1 : i32
        %sub3A_653 = arith.subi %select_n3A_345, %sub3A_652 : i32
        %and3A_654 = arith.constant 3 : i32
        %and3A_655 = arith.andi %sub3A_653, %and3A_654 : i32
        %add3A_656 = arith.addi %mul3A_2, %sub3A_653 : i32
        %mul3A_657 = arith.constant 56 : i32
        %mul3A_658 = arith.muli %add3A_656, %mul3A_657 : i32
        %dma_start3A_659 = arith.constant 0 : i32
        %dma_start3A_660 = arith.constant 0 : i32
        %dma_start3A_661 = tpu.memref_slice %arg7[%and3A_655, %dma_start3A_659, %dma_start3A_660] : memref<4x56x128xf32, #tpu.memory_space<vmem>> -> memref<1x56x128xf32, #tpu.memory_space<vmem>>
        %dma_start3A_662 = tpu.memref_squeeze %dma_start3A_661 : memref<1x56x128xf32, #tpu.memory_space<vmem>> -> memref<56x128xf32, #tpu.memory_space<vmem>>
        %dma_start3A_663 = arith.constant 0 : i32
        %dma_start3A_664 = tpu.memref_slice %arg4[%mul3A_658, %dma_start3A_663] : memref<229376x128xf32, #tpu.memory_space<hbm>> -> memref<56x128xf32, #tpu.memory_space<hbm>>
        %dma_start3A_665 = arith.constant 0 : i32
        %dma_start3A_666 = tpu.memref_slice %arg4[%mul3A_658, %dma_start3A_665] : memref<229376x128xf32, #tpu.memory_space<hbm>> -> memref<56x128xf32, #tpu.memory_space<hbm>>
        %dma_start3A_667 = arith.constant 0 : i32
        %dma_start3A_668 = arith.constant 0 : i32
        %dma_start3A_669 = tpu.memref_slice %arg7[%and3A_655, %dma_start3A_667, %dma_start3A_668] : memref<4x56x128xf32, #tpu.memory_space<vmem>> -> memref<1x56x128xf32, #tpu.memory_space<vmem>>
        %dma_start3A_670 = tpu.memref_squeeze %dma_start3A_669 : memref<1x56x128xf32, #tpu.memory_space<vmem>> -> memref<56x128xf32, #tpu.memory_space<vmem>>
        tpu.enqueue_dma source(%dma_start3A_670 : memref<56x128xf32, #tpu.memory_space<vmem>>) target(%dma_start3A_666 : memref<56x128xf32, #tpu.memory_space<hbm>>) target_semaphore(%arg12 : memref<!tpu.dma_semaphore, #tpu.memory_space<semaphore_mem>>)
      } else {
      }
      %sub3A_403 = arith.constant 1 : i32
      %sub3A_404 = arith.subi %select_n3A_345, %sub3A_403 : i32
      %and3A_405 = arith.constant 3 : i32
      %and3A_406 = arith.andi %sub3A_404, %and3A_405 : i32
      %eq3A_407 = arith.constant 3 : i32
      %eq3A_408 = arith.cmpi eq, %and3A_406, %eq3A_407 : i32
      %and3A_409 = arith.andi %gt3A_372, %eq3A_408 : i1
      %convert_element_type3A_410 = arith.extui %and3A_409 : i1 to i32
      %cond3A_411 = arith.constant 0 : i32
      %cond3A_412 = arith.cmpi ne, %convert_element_type3A_410, %cond3A_411 : i32
      scf.if %cond3A_412 {
        %sub3A_652 = arith.constant 1 : i32
        %sub3A_653 = arith.subi %select_n3A_345, %sub3A_652 : i32
        %and3A_654 = arith.constant 3 : i32
        %and3A_655 = arith.andi %sub3A_653, %and3A_654 : i32
        %add3A_656 = arith.addi %mul3A_2, %sub3A_653 : i32
        %mul3A_657 = arith.constant 56 : i32
        %mul3A_658 = arith.muli %add3A_656, %mul3A_657 : i32
        %dma_start3A_659 = arith.constant 0 : i32
        %dma_start3A_660 = arith.constant 0 : i32
        %dma_start3A_661 = tpu.memref_slice %arg7[%and3A_655, %dma_start3A_659, %dma_start3A_660] : memref<4x56x128xf32, #tpu.memory_space<vmem>> -> memref<1x56x128xf32, #tpu.memory_space<vmem>>
        %dma_start3A_662 = tpu.memref_squeeze %dma_start3A_661 : memref<1x56x128xf32, #tpu.memory_space<vmem>> -> memref<56x128xf32, #tpu.memory_space<vmem>>
        %dma_start3A_663 = arith.constant 0 : i32
        %dma_start3A_664 = tpu.memref_slice %arg4[%mul3A_658, %dma_start3A_663] : memref<229376x128xf32, #tpu.memory_space<hbm>> -> memref<56x128xf32, #tpu.memory_space<hbm>>
        %dma_start3A_665 = arith.constant 0 : i32
        %dma_start3A_666 = tpu.memref_slice %arg4[%mul3A_658, %dma_start3A_665] : memref<229376x128xf32, #tpu.memory_space<hbm>> -> memref<56x128xf32, #tpu.memory_space<hbm>>
        %dma_start3A_667 = arith.constant 0 : i32
        %dma_start3A_668 = arith.constant 0 : i32
        %dma_start3A_669 = tpu.memref_slice %arg7[%and3A_655, %dma_start3A_667, %dma_start3A_668] : memref<4x56x128xf32, #tpu.memory_space<vmem>> -> memref<1x56x128xf32, #tpu.memory_space<vmem>>
        %dma_start3A_670 = tpu.memref_squeeze %dma_start3A_669 : memref<1x56x128xf32, #tpu.memory_space<vmem>> -> memref<56x128xf32, #tpu.memory_space<vmem>>
        tpu.enqueue_dma source(%dma_start3A_670 : memref<56x128xf32, #tpu.memory_space<vmem>>) target(%dma_start3A_666 : memref<56x128xf32, #tpu.memory_space<hbm>>) target_semaphore(%arg13 : memref<!tpu.dma_semaphore, #tpu.memory_space<semaphore_mem>>)
      } else {
      }
      %add3A_413 = arith.constant 2 : i32
      %add3A_414 = arith.addi %add3A_208, %add3A_413 : i32
      %dma_start3A_415 = arith.constant 0 : i32
      %dma_start3A_416 = arith.constant 0 : i32
      %dma_start3A_417 = arith.constant 0 : i32
      %dma_start3A_418 = tpu.memref_slice %arg6[%dma_start3A_415, %dma_start3A_416, %dma_start3A_417] : memref<2x128x128xf32, #tpu.memory_space<vmem>> -> memref<1x128x128xf32, #tpu.memory_space<vmem>>
      %dma_start3A_419 = tpu.memref_squeeze %dma_start3A_418 : memref<1x128x128xf32, #tpu.memory_space<vmem>> -> memref<128x128xf32, #tpu.memory_space<vmem>>
      %dma_start3A_420 = arith.constant 0 : i32
      %dma_start3A_421 = tpu.memref_slice %arg5[%add3A_414, %dma_start3A_420] : memref<400x128xi32, #tpu.memory_space<vmem>> -> memref<1x128xi32, #tpu.memory_space<vmem>>
      %dma_start3A_422 = tpu.memref_squeeze %dma_start3A_421 : memref<1x128xi32, #tpu.memory_space<vmem>> -> memref<128xi32, #tpu.memory_space<vmem>>
      %dma_start3A_423 = arith.constant 0 : i32
      %dma_start3A_424 = arith.constant 0 : i32
      %dma_start3A_425 = tpu.memref_slice %arg3[%dma_start3A_423, %dma_start3A_424] : memref<41600x128xf32, #tpu.memory_space<hbm>> -> memref<41600x128xf32, #tpu.memory_space<hbm>>
      tpu.enqueue_indirect_dma source(%dma_start3A_425 : memref<41600x128xf32, #tpu.memory_space<hbm>>) target(%dma_start3A_419 : memref<128x128xf32, #tpu.memory_space<vmem>>) offsets(%dma_start3A_422 : memref<128xi32, #tpu.memory_space<vmem>>) semaphore(%arg8 : memref<!tpu.dma_semaphore, #tpu.memory_space<semaphore_mem>>)
      %add3A_426 = arith.constant 1 : i32
      %add3A_427 = arith.addi %add3A_206, %add3A_426 : i32
      %mul3A_428 = arith.constant 32 : i32
      %mul3A_429 = arith.muli %add3A_427, %mul3A_428 : i32
      %add3A_430 = arith.constant 32 : i32
      %add3A_431 = arith.addi %mul3A_429, %add3A_430 : i32
      %sub3A_432 = arith.constant 1 : i32
      %sub3A_433 = arith.subi %add3A_431, %sub3A_432 : i32
      %jit3A_434 = arith.constant 50 : i32
      %div3A_435 = arith.divsi %sub3A_433, %jit3A_434 : i32
      %sign3A_436 = arith.constant 0 : i32
      %sign3A_437 = arith.cmpi sgt, %sub3A_433, %sign3A_436 : i32
      %sign3A_438 = arith.extui %sign3A_437 : i1 to i32
      %sign3A_439 = arith.constant 0 : i32
      %sign3A_440 = arith.cmpi slt, %sub3A_433, %sign3A_439 : i32
      %sign3A_441 = arith.extui %sign3A_440 : i1 to i32
      %sign3A_442 = arith.subi %sign3A_438, %sign3A_441 : i32
      %sign3A_443 = arith.constant 0 : i32
      %sign3A_444 = arith.cmpi sgt, %jit3A_434, %sign3A_443 : i32
      %sign3A_445 = arith.extui %sign3A_444 : i1 to i32
      %sign3A_446 = arith.constant 0 : i32
      %sign3A_447 = arith.cmpi slt, %jit3A_434, %sign3A_446 : i32
      %sign3A_448 = arith.extui %sign3A_447 : i1 to i32
      %sign3A_449 = arith.subi %sign3A_445, %sign3A_448 : i32
      %ne3A_450 = arith.cmpi ne, %sign3A_442, %sign3A_449 : i32
      %rem3A_451 = arith.remsi %sub3A_433, %jit3A_434 : i32
      %ne3A_452 = arith.constant 0 : i32
      %ne3A_453 = arith.cmpi ne, %rem3A_451, %ne3A_452 : i32
      %and3A_454 = arith.andi %ne3A_450, %ne3A_453 : i1
      %sub3A_455 = arith.constant 1 : i32
      %sub3A_456 = arith.subi %div3A_435, %sub3A_455 : i32
      %select_n3A_457 = arith.select %and3A_454, %sub3A_456, %div3A_435 : i32
      %mul3A_458 = arith.constant 32 : i32
      %mul3A_459 = arith.muli %add3A_427, %mul3A_458 : i32
      %sub3A_460 = arith.constant 1 : i32
      %sub3A_461 = arith.subi %mul3A_459, %sub3A_460 : i32
      %jit3A_462 = arith.constant 50 : i32
      %div3A_463 = arith.divsi %sub3A_461, %jit3A_462 : i32
      %sign3A_464 = arith.constant 0 : i32
      %sign3A_465 = arith.cmpi sgt, %sub3A_461, %sign3A_464 : i32
      %sign3A_466 = arith.extui %sign3A_465 : i1 to i32
      %sign3A_467 = arith.constant 0 : i32
      %sign3A_468 = arith.cmpi slt, %sub3A_461, %sign3A_467 : i32
      %sign3A_469 = arith.extui %sign3A_468 : i1 to i32
      %sign3A_470 = arith.subi %sign3A_466, %sign3A_469 : i32
      %sign3A_471 = arith.constant 0 : i32
      %sign3A_472 = arith.cmpi sgt, %jit3A_462, %sign3A_471 : i32
      %sign3A_473 = arith.extui %sign3A_472 : i1 to i32
      %sign3A_474 = arith.constant 0 : i32
      %sign3A_475 = arith.cmpi slt, %jit3A_462, %sign3A_474 : i32
      %sign3A_476 = arith.extui %sign3A_475 : i1 to i32
      %sign3A_477 = arith.subi %sign3A_473, %sign3A_476 : i32
      %ne3A_478 = arith.cmpi ne, %sign3A_470, %sign3A_477 : i32
      %rem3A_479 = arith.remsi %sub3A_461, %jit3A_462 : i32
      %ne3A_480 = arith.constant 0 : i32
      %ne3A_481 = arith.cmpi ne, %rem3A_479, %ne3A_480 : i32
      %and3A_482 = arith.andi %ne3A_478, %ne3A_481 : i1
      %sub3A_483 = arith.constant 1 : i32
      %sub3A_484 = arith.subi %div3A_463, %sub3A_483 : i32
      %select_n3A_485 = arith.select %and3A_482, %sub3A_484, %div3A_463 : i32
      %gt3A_486 = arith.cmpi sgt, %select_n3A_457, %select_n3A_485 : i32
      %ge3A_487 = arith.constant 4 : i32
      %ge3A_488 = arith.cmpi sge, %select_n3A_457, %ge3A_487 : i32
      %and3A_489 = arith.andi %gt3A_486, %ge3A_488 : i1
      %sub3A_490 = arith.constant 4 : i32
      %sub3A_491 = arith.subi %select_n3A_457, %sub3A_490 : i32
      %and3A_492 = arith.constant 3 : i32
      %and3A_493 = arith.andi %sub3A_491, %and3A_492 : i32
      %eq3A_494 = arith.constant 0 : i32
      %eq3A_495 = arith.cmpi eq, %and3A_493, %eq3A_494 : i32
      %and3A_496 = arith.andi %and3A_489, %eq3A_495 : i1
      %convert_element_type3A_497 = arith.extui %and3A_496 : i1 to i32
      %cond3A_498 = arith.constant 0 : i32
      %cond3A_499 = arith.cmpi ne, %convert_element_type3A_497, %cond3A_498 : i32
      scf.if %cond3A_499 {
        %sub3A_652 = arith.constant 4 : i32
        %sub3A_653 = arith.subi %select_n3A_457, %sub3A_652 : i32
        %and3A_654 = arith.constant 3 : i32
        %and3A_655 = arith.andi %sub3A_653, %and3A_654 : i32
        %add3A_656 = arith.addi %mul3A_2, %sub3A_653 : i32
        %mul3A_657 = arith.constant 56 : i32
        %mul3A_658 = arith.muli %add3A_656, %mul3A_657 : i32
        %dma_wait3A_659 = arith.constant 0 : i32
        %dma_wait3A_660 = arith.constant 0 : i32
        %dma_wait3A_661 = tpu.memref_slice %arg7[%and3A_655, %dma_wait3A_659, %dma_wait3A_660] : memref<4x56x128xf32, #tpu.memory_space<vmem>> -> memref<1x56x128xf32, #tpu.memory_space<vmem>>
        %dma_wait3A_662 = tpu.memref_squeeze %dma_wait3A_661 : memref<1x56x128xf32, #tpu.memory_space<vmem>> -> memref<56x128xf32, #tpu.memory_space<vmem>>
        %dma_wait3A_663 = arith.constant 0 : i32
        %dma_wait3A_664 = tpu.memref_slice %arg4[%mul3A_658, %dma_wait3A_663] : memref<229376x128xf32, #tpu.memory_space<hbm>> -> memref<56x128xf32, #tpu.memory_space<hbm>>
        %dma_wait3A_665 = arith.constant 0 : i32
        %dma_wait3A_666 = tpu.memref_slice %arg4[%mul3A_658, %dma_wait3A_665] : memref<229376x128xf32, #tpu.memory_space<hbm>> -> memref<56x128xf32, #tpu.memory_space<hbm>>
        %dma_wait3A_667 = arith.constant 0 : i32
        %dma_wait3A_668 = arith.constant 0 : i32
        %dma_wait3A_669 = tpu.memref_slice %arg7[%and3A_655, %dma_wait3A_667, %dma_wait3A_668] : memref<4x56x128xf32, #tpu.memory_space<vmem>> -> memref<1x56x128xf32, #tpu.memory_space<vmem>>
        %dma_wait3A_670 = tpu.memref_squeeze %dma_wait3A_669 : memref<1x56x128xf32, #tpu.memory_space<vmem>> -> memref<56x128xf32, #tpu.memory_space<vmem>>
        tpu.wait_dma2 semaphore(%arg10 : memref<!tpu.dma_semaphore, #tpu.memory_space<semaphore_mem>>) src(%dma_wait3A_670 : memref<56x128xf32, #tpu.memory_space<vmem>>) dst(%dma_wait3A_666 : memref<56x128xf32, #tpu.memory_space<hbm>>)
      } else {
      }
      %sub3A_500 = arith.constant 4 : i32
      %sub3A_501 = arith.subi %select_n3A_457, %sub3A_500 : i32
      %and3A_502 = arith.constant 3 : i32
      %and3A_503 = arith.andi %sub3A_501, %and3A_502 : i32
      %eq3A_504 = arith.constant 1 : i32
      %eq3A_505 = arith.cmpi eq, %and3A_503, %eq3A_504 : i32
      %and3A_506 = arith.andi %and3A_489, %eq3A_505 : i1
      %convert_element_type3A_507 = arith.extui %and3A_506 : i1 to i32
      %cond3A_508 = arith.constant 0 : i32
      %cond3A_509 = arith.cmpi ne, %convert_element_type3A_507, %cond3A_508 : i32
      scf.if %cond3A_509 {
        %sub3A_652 = arith.constant 4 : i32
        %sub3A_653 = arith.subi %select_n3A_457, %sub3A_652 : i32
        %and3A_654 = arith.constant 3 : i32
        %and3A_655 = arith.andi %sub3A_653, %and3A_654 : i32
        %add3A_656 = arith.addi %mul3A_2, %sub3A_653 : i32
        %mul3A_657 = arith.constant 56 : i32
        %mul3A_658 = arith.muli %add3A_656, %mul3A_657 : i32
        %dma_wait3A_659 = arith.constant 0 : i32
        %dma_wait3A_660 = arith.constant 0 : i32
        %dma_wait3A_661 = tpu.memref_slice %arg7[%and3A_655, %dma_wait3A_659, %dma_wait3A_660] : memref<4x56x128xf32, #tpu.memory_space<vmem>> -> memref<1x56x128xf32, #tpu.memory_space<vmem>>
        %dma_wait3A_662 = tpu.memref_squeeze %dma_wait3A_661 : memref<1x56x128xf32, #tpu.memory_space<vmem>> -> memref<56x128xf32, #tpu.memory_space<vmem>>
        %dma_wait3A_663 = arith.constant 0 : i32
        %dma_wait3A_664 = tpu.memref_slice %arg4[%mul3A_658, %dma_wait3A_663] : memref<229376x128xf32, #tpu.memory_space<hbm>> -> memref<56x128xf32, #tpu.memory_space<hbm>>
        %dma_wait3A_665 = arith.constant 0 : i32
        %dma_wait3A_666 = tpu.memref_slice %arg4[%mul3A_658, %dma_wait3A_665] : memref<229376x128xf32, #tpu.memory_space<hbm>> -> memref<56x128xf32, #tpu.memory_space<hbm>>
        %dma_wait3A_667 = arith.constant 0 : i32
        %dma_wait3A_668 = arith.constant 0 : i32
        %dma_wait3A_669 = tpu.memref_slice %arg7[%and3A_655, %dma_wait3A_667, %dma_wait3A_668] : memref<4x56x128xf32, #tpu.memory_space<vmem>> -> memref<1x56x128xf32, #tpu.memory_space<vmem>>
        %dma_wait3A_670 = tpu.memref_squeeze %dma_wait3A_669 : memref<1x56x128xf32, #tpu.memory_space<vmem>> -> memref<56x128xf32, #tpu.memory_space<vmem>>
        tpu.wait_dma2 semaphore(%arg11 : memref<!tpu.dma_semaphore, #tpu.memory_space<semaphore_mem>>) src(%dma_wait3A_670 : memref<56x128xf32, #tpu.memory_space<vmem>>) dst(%dma_wait3A_666 : memref<56x128xf32, #tpu.memory_space<hbm>>)
      } else {
      }
      %sub3A_510 = arith.constant 4 : i32
      %sub3A_511 = arith.subi %select_n3A_457, %sub3A_510 : i32
      %and3A_512 = arith.constant 3 : i32
      %and3A_513 = arith.andi %sub3A_511, %and3A_512 : i32
      %eq3A_514 = arith.constant 2 : i32
      %eq3A_515 = arith.cmpi eq, %and3A_513, %eq3A_514 : i32
      %and3A_516 = arith.andi %and3A_489, %eq3A_515 : i1
      %convert_element_type3A_517 = arith.extui %and3A_516 : i1 to i32
      %cond3A_518 = arith.constant 0 : i32
      %cond3A_519 = arith.cmpi ne, %convert_element_type3A_517, %cond3A_518 : i32
      scf.if %cond3A_519 {
        %sub3A_652 = arith.constant 4 : i32
        %sub3A_653 = arith.subi %select_n3A_457, %sub3A_652 : i32
        %and3A_654 = arith.constant 3 : i32
        %and3A_655 = arith.andi %sub3A_653, %and3A_654 : i32
        %add3A_656 = arith.addi %mul3A_2, %sub3A_653 : i32
        %mul3A_657 = arith.constant 56 : i32
        %mul3A_658 = arith.muli %add3A_656, %mul3A_657 : i32
        %dma_wait3A_659 = arith.constant 0 : i32
        %dma_wait3A_660 = arith.constant 0 : i32
        %dma_wait3A_661 = tpu.memref_slice %arg7[%and3A_655, %dma_wait3A_659, %dma_wait3A_660] : memref<4x56x128xf32, #tpu.memory_space<vmem>> -> memref<1x56x128xf32, #tpu.memory_space<vmem>>
        %dma_wait3A_662 = tpu.memref_squeeze %dma_wait3A_661 : memref<1x56x128xf32, #tpu.memory_space<vmem>> -> memref<56x128xf32, #tpu.memory_space<vmem>>
        %dma_wait3A_663 = arith.constant 0 : i32
        %dma_wait3A_664 = tpu.memref_slice %arg4[%mul3A_658, %dma_wait3A_663] : memref<229376x128xf32, #tpu.memory_space<hbm>> -> memref<56x128xf32, #tpu.memory_space<hbm>>
        %dma_wait3A_665 = arith.constant 0 : i32
        %dma_wait3A_666 = tpu.memref_slice %arg4[%mul3A_658, %dma_wait3A_665] : memref<229376x128xf32, #tpu.memory_space<hbm>> -> memref<56x128xf32, #tpu.memory_space<hbm>>
        %dma_wait3A_667 = arith.constant 0 : i32
        %dma_wait3A_668 = arith.constant 0 : i32
        %dma_wait3A_669 = tpu.memref_slice %arg7[%and3A_655, %dma_wait3A_667, %dma_wait3A_668] : memref<4x56x128xf32, #tpu.memory_space<vmem>> -> memref<1x56x128xf32, #tpu.memory_space<vmem>>
        %dma_wait3A_670 = tpu.memref_squeeze %dma_wait3A_669 : memref<1x56x128xf32, #tpu.memory_space<vmem>> -> memref<56x128xf32, #tpu.memory_space<vmem>>
        tpu.wait_dma2 semaphore(%arg12 : memref<!tpu.dma_semaphore, #tpu.memory_space<semaphore_mem>>) src(%dma_wait3A_670 : memref<56x128xf32, #tpu.memory_space<vmem>>) dst(%dma_wait3A_666 : memref<56x128xf32, #tpu.memory_space<hbm>>)
      } else {
      }
      %sub3A_520 = arith.constant 4 : i32
      %sub3A_521 = arith.subi %select_n3A_457, %sub3A_520 : i32
      %and3A_522 = arith.constant 3 : i32
      %and3A_523 = arith.andi %sub3A_521, %and3A_522 : i32
      %eq3A_524 = arith.constant 3 : i32
      %eq3A_525 = arith.cmpi eq, %and3A_523, %eq3A_524 : i32
      %and3A_526 = arith.andi %and3A_489, %eq3A_525 : i1
      %convert_element_type3A_527 = arith.extui %and3A_526 : i1 to i32
      %cond3A_528 = arith.constant 0 : i32
      %cond3A_529 = arith.cmpi ne, %convert_element_type3A_527, %cond3A_528 : i32
      scf.if %cond3A_529 {
        %sub3A_652 = arith.constant 4 : i32
        %sub3A_653 = arith.subi %select_n3A_457, %sub3A_652 : i32
        %and3A_654 = arith.constant 3 : i32
        %and3A_655 = arith.andi %sub3A_653, %and3A_654 : i32
        %add3A_656 = arith.addi %mul3A_2, %sub3A_653 : i32
        %mul3A_657 = arith.constant 56 : i32
        %mul3A_658 = arith.muli %add3A_656, %mul3A_657 : i32
        %dma_wait3A_659 = arith.constant 0 : i32
        %dma_wait3A_660 = arith.constant 0 : i32
        %dma_wait3A_661 = tpu.memref_slice %arg7[%and3A_655, %dma_wait3A_659, %dma_wait3A_660] : memref<4x56x128xf32, #tpu.memory_space<vmem>> -> memref<1x56x128xf32, #tpu.memory_space<vmem>>
        %dma_wait3A_662 = tpu.memref_squeeze %dma_wait3A_661 : memref<1x56x128xf32, #tpu.memory_space<vmem>> -> memref<56x128xf32, #tpu.memory_space<vmem>>
        %dma_wait3A_663 = arith.constant 0 : i32
        %dma_wait3A_664 = tpu.memref_slice %arg4[%mul3A_658, %dma_wait3A_663] : memref<229376x128xf32, #tpu.memory_space<hbm>> -> memref<56x128xf32, #tpu.memory_space<hbm>>
        %dma_wait3A_665 = arith.constant 0 : i32
        %dma_wait3A_666 = tpu.memref_slice %arg4[%mul3A_658, %dma_wait3A_665] : memref<229376x128xf32, #tpu.memory_space<hbm>> -> memref<56x128xf32, #tpu.memory_space<hbm>>
        %dma_wait3A_667 = arith.constant 0 : i32
        %dma_wait3A_668 = arith.constant 0 : i32
        %dma_wait3A_669 = tpu.memref_slice %arg7[%and3A_655, %dma_wait3A_667, %dma_wait3A_668] : memref<4x56x128xf32, #tpu.memory_space<vmem>> -> memref<1x56x128xf32, #tpu.memory_space<vmem>>
        %dma_wait3A_670 = tpu.memref_squeeze %dma_wait3A_669 : memref<1x56x128xf32, #tpu.memory_space<vmem>> -> memref<56x128xf32, #tpu.memory_space<vmem>>
        tpu.wait_dma2 semaphore(%arg13 : memref<!tpu.dma_semaphore, #tpu.memory_space<semaphore_mem>>) src(%dma_wait3A_670 : memref<56x128xf32, #tpu.memory_space<vmem>>) dst(%dma_wait3A_666 : memref<56x128xf32, #tpu.memory_space<hbm>>)
      } else {
      }
      %dma_wait3A_530 = arith.constant 1 : i32
      %dma_wait3A_531 = arith.constant 0 : i32
      %dma_wait3A_532 = arith.constant 0 : i32
      %dma_wait3A_533 = tpu.memref_slice %arg6[%dma_wait3A_530, %dma_wait3A_531, %dma_wait3A_532] : memref<2x128x128xf32, #tpu.memory_space<vmem>> -> memref<1x128x128xf32, #tpu.memory_space<vmem>>
      %dma_wait3A_534 = tpu.memref_squeeze %dma_wait3A_533 : memref<1x128x128xf32, #tpu.memory_space<vmem>> -> memref<128x128xf32, #tpu.memory_space<vmem>>
      %dma_wait3A_535 = arith.constant 0 : i32
      %dma_wait3A_536 = tpu.memref_slice %arg5[%add3A_427, %dma_wait3A_535] : memref<400x128xi32, #tpu.memory_space<vmem>> -> memref<1x128xi32, #tpu.memory_space<vmem>>
      %dma_wait3A_537 = tpu.memref_squeeze %dma_wait3A_536 : memref<1x128xi32, #tpu.memory_space<vmem>> -> memref<128xi32, #tpu.memory_space<vmem>>
      %dma_wait3A_538 = arith.constant 0 : i32
      %dma_wait3A_539 = arith.constant 0 : i32
      %dma_wait3A_540 = tpu.memref_slice %arg3[%dma_wait3A_538, %dma_wait3A_539] : memref<41600x128xf32, #tpu.memory_space<hbm>> -> memref<41600x128xf32, #tpu.memory_space<hbm>>
      tpu.wait_indirect_dma semaphore(%arg9 : memref<!tpu.dma_semaphore, #tpu.memory_space<semaphore_mem>>) src(%dma_wait3A_540 : memref<41600x128xf32, #tpu.memory_space<hbm>>) dst(%dma_wait3A_534 : memref<128x128xf32, #tpu.memory_space<vmem>>)
      %parallel_loop3A_541 = arith.constant 0 : i32
      %parallel_loop3A_542 = arith.constant 32 : i32
      %parallel_loop3A_543 = arith.constant 1 : i32
      scf.for %parallel_loop3A_652 = %parallel_loop3A_541 to %parallel_loop3A_542 step %parallel_loop3A_543  : i32 {
        %parallel_loop3A_653 = arith.constant 32 : i32
        %parallel_loop3A_654 = arith.muli %add3A_427, %parallel_loop3A_653 : i32
        %parallel_loop3A_655 = arith.addi %parallel_loop3A_654, %parallel_loop3A_652 : i32
        %parallel_loop3A_656 = arith.constant 50 : i32
        %parallel_loop3A_657 = arith.divsi %parallel_loop3A_655, %parallel_loop3A_656 : i32
        %parallel_loop3A_658 = arith.constant 0 : i32
        %parallel_loop3A_659 = arith.cmpi sgt, %parallel_loop3A_655, %parallel_loop3A_658 : i32
        %parallel_loop3A_660 = arith.extui %parallel_loop3A_659 : i1 to i32
        %parallel_loop3A_661 = arith.constant 0 : i32
        %parallel_loop3A_662 = arith.cmpi slt, %parallel_loop3A_655, %parallel_loop3A_661 : i32
        %parallel_loop3A_663 = arith.extui %parallel_loop3A_662 : i1 to i32
        %parallel_loop3A_664 = arith.subi %parallel_loop3A_660, %parallel_loop3A_663 : i32
        %parallel_loop3A_665 = arith.constant 0 : i32
        %parallel_loop3A_666 = arith.cmpi sgt, %parallel_loop3A_656, %parallel_loop3A_665 : i32
        %parallel_loop3A_667 = arith.extui %parallel_loop3A_666 : i1 to i32
        %parallel_loop3A_668 = arith.constant 0 : i32
        %parallel_loop3A_669 = arith.cmpi slt, %parallel_loop3A_656, %parallel_loop3A_668 : i32
        %parallel_loop3A_670 = arith.extui %parallel_loop3A_669 : i1 to i32
        %parallel_loop3A_671 = arith.subi %parallel_loop3A_667, %parallel_loop3A_670 : i32
        %parallel_loop3A_672 = arith.cmpi ne, %parallel_loop3A_664, %parallel_loop3A_671 : i32
        %parallel_loop3A_673 = arith.remsi %parallel_loop3A_655, %parallel_loop3A_656 : i32
        %parallel_loop3A_674 = arith.constant 0 : i32
        %parallel_loop3A_675 = arith.cmpi ne, %parallel_loop3A_673, %parallel_loop3A_674 : i32
        %parallel_loop3A_676 = arith.andi %parallel_loop3A_672, %parallel_loop3A_675 : i1
        %parallel_loop3A_677 = arith.constant 1 : i32
        %parallel_loop3A_678 = arith.subi %parallel_loop3A_657, %parallel_loop3A_677 : i32
        %parallel_loop3A_679 = arith.select %parallel_loop3A_676, %parallel_loop3A_678, %parallel_loop3A_657 : i32
        %parallel_loop3A_680 = arith.constant 50 : i32
        %parallel_loop3A_681 = arith.muli %parallel_loop3A_679, %parallel_loop3A_680 : i32
        %parallel_loop3A_682 = arith.subi %parallel_loop3A_655, %parallel_loop3A_681 : i32
        %parallel_loop3A_683 = arith.constant 3 : i32
        %parallel_loop3A_684 = arith.andi %parallel_loop3A_679, %parallel_loop3A_683 : i32
        %parallel_loop3A_685 = arith.constant 4 : i32
        %parallel_loop3A_686 = arith.muli %parallel_loop3A_652, %parallel_loop3A_685 : i32
        %parallel_loop3A_687 = arith.constant 0 : i32
        %parallel_loop3A_688 = arith.addi %parallel_loop3A_686, %parallel_loop3A_687 : i32
        %parallel_loop3A_689 = arith.constant 1 : i32
        %parallel_loop3A_690 = arith.index_cast %parallel_loop3A_689 : i32 to index
        %parallel_loop3A_691 = arith.index_cast %parallel_loop3A_688 : i32 to index
        %parallel_loop3A_692 = arith.constant 0 : index
        %parallel_loop3A_693 = tpu.vector_load %arg6[%parallel_loop3A_690, %parallel_loop3A_691, %parallel_loop3A_692] {strides = array<i32>} : memref<2x128x128xf32, #tpu.memory_space<vmem>>, vector<16xf32>,
        %parallel_loop3A_694 = arith.constant 4 : i32
        %parallel_loop3A_695 = arith.muli %parallel_loop3A_652, %parallel_loop3A_694 : i32
        %parallel_loop3A_696 = arith.constant 1 : i32
        %parallel_loop3A_697 = arith.addi %parallel_loop3A_695, %parallel_loop3A_696 : i32
        %parallel_loop3A_698 = arith.constant 1 : i32
        %parallel_loop3A_699 = arith.index_cast %parallel_loop3A_698 : i32 to index
        %parallel_loop3A_700 = arith.index_cast %parallel_loop3A_697 : i32 to index
        %parallel_loop3A_701 = arith.constant 0 : index
        %parallel_loop3A_702 = tpu.vector_load %arg6[%parallel_loop3A_699, %parallel_loop3A_700, %parallel_loop3A_701] {strides = array<i32>} : memref<2x128x128xf32, #tpu.memory_space<vmem>>, vector<16xf32>,
        %parallel_loop3A_703 = arith.constant 4 : i32
        %parallel_loop3A_704 = arith.muli %parallel_loop3A_652, %parallel_loop3A_703 : i32
        %parallel_loop3A_705 = arith.constant 2 : i32
        %parallel_loop3A_706 = arith.addi %parallel_loop3A_704, %parallel_loop3A_705 : i32
        %parallel_loop3A_707 = arith.constant 1 : i32
        %parallel_loop3A_708 = arith.index_cast %parallel_loop3A_707 : i32 to index
        %parallel_loop3A_709 = arith.index_cast %parallel_loop3A_706 : i32 to index
        %parallel_loop3A_710 = arith.constant 0 : index
        %parallel_loop3A_711 = tpu.vector_load %arg6[%parallel_loop3A_708, %parallel_loop3A_709, %parallel_loop3A_710] {strides = array<i32>} : memref<2x128x128xf32, #tpu.memory_space<vmem>>, vector<16xf32>,
        %parallel_loop3A_712 = arith.constant 4 : i32
        %parallel_loop3A_713 = arith.muli %parallel_loop3A_652, %parallel_loop3A_712 : i32
        %parallel_loop3A_714 = arith.constant 3 : i32
        %parallel_loop3A_715 = arith.addi %parallel_loop3A_713, %parallel_loop3A_714 : i32
        %parallel_loop3A_716 = arith.constant 1 : i32
        %parallel_loop3A_717 = arith.index_cast %parallel_loop3A_716 : i32 to index
        %parallel_loop3A_718 = arith.index_cast %parallel_loop3A_715 : i32 to index
        %parallel_loop3A_719 = arith.constant 0 : index
        %parallel_loop3A_720 = tpu.vector_load %arg6[%parallel_loop3A_717, %parallel_loop3A_718, %parallel_loop3A_719] {strides = array<i32>} : memref<2x128x128xf32, #tpu.memory_space<vmem>>, vector<16xf32>,
        %parallel_loop3A_721 = arith.addf %parallel_loop3A_693, %parallel_loop3A_702 : vector<16xf32>
        %parallel_loop3A_722 = arith.addf %parallel_loop3A_711, %parallel_loop3A_720 : vector<16xf32>
        %parallel_loop3A_723 = arith.addf %parallel_loop3A_721, %parallel_loop3A_722 : vector<16xf32>
        %parallel_loop3A_724 = arith.index_cast %parallel_loop3A_684 : i32 to index
        %parallel_loop3A_725 = arith.index_cast %parallel_loop3A_682 : i32 to index
        %parallel_loop3A_726 = arith.constant 0 : index
        %parallel_loop3A_727 = tpu.vector_load %arg7[%parallel_loop3A_724, %parallel_loop3A_725, %parallel_loop3A_726] {strides = array<i32>} : memref<4x56x128xf32, #tpu.memory_space<vmem>>, vector<16xf32>,
        tpu.vector_store %arg7[%parallel_loop3A_724, %parallel_loop3A_725, %parallel_loop3A_726], %parallel_loop3A_723 {strides = array<i32>} : memref<4x56x128xf32, #tpu.memory_space<vmem>>, vector<16xf32>,
        %parallel_loop3A_728 = arith.constant 4 : i32
        %parallel_loop3A_729 = arith.muli %parallel_loop3A_652, %parallel_loop3A_728 : i32
        %parallel_loop3A_730 = arith.constant 0 : i32
        %parallel_loop3A_731 = arith.addi %parallel_loop3A_729, %parallel_loop3A_730 : i32
        %parallel_loop3A_732 = arith.constant 1 : i32
        %parallel_loop3A_733 = arith.index_cast %parallel_loop3A_732 : i32 to index
        %parallel_loop3A_734 = arith.index_cast %parallel_loop3A_731 : i32 to index
        %parallel_loop3A_735 = arith.constant 16 : index
        %parallel_loop3A_736 = tpu.vector_load %arg6[%parallel_loop3A_733, %parallel_loop3A_734, %parallel_loop3A_735] {strides = array<i32>} : memref<2x128x128xf32, #tpu.memory_space<vmem>>, vector<16xf32>,
        %parallel_loop3A_737 = arith.constant 4 : i32
        %parallel_loop3A_738 = arith.muli %parallel_loop3A_652, %parallel_loop3A_737 : i32
        %parallel_loop3A_739 = arith.constant 1 : i32
        %parallel_loop3A_740 = arith.addi %parallel_loop3A_738, %parallel_loop3A_739 : i32
        %parallel_loop3A_741 = arith.constant 1 : i32
        %parallel_loop3A_742 = arith.index_cast %parallel_loop3A_741 : i32 to index
        %parallel_loop3A_743 = arith.index_cast %parallel_loop3A_740 : i32 to index
        %parallel_loop3A_744 = arith.constant 16 : index
        %parallel_loop3A_745 = tpu.vector_load %arg6[%parallel_loop3A_742, %parallel_loop3A_743, %parallel_loop3A_744] {strides = array<i32>} : memref<2x128x128xf32, #tpu.memory_space<vmem>>, vector<16xf32>,
        %parallel_loop3A_746 = arith.constant 4 : i32
        %parallel_loop3A_747 = arith.muli %parallel_loop3A_652, %parallel_loop3A_746 : i32
        %parallel_loop3A_748 = arith.constant 2 : i32
        %parallel_loop3A_749 = arith.addi %parallel_loop3A_747, %parallel_loop3A_748 : i32
        %parallel_loop3A_750 = arith.constant 1 : i32
        %parallel_loop3A_751 = arith.index_cast %parallel_loop3A_750 : i32 to index
        %parallel_loop3A_752 = arith.index_cast %parallel_loop3A_749 : i32 to index
        %parallel_loop3A_753 = arith.constant 16 : index
        %parallel_loop3A_754 = tpu.vector_load %arg6[%parallel_loop3A_751, %parallel_loop3A_752, %parallel_loop3A_753] {strides = array<i32>} : memref<2x128x128xf32, #tpu.memory_space<vmem>>, vector<16xf32>,
        %parallel_loop3A_755 = arith.constant 4 : i32
        %parallel_loop3A_756 = arith.muli %parallel_loop3A_652, %parallel_loop3A_755 : i32
        %parallel_loop3A_757 = arith.constant 3 : i32
        %parallel_loop3A_758 = arith.addi %parallel_loop3A_756, %parallel_loop3A_757 : i32
        %parallel_loop3A_759 = arith.constant 1 : i32
        %parallel_loop3A_760 = arith.index_cast %parallel_loop3A_759 : i32 to index
        %parallel_loop3A_761 = arith.index_cast %parallel_loop3A_758 : i32 to index
        %parallel_loop3A_762 = arith.constant 16 : index
        %parallel_loop3A_763 = tpu.vector_load %arg6[%parallel_loop3A_760, %parallel_loop3A_761, %parallel_loop3A_762] {strides = array<i32>} : memref<2x128x128xf32, #tpu.memory_space<vmem>>, vector<16xf32>,
        %parallel_loop3A_764 = arith.addf %parallel_loop3A_736, %parallel_loop3A_745 : vector<16xf32>
        %parallel_loop3A_765 = arith.addf %parallel_loop3A_754, %parallel_loop3A_763 : vector<16xf32>
        %parallel_loop3A_766 = arith.addf %parallel_loop3A_764, %parallel_loop3A_765 : vector<16xf32>
        %parallel_loop3A_767 = arith.index_cast %parallel_loop3A_684 : i32 to index
        %parallel_loop3A_768 = arith.index_cast %parallel_loop3A_682 : i32 to index
        %parallel_loop3A_769 = arith.constant 16 : index
        %parallel_loop3A_770 = tpu.vector_load %arg7[%parallel_loop3A_767, %parallel_loop3A_768, %parallel_loop3A_769] {strides = array<i32>} : memref<4x56x128xf32, #tpu.memory_space<vmem>>, vector<16xf32>,
        tpu.vector_store %arg7[%parallel_loop3A_767, %parallel_loop3A_768, %parallel_loop3A_769], %parallel_loop3A_766 {strides = array<i32>} : memref<4x56x128xf32, #tpu.memory_space<vmem>>, vector<16xf32>,
        %parallel_loop3A_771 = arith.constant 4 : i32
        %parallel_loop3A_772 = arith.muli %parallel_loop3A_652, %parallel_loop3A_771 : i32
        %parallel_loop3A_773 = arith.constant 0 : i32
        %parallel_loop3A_774 = arith.addi %parallel_loop3A_772, %parallel_loop3A_773 : i32
        %parallel_loop3A_775 = arith.constant 1 : i32
        %parallel_loop3A_776 = arith.index_cast %parallel_loop3A_775 : i32 to index
        %parallel_loop3A_777 = arith.index_cast %parallel_loop3A_774 : i32 to index
        %parallel_loop3A_778 = arith.constant 32 : index
        %parallel_loop3A_779 = tpu.vector_load %arg6[%parallel_loop3A_776, %parallel_loop3A_777, %parallel_loop3A_778] {strides = array<i32>} : memref<2x128x128xf32, #tpu.memory_space<vmem>>, vector<16xf32>,
        %parallel_loop3A_780 = arith.constant 4 : i32
        %parallel_loop3A_781 = arith.muli %parallel_loop3A_652, %parallel_loop3A_780 : i32
        %parallel_loop3A_782 = arith.constant 1 : i32
        %parallel_loop3A_783 = arith.addi %parallel_loop3A_781, %parallel_loop3A_782 : i32
        %parallel_loop3A_784 = arith.constant 1 : i32
        %parallel_loop3A_785 = arith.index_cast %parallel_loop3A_784 : i32 to index
        %parallel_loop3A_786 = arith.index_cast %parallel_loop3A_783 : i32 to index
        %parallel_loop3A_787 = arith.constant 32 : index
        %parallel_loop3A_788 = tpu.vector_load %arg6[%parallel_loop3A_785, %parallel_loop3A_786, %parallel_loop3A_787] {strides = array<i32>} : memref<2x128x128xf32, #tpu.memory_space<vmem>>, vector<16xf32>,
        %parallel_loop3A_789 = arith.constant 4 : i32
        %parallel_loop3A_790 = arith.muli %parallel_loop3A_652, %parallel_loop3A_789 : i32
        %parallel_loop3A_791 = arith.constant 2 : i32
        %parallel_loop3A_792 = arith.addi %parallel_loop3A_790, %parallel_loop3A_791 : i32
        %parallel_loop3A_793 = arith.constant 1 : i32
        %parallel_loop3A_794 = arith.index_cast %parallel_loop3A_793 : i32 to index
        %parallel_loop3A_795 = arith.index_cast %parallel_loop3A_792 : i32 to index
        %parallel_loop3A_796 = arith.constant 32 : index
        %parallel_loop3A_797 = tpu.vector_load %arg6[%parallel_loop3A_794, %parallel_loop3A_795, %parallel_loop3A_796] {strides = array<i32>} : memref<2x128x128xf32, #tpu.memory_space<vmem>>, vector<16xf32>,
        %parallel_loop3A_798 = arith.constant 4 : i32
        %parallel_loop3A_799 = arith.muli %parallel_loop3A_652, %parallel_loop3A_798 : i32
        %parallel_loop3A_800 = arith.constant 3 : i32
        %parallel_loop3A_801 = arith.addi %parallel_loop3A_799, %parallel_loop3A_800 : i32
        %parallel_loop3A_802 = arith.constant 1 : i32
        %parallel_loop3A_803 = arith.index_cast %parallel_loop3A_802 : i32 to index
        %parallel_loop3A_804 = arith.index_cast %parallel_loop3A_801 : i32 to index
        %parallel_loop3A_805 = arith.constant 32 : index
        %parallel_loop3A_806 = tpu.vector_load %arg6[%parallel_loop3A_803, %parallel_loop3A_804, %parallel_loop3A_805] {strides = array<i32>} : memref<2x128x128xf32, #tpu.memory_space<vmem>>, vector<16xf32>,
        %parallel_loop3A_807 = arith.addf %parallel_loop3A_779, %parallel_loop3A_788 : vector<16xf32>
        %parallel_loop3A_808 = arith.addf %parallel_loop3A_797, %parallel_loop3A_806 : vector<16xf32>
        %parallel_loop3A_809 = arith.addf %parallel_loop3A_807, %parallel_loop3A_808 : vector<16xf32>
        %parallel_loop3A_810 = arith.index_cast %parallel_loop3A_684 : i32 to index
        %parallel_loop3A_811 = arith.index_cast %parallel_loop3A_682 : i32 to index
        %parallel_loop3A_812 = arith.constant 32 : index
        %parallel_loop3A_813 = tpu.vector_load %arg7[%parallel_loop3A_810, %parallel_loop3A_811, %parallel_loop3A_812] {strides = array<i32>} : memref<4x56x128xf32, #tpu.memory_space<vmem>>, vector<16xf32>,
        tpu.vector_store %arg7[%parallel_loop3A_810, %parallel_loop3A_811, %parallel_loop3A_812], %parallel_loop3A_809 {strides = array<i32>} : memref<4x56x128xf32, #tpu.memory_space<vmem>>, vector<16xf32>,
        %parallel_loop3A_814 = arith.constant 4 : i32
        %parallel_loop3A_815 = arith.muli %parallel_loop3A_652, %parallel_loop3A_814 : i32
        %parallel_loop3A_816 = arith.constant 0 : i32
        %parallel_loop3A_817 = arith.addi %parallel_loop3A_815, %parallel_loop3A_816 : i32
        %parallel_loop3A_818 = arith.constant 1 : i32
        %parallel_loop3A_819 = arith.index_cast %parallel_loop3A_818 : i32 to index
        %parallel_loop3A_820 = arith.index_cast %parallel_loop3A_817 : i32 to index
        %parallel_loop3A_821 = arith.constant 48 : index
        %parallel_loop3A_822 = tpu.vector_load %arg6[%parallel_loop3A_819, %parallel_loop3A_820, %parallel_loop3A_821] {strides = array<i32>} : memref<2x128x128xf32, #tpu.memory_space<vmem>>, vector<16xf32>,
        %parallel_loop3A_823 = arith.constant 4 : i32
        %parallel_loop3A_824 = arith.muli %parallel_loop3A_652, %parallel_loop3A_823 : i32
        %parallel_loop3A_825 = arith.constant 1 : i32
        %parallel_loop3A_826 = arith.addi %parallel_loop3A_824, %parallel_loop3A_825 : i32
        %parallel_loop3A_827 = arith.constant 1 : i32
        %parallel_loop3A_828 = arith.index_cast %parallel_loop3A_827 : i32 to index
        %parallel_loop3A_829 = arith.index_cast %parallel_loop3A_826 : i32 to index
        %parallel_loop3A_830 = arith.constant 48 : index
        %parallel_loop3A_831 = tpu.vector_load %arg6[%parallel_loop3A_828, %parallel_loop3A_829, %parallel_loop3A_830] {strides = array<i32>} : memref<2x128x128xf32, #tpu.memory_space<vmem>>, vector<16xf32>,
        %parallel_loop3A_832 = arith.constant 4 : i32
        %parallel_loop3A_833 = arith.muli %parallel_loop3A_652, %parallel_loop3A_832 : i32
        %parallel_loop3A_834 = arith.constant 2 : i32
        %parallel_loop3A_835 = arith.addi %parallel_loop3A_833, %parallel_loop3A_834 : i32
        %parallel_loop3A_836 = arith.constant 1 : i32
        %parallel_loop3A_837 = arith.index_cast %parallel_loop3A_836 : i32 to index
        %parallel_loop3A_838 = arith.index_cast %parallel_loop3A_835 : i32 to index
        %parallel_loop3A_839 = arith.constant 48 : index
        %parallel_loop3A_840 = tpu.vector_load %arg6[%parallel_loop3A_837, %parallel_loop3A_838, %parallel_loop3A_839] {strides = array<i32>} : memref<2x128x128xf32, #tpu.memory_space<vmem>>, vector<16xf32>,
        %parallel_loop3A_841 = arith.constant 4 : i32
        %parallel_loop3A_842 = arith.muli %parallel_loop3A_652, %parallel_loop3A_841 : i32
        %parallel_loop3A_843 = arith.constant 3 : i32
        %parallel_loop3A_844 = arith.addi %parallel_loop3A_842, %parallel_loop3A_843 : i32
        %parallel_loop3A_845 = arith.constant 1 : i32
        %parallel_loop3A_846 = arith.index_cast %parallel_loop3A_845 : i32 to index
        %parallel_loop3A_847 = arith.index_cast %parallel_loop3A_844 : i32 to index
        %parallel_loop3A_848 = arith.constant 48 : index
        %parallel_loop3A_849 = tpu.vector_load %arg6[%parallel_loop3A_846, %parallel_loop3A_847, %parallel_loop3A_848] {strides = array<i32>} : memref<2x128x128xf32, #tpu.memory_space<vmem>>, vector<16xf32>,
        %parallel_loop3A_850 = arith.addf %parallel_loop3A_822, %parallel_loop3A_831 : vector<16xf32>
        %parallel_loop3A_851 = arith.addf %parallel_loop3A_840, %parallel_loop3A_849 : vector<16xf32>
        %parallel_loop3A_852 = arith.addf %parallel_loop3A_850, %parallel_loop3A_851 : vector<16xf32>
        %parallel_loop3A_853 = arith.index_cast %parallel_loop3A_684 : i32 to index
        %parallel_loop3A_854 = arith.index_cast %parallel_loop3A_682 : i32 to index
        %parallel_loop3A_855 = arith.constant 48 : index
        %parallel_loop3A_856 = tpu.vector_load %arg7[%parallel_loop3A_853, %parallel_loop3A_854, %parallel_loop3A_855] {strides = array<i32>} : memref<4x56x128xf32, #tpu.memory_space<vmem>>, vector<16xf32>,
        tpu.vector_store %arg7[%parallel_loop3A_853, %parallel_loop3A_854, %parallel_loop3A_855], %parallel_loop3A_852 {strides = array<i32>} : memref<4x56x128xf32, #tpu.memory_space<vmem>>, vector<16xf32>,
        %parallel_loop3A_857 = arith.constant 4 : i32
        %parallel_loop3A_858 = arith.muli %parallel_loop3A_652, %parallel_loop3A_857 : i32
        %parallel_loop3A_859 = arith.constant 0 : i32
        %parallel_loop3A_860 = arith.addi %parallel_loop3A_858, %parallel_loop3A_859 : i32
        %parallel_loop3A_861 = arith.constant 1 : i32
        %parallel_loop3A_862 = arith.index_cast %parallel_loop3A_861 : i32 to index
        %parallel_loop3A_863 = arith.index_cast %parallel_loop3A_860 : i32 to index
        %parallel_loop3A_864 = arith.constant 64 : index
        %parallel_loop3A_865 = tpu.vector_load %arg6[%parallel_loop3A_862, %parallel_loop3A_863, %parallel_loop3A_864] {strides = array<i32>} : memref<2x128x128xf32, #tpu.memory_space<vmem>>, vector<16xf32>,
        %parallel_loop3A_866 = arith.constant 4 : i32
        %parallel_loop3A_867 = arith.muli %parallel_loop3A_652, %parallel_loop3A_866 : i32
        %parallel_loop3A_868 = arith.constant 1 : i32
        %parallel_loop3A_869 = arith.addi %parallel_loop3A_867, %parallel_loop3A_868 : i32
        %parallel_loop3A_870 = arith.constant 1 : i32
        %parallel_loop3A_871 = arith.index_cast %parallel_loop3A_870 : i32 to index
        %parallel_loop3A_872 = arith.index_cast %parallel_loop3A_869 : i32 to index
        %parallel_loop3A_873 = arith.constant 64 : index
        %parallel_loop3A_874 = tpu.vector_load %arg6[%parallel_loop3A_871, %parallel_loop3A_872, %parallel_loop3A_873] {strides = array<i32>} : memref<2x128x128xf32, #tpu.memory_space<vmem>>, vector<16xf32>,
        %parallel_loop3A_875 = arith.constant 4 : i32
        %parallel_loop3A_876 = arith.muli %parallel_loop3A_652, %parallel_loop3A_875 : i32
        %parallel_loop3A_877 = arith.constant 2 : i32
        %parallel_loop3A_878 = arith.addi %parallel_loop3A_876, %parallel_loop3A_877 : i32
        %parallel_loop3A_879 = arith.constant 1 : i32
        %parallel_loop3A_880 = arith.index_cast %parallel_loop3A_879 : i32 to index
        %parallel_loop3A_881 = arith.index_cast %parallel_loop3A_878 : i32 to index
        %parallel_loop3A_882 = arith.constant 64 : index
        %parallel_loop3A_883 = tpu.vector_load %arg6[%parallel_loop3A_880, %parallel_loop3A_881, %parallel_loop3A_882] {strides = array<i32>} : memref<2x128x128xf32, #tpu.memory_space<vmem>>, vector<16xf32>,
        %parallel_loop3A_884 = arith.constant 4 : i32
        %parallel_loop3A_885 = arith.muli %parallel_loop3A_652, %parallel_loop3A_884 : i32
        %parallel_loop3A_886 = arith.constant 3 : i32
        %parallel_loop3A_887 = arith.addi %parallel_loop3A_885, %parallel_loop3A_886 : i32
        %parallel_loop3A_888 = arith.constant 1 : i32
        %parallel_loop3A_889 = arith.index_cast %parallel_loop3A_888 : i32 to index
        %parallel_loop3A_890 = arith.index_cast %parallel_loop3A_887 : i32 to index
        %parallel_loop3A_891 = arith.constant 64 : index
        %parallel_loop3A_892 = tpu.vector_load %arg6[%parallel_loop3A_889, %parallel_loop3A_890, %parallel_loop3A_891] {strides = array<i32>} : memref<2x128x128xf32, #tpu.memory_space<vmem>>, vector<16xf32>,
        %parallel_loop3A_893 = arith.addf %parallel_loop3A_865, %parallel_loop3A_874 : vector<16xf32>
        %parallel_loop3A_894 = arith.addf %parallel_loop3A_883, %parallel_loop3A_892 : vector<16xf32>
        %parallel_loop3A_895 = arith.addf %parallel_loop3A_893, %parallel_loop3A_894 : vector<16xf32>
        %parallel_loop3A_896 = arith.index_cast %parallel_loop3A_684 : i32 to index
        %parallel_loop3A_897 = arith.index_cast %parallel_loop3A_682 : i32 to index
        %parallel_loop3A_898 = arith.constant 64 : index
        %parallel_loop3A_899 = tpu.vector_load %arg7[%parallel_loop3A_896, %parallel_loop3A_897, %parallel_loop3A_898] {strides = array<i32>} : memref<4x56x128xf32, #tpu.memory_space<vmem>>, vector<16xf32>,
        tpu.vector_store %arg7[%parallel_loop3A_896, %parallel_loop3A_897, %parallel_loop3A_898], %parallel_loop3A_895 {strides = array<i32>} : memref<4x56x128xf32, #tpu.memory_space<vmem>>, vector<16xf32>,
        %parallel_loop3A_900 = arith.constant 4 : i32
        %parallel_loop3A_901 = arith.muli %parallel_loop3A_652, %parallel_loop3A_900 : i32
        %parallel_loop3A_902 = arith.constant 0 : i32
        %parallel_loop3A_903 = arith.addi %parallel_loop3A_901, %parallel_loop3A_902 : i32
        %parallel_loop3A_904 = arith.constant 1 : i32
        %parallel_loop3A_905 = arith.index_cast %parallel_loop3A_904 : i32 to index
        %parallel_loop3A_906 = arith.index_cast %parallel_loop3A_903 : i32 to index
        %parallel_loop3A_907 = arith.constant 80 : index
        %parallel_loop3A_908 = tpu.vector_load %arg6[%parallel_loop3A_905, %parallel_loop3A_906, %parallel_loop3A_907] {strides = array<i32>} : memref<2x128x128xf32, #tpu.memory_space<vmem>>, vector<16xf32>,
        %parallel_loop3A_909 = arith.constant 4 : i32
        %parallel_loop3A_910 = arith.muli %parallel_loop3A_652, %parallel_loop3A_909 : i32
        %parallel_loop3A_911 = arith.constant 1 : i32
        %parallel_loop3A_912 = arith.addi %parallel_loop3A_910, %parallel_loop3A_911 : i32
        %parallel_loop3A_913 = arith.constant 1 : i32
        %parallel_loop3A_914 = arith.index_cast %parallel_loop3A_913 : i32 to index
        %parallel_loop3A_915 = arith.index_cast %parallel_loop3A_912 : i32 to index
        %parallel_loop3A_916 = arith.constant 80 : index
        %parallel_loop3A_917 = tpu.vector_load %arg6[%parallel_loop3A_914, %parallel_loop3A_915, %parallel_loop3A_916] {strides = array<i32>} : memref<2x128x128xf32, #tpu.memory_space<vmem>>, vector<16xf32>,
        %parallel_loop3A_918 = arith.constant 4 : i32
        %parallel_loop3A_919 = arith.muli %parallel_loop3A_652, %parallel_loop3A_918 : i32
        %parallel_loop3A_920 = arith.constant 2 : i32
        %parallel_loop3A_921 = arith.addi %parallel_loop3A_919, %parallel_loop3A_920 : i32
        %parallel_loop3A_922 = arith.constant 1 : i32
        %parallel_loop3A_923 = arith.index_cast %parallel_loop3A_922 : i32 to index
        %parallel_loop3A_924 = arith.index_cast %parallel_loop3A_921 : i32 to index
        %parallel_loop3A_925 = arith.constant 80 : index
        %parallel_loop3A_926 = tpu.vector_load %arg6[%parallel_loop3A_923, %parallel_loop3A_924, %parallel_loop3A_925] {strides = array<i32>} : memref<2x128x128xf32, #tpu.memory_space<vmem>>, vector<16xf32>,
        %parallel_loop3A_927 = arith.constant 4 : i32
        %parallel_loop3A_928 = arith.muli %parallel_loop3A_652, %parallel_loop3A_927 : i32
        %parallel_loop3A_929 = arith.constant 3 : i32
        %parallel_loop3A_930 = arith.addi %parallel_loop3A_928, %parallel_loop3A_929 : i32
        %parallel_loop3A_931 = arith.constant 1 : i32
        %parallel_loop3A_932 = arith.index_cast %parallel_loop3A_931 : i32 to index
        %parallel_loop3A_933 = arith.index_cast %parallel_loop3A_930 : i32 to index
        %parallel_loop3A_934 = arith.constant 80 : index
        %parallel_loop3A_935 = tpu.vector_load %arg6[%parallel_loop3A_932, %parallel_loop3A_933, %parallel_loop3A_934] {strides = array<i32>} : memref<2x128x128xf32, #tpu.memory_space<vmem>>, vector<16xf32>,
        %parallel_loop3A_936 = arith.addf %parallel_loop3A_908, %parallel_loop3A_917 : vector<16xf32>
        %parallel_loop3A_937 = arith.addf %parallel_loop3A_926, %parallel_loop3A_935 : vector<16xf32>
        %parallel_loop3A_938 = arith.addf %parallel_loop3A_936, %parallel_loop3A_937 : vector<16xf32>
        %parallel_loop3A_939 = arith.index_cast %parallel_loop3A_684 : i32 to index
        %parallel_loop3A_940 = arith.index_cast %parallel_loop3A_682 : i32 to index
        %parallel_loop3A_941 = arith.constant 80 : index
        %parallel_loop3A_942 = tpu.vector_load %arg7[%parallel_loop3A_939, %parallel_loop3A_940, %parallel_loop3A_941] {strides = array<i32>} : memref<4x56x128xf32, #tpu.memory_space<vmem>>, vector<16xf32>,
        tpu.vector_store %arg7[%parallel_loop3A_939, %parallel_loop3A_940, %parallel_loop3A_941], %parallel_loop3A_938 {strides = array<i32>} : memref<4x56x128xf32, #tpu.memory_space<vmem>>, vector<16xf32>,
        %parallel_loop3A_943 = arith.constant 4 : i32
        %parallel_loop3A_944 = arith.muli %parallel_loop3A_652, %parallel_loop3A_943 : i32
        %parallel_loop3A_945 = arith.constant 0 : i32
        %parallel_loop3A_946 = arith.addi %parallel_loop3A_944, %parallel_loop3A_945 : i32
        %parallel_loop3A_947 = arith.constant 1 : i32
        %parallel_loop3A_948 = arith.index_cast %parallel_loop3A_947 : i32 to index
        %parallel_loop3A_949 = arith.index_cast %parallel_loop3A_946 : i32 to index
        %parallel_loop3A_950 = arith.constant 96 : index
        %parallel_loop3A_951 = tpu.vector_load %arg6[%parallel_loop3A_948, %parallel_loop3A_949, %parallel_loop3A_950] {strides = array<i32>} : memref<2x128x128xf32, #tpu.memory_space<vmem>>, vector<16xf32>,
        %parallel_loop3A_952 = arith.constant 4 : i32
        %parallel_loop3A_953 = arith.muli %parallel_loop3A_652, %parallel_loop3A_952 : i32
        %parallel_loop3A_954 = arith.constant 1 : i32
        %parallel_loop3A_955 = arith.addi %parallel_loop3A_953, %parallel_loop3A_954 : i32
        %parallel_loop3A_956 = arith.constant 1 : i32
        %parallel_loop3A_957 = arith.index_cast %parallel_loop3A_956 : i32 to index
        %parallel_loop3A_958 = arith.index_cast %parallel_loop3A_955 : i32 to index
        %parallel_loop3A_959 = arith.constant 96 : index
        %parallel_loop3A_960 = tpu.vector_load %arg6[%parallel_loop3A_957, %parallel_loop3A_958, %parallel_loop3A_959] {strides = array<i32>} : memref<2x128x128xf32, #tpu.memory_space<vmem>>, vector<16xf32>,
        %parallel_loop3A_961 = arith.constant 4 : i32
        %parallel_loop3A_962 = arith.muli %parallel_loop3A_652, %parallel_loop3A_961 : i32
        %parallel_loop3A_963 = arith.constant 2 : i32
        %parallel_loop3A_964 = arith.addi %parallel_loop3A_962, %parallel_loop3A_963 : i32
        %parallel_loop3A_965 = arith.constant 1 : i32
        %parallel_loop3A_966 = arith.index_cast %parallel_loop3A_965 : i32 to index
        %parallel_loop3A_967 = arith.index_cast %parallel_loop3A_964 : i32 to index
        %parallel_loop3A_968 = arith.constant 96 : index
        %parallel_loop3A_969 = tpu.vector_load %arg6[%parallel_loop3A_966, %parallel_loop3A_967, %parallel_loop3A_968] {strides = array<i32>} : memref<2x128x128xf32, #tpu.memory_space<vmem>>, vector<16xf32>,
        %parallel_loop3A_970 = arith.constant 4 : i32
        %parallel_loop3A_971 = arith.muli %parallel_loop3A_652, %parallel_loop3A_970 : i32
        %parallel_loop3A_972 = arith.constant 3 : i32
        %parallel_loop3A_973 = arith.addi %parallel_loop3A_971, %parallel_loop3A_972 : i32
        %parallel_loop3A_974 = arith.constant 1 : i32
        %parallel_loop3A_975 = arith.index_cast %parallel_loop3A_974 : i32 to index
        %parallel_loop3A_976 = arith.index_cast %parallel_loop3A_973 : i32 to index
        %parallel_loop3A_977 = arith.constant 96 : index
        %parallel_loop3A_978 = tpu.vector_load %arg6[%parallel_loop3A_975, %parallel_loop3A_976, %parallel_loop3A_977] {strides = array<i32>} : memref<2x128x128xf32, #tpu.memory_space<vmem>>, vector<16xf32>,
        %parallel_loop3A_979 = arith.addf %parallel_loop3A_951, %parallel_loop3A_960 : vector<16xf32>
        %parallel_loop3A_980 = arith.addf %parallel_loop3A_969, %parallel_loop3A_978 : vector<16xf32>
        %parallel_loop3A_981 = arith.addf %parallel_loop3A_979, %parallel_loop3A_980 : vector<16xf32>
        %parallel_loop3A_982 = arith.index_cast %parallel_loop3A_684 : i32 to index
        %parallel_loop3A_983 = arith.index_cast %parallel_loop3A_682 : i32 to index
        %parallel_loop3A_984 = arith.constant 96 : index
        %parallel_loop3A_985 = tpu.vector_load %arg7[%parallel_loop3A_982, %parallel_loop3A_983, %parallel_loop3A_984] {strides = array<i32>} : memref<4x56x128xf32, #tpu.memory_space<vmem>>, vector<16xf32>,
        tpu.vector_store %arg7[%parallel_loop3A_982, %parallel_loop3A_983, %parallel_loop3A_984], %parallel_loop3A_981 {strides = array<i32>} : memref<4x56x128xf32, #tpu.memory_space<vmem>>, vector<16xf32>,
        %parallel_loop3A_986 = arith.constant 4 : i32
        %parallel_loop3A_987 = arith.muli %parallel_loop3A_652, %parallel_loop3A_986 : i32
        %parallel_loop3A_988 = arith.constant 0 : i32
        %parallel_loop3A_989 = arith.addi %parallel_loop3A_987, %parallel_loop3A_988 : i32
        %parallel_loop3A_990 = arith.constant 1 : i32
        %parallel_loop3A_991 = arith.index_cast %parallel_loop3A_990 : i32 to index
        %parallel_loop3A_992 = arith.index_cast %parallel_loop3A_989 : i32 to index
        %parallel_loop3A_993 = arith.constant 112 : index
        %parallel_loop3A_994 = tpu.vector_load %arg6[%parallel_loop3A_991, %parallel_loop3A_992, %parallel_loop3A_993] {strides = array<i32>} : memref<2x128x128xf32, #tpu.memory_space<vmem>>, vector<16xf32>,
        %parallel_loop3A_995 = arith.constant 4 : i32
        %parallel_loop3A_996 = arith.muli %parallel_loop3A_652, %parallel_loop3A_995 : i32
        %parallel_loop3A_997 = arith.constant 1 : i32
        %parallel_loop3A_998 = arith.addi %parallel_loop3A_996, %parallel_loop3A_997 : i32
        %parallel_loop3A_999 = arith.constant 1 : i32
        %parallel_loop3A_1000 = arith.index_cast %parallel_loop3A_999 : i32 to index
        %parallel_loop3A_1001 = arith.index_cast %parallel_loop3A_998 : i32 to index
        %parallel_loop3A_1002 = arith.constant 112 : index
        %parallel_loop3A_1003 = tpu.vector_load %arg6[%parallel_loop3A_1000, %parallel_loop3A_1001, %parallel_loop3A_1002] {strides = array<i32>} : memref<2x128x128xf32, #tpu.memory_space<vmem>>, vector<16xf32>,
        %parallel_loop3A_1004 = arith.constant 4 : i32
        %parallel_loop3A_1005 = arith.muli %parallel_loop3A_652, %parallel_loop3A_1004 : i32
        %parallel_loop3A_1006 = arith.constant 2 : i32
        %parallel_loop3A_1007 = arith.addi %parallel_loop3A_1005, %parallel_loop3A_1006 : i32
        %parallel_loop3A_1008 = arith.constant 1 : i32
        %parallel_loop3A_1009 = arith.index_cast %parallel_loop3A_1008 : i32 to index
        %parallel_loop3A_1010 = arith.index_cast %parallel_loop3A_1007 : i32 to index
        %parallel_loop3A_1011 = arith.constant 112 : index
        %parallel_loop3A_1012 = tpu.vector_load %arg6[%parallel_loop3A_1009, %parallel_loop3A_1010, %parallel_loop3A_1011] {strides = array<i32>} : memref<2x128x128xf32, #tpu.memory_space<vmem>>, vector<16xf32>,
        %parallel_loop3A_1013 = arith.constant 4 : i32
        %parallel_loop3A_1014 = arith.muli %parallel_loop3A_652, %parallel_loop3A_1013 : i32
        %parallel_loop3A_1015 = arith.constant 3 : i32
        %parallel_loop3A_1016 = arith.addi %parallel_loop3A_1014, %parallel_loop3A_1015 : i32
        %parallel_loop3A_1017 = arith.constant 1 : i32
        %parallel_loop3A_1018 = arith.index_cast %parallel_loop3A_1017 : i32 to index
        %parallel_loop3A_1019 = arith.index_cast %parallel_loop3A_1016 : i32 to index
        %parallel_loop3A_1020 = arith.constant 112 : index
        %parallel_loop3A_1021 = tpu.vector_load %arg6[%parallel_loop3A_1018, %parallel_loop3A_1019, %parallel_loop3A_1020] {strides = array<i32>} : memref<2x128x128xf32, #tpu.memory_space<vmem>>, vector<16xf32>,
        %parallel_loop3A_1022 = arith.addf %parallel_loop3A_994, %parallel_loop3A_1003 : vector<16xf32>
        %parallel_loop3A_1023 = arith.addf %parallel_loop3A_1012, %parallel_loop3A_1021 : vector<16xf32>
        %parallel_loop3A_1024 = arith.addf %parallel_loop3A_1022, %parallel_loop3A_1023 : vector<16xf32>
        %parallel_loop3A_1025 = arith.index_cast %parallel_loop3A_684 : i32 to index
        %parallel_loop3A_1026 = arith.index_cast %parallel_loop3A_682 : i32 to index
        %parallel_loop3A_1027 = arith.constant 112 : index
        %parallel_loop3A_1028 = tpu.vector_load %arg7[%parallel_loop3A_1025, %parallel_loop3A_1026, %parallel_loop3A_1027] {strides = array<i32>} : memref<4x56x128xf32, #tpu.memory_space<vmem>>, vector<16xf32>,
        tpu.vector_store %arg7[%parallel_loop3A_1025, %parallel_loop3A_1026, %parallel_loop3A_1027], %parallel_loop3A_1024 {strides = array<i32>} : memref<4x56x128xf32, #tpu.memory_space<vmem>>, vector<16xf32>,
      } {sc.loop_unroll_factor = 2 : i64, sc.parallel_access}
      %mul3A_544 = arith.constant 32 : i32
      %mul3A_545 = arith.muli %add3A_427, %mul3A_544 : i32
      %add3A_546 = arith.constant 32 : i32
      %add3A_547 = arith.addi %mul3A_545, %add3A_546 : i32
      %jit3A_548 = arith.constant 50 : i32
      %div3A_549 = arith.divsi %add3A_547, %jit3A_548 : i32
      %sign3A_550 = arith.constant 0 : i32
      %sign3A_551 = arith.cmpi sgt, %add3A_547, %sign3A_550 : i32
      %sign3A_552 = arith.extui %sign3A_551 : i1 to i32
      %sign3A_553 = arith.constant 0 : i32
      %sign3A_554 = arith.cmpi slt, %add3A_547, %sign3A_553 : i32
      %sign3A_555 = arith.extui %sign3A_554 : i1 to i32
      %sign3A_556 = arith.subi %sign3A_552, %sign3A_555 : i32
      %sign3A_557 = arith.constant 0 : i32
      %sign3A_558 = arith.cmpi sgt, %jit3A_548, %sign3A_557 : i32
      %sign3A_559 = arith.extui %sign3A_558 : i1 to i32
      %sign3A_560 = arith.constant 0 : i32
      %sign3A_561 = arith.cmpi slt, %jit3A_548, %sign3A_560 : i32
      %sign3A_562 = arith.extui %sign3A_561 : i1 to i32
      %sign3A_563 = arith.subi %sign3A_559, %sign3A_562 : i32
      %ne3A_564 = arith.cmpi ne, %sign3A_556, %sign3A_563 : i32
      %rem3A_565 = arith.remsi %add3A_547, %jit3A_548 : i32
      %ne3A_566 = arith.constant 0 : i32
      %ne3A_567 = arith.cmpi ne, %rem3A_565, %ne3A_566 : i32
      %and3A_568 = arith.andi %ne3A_564, %ne3A_567 : i1
      %sub3A_569 = arith.constant 1 : i32
      %sub3A_570 = arith.subi %div3A_549, %sub3A_569 : i32
      %select_n3A_571 = arith.select %and3A_568, %sub3A_570, %div3A_549 : i32
      %mul3A_572 = arith.constant 32 : i32
      %mul3A_573 = arith.muli %add3A_427, %mul3A_572 : i32
      %jit3A_574 = arith.constant 50 : i32
      %div3A_575 = arith.divsi %mul3A_573, %jit3A_574 : i32
      %sign3A_576 = arith.constant 0 : i32
      %sign3A_577 = arith.cmpi sgt, %mul3A_573, %sign3A_576 : i32
      %sign3A_578 = arith.extui %sign3A_577 : i1 to i32
      %sign3A_579 = arith.constant 0 : i32
      %sign3A_580 = arith.cmpi slt, %mul3A_573, %sign3A_579 : i32
      %sign3A_581 = arith.extui %sign3A_580 : i1 to i32
      %sign3A_582 = arith.subi %sign3A_578, %sign3A_581 : i32
      %sign3A_583 = arith.constant 0 : i32
      %sign3A_584 = arith.cmpi sgt, %jit3A_574, %sign3A_583 : i32
      %sign3A_585 = arith.extui %sign3A_584 : i1 to i32
      %sign3A_586 = arith.constant 0 : i32
      %sign3A_587 = arith.cmpi slt, %jit3A_574, %sign3A_586 : i32
      %sign3A_588 = arith.extui %sign3A_587 : i1 to i32
      %sign3A_589 = arith.subi %sign3A_585, %sign3A_588 : i32
      %ne3A_590 = arith.cmpi ne, %sign3A_582, %sign3A_589 : i32
      %rem3A_591 = arith.remsi %mul3A_573, %jit3A_574 : i32
      %ne3A_592 = arith.constant 0 : i32
      %ne3A_593 = arith.cmpi ne, %rem3A_591, %ne3A_592 : i32
      %and3A_594 = arith.andi %ne3A_590, %ne3A_593 : i1
      %sub3A_595 = arith.constant 1 : i32
      %sub3A_596 = arith.subi %div3A_575, %sub3A_595 : i32
      %select_n3A_597 = arith.select %and3A_594, %sub3A_596, %div3A_575 : i32
      %gt3A_598 = arith.cmpi sgt, %select_n3A_571, %select_n3A_597 : i32
      %sub3A_599 = arith.constant 1 : i32
      %sub3A_600 = arith.subi %select_n3A_571, %sub3A_599 : i32
      %and3A_601 = arith.constant 3 : i32
      %and3A_602 = arith.andi %sub3A_600, %and3A_601 : i32
      %eq3A_603 = arith.constant 0 : i32
      %eq3A_604 = arith.cmpi eq, %and3A_602, %eq3A_603 : i32
      %and3A_605 = arith.andi %gt3A_598, %eq3A_604 : i1
      %convert_element_type3A_606 = arith.extui %and3A_605 : i1 to i32
      %cond3A_607 = arith.constant 0 : i32
      %cond3A_608 = arith.cmpi ne, %convert_element_type3A_606, %cond3A_607 : i32
      scf.if %cond3A_608 {
        %sub3A_652 = arith.constant 1 : i32
        %sub3A_653 = arith.subi %select_n3A_571, %sub3A_652 : i32
        %and3A_654 = arith.constant 3 : i32
        %and3A_655 = arith.andi %sub3A_653, %and3A_654 : i32
        %add3A_656 = arith.addi %mul3A_2, %sub3A_653 : i32
        %mul3A_657 = arith.constant 56 : i32
        %mul3A_658 = arith.muli %add3A_656, %mul3A_657 : i32
        %dma_start3A_659 = arith.constant 0 : i32
        %dma_start3A_660 = arith.constant 0 : i32
        %dma_start3A_661 = tpu.memref_slice %arg7[%and3A_655, %dma_start3A_659, %dma_start3A_660] : memref<4x56x128xf32, #tpu.memory_space<vmem>> -> memref<1x56x128xf32, #tpu.memory_space<vmem>>
        %dma_start3A_662 = tpu.memref_squeeze %dma_start3A_661 : memref<1x56x128xf32, #tpu.memory_space<vmem>> -> memref<56x128xf32, #tpu.memory_space<vmem>>
        %dma_start3A_663 = arith.constant 0 : i32
        %dma_start3A_664 = tpu.memref_slice %arg4[%mul3A_658, %dma_start3A_663] : memref<229376x128xf32, #tpu.memory_space<hbm>> -> memref<56x128xf32, #tpu.memory_space<hbm>>
        %dma_start3A_665 = arith.constant 0 : i32
        %dma_start3A_666 = tpu.memref_slice %arg4[%mul3A_658, %dma_start3A_665] : memref<229376x128xf32, #tpu.memory_space<hbm>> -> memref<56x128xf32, #tpu.memory_space<hbm>>
        %dma_start3A_667 = arith.constant 0 : i32
        %dma_start3A_668 = arith.constant 0 : i32
        %dma_start3A_669 = tpu.memref_slice %arg7[%and3A_655, %dma_start3A_667, %dma_start3A_668] : memref<4x56x128xf32, #tpu.memory_space<vmem>> -> memref<1x56x128xf32, #tpu.memory_space<vmem>>
        %dma_start3A_670 = tpu.memref_squeeze %dma_start3A_669 : memref<1x56x128xf32, #tpu.memory_space<vmem>> -> memref<56x128xf32, #tpu.memory_space<vmem>>
        tpu.enqueue_dma source(%dma_start3A_670 : memref<56x128xf32, #tpu.memory_space<vmem>>) target(%dma_start3A_666 : memref<56x128xf32, #tpu.memory_space<hbm>>) target_semaphore(%arg10 : memref<!tpu.dma_semaphore, #tpu.memory_space<semaphore_mem>>)
      } else {
      }
      %sub3A_609 = arith.constant 1 : i32
      %sub3A_610 = arith.subi %select_n3A_571, %sub3A_609 : i32
      %and3A_611 = arith.constant 3 : i32
      %and3A_612 = arith.andi %sub3A_610, %and3A_611 : i32
      %eq3A_613 = arith.constant 1 : i32
      %eq3A_614 = arith.cmpi eq, %and3A_612, %eq3A_613 : i32
      %and3A_615 = arith.andi %gt3A_598, %eq3A_614 : i1
      %convert_element_type3A_616 = arith.extui %and3A_615 : i1 to i32
      %cond3A_617 = arith.constant 0 : i32
      %cond3A_618 = arith.cmpi ne, %convert_element_type3A_616, %cond3A_617 : i32
      scf.if %cond3A_618 {
        %sub3A_652 = arith.constant 1 : i32
        %sub3A_653 = arith.subi %select_n3A_571, %sub3A_652 : i32
        %and3A_654 = arith.constant 3 : i32
        %and3A_655 = arith.andi %sub3A_653, %and3A_654 : i32
        %add3A_656 = arith.addi %mul3A_2, %sub3A_653 : i32
        %mul3A_657 = arith.constant 56 : i32
        %mul3A_658 = arith.muli %add3A_656, %mul3A_657 : i32
        %dma_start3A_659 = arith.constant 0 : i32
        %dma_start3A_660 = arith.constant 0 : i32
        %dma_start3A_661 = tpu.memref_slice %arg7[%and3A_655, %dma_start3A_659, %dma_start3A_660] : memref<4x56x128xf32, #tpu.memory_space<vmem>> -> memref<1x56x128xf32, #tpu.memory_space<vmem>>
        %dma_start3A_662 = tpu.memref_squeeze %dma_start3A_661 : memref<1x56x128xf32, #tpu.memory_space<vmem>> -> memref<56x128xf32, #tpu.memory_space<vmem>>
        %dma_start3A_663 = arith.constant 0 : i32
        %dma_start3A_664 = tpu.memref_slice %arg4[%mul3A_658, %dma_start3A_663] : memref<229376x128xf32, #tpu.memory_space<hbm>> -> memref<56x128xf32, #tpu.memory_space<hbm>>
        %dma_start3A_665 = arith.constant 0 : i32
        %dma_start3A_666 = tpu.memref_slice %arg4[%mul3A_658, %dma_start3A_665] : memref<229376x128xf32, #tpu.memory_space<hbm>> -> memref<56x128xf32, #tpu.memory_space<hbm>>
        %dma_start3A_667 = arith.constant 0 : i32
        %dma_start3A_668 = arith.constant 0 : i32
        %dma_start3A_669 = tpu.memref_slice %arg7[%and3A_655, %dma_start3A_667, %dma_start3A_668] : memref<4x56x128xf32, #tpu.memory_space<vmem>> -> memref<1x56x128xf32, #tpu.memory_space<vmem>>
        %dma_start3A_670 = tpu.memref_squeeze %dma_start3A_669 : memref<1x56x128xf32, #tpu.memory_space<vmem>> -> memref<56x128xf32, #tpu.memory_space<vmem>>
        tpu.enqueue_dma source(%dma_start3A_670 : memref<56x128xf32, #tpu.memory_space<vmem>>) target(%dma_start3A_666 : memref<56x128xf32, #tpu.memory_space<hbm>>) target_semaphore(%arg11 : memref<!tpu.dma_semaphore, #tpu.memory_space<semaphore_mem>>)
      } else {
      }
      %sub3A_619 = arith.constant 1 : i32
      %sub3A_620 = arith.subi %select_n3A_571, %sub3A_619 : i32
      %and3A_621 = arith.constant 3 : i32
      %and3A_622 = arith.andi %sub3A_620, %and3A_621 : i32
      %eq3A_623 = arith.constant 2 : i32
      %eq3A_624 = arith.cmpi eq, %and3A_622, %eq3A_623 : i32
      %and3A_625 = arith.andi %gt3A_598, %eq3A_624 : i1
      %convert_element_type3A_626 = arith.extui %and3A_625 : i1 to i32
      %cond3A_627 = arith.constant 0 : i32
      %cond3A_628 = arith.cmpi ne, %convert_element_type3A_626, %cond3A_627 : i32
      scf.if %cond3A_628 {
        %sub3A_652 = arith.constant 1 : i32
        %sub3A_653 = arith.subi %select_n3A_571, %sub3A_652 : i32
        %and3A_654 = arith.constant 3 : i32
        %and3A_655 = arith.andi %sub3A_653, %and3A_654 : i32
        %add3A_656 = arith.addi %mul3A_2, %sub3A_653 : i32
        %mul3A_657 = arith.constant 56 : i32
        %mul3A_658 = arith.muli %add3A_656, %mul3A_657 : i32
        %dma_start3A_659 = arith.constant 0 : i32
        %dma_start3A_660 = arith.constant 0 : i32
        %dma_start3A_661 = tpu.memref_slice %arg7[%and3A_655, %dma_start3A_659, %dma_start3A_660] : memref<4x56x128xf32, #tpu.memory_space<vmem>> -> memref<1x56x128xf32, #tpu.memory_space<vmem>>
        %dma_start3A_662 = tpu.memref_squeeze %dma_start3A_661 : memref<1x56x128xf32, #tpu.memory_space<vmem>> -> memref<56x128xf32, #tpu.memory_space<vmem>>
        %dma_start3A_663 = arith.constant 0 : i32
        %dma_start3A_664 = tpu.memref_slice %arg4[%mul3A_658, %dma_start3A_663] : memref<229376x128xf32, #tpu.memory_space<hbm>> -> memref<56x128xf32, #tpu.memory_space<hbm>>
        %dma_start3A_665 = arith.constant 0 : i32
        %dma_start3A_666 = tpu.memref_slice %arg4[%mul3A_658, %dma_start3A_665] : memref<229376x128xf32, #tpu.memory_space<hbm>> -> memref<56x128xf32, #tpu.memory_space<hbm>>
        %dma_start3A_667 = arith.constant 0 : i32
        %dma_start3A_668 = arith.constant 0 : i32
        %dma_start3A_669 = tpu.memref_slice %arg7[%and3A_655, %dma_start3A_667, %dma_start3A_668] : memref<4x56x128xf32, #tpu.memory_space<vmem>> -> memref<1x56x128xf32, #tpu.memory_space<vmem>>
        %dma_start3A_670 = tpu.memref_squeeze %dma_start3A_669 : memref<1x56x128xf32, #tpu.memory_space<vmem>> -> memref<56x128xf32, #tpu.memory_space<vmem>>
        tpu.enqueue_dma source(%dma_start3A_670 : memref<56x128xf32, #tpu.memory_space<vmem>>) target(%dma_start3A_666 : memref<56x128xf32, #tpu.memory_space<hbm>>) target_semaphore(%arg12 : memref<!tpu.dma_semaphore, #tpu.memory_space<semaphore_mem>>)
      } else {
      }
      %sub3A_629 = arith.constant 1 : i32
      %sub3A_630 = arith.subi %select_n3A_571, %sub3A_629 : i32
      %and3A_631 = arith.constant 3 : i32
      %and3A_632 = arith.andi %sub3A_630, %and3A_631 : i32
      %eq3A_633 = arith.constant 3 : i32
      %eq3A_634 = arith.cmpi eq, %and3A_632, %eq3A_633 : i32
      %and3A_635 = arith.andi %gt3A_598, %eq3A_634 : i1
      %convert_element_type3A_636 = arith.extui %and3A_635 : i1 to i32
      %cond3A_637 = arith.constant 0 : i32
      %cond3A_638 = arith.cmpi ne, %convert_element_type3A_636, %cond3A_637 : i32
      scf.if %cond3A_638 {
        %sub3A_652 = arith.constant 1 : i32
        %sub3A_653 = arith.subi %select_n3A_571, %sub3A_652 : i32
        %and3A_654 = arith.constant 3 : i32
        %and3A_655 = arith.andi %sub3A_653, %and3A_654 : i32
        %add3A_656 = arith.addi %mul3A_2, %sub3A_653 : i32
        %mul3A_657 = arith.constant 56 : i32
        %mul3A_658 = arith.muli %add3A_656, %mul3A_657 : i32
        %dma_start3A_659 = arith.constant 0 : i32
        %dma_start3A_660 = arith.constant 0 : i32
        %dma_start3A_661 = tpu.memref_slice %arg7[%and3A_655, %dma_start3A_659, %dma_start3A_660] : memref<4x56x128xf32, #tpu.memory_space<vmem>> -> memref<1x56x128xf32, #tpu.memory_space<vmem>>
        %dma_start3A_662 = tpu.memref_squeeze %dma_start3A_661 : memref<1x56x128xf32, #tpu.memory_space<vmem>> -> memref<56x128xf32, #tpu.memory_space<vmem>>
        %dma_start3A_663 = arith.constant 0 : i32
        %dma_start3A_664 = tpu.memref_slice %arg4[%mul3A_658, %dma_start3A_663] : memref<229376x128xf32, #tpu.memory_space<hbm>> -> memref<56x128xf32, #tpu.memory_space<hbm>>
        %dma_start3A_665 = arith.constant 0 : i32
        %dma_start3A_666 = tpu.memref_slice %arg4[%mul3A_658, %dma_start3A_665] : memref<229376x128xf32, #tpu.memory_space<hbm>> -> memref<56x128xf32, #tpu.memory_space<hbm>>
        %dma_start3A_667 = arith.constant 0 : i32
        %dma_start3A_668 = arith.constant 0 : i32
        %dma_start3A_669 = tpu.memref_slice %arg7[%and3A_655, %dma_start3A_667, %dma_start3A_668] : memref<4x56x128xf32, #tpu.memory_space<vmem>> -> memref<1x56x128xf32, #tpu.memory_space<vmem>>
        %dma_start3A_670 = tpu.memref_squeeze %dma_start3A_669 : memref<1x56x128xf32, #tpu.memory_space<vmem>> -> memref<56x128xf32, #tpu.memory_space<vmem>>
        tpu.enqueue_dma source(%dma_start3A_670 : memref<56x128xf32, #tpu.memory_space<vmem>>) target(%dma_start3A_666 : memref<56x128xf32, #tpu.memory_space<hbm>>) target_semaphore(%arg13 : memref<!tpu.dma_semaphore, #tpu.memory_space<semaphore_mem>>)
      } else {
      }
      %add3A_639 = arith.constant 2 : i32
      %add3A_640 = arith.addi %add3A_427, %add3A_639 : i32
      %dma_start3A_641 = arith.constant 1 : i32
      %dma_start3A_642 = arith.constant 0 : i32
      %dma_start3A_643 = arith.constant 0 : i32
      %dma_start3A_644 = tpu.memref_slice %arg6[%dma_start3A_641, %dma_start3A_642, %dma_start3A_643] : memref<2x128x128xf32, #tpu.memory_space<vmem>> -> memref<1x128x128xf32, #tpu.memory_space<vmem>>
      %dma_start3A_645 = tpu.memref_squeeze %dma_start3A_644 : memref<1x128x128xf32, #tpu.memory_space<vmem>> -> memref<128x128xf32, #tpu.memory_space<vmem>>
      %dma_start3A_646 = arith.constant 0 : i32
      %dma_start3A_647 = tpu.memref_slice %arg5[%add3A_640, %dma_start3A_646] : memref<400x128xi32, #tpu.memory_space<vmem>> -> memref<1x128xi32, #tpu.memory_space<vmem>>
      %dma_start3A_648 = tpu.memref_squeeze %dma_start3A_647 : memref<1x128xi32, #tpu.memory_space<vmem>> -> memref<128xi32, #tpu.memory_space<vmem>>
      %dma_start3A_649 = arith.constant 0 : i32
      %dma_start3A_650 = arith.constant 0 : i32
      %dma_start3A_651 = tpu.memref_slice %arg3[%dma_start3A_649, %dma_start3A_650] : memref<41600x128xf32, #tpu.memory_space<hbm>> -> memref<41600x128xf32, #tpu.memory_space<hbm>>
      tpu.enqueue_indirect_dma source(%dma_start3A_651 : memref<41600x128xf32, #tpu.memory_space<hbm>>) target(%dma_start3A_645 : memref<128x128xf32, #tpu.memory_space<vmem>>) offsets(%dma_start3A_648 : memref<128xi32, #tpu.memory_space<vmem>>) semaphore(%arg9 : memref<!tpu.dma_semaphore, #tpu.memory_space<semaphore_mem>>)
    }
    %scan3A_54 = arith.constant 99 : i32
    %add3A_55 = arith.constant 123 : i32
    %add3A_56 = arith.addi %mul3A_2, %add3A_55 : i32
    %mul3A_57 = arith.constant 56 : i32
    %mul3A_58 = arith.muli %add3A_56, %mul3A_57 : i32
    %dma_wait3A = arith.constant 3 : i32
    %dma_wait3A_59 = arith.constant 0 : i32
    %dma_wait3A_60 = arith.constant 0 : i32
    %dma_wait3A_61 = tpu.memref_slice %arg7[%dma_wait3A, %dma_wait3A_59, %dma_wait3A_60] : memref<4x56x128xf32, #tpu.memory_space<vmem>> -> memref<1x56x128xf32, #tpu.memory_space<vmem>>
    %dma_wait3A_62 = tpu.memref_squeeze %dma_wait3A_61 : memref<1x56x128xf32, #tpu.memory_space<vmem>> -> memref<56x128xf32, #tpu.memory_space<vmem>>
    %dma_wait3A_63 = arith.constant 0 : i32
    %dma_wait3A_64 = tpu.memref_slice %arg4[%mul3A_58, %dma_wait3A_63] : memref<229376x128xf32, #tpu.memory_space<hbm>> -> memref<56x128xf32, #tpu.memory_space<hbm>>
    %dma_wait3A_65 = arith.constant 0 : i32
    %dma_wait3A_66 = tpu.memref_slice %arg4[%mul3A_58, %dma_wait3A_65] : memref<229376x128xf32, #tpu.memory_space<hbm>> -> memref<56x128xf32, #tpu.memory_space<hbm>>
    %dma_wait3A_67 = arith.constant 0 : i32
    %dma_wait3A_68 = arith.constant 0 : i32
    %dma_wait3A_69 = tpu.memref_slice %arg7[%dma_wait3A, %dma_wait3A_67, %dma_wait3A_68] : memref<4x56x128xf32, #tpu.memory_space<vmem>> -> memref<1x56x128xf32, #tpu.memory_space<vmem>>
    %dma_wait3A_70 = tpu.memref_squeeze %dma_wait3A_69 : memref<1x56x128xf32, #tpu.memory_space<vmem>> -> memref<56x128xf32, #tpu.memory_space<vmem>>
    tpu.wait_dma2 semaphore(%arg13 : memref<!tpu.dma_semaphore, #tpu.memory_space<semaphore_mem>>) src(%dma_wait3A_70 : memref<56x128xf32, #tpu.memory_space<vmem>>) dst(%dma_wait3A_66 : memref<56x128xf32, #tpu.memory_space<hbm>>)
    %dma_wait3A_71 = arith.constant 198 : i32
    %dma_wait3A_72 = arith.constant 0 : i32
    %dma_wait3A_73 = arith.constant 0 : i32
    %dma_wait3A_74 = arith.constant 0 : i32
    %dma_wait3A_75 = tpu.memref_slice %arg6[%dma_wait3A_72, %dma_wait3A_73, %dma_wait3A_74] : memref<2x128x128xf32, #tpu.memory_space<vmem>> -> memref<1x128x128xf32, #tpu.memory_space<vmem>>
    %dma_wait3A_76 = tpu.memref_squeeze %dma_wait3A_75 : memref<1x128x128xf32, #tpu.memory_space<vmem>> -> memref<128x128xf32, #tpu.memory_space<vmem>>
    %dma_wait3A_77 = arith.constant 0 : i32
    %dma_wait3A_78 = tpu.memref_slice %arg5[%dma_wait3A_71, %dma_wait3A_77] : memref<400x128xi32, #tpu.memory_space<vmem>> -> memref<1x128xi32, #tpu.memory_space<vmem>>
    %dma_wait3A_79 = tpu.memref_squeeze %dma_wait3A_78 : memref<1x128xi32, #tpu.memory_space<vmem>> -> memref<128xi32, #tpu.memory_space<vmem>>
    %dma_wait3A_80 = arith.constant 0 : i32
    %dma_wait3A_81 = arith.constant 0 : i32
    %dma_wait3A_82 = tpu.memref_slice %arg3[%dma_wait3A_80, %dma_wait3A_81] : memref<41600x128xf32, #tpu.memory_space<hbm>> -> memref<41600x128xf32, #tpu.memory_space<hbm>>
    tpu.wait_indirect_dma semaphore(%arg8 : memref<!tpu.dma_semaphore, #tpu.memory_space<semaphore_mem>>) src(%dma_wait3A_82 : memref<41600x128xf32, #tpu.memory_space<hbm>>) dst(%dma_wait3A_76 : memref<128x128xf32, #tpu.memory_space<vmem>>)
    %parallel_loop3A = arith.constant 0 : i32
    %parallel_loop3A_83 = arith.constant 32 : i32
    %parallel_loop3A_84 = arith.constant 1 : i32
    scf.for %parallel_loop3A_202 = %parallel_loop3A to %parallel_loop3A_83 step %parallel_loop3A_84  : i32 {
      %parallel_loop3A_203 = arith.constant 6336 : i32
      %parallel_loop3A_204 = arith.addi %parallel_loop3A_203, %parallel_loop3A_202 : i32
      %parallel_loop3A_205 = arith.constant 50 : i32
      %parallel_loop3A_206 = arith.divsi %parallel_loop3A_204, %parallel_loop3A_205 : i32
      %parallel_loop3A_207 = arith.constant 0 : i32
      %parallel_loop3A_208 = arith.cmpi sgt, %parallel_loop3A_204, %parallel_loop3A_207 : i32
      %parallel_loop3A_209 = arith.extui %parallel_loop3A_208 : i1 to i32
      %parallel_loop3A_210 = arith.constant 0 : i32
      %parallel_loop3A_211 = arith.cmpi slt, %parallel_loop3A_204, %parallel_loop3A_210 : i32
      %parallel_loop3A_212 = arith.extui %parallel_loop3A_211 : i1 to i32
      %parallel_loop3A_213 = arith.subi %parallel_loop3A_209, %parallel_loop3A_212 : i32
      %parallel_loop3A_214 = arith.constant 0 : i32
      %parallel_loop3A_215 = arith.cmpi sgt, %parallel_loop3A_205, %parallel_loop3A_214 : i32
      %parallel_loop3A_216 = arith.extui %parallel_loop3A_215 : i1 to i32
      %parallel_loop3A_217 = arith.constant 0 : i32
      %parallel_loop3A_218 = arith.cmpi slt, %parallel_loop3A_205, %parallel_loop3A_217 : i32
      %parallel_loop3A_219 = arith.extui %parallel_loop3A_218 : i1 to i32
      %parallel_loop3A_220 = arith.subi %parallel_loop3A_216, %parallel_loop3A_219 : i32
      %parallel_loop3A_221 = arith.cmpi ne, %parallel_loop3A_213, %parallel_loop3A_220 : i32
      %parallel_loop3A_222 = arith.remsi %parallel_loop3A_204, %parallel_loop3A_205 : i32
      %parallel_loop3A_223 = arith.constant 0 : i32
      %parallel_loop3A_224 = arith.cmpi ne, %parallel_loop3A_222, %parallel_loop3A_223 : i32
      %parallel_loop3A_225 = arith.andi %parallel_loop3A_221, %parallel_loop3A_224 : i1
      %parallel_loop3A_226 = arith.constant 1 : i32
      %parallel_loop3A_227 = arith.subi %parallel_loop3A_206, %parallel_loop3A_226 : i32
      %parallel_loop3A_228 = arith.select %parallel_loop3A_225, %parallel_loop3A_227, %parallel_loop3A_206 : i32
      %parallel_loop3A_229 = arith.constant 50 : i32
      %parallel_loop3A_230 = arith.muli %parallel_loop3A_228, %parallel_loop3A_229 : i32
      %parallel_loop3A_231 = arith.subi %parallel_loop3A_204, %parallel_loop3A_230 : i32
      %parallel_loop3A_232 = arith.constant 3 : i32
      %parallel_loop3A_233 = arith.andi %parallel_loop3A_228, %parallel_loop3A_232 : i32
      %parallel_loop3A_234 = arith.constant 4 : i32
      %parallel_loop3A_235 = arith.muli %parallel_loop3A_202, %parallel_loop3A_234 : i32
      %parallel_loop3A_236 = arith.constant 0 : i32
      %parallel_loop3A_237 = arith.addi %parallel_loop3A_235, %parallel_loop3A_236 : i32
      %parallel_loop3A_238 = arith.constant 0 : i32
      %parallel_loop3A_239 = arith.index_cast %parallel_loop3A_238 : i32 to index
      %parallel_loop3A_240 = arith.index_cast %parallel_loop3A_237 : i32 to index
      %parallel_loop3A_241 = arith.constant 0 : index
      %parallel_loop3A_242 = tpu.vector_load %arg6[%parallel_loop3A_239, %parallel_loop3A_240, %parallel_loop3A_241] {strides = array<i32>} : memref<2x128x128xf32, #tpu.memory_space<vmem>>, vector<16xf32>,
      %parallel_loop3A_243 = arith.constant 4 : i32
      %parallel_loop3A_244 = arith.muli %parallel_loop3A_202, %parallel_loop3A_243 : i32
      %parallel_loop3A_245 = arith.constant 1 : i32
      %parallel_loop3A_246 = arith.addi %parallel_loop3A_244, %parallel_loop3A_245 : i32
      %parallel_loop3A_247 = arith.constant 0 : i32
      %parallel_loop3A_248 = arith.index_cast %parallel_loop3A_247 : i32 to index
      %parallel_loop3A_249 = arith.index_cast %parallel_loop3A_246 : i32 to index
      %parallel_loop3A_250 = arith.constant 0 : index
      %parallel_loop3A_251 = tpu.vector_load %arg6[%parallel_loop3A_248, %parallel_loop3A_249, %parallel_loop3A_250] {strides = array<i32>} : memref<2x128x128xf32, #tpu.memory_space<vmem>>, vector<16xf32>,
      %parallel_loop3A_252 = arith.constant 4 : i32
      %parallel_loop3A_253 = arith.muli %parallel_loop3A_202, %parallel_loop3A_252 : i32
      %parallel_loop3A_254 = arith.constant 2 : i32
      %parallel_loop3A_255 = arith.addi %parallel_loop3A_253, %parallel_loop3A_254 : i32
      %parallel_loop3A_256 = arith.constant 0 : i32
      %parallel_loop3A_257 = arith.index_cast %parallel_loop3A_256 : i32 to index
      %parallel_loop3A_258 = arith.index_cast %parallel_loop3A_255 : i32 to index
      %parallel_loop3A_259 = arith.constant 0 : index
      %parallel_loop3A_260 = tpu.vector_load %arg6[%parallel_loop3A_257, %parallel_loop3A_258, %parallel_loop3A_259] {strides = array<i32>} : memref<2x128x128xf32, #tpu.memory_space<vmem>>, vector<16xf32>,
      %parallel_loop3A_261 = arith.constant 4 : i32
      %parallel_loop3A_262 = arith.muli %parallel_loop3A_202, %parallel_loop3A_261 : i32
      %parallel_loop3A_263 = arith.constant 3 : i32
      %parallel_loop3A_264 = arith.addi %parallel_loop3A_262, %parallel_loop3A_263 : i32
      %parallel_loop3A_265 = arith.constant 0 : i32
      %parallel_loop3A_266 = arith.index_cast %parallel_loop3A_265 : i32 to index
      %parallel_loop3A_267 = arith.index_cast %parallel_loop3A_264 : i32 to index
      %parallel_loop3A_268 = arith.constant 0 : index
      %parallel_loop3A_269 = tpu.vector_load %arg6[%parallel_loop3A_266, %parallel_loop3A_267, %parallel_loop3A_268] {strides = array<i32>} : memref<2x128x128xf32, #tpu.memory_space<vmem>>, vector<16xf32>,
      %parallel_loop3A_270 = arith.addf %parallel_loop3A_242, %parallel_loop3A_251 : vector<16xf32>
      %parallel_loop3A_271 = arith.addf %parallel_loop3A_260, %parallel_loop3A_269 : vector<16xf32>
      %parallel_loop3A_272 = arith.addf %parallel_loop3A_270, %parallel_loop3A_271 : vector<16xf32>
      %parallel_loop3A_273 = arith.index_cast %parallel_loop3A_233 : i32 to index
      %parallel_loop3A_274 = arith.index_cast %parallel_loop3A_231 : i32 to index
      %parallel_loop3A_275 = arith.constant 0 : index
      %parallel_loop3A_276 = tpu.vector_load %arg7[%parallel_loop3A_273, %parallel_loop3A_274, %parallel_loop3A_275] {strides = array<i32>} : memref<4x56x128xf32, #tpu.memory_space<vmem>>, vector<16xf32>,
      tpu.vector_store %arg7[%parallel_loop3A_273, %parallel_loop3A_274, %parallel_loop3A_275], %parallel_loop3A_272 {strides = array<i32>} : memref<4x56x128xf32, #tpu.memory_space<vmem>>, vector<16xf32>,
      %parallel_loop3A_277 = arith.constant 4 : i32
      %parallel_loop3A_278 = arith.muli %parallel_loop3A_202, %parallel_loop3A_277 : i32
      %parallel_loop3A_279 = arith.constant 0 : i32
      %parallel_loop3A_280 = arith.addi %parallel_loop3A_278, %parallel_loop3A_279 : i32
      %parallel_loop3A_281 = arith.constant 0 : i32
      %parallel_loop3A_282 = arith.index_cast %parallel_loop3A_281 : i32 to index
      %parallel_loop3A_283 = arith.index_cast %parallel_loop3A_280 : i32 to index
      %parallel_loop3A_284 = arith.constant 16 : index
      %parallel_loop3A_285 = tpu.vector_load %arg6[%parallel_loop3A_282, %parallel_loop3A_283, %parallel_loop3A_284] {strides = array<i32>} : memref<2x128x128xf32, #tpu.memory_space<vmem>>, vector<16xf32>,
      %parallel_loop3A_286 = arith.constant 4 : i32
      %parallel_loop3A_287 = arith.muli %parallel_loop3A_202, %parallel_loop3A_286 : i32
      %parallel_loop3A_288 = arith.constant 1 : i32
      %parallel_loop3A_289 = arith.addi %parallel_loop3A_287, %parallel_loop3A_288 : i32
      %parallel_loop3A_290 = arith.constant 0 : i32
      %parallel_loop3A_291 = arith.index_cast %parallel_loop3A_290 : i32 to index
      %parallel_loop3A_292 = arith.index_cast %parallel_loop3A_289 : i32 to index
      %parallel_loop3A_293 = arith.constant 16 : index
      %parallel_loop3A_294 = tpu.vector_load %arg6[%parallel_loop3A_291, %parallel_loop3A_292, %parallel_loop3A_293] {strides = array<i32>} : memref<2x128x128xf32, #tpu.memory_space<vmem>>, vector<16xf32>,
      %parallel_loop3A_295 = arith.constant 4 : i32
      %parallel_loop3A_296 = arith.muli %parallel_loop3A_202, %parallel_loop3A_295 : i32
      %parallel_loop3A_297 = arith.constant 2 : i32
      %parallel_loop3A_298 = arith.addi %parallel_loop3A_296, %parallel_loop3A_297 : i32
      %parallel_loop3A_299 = arith.constant 0 : i32
      %parallel_loop3A_300 = arith.index_cast %parallel_loop3A_299 : i32 to index
      %parallel_loop3A_301 = arith.index_cast %parallel_loop3A_298 : i32 to index
      %parallel_loop3A_302 = arith.constant 16 : index
      %parallel_loop3A_303 = tpu.vector_load %arg6[%parallel_loop3A_300, %parallel_loop3A_301, %parallel_loop3A_302] {strides = array<i32>} : memref<2x128x128xf32, #tpu.memory_space<vmem>>, vector<16xf32>,
      %parallel_loop3A_304 = arith.constant 4 : i32
      %parallel_loop3A_305 = arith.muli %parallel_loop3A_202, %parallel_loop3A_304 : i32
      %parallel_loop3A_306 = arith.constant 3 : i32
      %parallel_loop3A_307 = arith.addi %parallel_loop3A_305, %parallel_loop3A_306 : i32
      %parallel_loop3A_308 = arith.constant 0 : i32
      %parallel_loop3A_309 = arith.index_cast %parallel_loop3A_308 : i32 to index
      %parallel_loop3A_310 = arith.index_cast %parallel_loop3A_307 : i32 to index
      %parallel_loop3A_311 = arith.constant 16 : index
      %parallel_loop3A_312 = tpu.vector_load %arg6[%parallel_loop3A_309, %parallel_loop3A_310, %parallel_loop3A_311] {strides = array<i32>} : memref<2x128x128xf32, #tpu.memory_space<vmem>>, vector<16xf32>,
      %parallel_loop3A_313 = arith.addf %parallel_loop3A_285, %parallel_loop3A_294 : vector<16xf32>
      %parallel_loop3A_314 = arith.addf %parallel_loop3A_303, %parallel_loop3A_312 : vector<16xf32>
      %parallel_loop3A_315 = arith.addf %parallel_loop3A_313, %parallel_loop3A_314 : vector<16xf32>
      %parallel_loop3A_316 = arith.index_cast %parallel_loop3A_233 : i32 to index
      %parallel_loop3A_317 = arith.index_cast %parallel_loop3A_231 : i32 to index
      %parallel_loop3A_318 = arith.constant 16 : index
      %parallel_loop3A_319 = tpu.vector_load %arg7[%parallel_loop3A_316, %parallel_loop3A_317, %parallel_loop3A_318] {strides = array<i32>} : memref<4x56x128xf32, #tpu.memory_space<vmem>>, vector<16xf32>,
      tpu.vector_store %arg7[%parallel_loop3A_316, %parallel_loop3A_317, %parallel_loop3A_318], %parallel_loop3A_315 {strides = array<i32>} : memref<4x56x128xf32, #tpu.memory_space<vmem>>, vector<16xf32>,
      %parallel_loop3A_320 = arith.constant 4 : i32
      %parallel_loop3A_321 = arith.muli %parallel_loop3A_202, %parallel_loop3A_320 : i32
      %parallel_loop3A_322 = arith.constant 0 : i32
      %parallel_loop3A_323 = arith.addi %parallel_loop3A_321, %parallel_loop3A_322 : i32
      %parallel_loop3A_324 = arith.constant 0 : i32
      %parallel_loop3A_325 = arith.index_cast %parallel_loop3A_324 : i32 to index
      %parallel_loop3A_326 = arith.index_cast %parallel_loop3A_323 : i32 to index
      %parallel_loop3A_327 = arith.constant 32 : index
      %parallel_loop3A_328 = tpu.vector_load %arg6[%parallel_loop3A_325, %parallel_loop3A_326, %parallel_loop3A_327] {strides = array<i32>} : memref<2x128x128xf32, #tpu.memory_space<vmem>>, vector<16xf32>,
      %parallel_loop3A_329 = arith.constant 4 : i32
      %parallel_loop3A_330 = arith.muli %parallel_loop3A_202, %parallel_loop3A_329 : i32
      %parallel_loop3A_331 = arith.constant 1 : i32
      %parallel_loop3A_332 = arith.addi %parallel_loop3A_330, %parallel_loop3A_331 : i32
      %parallel_loop3A_333 = arith.constant 0 : i32
      %parallel_loop3A_334 = arith.index_cast %parallel_loop3A_333 : i32 to index
      %parallel_loop3A_335 = arith.index_cast %parallel_loop3A_332 : i32 to index
      %parallel_loop3A_336 = arith.constant 32 : index
      %parallel_loop3A_337 = tpu.vector_load %arg6[%parallel_loop3A_334, %parallel_loop3A_335, %parallel_loop3A_336] {strides = array<i32>} : memref<2x128x128xf32, #tpu.memory_space<vmem>>, vector<16xf32>,
      %parallel_loop3A_338 = arith.constant 4 : i32
      %parallel_loop3A_339 = arith.muli %parallel_loop3A_202, %parallel_loop3A_338 : i32
      %parallel_loop3A_340 = arith.constant 2 : i32
      %parallel_loop3A_341 = arith.addi %parallel_loop3A_339, %parallel_loop3A_340 : i32
      %parallel_loop3A_342 = arith.constant 0 : i32
      %parallel_loop3A_343 = arith.index_cast %parallel_loop3A_342 : i32 to index
      %parallel_loop3A_344 = arith.index_cast %parallel_loop3A_341 : i32 to index
      %parallel_loop3A_345 = arith.constant 32 : index
      %parallel_loop3A_346 = tpu.vector_load %arg6[%parallel_loop3A_343, %parallel_loop3A_344, %parallel_loop3A_345] {strides = array<i32>} : memref<2x128x128xf32, #tpu.memory_space<vmem>>, vector<16xf32>,
      %parallel_loop3A_347 = arith.constant 4 : i32
      %parallel_loop3A_348 = arith.muli %parallel_loop3A_202, %parallel_loop3A_347 : i32
      %parallel_loop3A_349 = arith.constant 3 : i32
      %parallel_loop3A_350 = arith.addi %parallel_loop3A_348, %parallel_loop3A_349 : i32
      %parallel_loop3A_351 = arith.constant 0 : i32
      %parallel_loop3A_352 = arith.index_cast %parallel_loop3A_351 : i32 to index
      %parallel_loop3A_353 = arith.index_cast %parallel_loop3A_350 : i32 to index
      %parallel_loop3A_354 = arith.constant 32 : index
      %parallel_loop3A_355 = tpu.vector_load %arg6[%parallel_loop3A_352, %parallel_loop3A_353, %parallel_loop3A_354] {strides = array<i32>} : memref<2x128x128xf32, #tpu.memory_space<vmem>>, vector<16xf32>,
      %parallel_loop3A_356 = arith.addf %parallel_loop3A_328, %parallel_loop3A_337 : vector<16xf32>
      %parallel_loop3A_357 = arith.addf %parallel_loop3A_346, %parallel_loop3A_355 : vector<16xf32>
      %parallel_loop3A_358 = arith.addf %parallel_loop3A_356, %parallel_loop3A_357 : vector<16xf32>
      %parallel_loop3A_359 = arith.index_cast %parallel_loop3A_233 : i32 to index
      %parallel_loop3A_360 = arith.index_cast %parallel_loop3A_231 : i32 to index
      %parallel_loop3A_361 = arith.constant 32 : index
      %parallel_loop3A_362 = tpu.vector_load %arg7[%parallel_loop3A_359, %parallel_loop3A_360, %parallel_loop3A_361] {strides = array<i32>} : memref<4x56x128xf32, #tpu.memory_space<vmem>>, vector<16xf32>,
      tpu.vector_store %arg7[%parallel_loop3A_359, %parallel_loop3A_360, %parallel_loop3A_361], %parallel_loop3A_358 {strides = array<i32>} : memref<4x56x128xf32, #tpu.memory_space<vmem>>, vector<16xf32>,
      %parallel_loop3A_363 = arith.constant 4 : i32
      %parallel_loop3A_364 = arith.muli %parallel_loop3A_202, %parallel_loop3A_363 : i32
      %parallel_loop3A_365 = arith.constant 0 : i32
      %parallel_loop3A_366 = arith.addi %parallel_loop3A_364, %parallel_loop3A_365 : i32
      %parallel_loop3A_367 = arith.constant 0 : i32
      %parallel_loop3A_368 = arith.index_cast %parallel_loop3A_367 : i32 to index
      %parallel_loop3A_369 = arith.index_cast %parallel_loop3A_366 : i32 to index
      %parallel_loop3A_370 = arith.constant 48 : index
      %parallel_loop3A_371 = tpu.vector_load %arg6[%parallel_loop3A_368, %parallel_loop3A_369, %parallel_loop3A_370] {strides = array<i32>} : memref<2x128x128xf32, #tpu.memory_space<vmem>>, vector<16xf32>,
      %parallel_loop3A_372 = arith.constant 4 : i32
      %parallel_loop3A_373 = arith.muli %parallel_loop3A_202, %parallel_loop3A_372 : i32
      %parallel_loop3A_374 = arith.constant 1 : i32
      %parallel_loop3A_375 = arith.addi %parallel_loop3A_373, %parallel_loop3A_374 : i32
      %parallel_loop3A_376 = arith.constant 0 : i32
      %parallel_loop3A_377 = arith.index_cast %parallel_loop3A_376 : i32 to index
      %parallel_loop3A_378 = arith.index_cast %parallel_loop3A_375 : i32 to index
      %parallel_loop3A_379 = arith.constant 48 : index
      %parallel_loop3A_380 = tpu.vector_load %arg6[%parallel_loop3A_377, %parallel_loop3A_378, %parallel_loop3A_379] {strides = array<i32>} : memref<2x128x128xf32, #tpu.memory_space<vmem>>, vector<16xf32>,
      %parallel_loop3A_381 = arith.constant 4 : i32
      %parallel_loop3A_382 = arith.muli %parallel_loop3A_202, %parallel_loop3A_381 : i32
      %parallel_loop3A_383 = arith.constant 2 : i32
      %parallel_loop3A_384 = arith.addi %parallel_loop3A_382, %parallel_loop3A_383 : i32
      %parallel_loop3A_385 = arith.constant 0 : i32
      %parallel_loop3A_386 = arith.index_cast %parallel_loop3A_385 : i32 to index
      %parallel_loop3A_387 = arith.index_cast %parallel_loop3A_384 : i32 to index
      %parallel_loop3A_388 = arith.constant 48 : index
      %parallel_loop3A_389 = tpu.vector_load %arg6[%parallel_loop3A_386, %parallel_loop3A_387, %parallel_loop3A_388] {strides = array<i32>} : memref<2x128x128xf32, #tpu.memory_space<vmem>>, vector<16xf32>,
      %parallel_loop3A_390 = arith.constant 4 : i32
      %parallel_loop3A_391 = arith.muli %parallel_loop3A_202, %parallel_loop3A_390 : i32
      %parallel_loop3A_392 = arith.constant 3 : i32
      %parallel_loop3A_393 = arith.addi %parallel_loop3A_391, %parallel_loop3A_392 : i32
      %parallel_loop3A_394 = arith.constant 0 : i32
      %parallel_loop3A_395 = arith.index_cast %parallel_loop3A_394 : i32 to index
      %parallel_loop3A_396 = arith.index_cast %parallel_loop3A_393 : i32 to index
      %parallel_loop3A_397 = arith.constant 48 : index
      %parallel_loop3A_398 = tpu.vector_load %arg6[%parallel_loop3A_395, %parallel_loop3A_396, %parallel_loop3A_397] {strides = array<i32>} : memref<2x128x128xf32, #tpu.memory_space<vmem>>, vector<16xf32>,
      %parallel_loop3A_399 = arith.addf %parallel_loop3A_371, %parallel_loop3A_380 : vector<16xf32>
      %parallel_loop3A_400 = arith.addf %parallel_loop3A_389, %parallel_loop3A_398 : vector<16xf32>
      %parallel_loop3A_401 = arith.addf %parallel_loop3A_399, %parallel_loop3A_400 : vector<16xf32>
      %parallel_loop3A_402 = arith.index_cast %parallel_loop3A_233 : i32 to index
      %parallel_loop3A_403 = arith.index_cast %parallel_loop3A_231 : i32 to index
      %parallel_loop3A_404 = arith.constant 48 : index
      %parallel_loop3A_405 = tpu.vector_load %arg7[%parallel_loop3A_402, %parallel_loop3A_403, %parallel_loop3A_404] {strides = array<i32>} : memref<4x56x128xf32, #tpu.memory_space<vmem>>, vector<16xf32>,
      tpu.vector_store %arg7[%parallel_loop3A_402, %parallel_loop3A_403, %parallel_loop3A_404], %parallel_loop3A_401 {strides = array<i32>} : memref<4x56x128xf32, #tpu.memory_space<vmem>>, vector<16xf32>,
      %parallel_loop3A_406 = arith.constant 4 : i32
      %parallel_loop3A_407 = arith.muli %parallel_loop3A_202, %parallel_loop3A_406 : i32
      %parallel_loop3A_408 = arith.constant 0 : i32
      %parallel_loop3A_409 = arith.addi %parallel_loop3A_407, %parallel_loop3A_408 : i32
      %parallel_loop3A_410 = arith.constant 0 : i32
      %parallel_loop3A_411 = arith.index_cast %parallel_loop3A_410 : i32 to index
      %parallel_loop3A_412 = arith.index_cast %parallel_loop3A_409 : i32 to index
      %parallel_loop3A_413 = arith.constant 64 : index
      %parallel_loop3A_414 = tpu.vector_load %arg6[%parallel_loop3A_411, %parallel_loop3A_412, %parallel_loop3A_413] {strides = array<i32>} : memref<2x128x128xf32, #tpu.memory_space<vmem>>, vector<16xf32>,
      %parallel_loop3A_415 = arith.constant 4 : i32
      %parallel_loop3A_416 = arith.muli %parallel_loop3A_202, %parallel_loop3A_415 : i32
      %parallel_loop3A_417 = arith.constant 1 : i32
      %parallel_loop3A_418 = arith.addi %parallel_loop3A_416, %parallel_loop3A_417 : i32
      %parallel_loop3A_419 = arith.constant 0 : i32
      %parallel_loop3A_420 = arith.index_cast %parallel_loop3A_419 : i32 to index
      %parallel_loop3A_421 = arith.index_cast %parallel_loop3A_418 : i32 to index
      %parallel_loop3A_422 = arith.constant 64 : index
      %parallel_loop3A_423 = tpu.vector_load %arg6[%parallel_loop3A_420, %parallel_loop3A_421, %parallel_loop3A_422] {strides = array<i32>} : memref<2x128x128xf32, #tpu.memory_space<vmem>>, vector<16xf32>,
      %parallel_loop3A_424 = arith.constant 4 : i32
      %parallel_loop3A_425 = arith.muli %parallel_loop3A_202, %parallel_loop3A_424 : i32
      %parallel_loop3A_426 = arith.constant 2 : i32
      %parallel_loop3A_427 = arith.addi %parallel_loop3A_425, %parallel_loop3A_426 : i32
      %parallel_loop3A_428 = arith.constant 0 : i32
      %parallel_loop3A_429 = arith.index_cast %parallel_loop3A_428 : i32 to index
      %parallel_loop3A_430 = arith.index_cast %parallel_loop3A_427 : i32 to index
      %parallel_loop3A_431 = arith.constant 64 : index
      %parallel_loop3A_432 = tpu.vector_load %arg6[%parallel_loop3A_429, %parallel_loop3A_430, %parallel_loop3A_431] {strides = array<i32>} : memref<2x128x128xf32, #tpu.memory_space<vmem>>, vector<16xf32>,
      %parallel_loop3A_433 = arith.constant 4 : i32
      %parallel_loop3A_434 = arith.muli %parallel_loop3A_202, %parallel_loop3A_433 : i32
      %parallel_loop3A_435 = arith.constant 3 : i32
      %parallel_loop3A_436 = arith.addi %parallel_loop3A_434, %parallel_loop3A_435 : i32
      %parallel_loop3A_437 = arith.constant 0 : i32
      %parallel_loop3A_438 = arith.index_cast %parallel_loop3A_437 : i32 to index
      %parallel_loop3A_439 = arith.index_cast %parallel_loop3A_436 : i32 to index
      %parallel_loop3A_440 = arith.constant 64 : index
      %parallel_loop3A_441 = tpu.vector_load %arg6[%parallel_loop3A_438, %parallel_loop3A_439, %parallel_loop3A_440] {strides = array<i32>} : memref<2x128x128xf32, #tpu.memory_space<vmem>>, vector<16xf32>,
      %parallel_loop3A_442 = arith.addf %parallel_loop3A_414, %parallel_loop3A_423 : vector<16xf32>
      %parallel_loop3A_443 = arith.addf %parallel_loop3A_432, %parallel_loop3A_441 : vector<16xf32>
      %parallel_loop3A_444 = arith.addf %parallel_loop3A_442, %parallel_loop3A_443 : vector<16xf32>
      %parallel_loop3A_445 = arith.index_cast %parallel_loop3A_233 : i32 to index
      %parallel_loop3A_446 = arith.index_cast %parallel_loop3A_231 : i32 to index
      %parallel_loop3A_447 = arith.constant 64 : index
      %parallel_loop3A_448 = tpu.vector_load %arg7[%parallel_loop3A_445, %parallel_loop3A_446, %parallel_loop3A_447] {strides = array<i32>} : memref<4x56x128xf32, #tpu.memory_space<vmem>>, vector<16xf32>,
      tpu.vector_store %arg7[%parallel_loop3A_445, %parallel_loop3A_446, %parallel_loop3A_447], %parallel_loop3A_444 {strides = array<i32>} : memref<4x56x128xf32, #tpu.memory_space<vmem>>, vector<16xf32>,
      %parallel_loop3A_449 = arith.constant 4 : i32
      %parallel_loop3A_450 = arith.muli %parallel_loop3A_202, %parallel_loop3A_449 : i32
      %parallel_loop3A_451 = arith.constant 0 : i32
      %parallel_loop3A_452 = arith.addi %parallel_loop3A_450, %parallel_loop3A_451 : i32
      %parallel_loop3A_453 = arith.constant 0 : i32
      %parallel_loop3A_454 = arith.index_cast %parallel_loop3A_453 : i32 to index
      %parallel_loop3A_455 = arith.index_cast %parallel_loop3A_452 : i32 to index
      %parallel_loop3A_456 = arith.constant 80 : index
      %parallel_loop3A_457 = tpu.vector_load %arg6[%parallel_loop3A_454, %parallel_loop3A_455, %parallel_loop3A_456] {strides = array<i32>} : memref<2x128x128xf32, #tpu.memory_space<vmem>>, vector<16xf32>,
      %parallel_loop3A_458 = arith.constant 4 : i32
      %parallel_loop3A_459 = arith.muli %parallel_loop3A_202, %parallel_loop3A_458 : i32
      %parallel_loop3A_460 = arith.constant 1 : i32
      %parallel_loop3A_461 = arith.addi %parallel_loop3A_459, %parallel_loop3A_460 : i32
      %parallel_loop3A_462 = arith.constant 0 : i32
      %parallel_loop3A_463 = arith.index_cast %parallel_loop3A_462 : i32 to index
      %parallel_loop3A_464 = arith.index_cast %parallel_loop3A_461 : i32 to index
      %parallel_loop3A_465 = arith.constant 80 : index
      %parallel_loop3A_466 = tpu.vector_load %arg6[%parallel_loop3A_463, %parallel_loop3A_464, %parallel_loop3A_465] {strides = array<i32>} : memref<2x128x128xf32, #tpu.memory_space<vmem>>, vector<16xf32>,
      %parallel_loop3A_467 = arith.constant 4 : i32
      %parallel_loop3A_468 = arith.muli %parallel_loop3A_202, %parallel_loop3A_467 : i32
      %parallel_loop3A_469 = arith.constant 2 : i32
      %parallel_loop3A_470 = arith.addi %parallel_loop3A_468, %parallel_loop3A_469 : i32
      %parallel_loop3A_471 = arith.constant 0 : i32
      %parallel_loop3A_472 = arith.index_cast %parallel_loop3A_471 : i32 to index
      %parallel_loop3A_473 = arith.index_cast %parallel_loop3A_470 : i32 to index
      %parallel_loop3A_474 = arith.constant 80 : index
      %parallel_loop3A_475 = tpu.vector_load %arg6[%parallel_loop3A_472, %parallel_loop3A_473, %parallel_loop3A_474] {strides = array<i32>} : memref<2x128x128xf32, #tpu.memory_space<vmem>>, vector<16xf32>,
      %parallel_loop3A_476 = arith.constant 4 : i32
      %parallel_loop3A_477 = arith.muli %parallel_loop3A_202, %parallel_loop3A_476 : i32
      %parallel_loop3A_478 = arith.constant 3 : i32
      %parallel_loop3A_479 = arith.addi %parallel_loop3A_477, %parallel_loop3A_478 : i32
      %parallel_loop3A_480 = arith.constant 0 : i32
      %parallel_loop3A_481 = arith.index_cast %parallel_loop3A_480 : i32 to index
      %parallel_loop3A_482 = arith.index_cast %parallel_loop3A_479 : i32 to index
      %parallel_loop3A_483 = arith.constant 80 : index
      %parallel_loop3A_484 = tpu.vector_load %arg6[%parallel_loop3A_481, %parallel_loop3A_482, %parallel_loop3A_483] {strides = array<i32>} : memref<2x128x128xf32, #tpu.memory_space<vmem>>, vector<16xf32>,
      %parallel_loop3A_485 = arith.addf %parallel_loop3A_457, %parallel_loop3A_466 : vector<16xf32>
      %parallel_loop3A_486 = arith.addf %parallel_loop3A_475, %parallel_loop3A_484 : vector<16xf32>
      %parallel_loop3A_487 = arith.addf %parallel_loop3A_485, %parallel_loop3A_486 : vector<16xf32>
      %parallel_loop3A_488 = arith.index_cast %parallel_loop3A_233 : i32 to index
      %parallel_loop3A_489 = arith.index_cast %parallel_loop3A_231 : i32 to index
      %parallel_loop3A_490 = arith.constant 80 : index
      %parallel_loop3A_491 = tpu.vector_load %arg7[%parallel_loop3A_488, %parallel_loop3A_489, %parallel_loop3A_490] {strides = array<i32>} : memref<4x56x128xf32, #tpu.memory_space<vmem>>, vector<16xf32>,
      tpu.vector_store %arg7[%parallel_loop3A_488, %parallel_loop3A_489, %parallel_loop3A_490], %parallel_loop3A_487 {strides = array<i32>} : memref<4x56x128xf32, #tpu.memory_space<vmem>>, vector<16xf32>,
      %parallel_loop3A_492 = arith.constant 4 : i32
      %parallel_loop3A_493 = arith.muli %parallel_loop3A_202, %parallel_loop3A_492 : i32
      %parallel_loop3A_494 = arith.constant 0 : i32
      %parallel_loop3A_495 = arith.addi %parallel_loop3A_493, %parallel_loop3A_494 : i32
      %parallel_loop3A_496 = arith.constant 0 : i32
      %parallel_loop3A_497 = arith.index_cast %parallel_loop3A_496 : i32 to index
      %parallel_loop3A_498 = arith.index_cast %parallel_loop3A_495 : i32 to index
      %parallel_loop3A_499 = arith.constant 96 : index
      %parallel_loop3A_500 = tpu.vector_load %arg6[%parallel_loop3A_497, %parallel_loop3A_498, %parallel_loop3A_499] {strides = array<i32>} : memref<2x128x128xf32, #tpu.memory_space<vmem>>, vector<16xf32>,
      %parallel_loop3A_501 = arith.constant 4 : i32
      %parallel_loop3A_502 = arith.muli %parallel_loop3A_202, %parallel_loop3A_501 : i32
      %parallel_loop3A_503 = arith.constant 1 : i32
      %parallel_loop3A_504 = arith.addi %parallel_loop3A_502, %parallel_loop3A_503 : i32
      %parallel_loop3A_505 = arith.constant 0 : i32
      %parallel_loop3A_506 = arith.index_cast %parallel_loop3A_505 : i32 to index
      %parallel_loop3A_507 = arith.index_cast %parallel_loop3A_504 : i32 to index
      %parallel_loop3A_508 = arith.constant 96 : index
      %parallel_loop3A_509 = tpu.vector_load %arg6[%parallel_loop3A_506, %parallel_loop3A_507, %parallel_loop3A_508] {strides = array<i32>} : memref<2x128x128xf32, #tpu.memory_space<vmem>>, vector<16xf32>,
      %parallel_loop3A_510 = arith.constant 4 : i32
      %parallel_loop3A_511 = arith.muli %parallel_loop3A_202, %parallel_loop3A_510 : i32
      %parallel_loop3A_512 = arith.constant 2 : i32
      %parallel_loop3A_513 = arith.addi %parallel_loop3A_511, %parallel_loop3A_512 : i32
      %parallel_loop3A_514 = arith.constant 0 : i32
      %parallel_loop3A_515 = arith.index_cast %parallel_loop3A_514 : i32 to index
      %parallel_loop3A_516 = arith.index_cast %parallel_loop3A_513 : i32 to index
      %parallel_loop3A_517 = arith.constant 96 : index
      %parallel_loop3A_518 = tpu.vector_load %arg6[%parallel_loop3A_515, %parallel_loop3A_516, %parallel_loop3A_517] {strides = array<i32>} : memref<2x128x128xf32, #tpu.memory_space<vmem>>, vector<16xf32>,
      %parallel_loop3A_519 = arith.constant 4 : i32
      %parallel_loop3A_520 = arith.muli %parallel_loop3A_202, %parallel_loop3A_519 : i32
      %parallel_loop3A_521 = arith.constant 3 : i32
      %parallel_loop3A_522 = arith.addi %parallel_loop3A_520, %parallel_loop3A_521 : i32
      %parallel_loop3A_523 = arith.constant 0 : i32
      %parallel_loop3A_524 = arith.index_cast %parallel_loop3A_523 : i32 to index
      %parallel_loop3A_525 = arith.index_cast %parallel_loop3A_522 : i32 to index
      %parallel_loop3A_526 = arith.constant 96 : index
      %parallel_loop3A_527 = tpu.vector_load %arg6[%parallel_loop3A_524, %parallel_loop3A_525, %parallel_loop3A_526] {strides = array<i32>} : memref<2x128x128xf32, #tpu.memory_space<vmem>>, vector<16xf32>,
      %parallel_loop3A_528 = arith.addf %parallel_loop3A_500, %parallel_loop3A_509 : vector<16xf32>
      %parallel_loop3A_529 = arith.addf %parallel_loop3A_518, %parallel_loop3A_527 : vector<16xf32>
      %parallel_loop3A_530 = arith.addf %parallel_loop3A_528, %parallel_loop3A_529 : vector<16xf32>
      %parallel_loop3A_531 = arith.index_cast %parallel_loop3A_233 : i32 to index
      %parallel_loop3A_532 = arith.index_cast %parallel_loop3A_231 : i32 to index
      %parallel_loop3A_533 = arith.constant 96 : index
      %parallel_loop3A_534 = tpu.vector_load %arg7[%parallel_loop3A_531, %parallel_loop3A_532, %parallel_loop3A_533] {strides = array<i32>} : memref<4x56x128xf32, #tpu.memory_space<vmem>>, vector<16xf32>,
      tpu.vector_store %arg7[%parallel_loop3A_531, %parallel_loop3A_532, %parallel_loop3A_533], %parallel_loop3A_530 {strides = array<i32>} : memref<4x56x128xf32, #tpu.memory_space<vmem>>, vector<16xf32>,
      %parallel_loop3A_535 = arith.constant 4 : i32
      %parallel_loop3A_536 = arith.muli %parallel_loop3A_202, %parallel_loop3A_535 : i32
      %parallel_loop3A_537 = arith.constant 0 : i32
      %parallel_loop3A_538 = arith.addi %parallel_loop3A_536, %parallel_loop3A_537 : i32
      %parallel_loop3A_539 = arith.constant 0 : i32
      %parallel_loop3A_540 = arith.index_cast %parallel_loop3A_539 : i32 to index
      %parallel_loop3A_541 = arith.index_cast %parallel_loop3A_538 : i32 to index
      %parallel_loop3A_542 = arith.constant 112 : index
      %parallel_loop3A_543 = tpu.vector_load %arg6[%parallel_loop3A_540, %parallel_loop3A_541, %parallel_loop3A_542] {strides = array<i32>} : memref<2x128x128xf32, #tpu.memory_space<vmem>>, vector<16xf32>,
      %parallel_loop3A_544 = arith.constant 4 : i32
      %parallel_loop3A_545 = arith.muli %parallel_loop3A_202, %parallel_loop3A_544 : i32
      %parallel_loop3A_546 = arith.constant 1 : i32
      %parallel_loop3A_547 = arith.addi %parallel_loop3A_545, %parallel_loop3A_546 : i32
      %parallel_loop3A_548 = arith.constant 0 : i32
      %parallel_loop3A_549 = arith.index_cast %parallel_loop3A_548 : i32 to index
      %parallel_loop3A_550 = arith.index_cast %parallel_loop3A_547 : i32 to index
      %parallel_loop3A_551 = arith.constant 112 : index
      %parallel_loop3A_552 = tpu.vector_load %arg6[%parallel_loop3A_549, %parallel_loop3A_550, %parallel_loop3A_551] {strides = array<i32>} : memref<2x128x128xf32, #tpu.memory_space<vmem>>, vector<16xf32>,
      %parallel_loop3A_553 = arith.constant 4 : i32
      %parallel_loop3A_554 = arith.muli %parallel_loop3A_202, %parallel_loop3A_553 : i32
      %parallel_loop3A_555 = arith.constant 2 : i32
      %parallel_loop3A_556 = arith.addi %parallel_loop3A_554, %parallel_loop3A_555 : i32
      %parallel_loop3A_557 = arith.constant 0 : i32
      %parallel_loop3A_558 = arith.index_cast %parallel_loop3A_557 : i32 to index
      %parallel_loop3A_559 = arith.index_cast %parallel_loop3A_556 : i32 to index
      %parallel_loop3A_560 = arith.constant 112 : index
      %parallel_loop3A_561 = tpu.vector_load %arg6[%parallel_loop3A_558, %parallel_loop3A_559, %parallel_loop3A_560] {strides = array<i32>} : memref<2x128x128xf32, #tpu.memory_space<vmem>>, vector<16xf32>,
      %parallel_loop3A_562 = arith.constant 4 : i32
      %parallel_loop3A_563 = arith.muli %parallel_loop3A_202, %parallel_loop3A_562 : i32
      %parallel_loop3A_564 = arith.constant 3 : i32
      %parallel_loop3A_565 = arith.addi %parallel_loop3A_563, %parallel_loop3A_564 : i32
      %parallel_loop3A_566 = arith.constant 0 : i32
      %parallel_loop3A_567 = arith.index_cast %parallel_loop3A_566 : i32 to index
      %parallel_loop3A_568 = arith.index_cast %parallel_loop3A_565 : i32 to index
      %parallel_loop3A_569 = arith.constant 112 : index
      %parallel_loop3A_570 = tpu.vector_load %arg6[%parallel_loop3A_567, %parallel_loop3A_568, %parallel_loop3A_569] {strides = array<i32>} : memref<2x128x128xf32, #tpu.memory_space<vmem>>, vector<16xf32>,
      %parallel_loop3A_571 = arith.addf %parallel_loop3A_543, %parallel_loop3A_552 : vector<16xf32>
      %parallel_loop3A_572 = arith.addf %parallel_loop3A_561, %parallel_loop3A_570 : vector<16xf32>
      %parallel_loop3A_573 = arith.addf %parallel_loop3A_571, %parallel_loop3A_572 : vector<16xf32>
      %parallel_loop3A_574 = arith.index_cast %parallel_loop3A_233 : i32 to index
      %parallel_loop3A_575 = arith.index_cast %parallel_loop3A_231 : i32 to index
      %parallel_loop3A_576 = arith.constant 112 : index
      %parallel_loop3A_577 = tpu.vector_load %arg7[%parallel_loop3A_574, %parallel_loop3A_575, %parallel_loop3A_576] {strides = array<i32>} : memref<4x56x128xf32, #tpu.memory_space<vmem>>, vector<16xf32>,
      tpu.vector_store %arg7[%parallel_loop3A_574, %parallel_loop3A_575, %parallel_loop3A_576], %parallel_loop3A_573 {strides = array<i32>} : memref<4x56x128xf32, #tpu.memory_space<vmem>>, vector<16xf32>,
    } {sc.loop_unroll_factor = 2 : i64, sc.parallel_access}
    %add3A_85 = arith.constant 126 : i32
    %add3A_86 = arith.addi %mul3A_2, %add3A_85 : i32
    %mul3A_87 = arith.constant 56 : i32
    %mul3A_88 = arith.muli %add3A_86, %mul3A_87 : i32
    %dma_start3A_89 = arith.constant 2 : i32
    %dma_start3A_90 = arith.constant 0 : i32
    %dma_start3A_91 = arith.constant 0 : i32
    %dma_start3A_92 = tpu.memref_slice %arg7[%dma_start3A_89, %dma_start3A_90, %dma_start3A_91] : memref<4x56x128xf32, #tpu.memory_space<vmem>> -> memref<1x56x128xf32, #tpu.memory_space<vmem>>
    %dma_start3A_93 = tpu.memref_squeeze %dma_start3A_92 : memref<1x56x128xf32, #tpu.memory_space<vmem>> -> memref<56x128xf32, #tpu.memory_space<vmem>>
    %dma_start3A_94 = arith.constant 0 : i32
    %dma_start3A_95 = tpu.memref_slice %arg4[%mul3A_88, %dma_start3A_94] : memref<229376x128xf32, #tpu.memory_space<hbm>> -> memref<56x128xf32, #tpu.memory_space<hbm>>
    %dma_start3A_96 = arith.constant 0 : i32
    %dma_start3A_97 = tpu.memref_slice %arg4[%mul3A_88, %dma_start3A_96] : memref<229376x128xf32, #tpu.memory_space<hbm>> -> memref<56x128xf32, #tpu.memory_space<hbm>>
    %dma_start3A_98 = arith.constant 0 : i32
    %dma_start3A_99 = arith.constant 0 : i32
    %dma_start3A_100 = tpu.memref_slice %arg7[%dma_start3A_89, %dma_start3A_98, %dma_start3A_99] : memref<4x56x128xf32, #tpu.memory_space<vmem>> -> memref<1x56x128xf32, #tpu.memory_space<vmem>>
    %dma_start3A_101 = tpu.memref_squeeze %dma_start3A_100 : memref<1x56x128xf32, #tpu.memory_space<vmem>> -> memref<56x128xf32, #tpu.memory_space<vmem>>
    tpu.enqueue_dma source(%dma_start3A_101 : memref<56x128xf32, #tpu.memory_space<vmem>>) target(%dma_start3A_97 : memref<56x128xf32, #tpu.memory_space<hbm>>) target_semaphore(%arg12 : memref<!tpu.dma_semaphore, #tpu.memory_space<semaphore_mem>>)
    %dma_wait3A_102 = arith.constant 199 : i32
    %dma_wait3A_103 = arith.constant 1 : i32
    %dma_wait3A_104 = arith.constant 0 : i32
    %dma_wait3A_105 = arith.constant 0 : i32
    %dma_wait3A_106 = tpu.memref_slice %arg6[%dma_wait3A_103, %dma_wait3A_104, %dma_wait3A_105] : memref<2x128x128xf32, #tpu.memory_space<vmem>> -> memref<1x128x128xf32, #tpu.memory_space<vmem>>
    %dma_wait3A_107 = tpu.memref_squeeze %dma_wait3A_106 : memref<1x128x128xf32, #tpu.memory_space<vmem>> -> memref<128x128xf32, #tpu.memory_space<vmem>>
    %dma_wait3A_108 = arith.constant 0 : i32
    %dma_wait3A_109 = tpu.memref_slice %arg5[%dma_wait3A_102, %dma_wait3A_108] : memref<400x128xi32, #tpu.memory_space<vmem>> -> memref<1x128xi32, #tpu.memory_space<vmem>>
    %dma_wait3A_110 = tpu.memref_squeeze %dma_wait3A_109 : memref<1x128xi32, #tpu.memory_space<vmem>> -> memref<128xi32, #tpu.memory_space<vmem>>
    %dma_wait3A_111 = arith.constant 0 : i32
    %dma_wait3A_112 = arith.constant 0 : i32
    %dma_wait3A_113 = tpu.memref_slice %arg3[%dma_wait3A_111, %dma_wait3A_112] : memref<41600x128xf32, #tpu.memory_space<hbm>> -> memref<41600x128xf32, #tpu.memory_space<hbm>>
    tpu.wait_indirect_dma semaphore(%arg9 : memref<!tpu.dma_semaphore, #tpu.memory_space<semaphore_mem>>) src(%dma_wait3A_113 : memref<41600x128xf32, #tpu.memory_space<hbm>>) dst(%dma_wait3A_107 : memref<128x128xf32, #tpu.memory_space<vmem>>)
    %parallel_loop3A_114 = arith.constant 0 : i32
    %parallel_loop3A_115 = arith.constant 32 : i32
    %parallel_loop3A_116 = arith.constant 1 : i32
    scf.for %parallel_loop3A_202 = %parallel_loop3A_114 to %parallel_loop3A_115 step %parallel_loop3A_116  : i32 {
      %parallel_loop3A_203 = arith.constant 6368 : i32
      %parallel_loop3A_204 = arith.addi %parallel_loop3A_203, %parallel_loop3A_202 : i32
      %parallel_loop3A_205 = arith.constant 50 : i32
      %parallel_loop3A_206 = arith.divsi %parallel_loop3A_204, %parallel_loop3A_205 : i32
      %parallel_loop3A_207 = arith.constant 0 : i32
      %parallel_loop3A_208 = arith.cmpi sgt, %parallel_loop3A_204, %parallel_loop3A_207 : i32
      %parallel_loop3A_209 = arith.extui %parallel_loop3A_208 : i1 to i32
      %parallel_loop3A_210 = arith.constant 0 : i32
      %parallel_loop3A_211 = arith.cmpi slt, %parallel_loop3A_204, %parallel_loop3A_210 : i32
      %parallel_loop3A_212 = arith.extui %parallel_loop3A_211 : i1 to i32
      %parallel_loop3A_213 = arith.subi %parallel_loop3A_209, %parallel_loop3A_212 : i32
      %parallel_loop3A_214 = arith.constant 0 : i32
      %parallel_loop3A_215 = arith.cmpi sgt, %parallel_loop3A_205, %parallel_loop3A_214 : i32
      %parallel_loop3A_216 = arith.extui %parallel_loop3A_215 : i1 to i32
      %parallel_loop3A_217 = arith.constant 0 : i32
      %parallel_loop3A_218 = arith.cmpi slt, %parallel_loop3A_205, %parallel_loop3A_217 : i32
      %parallel_loop3A_219 = arith.extui %parallel_loop3A_218 : i1 to i32
      %parallel_loop3A_220 = arith.subi %parallel_loop3A_216, %parallel_loop3A_219 : i32
      %parallel_loop3A_221 = arith.cmpi ne, %parallel_loop3A_213, %parallel_loop3A_220 : i32
      %parallel_loop3A_222 = arith.remsi %parallel_loop3A_204, %parallel_loop3A_205 : i32
      %parallel_loop3A_223 = arith.constant 0 : i32
      %parallel_loop3A_224 = arith.cmpi ne, %parallel_loop3A_222, %parallel_loop3A_223 : i32
      %parallel_loop3A_225 = arith.andi %parallel_loop3A_221, %parallel_loop3A_224 : i1
      %parallel_loop3A_226 = arith.constant 1 : i32
      %parallel_loop3A_227 = arith.subi %parallel_loop3A_206, %parallel_loop3A_226 : i32
      %parallel_loop3A_228 = arith.select %parallel_loop3A_225, %parallel_loop3A_227, %parallel_loop3A_206 : i32
      %parallel_loop3A_229 = arith.constant 50 : i32
      %parallel_loop3A_230 = arith.muli %parallel_loop3A_228, %parallel_loop3A_229 : i32
      %parallel_loop3A_231 = arith.subi %parallel_loop3A_204, %parallel_loop3A_230 : i32
      %parallel_loop3A_232 = arith.constant 3 : i32
      %parallel_loop3A_233 = arith.andi %parallel_loop3A_228, %parallel_loop3A_232 : i32
      %parallel_loop3A_234 = arith.constant 4 : i32
      %parallel_loop3A_235 = arith.muli %parallel_loop3A_202, %parallel_loop3A_234 : i32
      %parallel_loop3A_236 = arith.constant 0 : i32
      %parallel_loop3A_237 = arith.addi %parallel_loop3A_235, %parallel_loop3A_236 : i32
      %parallel_loop3A_238 = arith.constant 1 : i32
      %parallel_loop3A_239 = arith.index_cast %parallel_loop3A_238 : i32 to index
      %parallel_loop3A_240 = arith.index_cast %parallel_loop3A_237 : i32 to index
      %parallel_loop3A_241 = arith.constant 0 : index
      %parallel_loop3A_242 = tpu.vector_load %arg6[%parallel_loop3A_239, %parallel_loop3A_240, %parallel_loop3A_241] {strides = array<i32>} : memref<2x128x128xf32, #tpu.memory_space<vmem>>, vector<16xf32>,
      %parallel_loop3A_243 = arith.constant 4 : i32
      %parallel_loop3A_244 = arith.muli %parallel_loop3A_202, %parallel_loop3A_243 : i32
      %parallel_loop3A_245 = arith.constant 1 : i32
      %parallel_loop3A_246 = arith.addi %parallel_loop3A_244, %parallel_loop3A_245 : i32
      %parallel_loop3A_247 = arith.constant 1 : i32
      %parallel_loop3A_248 = arith.index_cast %parallel_loop3A_247 : i32 to index
      %parallel_loop3A_249 = arith.index_cast %parallel_loop3A_246 : i32 to index
      %parallel_loop3A_250 = arith.constant 0 : index
      %parallel_loop3A_251 = tpu.vector_load %arg6[%parallel_loop3A_248, %parallel_loop3A_249, %parallel_loop3A_250] {strides = array<i32>} : memref<2x128x128xf32, #tpu.memory_space<vmem>>, vector<16xf32>,
      %parallel_loop3A_252 = arith.constant 4 : i32
      %parallel_loop3A_253 = arith.muli %parallel_loop3A_202, %parallel_loop3A_252 : i32
      %parallel_loop3A_254 = arith.constant 2 : i32
      %parallel_loop3A_255 = arith.addi %parallel_loop3A_253, %parallel_loop3A_254 : i32
      %parallel_loop3A_256 = arith.constant 1 : i32
      %parallel_loop3A_257 = arith.index_cast %parallel_loop3A_256 : i32 to index
      %parallel_loop3A_258 = arith.index_cast %parallel_loop3A_255 : i32 to index
      %parallel_loop3A_259 = arith.constant 0 : index
      %parallel_loop3A_260 = tpu.vector_load %arg6[%parallel_loop3A_257, %parallel_loop3A_258, %parallel_loop3A_259] {strides = array<i32>} : memref<2x128x128xf32, #tpu.memory_space<vmem>>, vector<16xf32>,
      %parallel_loop3A_261 = arith.constant 4 : i32
      %parallel_loop3A_262 = arith.muli %parallel_loop3A_202, %parallel_loop3A_261 : i32
      %parallel_loop3A_263 = arith.constant 3 : i32
      %parallel_loop3A_264 = arith.addi %parallel_loop3A_262, %parallel_loop3A_263 : i32
      %parallel_loop3A_265 = arith.constant 1 : i32
      %parallel_loop3A_266 = arith.index_cast %parallel_loop3A_265 : i32 to index
      %parallel_loop3A_267 = arith.index_cast %parallel_loop3A_264 : i32 to index
      %parallel_loop3A_268 = arith.constant 0 : index
      %parallel_loop3A_269 = tpu.vector_load %arg6[%parallel_loop3A_266, %parallel_loop3A_267, %parallel_loop3A_268] {strides = array<i32>} : memref<2x128x128xf32, #tpu.memory_space<vmem>>, vector<16xf32>,
      %parallel_loop3A_270 = arith.addf %parallel_loop3A_242, %parallel_loop3A_251 : vector<16xf32>
      %parallel_loop3A_271 = arith.addf %parallel_loop3A_260, %parallel_loop3A_269 : vector<16xf32>
      %parallel_loop3A_272 = arith.addf %parallel_loop3A_270, %parallel_loop3A_271 : vector<16xf32>
      %parallel_loop3A_273 = arith.index_cast %parallel_loop3A_233 : i32 to index
      %parallel_loop3A_274 = arith.index_cast %parallel_loop3A_231 : i32 to index
      %parallel_loop3A_275 = arith.constant 0 : index
      %parallel_loop3A_276 = tpu.vector_load %arg7[%parallel_loop3A_273, %parallel_loop3A_274, %parallel_loop3A_275] {strides = array<i32>} : memref<4x56x128xf32, #tpu.memory_space<vmem>>, vector<16xf32>,
      tpu.vector_store %arg7[%parallel_loop3A_273, %parallel_loop3A_274, %parallel_loop3A_275], %parallel_loop3A_272 {strides = array<i32>} : memref<4x56x128xf32, #tpu.memory_space<vmem>>, vector<16xf32>,
      %parallel_loop3A_277 = arith.constant 4 : i32
      %parallel_loop3A_278 = arith.muli %parallel_loop3A_202, %parallel_loop3A_277 : i32
      %parallel_loop3A_279 = arith.constant 0 : i32
      %parallel_loop3A_280 = arith.addi %parallel_loop3A_278, %parallel_loop3A_279 : i32
      %parallel_loop3A_281 = arith.constant 1 : i32
      %parallel_loop3A_282 = arith.index_cast %parallel_loop3A_281 : i32 to index
      %parallel_loop3A_283 = arith.index_cast %parallel_loop3A_280 : i32 to index
      %parallel_loop3A_284 = arith.constant 16 : index
      %parallel_loop3A_285 = tpu.vector_load %arg6[%parallel_loop3A_282, %parallel_loop3A_283, %parallel_loop3A_284] {strides = array<i32>} : memref<2x128x128xf32, #tpu.memory_space<vmem>>, vector<16xf32>,
      %parallel_loop3A_286 = arith.constant 4 : i32
      %parallel_loop3A_287 = arith.muli %parallel_loop3A_202, %parallel_loop3A_286 : i32
      %parallel_loop3A_288 = arith.constant 1 : i32
      %parallel_loop3A_289 = arith.addi %parallel_loop3A_287, %parallel_loop3A_288 : i32
      %parallel_loop3A_290 = arith.constant 1 : i32
      %parallel_loop3A_291 = arith.index_cast %parallel_loop3A_290 : i32 to index
      %parallel_loop3A_292 = arith.index_cast %parallel_loop3A_289 : i32 to index
      %parallel_loop3A_293 = arith.constant 16 : index
      %parallel_loop3A_294 = tpu.vector_load %arg6[%parallel_loop3A_291, %parallel_loop3A_292, %parallel_loop3A_293] {strides = array<i32>} : memref<2x128x128xf32, #tpu.memory_space<vmem>>, vector<16xf32>,
      %parallel_loop3A_295 = arith.constant 4 : i32
      %parallel_loop3A_296 = arith.muli %parallel_loop3A_202, %parallel_loop3A_295 : i32
      %parallel_loop3A_297 = arith.constant 2 : i32
      %parallel_loop3A_298 = arith.addi %parallel_loop3A_296, %parallel_loop3A_297 : i32
      %parallel_loop3A_299 = arith.constant 1 : i32
      %parallel_loop3A_300 = arith.index_cast %parallel_loop3A_299 : i32 to index
      %parallel_loop3A_301 = arith.index_cast %parallel_loop3A_298 : i32 to index
      %parallel_loop3A_302 = arith.constant 16 : index
      %parallel_loop3A_303 = tpu.vector_load %arg6[%parallel_loop3A_300, %parallel_loop3A_301, %parallel_loop3A_302] {strides = array<i32>} : memref<2x128x128xf32, #tpu.memory_space<vmem>>, vector<16xf32>,
      %parallel_loop3A_304 = arith.constant 4 : i32
      %parallel_loop3A_305 = arith.muli %parallel_loop3A_202, %parallel_loop3A_304 : i32
      %parallel_loop3A_306 = arith.constant 3 : i32
      %parallel_loop3A_307 = arith.addi %parallel_loop3A_305, %parallel_loop3A_306 : i32
      %parallel_loop3A_308 = arith.constant 1 : i32
      %parallel_loop3A_309 = arith.index_cast %parallel_loop3A_308 : i32 to index
      %parallel_loop3A_310 = arith.index_cast %parallel_loop3A_307 : i32 to index
      %parallel_loop3A_311 = arith.constant 16 : index
      %parallel_loop3A_312 = tpu.vector_load %arg6[%parallel_loop3A_309, %parallel_loop3A_310, %parallel_loop3A_311] {strides = array<i32>} : memref<2x128x128xf32, #tpu.memory_space<vmem>>, vector<16xf32>,
      %parallel_loop3A_313 = arith.addf %parallel_loop3A_285, %parallel_loop3A_294 : vector<16xf32>
      %parallel_loop3A_314 = arith.addf %parallel_loop3A_303, %parallel_loop3A_312 : vector<16xf32>
      %parallel_loop3A_315 = arith.addf %parallel_loop3A_313, %parallel_loop3A_314 : vector<16xf32>
      %parallel_loop3A_316 = arith.index_cast %parallel_loop3A_233 : i32 to index
      %parallel_loop3A_317 = arith.index_cast %parallel_loop3A_231 : i32 to index
      %parallel_loop3A_318 = arith.constant 16 : index
      %parallel_loop3A_319 = tpu.vector_load %arg7[%parallel_loop3A_316, %parallel_loop3A_317, %parallel_loop3A_318] {strides = array<i32>} : memref<4x56x128xf32, #tpu.memory_space<vmem>>, vector<16xf32>,
      tpu.vector_store %arg7[%parallel_loop3A_316, %parallel_loop3A_317, %parallel_loop3A_318], %parallel_loop3A_315 {strides = array<i32>} : memref<4x56x128xf32, #tpu.memory_space<vmem>>, vector<16xf32>,
      %parallel_loop3A_320 = arith.constant 4 : i32
      %parallel_loop3A_321 = arith.muli %parallel_loop3A_202, %parallel_loop3A_320 : i32
      %parallel_loop3A_322 = arith.constant 0 : i32
      %parallel_loop3A_323 = arith.addi %parallel_loop3A_321, %parallel_loop3A_322 : i32
      %parallel_loop3A_324 = arith.constant 1 : i32
      %parallel_loop3A_325 = arith.index_cast %parallel_loop3A_324 : i32 to index
      %parallel_loop3A_326 = arith.index_cast %parallel_loop3A_323 : i32 to index
      %parallel_loop3A_327 = arith.constant 32 : index
      %parallel_loop3A_328 = tpu.vector_load %arg6[%parallel_loop3A_325, %parallel_loop3A_326, %parallel_loop3A_327] {strides = array<i32>} : memref<2x128x128xf32, #tpu.memory_space<vmem>>, vector<16xf32>,
      %parallel_loop3A_329 = arith.constant 4 : i32
      %parallel_loop3A_330 = arith.muli %parallel_loop3A_202, %parallel_loop3A_329 : i32
      %parallel_loop3A_331 = arith.constant 1 : i32
      %parallel_loop3A_332 = arith.addi %parallel_loop3A_330, %parallel_loop3A_331 : i32
      %parallel_loop3A_333 = arith.constant 1 : i32
      %parallel_loop3A_334 = arith.index_cast %parallel_loop3A_333 : i32 to index
      %parallel_loop3A_335 = arith.index_cast %parallel_loop3A_332 : i32 to index
      %parallel_loop3A_336 = arith.constant 32 : index
      %parallel_loop3A_337 = tpu.vector_load %arg6[%parallel_loop3A_334, %parallel_loop3A_335, %parallel_loop3A_336] {strides = array<i32>} : memref<2x128x128xf32, #tpu.memory_space<vmem>>, vector<16xf32>,
      %parallel_loop3A_338 = arith.constant 4 : i32
      %parallel_loop3A_339 = arith.muli %parallel_loop3A_202, %parallel_loop3A_338 : i32
      %parallel_loop3A_340 = arith.constant 2 : i32
      %parallel_loop3A_341 = arith.addi %parallel_loop3A_339, %parallel_loop3A_340 : i32
      %parallel_loop3A_342 = arith.constant 1 : i32
      %parallel_loop3A_343 = arith.index_cast %parallel_loop3A_342 : i32 to index
      %parallel_loop3A_344 = arith.index_cast %parallel_loop3A_341 : i32 to index
      %parallel_loop3A_345 = arith.constant 32 : index
      %parallel_loop3A_346 = tpu.vector_load %arg6[%parallel_loop3A_343, %parallel_loop3A_344, %parallel_loop3A_345] {strides = array<i32>} : memref<2x128x128xf32, #tpu.memory_space<vmem>>, vector<16xf32>,
      %parallel_loop3A_347 = arith.constant 4 : i32
      %parallel_loop3A_348 = arith.muli %parallel_loop3A_202, %parallel_loop3A_347 : i32
      %parallel_loop3A_349 = arith.constant 3 : i32
      %parallel_loop3A_350 = arith.addi %parallel_loop3A_348, %parallel_loop3A_349 : i32
      %parallel_loop3A_351 = arith.constant 1 : i32
      %parallel_loop3A_352 = arith.index_cast %parallel_loop3A_351 : i32 to index
      %parallel_loop3A_353 = arith.index_cast %parallel_loop3A_350 : i32 to index
      %parallel_loop3A_354 = arith.constant 32 : index
      %parallel_loop3A_355 = tpu.vector_load %arg6[%parallel_loop3A_352, %parallel_loop3A_353, %parallel_loop3A_354] {strides = array<i32>} : memref<2x128x128xf32, #tpu.memory_space<vmem>>, vector<16xf32>,
      %parallel_loop3A_356 = arith.addf %parallel_loop3A_328, %parallel_loop3A_337 : vector<16xf32>
      %parallel_loop3A_357 = arith.addf %parallel_loop3A_346, %parallel_loop3A_355 : vector<16xf32>
      %parallel_loop3A_358 = arith.addf %parallel_loop3A_356, %parallel_loop3A_357 : vector<16xf32>
      %parallel_loop3A_359 = arith.index_cast %parallel_loop3A_233 : i32 to index
      %parallel_loop3A_360 = arith.index_cast %parallel_loop3A_231 : i32 to index
      %parallel_loop3A_361 = arith.constant 32 : index
      %parallel_loop3A_362 = tpu.vector_load %arg7[%parallel_loop3A_359, %parallel_loop3A_360, %parallel_loop3A_361] {strides = array<i32>} : memref<4x56x128xf32, #tpu.memory_space<vmem>>, vector<16xf32>,
      tpu.vector_store %arg7[%parallel_loop3A_359, %parallel_loop3A_360, %parallel_loop3A_361], %parallel_loop3A_358 {strides = array<i32>} : memref<4x56x128xf32, #tpu.memory_space<vmem>>, vector<16xf32>,
      %parallel_loop3A_363 = arith.constant 4 : i32
      %parallel_loop3A_364 = arith.muli %parallel_loop3A_202, %parallel_loop3A_363 : i32
      %parallel_loop3A_365 = arith.constant 0 : i32
      %parallel_loop3A_366 = arith.addi %parallel_loop3A_364, %parallel_loop3A_365 : i32
      %parallel_loop3A_367 = arith.constant 1 : i32
      %parallel_loop3A_368 = arith.index_cast %parallel_loop3A_367 : i32 to index
      %parallel_loop3A_369 = arith.index_cast %parallel_loop3A_366 : i32 to index
      %parallel_loop3A_370 = arith.constant 48 : index
      %parallel_loop3A_371 = tpu.vector_load %arg6[%parallel_loop3A_368, %parallel_loop3A_369, %parallel_loop3A_370] {strides = array<i32>} : memref<2x128x128xf32, #tpu.memory_space<vmem>>, vector<16xf32>,
      %parallel_loop3A_372 = arith.constant 4 : i32
      %parallel_loop3A_373 = arith.muli %parallel_loop3A_202, %parallel_loop3A_372 : i32
      %parallel_loop3A_374 = arith.constant 1 : i32
      %parallel_loop3A_375 = arith.addi %parallel_loop3A_373, %parallel_loop3A_374 : i32
      %parallel_loop3A_376 = arith.constant 1 : i32
      %parallel_loop3A_377 = arith.index_cast %parallel_loop3A_376 : i32 to index
      %parallel_loop3A_378 = arith.index_cast %parallel_loop3A_375 : i32 to index
      %parallel_loop3A_379 = arith.constant 48 : index
      %parallel_loop3A_380 = tpu.vector_load %arg6[%parallel_loop3A_377, %parallel_loop3A_378, %parallel_loop3A_379] {strides = array<i32>} : memref<2x128x128xf32, #tpu.memory_space<vmem>>, vector<16xf32>,
      %parallel_loop3A_381 = arith.constant 4 : i32
      %parallel_loop3A_382 = arith.muli %parallel_loop3A_202, %parallel_loop3A_381 : i32
      %parallel_loop3A_383 = arith.constant 2 : i32
      %parallel_loop3A_384 = arith.addi %parallel_loop3A_382, %parallel_loop3A_383 : i32
      %parallel_loop3A_385 = arith.constant 1 : i32
      %parallel_loop3A_386 = arith.index_cast %parallel_loop3A_385 : i32 to index
      %parallel_loop3A_387 = arith.index_cast %parallel_loop3A_384 : i32 to index
      %parallel_loop3A_388 = arith.constant 48 : index
      %parallel_loop3A_389 = tpu.vector_load %arg6[%parallel_loop3A_386, %parallel_loop3A_387, %parallel_loop3A_388] {strides = array<i32>} : memref<2x128x128xf32, #tpu.memory_space<vmem>>, vector<16xf32>,
      %parallel_loop3A_390 = arith.constant 4 : i32
      %parallel_loop3A_391 = arith.muli %parallel_loop3A_202, %parallel_loop3A_390 : i32
      %parallel_loop3A_392 = arith.constant 3 : i32
      %parallel_loop3A_393 = arith.addi %parallel_loop3A_391, %parallel_loop3A_392 : i32
      %parallel_loop3A_394 = arith.constant 1 : i32
      %parallel_loop3A_395 = arith.index_cast %parallel_loop3A_394 : i32 to index
      %parallel_loop3A_396 = arith.index_cast %parallel_loop3A_393 : i32 to index
      %parallel_loop3A_397 = arith.constant 48 : index
      %parallel_loop3A_398 = tpu.vector_load %arg6[%parallel_loop3A_395, %parallel_loop3A_396, %parallel_loop3A_397] {strides = array<i32>} : memref<2x128x128xf32, #tpu.memory_space<vmem>>, vector<16xf32>,
      %parallel_loop3A_399 = arith.addf %parallel_loop3A_371, %parallel_loop3A_380 : vector<16xf32>
      %parallel_loop3A_400 = arith.addf %parallel_loop3A_389, %parallel_loop3A_398 : vector<16xf32>
      %parallel_loop3A_401 = arith.addf %parallel_loop3A_399, %parallel_loop3A_400 : vector<16xf32>
      %parallel_loop3A_402 = arith.index_cast %parallel_loop3A_233 : i32 to index
      %parallel_loop3A_403 = arith.index_cast %parallel_loop3A_231 : i32 to index
      %parallel_loop3A_404 = arith.constant 48 : index
      %parallel_loop3A_405 = tpu.vector_load %arg7[%parallel_loop3A_402, %parallel_loop3A_403, %parallel_loop3A_404] {strides = array<i32>} : memref<4x56x128xf32, #tpu.memory_space<vmem>>, vector<16xf32>,
      tpu.vector_store %arg7[%parallel_loop3A_402, %parallel_loop3A_403, %parallel_loop3A_404], %parallel_loop3A_401 {strides = array<i32>} : memref<4x56x128xf32, #tpu.memory_space<vmem>>, vector<16xf32>,
      %parallel_loop3A_406 = arith.constant 4 : i32
      %parallel_loop3A_407 = arith.muli %parallel_loop3A_202, %parallel_loop3A_406 : i32
      %parallel_loop3A_408 = arith.constant 0 : i32
      %parallel_loop3A_409 = arith.addi %parallel_loop3A_407, %parallel_loop3A_408 : i32
      %parallel_loop3A_410 = arith.constant 1 : i32
      %parallel_loop3A_411 = arith.index_cast %parallel_loop3A_410 : i32 to index
      %parallel_loop3A_412 = arith.index_cast %parallel_loop3A_409 : i32 to index
      %parallel_loop3A_413 = arith.constant 64 : index
      %parallel_loop3A_414 = tpu.vector_load %arg6[%parallel_loop3A_411, %parallel_loop3A_412, %parallel_loop3A_413] {strides = array<i32>} : memref<2x128x128xf32, #tpu.memory_space<vmem>>, vector<16xf32>,
      %parallel_loop3A_415 = arith.constant 4 : i32
      %parallel_loop3A_416 = arith.muli %parallel_loop3A_202, %parallel_loop3A_415 : i32
      %parallel_loop3A_417 = arith.constant 1 : i32
      %parallel_loop3A_418 = arith.addi %parallel_loop3A_416, %parallel_loop3A_417 : i32
      %parallel_loop3A_419 = arith.constant 1 : i32
      %parallel_loop3A_420 = arith.index_cast %parallel_loop3A_419 : i32 to index
      %parallel_loop3A_421 = arith.index_cast %parallel_loop3A_418 : i32 to index
      %parallel_loop3A_422 = arith.constant 64 : index
      %parallel_loop3A_423 = tpu.vector_load %arg6[%parallel_loop3A_420, %parallel_loop3A_421, %parallel_loop3A_422] {strides = array<i32>} : memref<2x128x128xf32, #tpu.memory_space<vmem>>, vector<16xf32>,
      %parallel_loop3A_424 = arith.constant 4 : i32
      %parallel_loop3A_425 = arith.muli %parallel_loop3A_202, %parallel_loop3A_424 : i32
      %parallel_loop3A_426 = arith.constant 2 : i32
      %parallel_loop3A_427 = arith.addi %parallel_loop3A_425, %parallel_loop3A_426 : i32
      %parallel_loop3A_428 = arith.constant 1 : i32
      %parallel_loop3A_429 = arith.index_cast %parallel_loop3A_428 : i32 to index
      %parallel_loop3A_430 = arith.index_cast %parallel_loop3A_427 : i32 to index
      %parallel_loop3A_431 = arith.constant 64 : index
      %parallel_loop3A_432 = tpu.vector_load %arg6[%parallel_loop3A_429, %parallel_loop3A_430, %parallel_loop3A_431] {strides = array<i32>} : memref<2x128x128xf32, #tpu.memory_space<vmem>>, vector<16xf32>,
      %parallel_loop3A_433 = arith.constant 4 : i32
      %parallel_loop3A_434 = arith.muli %parallel_loop3A_202, %parallel_loop3A_433 : i32
      %parallel_loop3A_435 = arith.constant 3 : i32
      %parallel_loop3A_436 = arith.addi %parallel_loop3A_434, %parallel_loop3A_435 : i32
      %parallel_loop3A_437 = arith.constant 1 : i32
      %parallel_loop3A_438 = arith.index_cast %parallel_loop3A_437 : i32 to index
      %parallel_loop3A_439 = arith.index_cast %parallel_loop3A_436 : i32 to index
      %parallel_loop3A_440 = arith.constant 64 : index
      %parallel_loop3A_441 = tpu.vector_load %arg6[%parallel_loop3A_438, %parallel_loop3A_439, %parallel_loop3A_440] {strides = array<i32>} : memref<2x128x128xf32, #tpu.memory_space<vmem>>, vector<16xf32>,
      %parallel_loop3A_442 = arith.addf %parallel_loop3A_414, %parallel_loop3A_423 : vector<16xf32>
      %parallel_loop3A_443 = arith.addf %parallel_loop3A_432, %parallel_loop3A_441 : vector<16xf32>
      %parallel_loop3A_444 = arith.addf %parallel_loop3A_442, %parallel_loop3A_443 : vector<16xf32>
      %parallel_loop3A_445 = arith.index_cast %parallel_loop3A_233 : i32 to index
      %parallel_loop3A_446 = arith.index_cast %parallel_loop3A_231 : i32 to index
      %parallel_loop3A_447 = arith.constant 64 : index
      %parallel_loop3A_448 = tpu.vector_load %arg7[%parallel_loop3A_445, %parallel_loop3A_446, %parallel_loop3A_447] {strides = array<i32>} : memref<4x56x128xf32, #tpu.memory_space<vmem>>, vector<16xf32>,
      tpu.vector_store %arg7[%parallel_loop3A_445, %parallel_loop3A_446, %parallel_loop3A_447], %parallel_loop3A_444 {strides = array<i32>} : memref<4x56x128xf32, #tpu.memory_space<vmem>>, vector<16xf32>,
      %parallel_loop3A_449 = arith.constant 4 : i32
      %parallel_loop3A_450 = arith.muli %parallel_loop3A_202, %parallel_loop3A_449 : i32
      %parallel_loop3A_451 = arith.constant 0 : i32
      %parallel_loop3A_452 = arith.addi %parallel_loop3A_450, %parallel_loop3A_451 : i32
      %parallel_loop3A_453 = arith.constant 1 : i32
      %parallel_loop3A_454 = arith.index_cast %parallel_loop3A_453 : i32 to index
      %parallel_loop3A_455 = arith.index_cast %parallel_loop3A_452 : i32 to index
      %parallel_loop3A_456 = arith.constant 80 : index
      %parallel_loop3A_457 = tpu.vector_load %arg6[%parallel_loop3A_454, %parallel_loop3A_455, %parallel_loop3A_456] {strides = array<i32>} : memref<2x128x128xf32, #tpu.memory_space<vmem>>, vector<16xf32>,
      %parallel_loop3A_458 = arith.constant 4 : i32
      %parallel_loop3A_459 = arith.muli %parallel_loop3A_202, %parallel_loop3A_458 : i32
      %parallel_loop3A_460 = arith.constant 1 : i32
      %parallel_loop3A_461 = arith.addi %parallel_loop3A_459, %parallel_loop3A_460 : i32
      %parallel_loop3A_462 = arith.constant 1 : i32
      %parallel_loop3A_463 = arith.index_cast %parallel_loop3A_462 : i32 to index
      %parallel_loop3A_464 = arith.index_cast %parallel_loop3A_461 : i32 to index
      %parallel_loop3A_465 = arith.constant 80 : index
      %parallel_loop3A_466 = tpu.vector_load %arg6[%parallel_loop3A_463, %parallel_loop3A_464, %parallel_loop3A_465] {strides = array<i32>} : memref<2x128x128xf32, #tpu.memory_space<vmem>>, vector<16xf32>,
      %parallel_loop3A_467 = arith.constant 4 : i32
      %parallel_loop3A_468 = arith.muli %parallel_loop3A_202, %parallel_loop3A_467 : i32
      %parallel_loop3A_469 = arith.constant 2 : i32
      %parallel_loop3A_470 = arith.addi %parallel_loop3A_468, %parallel_loop3A_469 : i32
      %parallel_loop3A_471 = arith.constant 1 : i32
      %parallel_loop3A_472 = arith.index_cast %parallel_loop3A_471 : i32 to index
      %parallel_loop3A_473 = arith.index_cast %parallel_loop3A_470 : i32 to index
      %parallel_loop3A_474 = arith.constant 80 : index
      %parallel_loop3A_475 = tpu.vector_load %arg6[%parallel_loop3A_472, %parallel_loop3A_473, %parallel_loop3A_474] {strides = array<i32>} : memref<2x128x128xf32, #tpu.memory_space<vmem>>, vector<16xf32>,
      %parallel_loop3A_476 = arith.constant 4 : i32
      %parallel_loop3A_477 = arith.muli %parallel_loop3A_202, %parallel_loop3A_476 : i32
      %parallel_loop3A_478 = arith.constant 3 : i32
      %parallel_loop3A_479 = arith.addi %parallel_loop3A_477, %parallel_loop3A_478 : i32
      %parallel_loop3A_480 = arith.constant 1 : i32
      %parallel_loop3A_481 = arith.index_cast %parallel_loop3A_480 : i32 to index
      %parallel_loop3A_482 = arith.index_cast %parallel_loop3A_479 : i32 to index
      %parallel_loop3A_483 = arith.constant 80 : index
      %parallel_loop3A_484 = tpu.vector_load %arg6[%parallel_loop3A_481, %parallel_loop3A_482, %parallel_loop3A_483] {strides = array<i32>} : memref<2x128x128xf32, #tpu.memory_space<vmem>>, vector<16xf32>,
      %parallel_loop3A_485 = arith.addf %parallel_loop3A_457, %parallel_loop3A_466 : vector<16xf32>
      %parallel_loop3A_486 = arith.addf %parallel_loop3A_475, %parallel_loop3A_484 : vector<16xf32>
      %parallel_loop3A_487 = arith.addf %parallel_loop3A_485, %parallel_loop3A_486 : vector<16xf32>
      %parallel_loop3A_488 = arith.index_cast %parallel_loop3A_233 : i32 to index
      %parallel_loop3A_489 = arith.index_cast %parallel_loop3A_231 : i32 to index
      %parallel_loop3A_490 = arith.constant 80 : index
      %parallel_loop3A_491 = tpu.vector_load %arg7[%parallel_loop3A_488, %parallel_loop3A_489, %parallel_loop3A_490] {strides = array<i32>} : memref<4x56x128xf32, #tpu.memory_space<vmem>>, vector<16xf32>,
      tpu.vector_store %arg7[%parallel_loop3A_488, %parallel_loop3A_489, %parallel_loop3A_490], %parallel_loop3A_487 {strides = array<i32>} : memref<4x56x128xf32, #tpu.memory_space<vmem>>, vector<16xf32>,
      %parallel_loop3A_492 = arith.constant 4 : i32
      %parallel_loop3A_493 = arith.muli %parallel_loop3A_202, %parallel_loop3A_492 : i32
      %parallel_loop3A_494 = arith.constant 0 : i32
      %parallel_loop3A_495 = arith.addi %parallel_loop3A_493, %parallel_loop3A_494 : i32
      %parallel_loop3A_496 = arith.constant 1 : i32
      %parallel_loop3A_497 = arith.index_cast %parallel_loop3A_496 : i32 to index
      %parallel_loop3A_498 = arith.index_cast %parallel_loop3A_495 : i32 to index
      %parallel_loop3A_499 = arith.constant 96 : index
      %parallel_loop3A_500 = tpu.vector_load %arg6[%parallel_loop3A_497, %parallel_loop3A_498, %parallel_loop3A_499] {strides = array<i32>} : memref<2x128x128xf32, #tpu.memory_space<vmem>>, vector<16xf32>,
      %parallel_loop3A_501 = arith.constant 4 : i32
      %parallel_loop3A_502 = arith.muli %parallel_loop3A_202, %parallel_loop3A_501 : i32
      %parallel_loop3A_503 = arith.constant 1 : i32
      %parallel_loop3A_504 = arith.addi %parallel_loop3A_502, %parallel_loop3A_503 : i32
      %parallel_loop3A_505 = arith.constant 1 : i32
      %parallel_loop3A_506 = arith.index_cast %parallel_loop3A_505 : i32 to index
      %parallel_loop3A_507 = arith.index_cast %parallel_loop3A_504 : i32 to index
      %parallel_loop3A_508 = arith.constant 96 : index
      %parallel_loop3A_509 = tpu.vector_load %arg6[%parallel_loop3A_506, %parallel_loop3A_507, %parallel_loop3A_508] {strides = array<i32>} : memref<2x128x128xf32, #tpu.memory_space<vmem>>, vector<16xf32>,
      %parallel_loop3A_510 = arith.constant 4 : i32
      %parallel_loop3A_511 = arith.muli %parallel_loop3A_202, %parallel_loop3A_510 : i32
      %parallel_loop3A_512 = arith.constant 2 : i32
      %parallel_loop3A_513 = arith.addi %parallel_loop3A_511, %parallel_loop3A_512 : i32
      %parallel_loop3A_514 = arith.constant 1 : i32
      %parallel_loop3A_515 = arith.index_cast %parallel_loop3A_514 : i32 to index
      %parallel_loop3A_516 = arith.index_cast %parallel_loop3A_513 : i32 to index
      %parallel_loop3A_517 = arith.constant 96 : index
      %parallel_loop3A_518 = tpu.vector_load %arg6[%parallel_loop3A_515, %parallel_loop3A_516, %parallel_loop3A_517] {strides = array<i32>} : memref<2x128x128xf32, #tpu.memory_space<vmem>>, vector<16xf32>,
      %parallel_loop3A_519 = arith.constant 4 : i32
      %parallel_loop3A_520 = arith.muli %parallel_loop3A_202, %parallel_loop3A_519 : i32
      %parallel_loop3A_521 = arith.constant 3 : i32
      %parallel_loop3A_522 = arith.addi %parallel_loop3A_520, %parallel_loop3A_521 : i32
      %parallel_loop3A_523 = arith.constant 1 : i32
      %parallel_loop3A_524 = arith.index_cast %parallel_loop3A_523 : i32 to index
      %parallel_loop3A_525 = arith.index_cast %parallel_loop3A_522 : i32 to index
      %parallel_loop3A_526 = arith.constant 96 : index
      %parallel_loop3A_527 = tpu.vector_load %arg6[%parallel_loop3A_524, %parallel_loop3A_525, %parallel_loop3A_526] {strides = array<i32>} : memref<2x128x128xf32, #tpu.memory_space<vmem>>, vector<16xf32>,
      %parallel_loop3A_528 = arith.addf %parallel_loop3A_500, %parallel_loop3A_509 : vector<16xf32>
      %parallel_loop3A_529 = arith.addf %parallel_loop3A_518, %parallel_loop3A_527 : vector<16xf32>
      %parallel_loop3A_530 = arith.addf %parallel_loop3A_528, %parallel_loop3A_529 : vector<16xf32>
      %parallel_loop3A_531 = arith.index_cast %parallel_loop3A_233 : i32 to index
      %parallel_loop3A_532 = arith.index_cast %parallel_loop3A_231 : i32 to index
      %parallel_loop3A_533 = arith.constant 96 : index
      %parallel_loop3A_534 = tpu.vector_load %arg7[%parallel_loop3A_531, %parallel_loop3A_532, %parallel_loop3A_533] {strides = array<i32>} : memref<4x56x128xf32, #tpu.memory_space<vmem>>, vector<16xf32>,
      tpu.vector_store %arg7[%parallel_loop3A_531, %parallel_loop3A_532, %parallel_loop3A_533], %parallel_loop3A_530 {strides = array<i32>} : memref<4x56x128xf32, #tpu.memory_space<vmem>>, vector<16xf32>,
      %parallel_loop3A_535 = arith.constant 4 : i32
      %parallel_loop3A_536 = arith.muli %parallel_loop3A_202, %parallel_loop3A_535 : i32
      %parallel_loop3A_537 = arith.constant 0 : i32
      %parallel_loop3A_538 = arith.addi %parallel_loop3A_536, %parallel_loop3A_537 : i32
      %parallel_loop3A_539 = arith.constant 1 : i32
      %parallel_loop3A_540 = arith.index_cast %parallel_loop3A_539 : i32 to index
      %parallel_loop3A_541 = arith.index_cast %parallel_loop3A_538 : i32 to index
      %parallel_loop3A_542 = arith.constant 112 : index
      %parallel_loop3A_543 = tpu.vector_load %arg6[%parallel_loop3A_540, %parallel_loop3A_541, %parallel_loop3A_542] {strides = array<i32>} : memref<2x128x128xf32, #tpu.memory_space<vmem>>, vector<16xf32>,
      %parallel_loop3A_544 = arith.constant 4 : i32
      %parallel_loop3A_545 = arith.muli %parallel_loop3A_202, %parallel_loop3A_544 : i32
      %parallel_loop3A_546 = arith.constant 1 : i32
      %parallel_loop3A_547 = arith.addi %parallel_loop3A_545, %parallel_loop3A_546 : i32
      %parallel_loop3A_548 = arith.constant 1 : i32
      %parallel_loop3A_549 = arith.index_cast %parallel_loop3A_548 : i32 to index
      %parallel_loop3A_550 = arith.index_cast %parallel_loop3A_547 : i32 to index
      %parallel_loop3A_551 = arith.constant 112 : index
      %parallel_loop3A_552 = tpu.vector_load %arg6[%parallel_loop3A_549, %parallel_loop3A_550, %parallel_loop3A_551] {strides = array<i32>} : memref<2x128x128xf32, #tpu.memory_space<vmem>>, vector<16xf32>,
      %parallel_loop3A_553 = arith.constant 4 : i32
      %parallel_loop3A_554 = arith.muli %parallel_loop3A_202, %parallel_loop3A_553 : i32
      %parallel_loop3A_555 = arith.constant 2 : i32
      %parallel_loop3A_556 = arith.addi %parallel_loop3A_554, %parallel_loop3A_555 : i32
      %parallel_loop3A_557 = arith.constant 1 : i32
      %parallel_loop3A_558 = arith.index_cast %parallel_loop3A_557 : i32 to index
      %parallel_loop3A_559 = arith.index_cast %parallel_loop3A_556 : i32 to index
      %parallel_loop3A_560 = arith.constant 112 : index
      %parallel_loop3A_561 = tpu.vector_load %arg6[%parallel_loop3A_558, %parallel_loop3A_559, %parallel_loop3A_560] {strides = array<i32>} : memref<2x128x128xf32, #tpu.memory_space<vmem>>, vector<16xf32>,
      %parallel_loop3A_562 = arith.constant 4 : i32
      %parallel_loop3A_563 = arith.muli %parallel_loop3A_202, %parallel_loop3A_562 : i32
      %parallel_loop3A_564 = arith.constant 3 : i32
      %parallel_loop3A_565 = arith.addi %parallel_loop3A_563, %parallel_loop3A_564 : i32
      %parallel_loop3A_566 = arith.constant 1 : i32
      %parallel_loop3A_567 = arith.index_cast %parallel_loop3A_566 : i32 to index
      %parallel_loop3A_568 = arith.index_cast %parallel_loop3A_565 : i32 to index
      %parallel_loop3A_569 = arith.constant 112 : index
      %parallel_loop3A_570 = tpu.vector_load %arg6[%parallel_loop3A_567, %parallel_loop3A_568, %parallel_loop3A_569] {strides = array<i32>} : memref<2x128x128xf32, #tpu.memory_space<vmem>>, vector<16xf32>,
      %parallel_loop3A_571 = arith.addf %parallel_loop3A_543, %parallel_loop3A_552 : vector<16xf32>
      %parallel_loop3A_572 = arith.addf %parallel_loop3A_561, %parallel_loop3A_570 : vector<16xf32>
      %parallel_loop3A_573 = arith.addf %parallel_loop3A_571, %parallel_loop3A_572 : vector<16xf32>
      %parallel_loop3A_574 = arith.index_cast %parallel_loop3A_233 : i32 to index
      %parallel_loop3A_575 = arith.index_cast %parallel_loop3A_231 : i32 to index
      %parallel_loop3A_576 = arith.constant 112 : index
      %parallel_loop3A_577 = tpu.vector_load %arg7[%parallel_loop3A_574, %parallel_loop3A_575, %parallel_loop3A_576] {strides = array<i32>} : memref<4x56x128xf32, #tpu.memory_space<vmem>>, vector<16xf32>,
      tpu.vector_store %arg7[%parallel_loop3A_574, %parallel_loop3A_575, %parallel_loop3A_576], %parallel_loop3A_573 {strides = array<i32>} : memref<4x56x128xf32, #tpu.memory_space<vmem>>, vector<16xf32>,
    } {sc.loop_unroll_factor = 2 : i64, sc.parallel_access}
    %add3A_117 = arith.constant 127 : i32
    %add3A_118 = arith.addi %mul3A_2, %add3A_117 : i32
    %mul3A_119 = arith.constant 56 : i32
    %mul3A_120 = arith.muli %add3A_118, %mul3A_119 : i32
    %dma_start3A_121 = arith.constant 3 : i32
    %dma_start3A_122 = arith.constant 0 : i32
    %dma_start3A_123 = arith.constant 0 : i32
    %dma_start3A_124 = tpu.memref_slice %arg7[%dma_start3A_121, %dma_start3A_122, %dma_start3A_123] : memref<4x56x128xf32, #tpu.memory_space<vmem>> -> memref<1x56x128xf32, #tpu.memory_space<vmem>>
    %dma_start3A_125 = tpu.memref_squeeze %dma_start3A_124 : memref<1x56x128xf32, #tpu.memory_space<vmem>> -> memref<56x128xf32, #tpu.memory_space<vmem>>
    %dma_start3A_126 = arith.constant 0 : i32
    %dma_start3A_127 = tpu.memref_slice %arg4[%mul3A_120, %dma_start3A_126] : memref<229376x128xf32, #tpu.memory_space<hbm>> -> memref<56x128xf32, #tpu.memory_space<hbm>>
    %dma_start3A_128 = arith.constant 0 : i32
    %dma_start3A_129 = tpu.memref_slice %arg4[%mul3A_120, %dma_start3A_128] : memref<229376x128xf32, #tpu.memory_space<hbm>> -> memref<56x128xf32, #tpu.memory_space<hbm>>
    %dma_start3A_130 = arith.constant 0 : i32
    %dma_start3A_131 = arith.constant 0 : i32
    %dma_start3A_132 = tpu.memref_slice %arg7[%dma_start3A_121, %dma_start3A_130, %dma_start3A_131] : memref<4x56x128xf32, #tpu.memory_space<vmem>> -> memref<1x56x128xf32, #tpu.memory_space<vmem>>
    %dma_start3A_133 = tpu.memref_squeeze %dma_start3A_132 : memref<1x56x128xf32, #tpu.memory_space<vmem>> -> memref<56x128xf32, #tpu.memory_space<vmem>>
    tpu.enqueue_dma source(%dma_start3A_133 : memref<56x128xf32, #tpu.memory_space<vmem>>) target(%dma_start3A_129 : memref<56x128xf32, #tpu.memory_space<hbm>>) target_semaphore(%arg13 : memref<!tpu.dma_semaphore, #tpu.memory_space<semaphore_mem>>)
    %add3A_134 = arith.constant 124 : i32
    %add3A_135 = arith.addi %mul3A_2, %add3A_134 : i32
    %mul3A_136 = arith.constant 56 : i32
    %mul3A_137 = arith.muli %add3A_135, %mul3A_136 : i32
    %dma_wait3A_138 = arith.constant 0 : i32
    %dma_wait3A_139 = arith.constant 0 : i32
    %dma_wait3A_140 = arith.constant 0 : i32
    %dma_wait3A_141 = tpu.memref_slice %arg7[%dma_wait3A_138, %dma_wait3A_139, %dma_wait3A_140] : memref<4x56x128xf32, #tpu.memory_space<vmem>> -> memref<1x56x128xf32, #tpu.memory_space<vmem>>
    %dma_wait3A_142 = tpu.memref_squeeze %dma_wait3A_141 : memref<1x56x128xf32, #tpu.memory_space<vmem>> -> memref<56x128xf32, #tpu.memory_space<vmem>>
    %dma_wait3A_143 = arith.constant 0 : i32
    %dma_wait3A_144 = tpu.memref_slice %arg4[%mul3A_137, %dma_wait3A_143] : memref<229376x128xf32, #tpu.memory_space<hbm>> -> memref<56x128xf32, #tpu.memory_space<hbm>>
    %dma_wait3A_145 = arith.constant 0 : i32
    %dma_wait3A_146 = tpu.memref_slice %arg4[%mul3A_137, %dma_wait3A_145] : memref<229376x128xf32, #tpu.memory_space<hbm>> -> memref<56x128xf32, #tpu.memory_space<hbm>>
    %dma_wait3A_147 = arith.constant 0 : i32
    %dma_wait3A_148 = arith.constant 0 : i32
    %dma_wait3A_149 = tpu.memref_slice %arg7[%dma_wait3A_138, %dma_wait3A_147, %dma_wait3A_148] : memref<4x56x128xf32, #tpu.memory_space<vmem>> -> memref<1x56x128xf32, #tpu.memory_space<vmem>>
    %dma_wait3A_150 = tpu.memref_squeeze %dma_wait3A_149 : memref<1x56x128xf32, #tpu.memory_space<vmem>> -> memref<56x128xf32, #tpu.memory_space<vmem>>
    tpu.wait_dma2 semaphore(%arg10 : memref<!tpu.dma_semaphore, #tpu.memory_space<semaphore_mem>>) src(%dma_wait3A_150 : memref<56x128xf32, #tpu.memory_space<vmem>>) dst(%dma_wait3A_146 : memref<56x128xf32, #tpu.memory_space<hbm>>)
    %add3A_151 = arith.constant 125 : i32
    %add3A_152 = arith.addi %mul3A_2, %add3A_151 : i32
    %mul3A_153 = arith.constant 56 : i32
    %mul3A_154 = arith.muli %add3A_152, %mul3A_153 : i32
    %dma_wait3A_155 = arith.constant 1 : i32
    %dma_wait3A_156 = arith.constant 0 : i32
    %dma_wait3A_157 = arith.constant 0 : i32
    %dma_wait3A_158 = tpu.memref_slice %arg7[%dma_wait3A_155, %dma_wait3A_156, %dma_wait3A_157] : memref<4x56x128xf32, #tpu.memory_space<vmem>> -> memref<1x56x128xf32, #tpu.memory_space<vmem>>
    %dma_wait3A_159 = tpu.memref_squeeze %dma_wait3A_158 : memref<1x56x128xf32, #tpu.memory_space<vmem>> -> memref<56x128xf32, #tpu.memory_space<vmem>>
    %dma_wait3A_160 = arith.constant 0 : i32
    %dma_wait3A_161 = tpu.memref_slice %arg4[%mul3A_154, %dma_wait3A_160] : memref<229376x128xf32, #tpu.memory_space<hbm>> -> memref<56x128xf32, #tpu.memory_space<hbm>>
    %dma_wait3A_162 = arith.constant 0 : i32
    %dma_wait3A_163 = tpu.memref_slice %arg4[%mul3A_154, %dma_wait3A_162] : memref<229376x128xf32, #tpu.memory_space<hbm>> -> memref<56x128xf32, #tpu.memory_space<hbm>>
    %dma_wait3A_164 = arith.constant 0 : i32
    %dma_wait3A_165 = arith.constant 0 : i32
    %dma_wait3A_166 = tpu.memref_slice %arg7[%dma_wait3A_155, %dma_wait3A_164, %dma_wait3A_165] : memref<4x56x128xf32, #tpu.memory_space<vmem>> -> memref<1x56x128xf32, #tpu.memory_space<vmem>>
    %dma_wait3A_167 = tpu.memref_squeeze %dma_wait3A_166 : memref<1x56x128xf32, #tpu.memory_space<vmem>> -> memref<56x128xf32, #tpu.memory_space<vmem>>
    tpu.wait_dma2 semaphore(%arg11 : memref<!tpu.dma_semaphore, #tpu.memory_space<semaphore_mem>>) src(%dma_wait3A_167 : memref<56x128xf32, #tpu.memory_space<vmem>>) dst(%dma_wait3A_163 : memref<56x128xf32, #tpu.memory_space<hbm>>)
    %add3A_168 = arith.constant 126 : i32
    %add3A_169 = arith.addi %mul3A_2, %add3A_168 : i32
    %mul3A_170 = arith.constant 56 : i32
    %mul3A_171 = arith.muli %add3A_169, %mul3A_170 : i32
    %dma_wait3A_172 = arith.constant 2 : i32
    %dma_wait3A_173 = arith.constant 0 : i32
    %dma_wait3A_174 = arith.constant 0 : i32
    %dma_wait3A_175 = tpu.memref_slice %arg7[%dma_wait3A_172, %dma_wait3A_173, %dma_wait3A_174] : memref<4x56x128xf32, #tpu.memory_space<vmem>> -> memref<1x56x128xf32, #tpu.memory_space<vmem>>
    %dma_wait3A_176 = tpu.memref_squeeze %dma_wait3A_175 : memref<1x56x128xf32, #tpu.memory_space<vmem>> -> memref<56x128xf32, #tpu.memory_space<vmem>>
    %dma_wait3A_177 = arith.constant 0 : i32
    %dma_wait3A_178 = tpu.memref_slice %arg4[%mul3A_171, %dma_wait3A_177] : memref<229376x128xf32, #tpu.memory_space<hbm>> -> memref<56x128xf32, #tpu.memory_space<hbm>>
    %dma_wait3A_179 = arith.constant 0 : i32
    %dma_wait3A_180 = tpu.memref_slice %arg4[%mul3A_171, %dma_wait3A_179] : memref<229376x128xf32, #tpu.memory_space<hbm>> -> memref<56x128xf32, #tpu.memory_space<hbm>>
    %dma_wait3A_181 = arith.constant 0 : i32
    %dma_wait3A_182 = arith.constant 0 : i32
    %dma_wait3A_183 = tpu.memref_slice %arg7[%dma_wait3A_172, %dma_wait3A_181, %dma_wait3A_182] : memref<4x56x128xf32, #tpu.memory_space<vmem>> -> memref<1x56x128xf32, #tpu.memory_space<vmem>>
    %dma_wait3A_184 = tpu.memref_squeeze %dma_wait3A_183 : memref<1x56x128xf32, #tpu.memory_space<vmem>> -> memref<56x128xf32, #tpu.memory_space<vmem>>
    tpu.wait_dma2 semaphore(%arg12 : memref<!tpu.dma_semaphore, #tpu.memory_space<semaphore_mem>>) src(%dma_wait3A_184 : memref<56x128xf32, #tpu.memory_space<vmem>>) dst(%dma_wait3A_180 : memref<56x128xf32, #tpu.memory_space<hbm>>)
    %add3A_185 = arith.constant 127 : i32
    %add3A_186 = arith.addi %mul3A_2, %add3A_185 : i32
    %mul3A_187 = arith.constant 56 : i32
    %mul3A_188 = arith.muli %add3A_186, %mul3A_187 : i32
    %dma_wait3A_189 = arith.constant 3 : i32
    %dma_wait3A_190 = arith.constant 0 : i32
    %dma_wait3A_191 = arith.constant 0 : i32
    %dma_wait3A_192 = tpu.memref_slice %arg7[%dma_wait3A_189, %dma_wait3A_190, %dma_wait3A_191] : memref<4x56x128xf32, #tpu.memory_space<vmem>> -> memref<1x56x128xf32, #tpu.memory_space<vmem>>
    %dma_wait3A_193 = tpu.memref_squeeze %dma_wait3A_192 : memref<1x56x128xf32, #tpu.memory_space<vmem>> -> memref<56x128xf32, #tpu.memory_space<vmem>>
    %dma_wait3A_194 = arith.constant 0 : i32
    %dma_wait3A_195 = tpu.memref_slice %arg4[%mul3A_188, %dma_wait3A_194] : memref<229376x128xf32, #tpu.memory_space<hbm>> -> memref<56x128xf32, #tpu.memory_space<hbm>>
    %dma_wait3A_196 = arith.constant 0 : i32
    %dma_wait3A_197 = tpu.memref_slice %arg4[%mul3A_188, %dma_wait3A_196] : memref<229376x128xf32, #tpu.memory_space<hbm>> -> memref<56x128xf32, #tpu.memory_space<hbm>>
    %dma_wait3A_198 = arith.constant 0 : i32
    %dma_wait3A_199 = arith.constant 0 : i32
    %dma_wait3A_200 = tpu.memref_slice %arg7[%dma_wait3A_189, %dma_wait3A_198, %dma_wait3A_199] : memref<4x56x128xf32, #tpu.memory_space<vmem>> -> memref<1x56x128xf32, #tpu.memory_space<vmem>>
    %dma_wait3A_201 = tpu.memref_squeeze %dma_wait3A_200 : memref<1x56x128xf32, #tpu.memory_space<vmem>> -> memref<56x128xf32, #tpu.memory_space<vmem>>
    tpu.wait_dma2 semaphore(%arg13 : memref<!tpu.dma_semaphore, #tpu.memory_space<semaphore_mem>>) src(%dma_wait3A_201 : memref<56x128xf32, #tpu.memory_space<vmem>>) dst(%dma_wait3A_197 : memref<56x128xf32, #tpu.memory_space<hbm>>)
    return
  }
}

module attributes {stable_mosaic.version = 14 : i64} {
  func.func @_pair_table_kernel(%arg0: i32, %arg1: memref<2x100x128xf32, #tpu.memory_space<vmem>>, %arg2: memref<1x100x104x128xf32, #tpu.memory_space<vmem>>) attributes {dimension_semantics = [#tpu.dimension_semantics<arbitrary>], iteration_bounds = array<i64: 4>, scalar_prefetch = 0 : i64, scratch_operands = 0 : i64, tpu.core_type = #tpu.core_type<tc>, window_params = [{transform_indices = @transform_0, window_bounds = array<i64: 2, 100, 128>}, {transform_indices = @transform_1, window_bounds = array<i64: 1, 100, 104, 128>}]} {
    %get3A = arith.constant 0 : index
    %get3A_0 = arith.constant 0 : index
    %get3A_1 = arith.constant 0 : index
    %get3A_2 = vector.load %arg1[%get3A, %get3A_0, %get3A_1] : memref<2x100x128xf32, #tpu.memory_space<vmem>>, vector<1x100x128xf32>
    %get3A_3 = vector.shape_cast %get3A_2 : vector<1x100x128xf32> to vector<100x128xf32>
    %get3A_4 = arith.constant 1 : index
    %get3A_5 = arith.constant 0 : index
    %get3A_6 = arith.constant 0 : index
    %get3A_7 = vector.load %arg1[%get3A_4, %get3A_5, %get3A_6] : memref<2x100x128xf32, #tpu.memory_space<vmem>>, vector<1x100x128xf32>
    %get3A_8 = vector.shape_cast %get3A_7 : vector<1x100x128xf32> to vector<100x128xf32>
    %broadcast_in_dim3A = vector.shape_cast %get3A_3 : vector<100x128xf32> to vector<100x1x128xf32>
    %broadcast_in_dim3A_9 = vector.shape_cast %get3A_8 : vector<100x128xf32> to vector<1x100x128xf32>
    %add3A = vector.broadcast %broadcast_in_dim3A : vector<100x1x128xf32> to vector<100x100x128xf32>
    %add3A_10 = vector.broadcast %broadcast_in_dim3A_9 : vector<1x100x128xf32> to vector<100x100x128xf32>
    %add3A_11 = arith.addf %add3A, %add3A_10 : vector<100x100x128xf32>
    %swap3A = arith.constant 0 : index
    %swap3A_12 = arith.constant 0 : index
    %swap3A_13 = arith.constant 0 : index
    %swap3A_14 = arith.constant 0 : index
    %swap3A_15 = vector.load %arg2[%swap3A, %swap3A_12, %swap3A_13, %swap3A_14] : memref<1x100x104x128xf32, #tpu.memory_space<vmem>>, vector<1x100x100x128xf32>
    %swap3A_16 = vector.shape_cast %swap3A_15 : vector<1x100x100x128xf32> to vector<100x100x128xf32>
    %swap3A_17 = vector.shape_cast %add3A_11 : vector<100x100x128xf32> to vector<1x100x100x128xf32>
    tpu.vector_store %arg2[%swap3A, %swap3A_12, %swap3A_13, %swap3A_14], %swap3A_17 {strides = array<i32>} : memref<1x100x104x128xf32, #tpu.memory_space<vmem>>, vector<1x100x100x128xf32>,
    return
  }
  func.func @transform_0(%arg0: i32) -> (i32, i32, i32) {
    %c0_i32 = arith.constant 0 : i32
    %c0_i32_0 = arith.constant 0 : i32
    %c0_i32_1 = arith.constant 0 : i32
    return %arg0, %c0_i32, %c0_i32_0 : i32, i32, i32
  }
  func.func @transform_1(%arg0: i32) -> (i32, i32, i32, i32) {
    %c0_i32 = arith.constant 0 : i32
    %c0_i32_0 = arith.constant 0 : i32
    %c0_i32_1 = arith.constant 0 : i32
    %c0_i32_2 = arith.constant 0 : i32
    return %arg0, %c0_i32, %c0_i32_0, %c0_i32_1 : i32, i32, i32, i32
  }
}

</mosaic_0001>

<sc_bundles>
// kernel: kernel.4.cloned.1.call-start
scs
__scs_entry_jumppad:
0x0: {  	(pc) =	sbr.rel $0x88, $3  }
0x1: {  	(tag) =	ssettag $0x0;
	lr =	simm.s32 $0x1  }
0x2: {  	[smem:$0x3F9F] =	sst lr;
	_ =	strace $0xD0000000  }
0x3: {  	_ = 	snop  }
0x4: {  	_ = 	snop  }
0x5: {  	_ = 	snop  }
0x6: {  	_ = 	snop  }
0x7: {  	_ = 	snop  }
__scs_overlays_trampoline_lowered:
0x8: {  	[smem:$0x3FAE] =	sst s0  }
0x9: {  	[smem:$0x3FAF] =	sst s1  }
0xa: {  	[smem:$0x3FB0] =	sst s2  }
0xb: {  	[smem:$0x3FB1] =	sst s3  }
0xc: {  	[smem:$0x3FB2] =	sst s4  }
0xd: {  	[smem:$0x3FB3] =	sst s5  }
0xe: {  	[smem:$0x3FB4] =	sst s6  }
0xf: {  	[smem:$0x3FB5] =	sst s7  }
0x10: {  	[smem:$0x3FB6] =	sst s8  }
0x11: {  	[smem:$0x3FB7] =	sst s9;
	s0 =	simm.s32 @!p0 $0x0  }
0x12: {  	s1 =	sld [smem:$0x3F9D];
	s0 =	simm.s32 @p0 $0x1  }
0x13: {  	[smem:$0x3FB8] =	sst s0;
	s0 =	simm.s32 @!p1 $0x0  }
0x14: {  	s2 =	sld [smem:$0x3F9C];
	s0 =	simm.s32 @p1 $0x1  }
0x15: {  	[smem:$0x3FB9] =	sst s0;
	s0 =	simm.s32 @!p2 $0x0  }
0x16: {  	s3 =	sld [smem:$0x3FDB];
	s0 =	simm.s32 @p2 $0x1  }
0x17: {  	s4 =	simm.s32 $0x1BF5;
	[smem:$0x3FBB] =	sst s0  }
0x18: {  	s0 =	sld [smem:$0x3F9E];
	_ =	swait.ge [sflag:s4], $0x0  }
0x19: {  	s7 =	sld [smem:$0x3F9F]  }
0x1a: {  	s8 =	sadd.s32 $0xFFFFE003, lr  }
0x1b: {  	s9 =	sadd.s32 $0xFFFFFEF7, lr;
	s5 =	simm.s32 $0xFFFFFFFF;
	p2 =	slt.u32 s8, $0xFFFFF086  }
0x1c: {  	p1 =	slt.u32 s9, $0xF7A;
	s5 =	simm.s32 @!p2 $0x0  }
0x1d: {  	s5 =	simm.s32 @p1 $0x1;
	p0 =	seq.s32 s7, s2  }
0x1e: {  	s7 =	smul.u32 @!p0 $0xF7A, s2;
	p2 =	seq.s32 @!p0 s5, $0x0  }
0x1f: {  	s9 =	smul.u32 $0xF7A, s1;
	s8 =	simm.s32 @!p0 $0x1BF5;
	p2 =	por !p2, p0  }
0x20: {  	[sflag:s8] =	ssyncset.s32 @!p0 $0xFFFFF086;
	s6 =	sadd.s32 @!p0 s3, s7;
	s7 =	simm.s32 @!p0 $0x108  }
0x21: {  	s3 =	sadd.s32 s3, s9;
	s6 =	sadd.s32 @!p0 $0x88, s6;
	s7 =	simm.s32 @p2 $0x1082  }
0x22: {  	[simem:s7], [sflag:s8] =	dma.local @!p0 [hbm:s6], $0xF7A  }
0x23: {  	s9 =	sor.u32 $0xD0000000, s2;
	s6 =	simm.s32 $0x108;
	_ =	swait.ge @!p0 [sflag:s8], $0x0  }
0x24: {  	s3 =	sadd.s32 $0x88, s3;
	s6 =	simm.s32 @!p1 $0x1082;
	[sflag:s4] =	ssyncset.s32 $0xFFFFF086  }
0x25: {  	[simem:s6], [sflag:s4] =	dma.local [hbm:s3], $0xF7A  }
0x26: {  	[smem:$0x3F9F] =	sst s1;
	(tag) =	ssettag s2;
	_ =	strace s9  }
0x27: {  	s1 =	sld [smem:$0x3FAF]  }
0x28: {  	s2 =	sld [smem:$0x3FB0]  }
0x29: {  	s4 =	sld [smem:$0x3FB2]  }
0x2a: {  	p0 =	seq.s32 s5, $0x0;
	s5 =	sld [smem:$0x3FB3]  }
0x2b: {  	s6 =	sld [smem:$0x3FB4]  }
0x2c: {  	s7 =	sld [smem:$0x3FB5]  }
0x2d: {  	s3 =	simm.s32 $0x108;
	s8 =	sld [smem:$0x3FB6]  }
0x2e: {  	s3 =	simm.s32 @!p0 $0x1082;
	s9 =	sld [smem:$0x3FB7]  }
0x2f: {  	lr =	sadd.s32 s0, s3;
	s0 =	sld [smem:$0x3FAE]  }
0x30: {  	s3 =	sld [smem:$0x3FB1]  }
0x31: {  	[smem:$0x3FBA] =	sst s10  }
0x32: {  	s10 =	sld [smem:$0x3FB8];
	_ =	sdelay $0x3  }
0x33: {  	p0 =	seq.s32 s10, $0x1;
	s10 =	sld [smem:$0x3FBA];
	_ =	sdelay $0x3  }
0x34: {  	[smem:$0x3FBA] =	sst s10  }
0x35: {  	s10 =	sld [smem:$0x3FB9];
	_ =	sdelay $0x3  }
0x36: {  	p1 =	seq.s32 s10, $0x1;
	s10 =	sld [smem:$0x3FBA];
	_ =	sdelay $0x3  }
0x37: {  	[smem:$0x3FBA] =	sst s10  }
0x38: {  	s10 =	sld [smem:$0x3FBB]  }
0x39: {  	_ = 	snop;
	(pc) =	sbr.ind lr, $3  }
0x3a: {  	_ = 	snop  }
0x3b: {  	_ = 	snop  }
0x3c: {  	p2 =	seq.s32 s10, $0x1;
	s10 =	sld [smem:$0x3FBA]  }
0x3d: {  	_ =	shalt  }
0x3e: {  	_ =	shalt  }
0x3f: {  	_ =	shalt  }
0x40: {  	_ =	shalt  }
0x41: {  	_ =	shalt  }
0x42: {  	_ =	shalt  }
0x43: {  	_ =	shalt  }
0x44: {  	_ =	shalt  }
0x45: {  	_ =	shalt  }
0x46: {  	_ =	shalt  }
0x47: {  	_ =	shalt  }
0x48: {  	_ =	shalt  }
0x49: {  	_ =	shalt  }
0x4a: {  	_ =	shalt  }
0x4b: {  	_ =	shalt  }
0x4c: {  	_ =	shalt  }
0x4d: {  	_ =	shalt  }
0x4e: {  	_ =	shalt  }
0x4f: {  	_ =	shalt  }
0x50: {  	_ =	shalt  }
0x51: {  	_ =	shalt  }
0x52: {  	_ =	shalt  }
0x53: {  	_ =	shalt  }
0x54: {  	_ =	shalt  }
0x55: {  	_ =	shalt  }
0x56: {  	_ =	shalt  }
0x57: {  	_ =	shalt  }
0x58: {  	_ =	shalt  }
0x59: {  	_ =	shalt  }
0x5a: {  	_ =	shalt  }
0x5b: {  	_ =	shalt  }
0x5c: {  	_ =	shalt  }
0x5d: {  	_ =	shalt  }
0x5e: {  	_ =	shalt  }
0x5f: {  	_ =	shalt  }
0x60: {  	_ =	shalt  }
0x61: {  	_ =	shalt  }
0x62: {  	_ =	shalt  }
0x63: {  	_ =	shalt  }
0x64: {  	_ =	shalt  }
0x65: {  	_ =	shalt  }
0x66: {  	_ =	shalt  }
0x67: {  	_ =	shalt  }
0x68: {  	_ =	shalt  }
0x69: {  	_ =	shalt  }
0x6a: {  	_ =	shalt  }
0x6b: {  	_ =	shalt  }
0x6c: {  	_ =	shalt  }
0x6d: {  	_ =	shalt  }
0x6e: {  	_ =	shalt  }
0x6f: {  	_ =	shalt  }
0x70: {  	_ =	shalt  }
0x71: {  	_ =	shalt  }
0x72: {  	_ =	shalt  }
0x73: {  	_ =	shalt  }
0x74: {  	_ =	shalt  }
0x75: {  	_ =	shalt  }
0x76: {  	_ =	shalt  }
0x77: {  	_ =	shalt  }
0x78: {  	_ =	shalt  }
0x79: {  	_ =	shalt  }
0x7a: {  	_ =	shalt  }
0x7b: {  	_ =	shalt  }
0x7c: {  	_ =	shalt  }
0x7d: {  	_ =	shalt  }
0x7e: {  	_ =	shalt  }
0x7f: {  	_ =	shalt  }
0x80: {  	_ =	shalt  }
0x81: {  	_ =	shalt  }
0x82: {  	_ =	shalt  }
0x83: {  	_ =	shalt  }
0x84: {  	_ =	shalt  }
0x85: {  	_ =	shalt  }
0x86: {  	_ =	shalt  }
0x87: {  	_ =	shalt  }
.Lfunc_end0:
.L_simem_size_0:
called_computation.1_lowered:
.L_overlay_start_0:
0x88: {  	s2 =	sld [smem:$0x3FD9]  }
0x89: {  	s3 =	sld [smem:$0x3FFE];
	_ =	sdelay $0x1  }
0x8a: {  	s1 =	srdreg.scid  }
0x8b: {  	s0 =	sand.u32 $0x1, s1  }
0x8c: {  	s17 =	sshll.u32 s0, $0xA;
	s2 =	sadd.s32 s3, s2  }
0x8d: {  	s2 =	sadd.s32 s2, s17  }
0x8e: {  	[smem:$0x3FC6] =	sst s2  }
0x8f: {  	_ = 	snop  }
0x90: {  	s2 =	sld [smem:$0x3FD0];
	(tm) =	ssettm $0x1  }
0x91: {  	s18 =	sld [smem:$0x3FFB];
	_ =	sdelay $0x3  }
0x92: {  	_ =	strace s18  }
0x93: {  	s3 =	sld [smem:$0x3FFC];
	_ =	sdelay $0x3  }
0x94: {  	_ =	strace s3  }
0x95: {  	s3 =	sld [smem:$0x3FFD];
	_ =	sdelay $0x3  }
0x96: {  	_ =	strace s3  }
0x97: {  	_ =	strace $0x8FFFFFFF  }
0x98: {  	s19 =	sld [smem:$0x3FDB];
	_ =	sdelay $0x1  }
0x99: {  	s4 =	simm.s32 $_scs_section_size  }
0x9a: {  	s5 =	simm.s32 $_size__tile_overlayer_lowered;
	s6 =	simm.s32 $_tile_overlayer_lowered  }
0x9b: {  	s22 =	simm.s32 $0x1BFF;
	s21 =	sshll.u32 s6, $0x1;
	s3 =	sadd.s32 s4, s19  }
0x9c: {  	s7 =	simm.s32 $0x0;
	s20 =	sshll.u32 s5, $0x1;
	s5 =	sadd.s32 s21, s3  }
0x9d: {  	[timem:s7], [sflag:s22] =	dma.local [hbm:s5], s20  }
0x9e: {  	_ =	swait.ge [sflag:s22], s20  }
0x9f: {  	s4 =	ssub.s32 $0x0, s20;
	[sflag:s22] =	ssyncset.done $0x0  }
0xa0: {  	[sflag:s22] =	ssyncadd.s32 s4;
	_ =	sdelay $0x1  }
0xa1: {  	s23 =	simm.s32 $0x1B8B  }
0xa2: {  	_ =	swait.ge [sflag:s23], $0x1  }
0xa3: {  	[sflag:s23] =	ssyncset.done $0x0  }
0xa4: {  	s25 =	simm.s32 $0x1B8E;
	s24 =	sld [smem:$0x3FFE];
	[sflag:s23] =	ssyncadd.s32 $0xFFFFFFFF  }
0xa5: {  	s26 =	simm.s32 $execute0_lowered;
	[smem:$0x3FD2] =	sst s25  }
0xa6: {  	s5 =	sshll.u32 s26, $0x1;
	_ =	strace $0x80000046;
	[dreg:$0x1] =	wrdreg $0xFFFFFFFF  }
0xa7: {  	s28 =	simm.s32 $_size_execute0_lowered;
	s3 =	sadd.s32 s3, s5;
	[dreg:$0x0] =	wrdreg $0x0  }
0xa8: {  	s5 =	sshll.u32 s28, $0x1;
	[dreg:$0x2] =	wrdreg s3  }
0xa9: {  	[dreg:$0x3] =	wrdreg s5  }
0xaa: {  	[dreg:$0x4] =	wrdreg $0xC0  }
0xab: {  	_ =	task [dreg:s7], $0x5FFFF  }
0xac: {  	[dreg:$0x1] =	wrdreg $0xFFFFFFFF  }
0xad: {  	[dreg:$0x0] =	wrdreg $0x60  }
0xae: {  	[dreg:$0x2] =	wrdreg s24  }
0xaf: {  	[dreg:$0x3] =	wrdreg s2  }
0xb0: {  	[dreg:$0x4] =	wrdreg $0x9  }
0xb1: {  	_ =	task.clear_ibuf [dreg:s7], $0x5FFFF;
	_ =	strace $0x90000046  }
0xb2: {  	s29 =	simm.s32 $0x9;
	_ =	strace $0x80000048  }
0xb3: {  	_ =	swait.ge [sflag:s29], $0x1  }
0xb4: {  	[sflag:s29] =	ssyncadd.s32 $0xFFFFFFFF  }
0xb5: {  	_ =	strace $0x90000048  }
0xb6: {  	_ =	sfence  }
0xb7: {  	s30 =	sld [smem:$0x0];
	_ =	sdelay $0x2  }
0xb8: {  	s31 =	sshll.u32 s1, $0xD;
	s1 =	sshrl.u32 s1, $0x2  }
0xb9: {  	s3 =	sand.u32 $0x4000, s31;
	s1 =	sadd.s32 s1, s30  }
0xba: {  	s0 =	sor.u32 s3, s0;
	s1 =	sshll.u32 s1, $0x11  }
0xbb: {  	s0 =	sor.u32 s1, s0  }
0xbc: {  	s0 =	sadd.s32 $0x8F2B, s0  }
0xbd: {  	[sflag:s0] =	ssyncadd.remote.s32 $0x1  }
0xbe: {  	_ =	sfence.sel $0xFFFF  }
0xbf: {  	[dreg:$0x0] =	wrdreg $0xFFFFFFFF;
	(pc) =	sbr.abs _section_cstart, $3  }
0xc0: {  	[dreg:$0x1] =	wrdreg $0xFFFFFFFF  }
0xc1: {  	_ =	task.clear_ibuf [dreg:s7], $0x2FFFF;
	_ =	strace $0x9FFFFFFF  }
0xc2: {  	(tm) =	ssettm $0x7FFFFFFF  }
0xc3: {  	_ =	shalt  }
tec
execute0_lowered:
.L_overlay_start_1:
0x0: {  	(tag) =	ssettag $0x1  }
0x1: {  	s0 =	srdreg.scid;
	s2 =	stileid.u32  }
0x2: {  	s1 =	rddreg [dreg:$0x0];
	s0 =	sand.u32 $0x1, s0;
	s3 =	sshll.u32 s2, $0x1  }
0x3: {  	s12 =	rddreg [dreg:$0x1];
	s11 =	simm.s32 $0x80;
	s5 =	sor.u32 s0, s3  }
0x4: {  	s3 =	simm.s32 $0x0;
	s0 =	ssub.s32 $0x2, s0;
	s4 =	smul.u32 $0x1900, s5  }
0x5: {  	[smem:$0x7FF] =	sst s3;
	s6 =	smul.u32 $0xE0000, s5;
	s8 =	sshrl.u32 s0, $0x1  }
0x6: {  	_ =	strace $0x80000047;
	s0 =	ssub.s32 s0, s8;
	s7 =	sadd.s32 s4, s1  }
0x7: {  	s4 =	sadd.s32 $0x1200, s1;
	s29 =	sshrl.u32 s6, $0x3;
	s0 =	smax.u32 s0, $0x1  }
0x8: {  	v0 =	vlaneseq.u32;
	s30 =	sadd.s32 $0x381200, s7;
	s1 =	sadd.s32 s4, s29;
	[dreg:$0x6] =	wrdreg s0  }
0x9: {  	s15 =	simm.s32 $0x1;
	v1 =	vmul.u32 $0x2, v0;
	[dreg:$0x3] =	wrdreg s30;
	s31 =	sadd.s32 $0x1B900, s1  }
0xa: {  	s17 =	simm.s32 $0x2;
	v3 =	vand.u32 $0x3, v0;
	s1 =	sadd.s32 $0x1BC80, s1;
	[dreg:$0x4] =	wrdreg s31  }
0xb: {  	v3 =	vmul.u32 $0x28A0, v3;
	s5 =	sshll.u32 s5, $0x7;
	v2 =	vor.u32 $0x1, v1;
	[dreg:$0x5] =	wrdreg s1;
	s1 =	simm.s32 $0x0  }
.LBB2_1:
0xc: {  	[dreg:$0x7] =	wrdreg s1  }
0xd: {  	v4 =	vor.u32 s3, v1;
	s0 =	rddreg [dreg:$0x3];
	s31 =	simm.s32 $0x7  }
0xe: {  	[tilespmem:s3], [sflag:$0x7] =	stream.linear.gather [hbm4b:s0+s3], $0xC800, $0x38;
	[tilespmem:$0x1B800] =	vst v63  }
0xf: {  	v5 =	vor.u32 s3, v2;
	_ =	swait.ge [sflag:s31], $0xC800  }
0x10: {  	[sflag:s31] =	ssyncset.done $0x0  }
0x11: {  	[sflag:s31] =	ssyncadd.s32 $0xFFFF3800  }
0x12: {  	v7 =	vld.idx.msk [tilespmem:v4+s3+$0x0], $0xffff;
	_ =	sdelay $0x1  }
0x13: {  	v6 =	vld.idx.msk [tilespmem:v5+s3+$0x0], $0xffff;
	_ =	sdelay $0x1  }
0x14: {  	s1 =	simm.s32 $0x20;
	v4 =	vor.u32 s3, v0  }
0x15: {  	s6 =	simm.s32 $0x40;
	s0 =	simm.s32 $0x0;
	v5 =	vor.u32 s1, v1;
	v7 =	vmul.u32 $0x68, v7  }
.LBB2_2:
0x16: {  	p0 =	sne.s32 s6, $0xC7E0  }
0x17: {  	v8 =	vor.u32 s1, v2;
	s1 =	smov.u32 s6;
	v6 =	vadd.s32 v7, v6  }
0x18: {  	v6 =	vadd.s32 v3, v6  }
0x19: {  	[tilespmem:v4+s3+$0x0] =	vst.idx.msk $0xffff, v6  }
0x1a: {  	v7 =	vld.idx.msk [tilespmem:v5+s3+$0x0], $0xffff;
	_ =	sdelay $0x1  }
.Ltmp0:
0x1b: {  	v6 =	vld.idx.msk [tilespmem:v8+s3+$0x0], $0xffff;
	(pc) =	sbr.rel @p0 .LBB2_2-.Ltmp0, $4  }
0x1c: {  	_ = 	snop  }
0x1d: {  	s0 =	sadd.s32 $0x10, s0  }
0x1e: {  	v4 =	vor.u32 s0, v0  }
0x1f: {  	s6 =	sadd.s32 $0x20, s6;
	v5 =	vor.u32 s1, v1;
	v7 =	vmul.u32 $0x68, v7  }
0x20: {  	_ =	sdelay $0x1  }
0x21: {  	v8 =	vor.u32 s1, v2;
	v6 =	vadd.s32 v7, v6  }
0x22: {  	v6 =	vadd.s32 v3, v6  }
0x23: {  	[tilespmem:v4+s3+$0x0] =	vst.idx.msk $0xffff, v6  }
0x24: {  	v4 =	vld.idx.msk [tilespmem:v5+s3+$0x0], $0xffff;
	_ =	sdelay $0x1  }
0x25: {  	v5 =	vld.idx.msk [tilespmem:v8+s3+$0x0], $0xffff  }
0x26: {  	s0 =	sadd.s32 $0x10, s0  }
0x27: {  	v63 =	vor.u32 s0, v0  }
0x28: {  	v4 =	vmul.u32 $0x68, v4;
	_ =	sdelay $0x1  }
0x29: {  	v4 =	vadd.s32 v4, v5  }
.Ltmp1:
0x2a: {  	s25 =	simm.s32 $0x0;
	v4 =	vadd.s32 v3, v4;
	(pc) =	sbr.rel .LBB2_4-.Ltmp1, $4  }
0x2b: {  	s26 =	simm.s32 $0xC800;
	s31 =	simm.s32 $0x10800;
	s28 =	simm.s32 $0x20;
	[tilespmem:v63+s3+$0x0] =	vst.idx.msk $0xffff, v4  }
0x2c: {  	[tilespmem:s26], [sflag:$0x1] =	stream.indirect.gather [hbm4b:s12+s11], $0x80, s25, s11, $0xb8;
	[tilespmem:$0x1B800] =	vst v63  }
0x2d: {  	s29 =	simm.s32 $0x0;
	s30 =	simm.s32 $0x0;
	s26 =	simm.s32 $0x14800  }
0x2e: {  	[tilespmem:s31], [sflag:$0x2] =	stream.indirect.gather [hbm4b:s12+s11], $0x80, s11, s11, $0xb8;
	[tilespmem:$0x1B800] =	vst v63  }
.LBB2_20:
0x2f: {  	s1 =	sadd.s32 s5, s6  }
0x30: {  	s1 =	smul.u32 $0x1C00, s1;
	_ =	sdelay $0x1  }
0x31: {  	s1 =	sshrl.u32 s1, $0x3  }
0x32: {  	s2 =	simm.s32 $0x14800;
	s1 =	sadd.s32 s4, s1  }
0x33: {  	[hbm4b:s1+s3] =	stream.linear.scatter [tilespmem:s2], [sflag:$0x3], $0x1C00, $0x38;
	[tilespmem:$0x1B800] =	vst v63  }
.LBB2_26:
0x34: {  	s30 =	sadd.s32 $0x1, s30  }
0x35: {  	p0 =	sne.s32 s30, $0x63  }
.Ltmp2:
0x36: {  	_ = 	snop;
	(pc) =	sbr.rel @!p0 .LBB2_27-.Ltmp2, $4  }
0x37: {  	_ = 	snop  }
0x38: {  	s0 =	sadd.s32 $0x180, s0;
	s1 =	simm.s32 $0x10800;
	s29 =	sadd.s32 $0x8000, s29  }
0x39: {  	s25 =	sadd.s32 $0x40, s25;
	s26 =	sadd.s32 $0x2000, s26;
	s28 =	sadd.s32 $0x40, s28  }
0x3a: {  	[tilespmem:s1], [sflag:$0x2] =	stream.indirect.gather [hbm4b:s12+s11], $0x80, s0, s11, $0xb8;
	[tilespmem:$0x1B800] =	vst v63  }
.LBB2_4:
0x3b: {  	s31 =	sshll.u32 s30, $0x6  }
0x3c: {  	s0 =	sor.u32 $0x1E, s31;
	s1 =	sadd.s32 $0xFFFFFFFF, s31  }
0x3d: {  	s6 =	sand.u32 $0xFFDE, s0;
	s7 =	smul.u32 $0x147B, s1  }
0x3e: {  	s6 =	sshrl.u32 s6, $0x1  }
0x3f: {  	s6 =	smul.u32 $0x147B, s6;
	s8 =	sshrl.u32 s7, $0x1F;
	s7 =	sshra.s32 s7, $0x12  }
0x40: {  	s23 =	sshra.s32 s1, $0x1F;
	s7 =	sadd.s32 s8, s7  }
0x41: {  	s1 =	sshrl.u32 s6, $0x11;
	s24 =	sadd.s32 s7, s23  }
0x42: {  	p1 =	sgt.u32 s0, $0xC7;
	p0 =	slt.s32 s24, s1  }
0x43: {  	s0 =	sand.u32 $0x3, s1;
	p0 =	por !p1, !p0  }
0x44: {  	p6 =	sne.s32 s0, $0x0;
	p3 =	por !p0, !p0  }
0x45: {  	p0 =	por p6, !p3  }
0x46: {  	p1 =	seq.s32 @p0 s0, $0x1  }
0x47: {  	p1 =	por @p0 !p1, !p3  }
0x48: {  	p1 =	por @p0 !p1, !p1  }
0x49: {  	p1 =	por !p0, p1  }
0x4a: {  	p2 =	seq.s32 @!p1 s0, $0x2  }
0x4b: {  	p2 =	por @!p1 !p2, !p3  }
0x4c: {  	p2 =	por @!p1 !p2, !p2  }
0x4d: {  	p2 =	por p1, p2  }
0x4e: {  	p4 =	sne.s32 @!p2 s0, $0x3;
	p3 =	por @!p2 !p3, !p3  }
0x4f: {  	p3 =	por @!p2 p4, p3  }
0x50: {  	p3 =	por p2, !p3  }
.Ltmp3:
0x51: {  	_ = 	snop;
	(pc) =	sbr.rel @!p3 .LBB2_6-.Ltmp3, $2  }
0x52: {  	_ =	sdelay $0x2  }
0x53: {  	s11 =	smov.u32 s12  }
0x54: {  	s0 =	simm.s32 $0x3  }
0x55: {  	s0 =	simm.s32 @p0 $0x4  }
0x56: {  	s0 =	simm.s32 @!p1 $0x5  }
0x57: {  	s0 =	simm.s32 @!p2 $0x6  }
0x58: {  	_ =	swait.ge [sflag:s0], $0x1C00  }
0x59: {  	[sflag:s0] =	ssyncset.done $0x0  }
0x5a: {  	[sflag:s0] =	ssyncadd.s32 $0xFFFFE400  }
.LBB2_6:
0x5b: {  	_ =	swait.ge [sflag:s15], $0x4000  }
0x5c: {  	[sflag:s15] =	ssyncset.done $0x0  }
0x5d: {  	s20 =	simm.s32 $0xCA00;
	[sflag:s15] =	ssyncadd.s32 $0xFFFFC000  }
0x5e: {  	v4 =	vld [tilespmem:s20+$0x0]  }
0x5f: {  	v5 =	vld [tilespmem:s20+$0x80]  }
0x60: {  	v6 =	vld [tilespmem:s20+$0x100]  }
0x61: {  	s0 =	smulhi.u32 $0x51EB851F, s25;
	v7 =	vld [tilespmem:s20+$0x180];
	_ =	sdelay $0x1  }
0x62: {  	s0 =	sshrl.u32 s0, $0x4  }
0x63: {  	s6 =	smul.u32 $0x6400, s0;
	s0 =	sand.u32 $0x3, s0  }
0x64: {  	s9 =	smul.u32 $0x7000, s0  }
0x65: {  	s14 =	ssub.s32 s29, s6;
	v4 =	vadd.f32 v5, v4;
	v5 =	vadd.f32 v7, v6  }
0x66: {  	s21 =	sshra.s32 s14, $0x2;
	s22 =	sshrl.u32 s9, $0x2  }
0x67: {  	s0 =	sadd.s32 s22, s21;
	v4 =	vadd.f32 v5, v4  }
0x68: {  	s0 =	sadd.s32 $0x14800, s0  }
0x69: {  	[tilespmem:s0+$0x80] =	vst v4  }
0x6a: {  	v4 =	vld [tilespmem:s20+$0x10]  }
0x6b: {  	v5 =	vld [tilespmem:s20+$0x90]  }
0x6c: {  	v6 =	vld [tilespmem:s20+$0x110]  }
0x6d: {  	v7 =	vld [tilespmem:s20+$0x190];
	_ =	sdelay $0x4  }
0x6e: {  	v4 =	vadd.f32 v5, v4;
	v5 =	vadd.f32 v7, v6;
	_ =	sdelay $0x1  }
0x6f: {  	v4 =	vadd.f32 v5, v4;
	_ =	sdelay $0x1  }
0x70: {  	[tilespmem:s0+$0x90] =	vst v4  }
0x71: {  	v4 =	vld [tilespmem:s20+$0x20]  }
0x72: {  	v5 =	vld [tilespmem:s20+$0xA0]  }
0x73: {  	v6 =	vld [tilespmem:s20+$0x120]  }
0x74: {  	v7 =	vld [tilespmem:s20+$0x1A0];
	_ =	sdelay $0x4  }
0x75: {  	v4 =	vadd.f32 v5, v4;
	v5 =	vadd.f32 v7, v6;
	_ =	sdelay $0x1  }
0x76: {  	v4 =	vadd.f32 v5, v4;
	_ =	sdelay $0x1  }
0x77: {  	[tilespmem:s0+$0xA0] =	vst v4  }
0x78: {  	v4 =	vld [tilespmem:s20+$0x30]  }
0x79: {  	v5 =	vld [tilespmem:s20+$0xB0]  }
0x7a: {  	v6 =	vld [tilespmem:s20+$0x130]  }
0x7b: {  	s7 =	simm.s32 $0xCE00;
	v7 =	vld [tilespmem:s20+$0x1B0]  }
0x7c: {  	v8 =	vld [tilespmem:s7+$0x0]  }
0x7d: {  	v9 =	vld [tilespmem:s7+$0x80]  }
0x7e: {  	s12 =	sadd.s32 $0x2, s25;
	v10 =	vld [tilespmem:s7+$0x100]  }
0x7f: {  	s23 =	smulhi.u32 $0x51EB851F, s12;
	v11 =	vld [tilespmem:s7+$0x180]  }
0x80: {  	v4 =	vadd.f32 v5, v4;
	v5 =	vadd.f32 v7, v6  }
0x81: {  	s6 =	sshrl.u32 s23, $0x4  }
0x82: {  	s13 =	smul.u32 $0x6400, s6;
	s6 =	sand.u32 $0x3, s6;
	v4 =	vadd.f32 v5, v4  }
0x83: {  	s8 =	sadd.s32 $0x400, s29;
	s10 =	smul.u32 $0x7000, s6  }
0x84: {  	s13 =	ssub.s32 s8, s13;
	v5 =	vadd.f32 v11, v10;
	[tilespmem:s0+$0xB0] =	vst v4;
	v4 =	vadd.f32 v9, v8  }
0x85: {  	s24 =	sshra.s32 s13, $0x2;
	s16 =	sshrl.u32 s10, $0x2;
	v6 =	vld [tilespmem:s20+$0x40]  }
0x86: {  	s6 =	sadd.s32 s16, s24;
	v7 =	vld [tilespmem:s20+$0xC0];
	v4 =	vadd.f32 v5, v4  }
0x87: {  	s6 =	sadd.s32 $0x14800, s6;
	v8 =	vld [tilespmem:s20+$0x1C0]  }
0x88: {  	v5 =	vld [tilespmem:s20+$0x140];
	[tilespmem:s6+$0x80] =	vst v4  }
0x89: {  	v4 =	vld [tilespmem:s7+$0x10]  }
0x8a: {  	v9 =	vld [tilespmem:s7+$0x90]  }
0x8b: {  	v10 =	vld [tilespmem:s7+$0x110]  }
0x8c: {  	v11 =	vld [tilespmem:s7+$0x190]  }
0x8d: {  	v6 =	vadd.f32 v7, v6;
	v5 =	vadd.f32 v8, v5;
	_ =	sdelay $0x1  }
0x8e: {  	v12 =	vld [tilespmem:s20+$0xFFFFFE00];
	v5 =	vadd.f32 v5, v6  }
0x8f: {  	v16 =	vld [tilespmem:s7+$0xFFFFFE80]  }
0x90: {  	v17 =	vld [tilespmem:s7+$0xFFFFFF00];
	v4 =	vadd.f32 v9, v4;
	[tilespmem:s0+$0xC0] =	vst v5;
	v5 =	vadd.f32 v11, v10  }
0x91: {  	v6 =	vld [tilespmem:s20+$0x50]  }
0x92: {  	v7 =	vld [tilespmem:s20+$0xD0];
	v4 =	vadd.f32 v5, v4  }
0x93: {  	v8 =	vld [tilespmem:s20+$0x1D0]  }
0x94: {  	v5 =	vld [tilespmem:s20+$0x150];
	[tilespmem:s6+$0x90] =	vst v4  }
0x95: {  	v4 =	vld [tilespmem:s7+$0x20]  }
0x96: {  	v9 =	vld [tilespmem:s7+$0xA0]  }
0x97: {  	v10 =	vld [tilespmem:s7+$0x120]  }
0x98: {  	s10 =	sadd.s32 s13, s10;
	v11 =	vld [tilespmem:s7+$0x1A0]  }
0x99: {  	v18 =	vld [tilespmem:s7+$0xFFFFFF80];
	s13 =	sshra.s32 s10, $0x2;
	s10 =	simm.s32 $0xD600  }
0x9a: {  	v59 =	vld [tilespmem:s10+$0x0];
	v6 =	vadd.f32 v7, v6;
	v5 =	vadd.f32 v8, v5  }
0x9b: {  	v7 =	vld [tilespmem:s20+$0xFFFFFE80]  }
0x9c: {  	v8 =	vld [tilespmem:s20+$0xFFFFFF00];
	v5 =	vadd.f32 v5, v6  }
0x9d: {  	v6 =	vld [tilespmem:s20+$0xFFFFFF80];
	v4 =	vadd.f32 v9, v4;
	v9 =	vadd.f32 v11, v10  }
0x9e: {  	v60 =	vld [tilespmem:s10+$0x80];
	[tilespmem:s0+$0xD0] =	vst v5  }
0x9f: {  	v5 =	vld [tilespmem:s20+$0x60];
	v4 =	vadd.f32 v9, v4  }
0xa0: {  	v9 =	vld [tilespmem:s20+$0xE0]  }
0xa1: {  	v10 =	vld [tilespmem:s20+$0x160];
	[tilespmem:s6+$0xA0] =	vst v4  }
0xa2: {  	v4 =	vadd.f32 v7, v12;
	v6 =	vadd.f32 v6, v8;
	v7 =	vld [tilespmem:s7+$0x30]  }
0xa3: {  	v8 =	vld [tilespmem:s7+$0xB0]  }
0xa4: {  	s9 =	sadd.s32 s14, s9;
	v11 =	vld [tilespmem:s7+$0x1B0];
	v4 =	vadd.f32 v6, v4  }
0xa5: {  	s24 =	sshra.s32 s9, $0x2;
	v6 =	vld [tilespmem:s7+$0x130]  }
0xa6: {  	v12 =	vld [tilespmem:s20+$0x1E0];
	[tilespmem:s24+$0x14800] =	vst v4  }
0xa7: {  	v4 =	vld [tilespmem:s20+$0xFFFFFE10]  }
0xa8: {  	v13 =	vld [tilespmem:s20+$0xFFFFFE90]  }
0xa9: {  	v14 =	vld [tilespmem:s20+$0xFFFFFF10]  }
0xaa: {  	v15 =	vld [tilespmem:s20+$0xFFFFFF90];
	v7 =	vadd.f32 v8, v7;
	v6 =	vadd.f32 v11, v6  }
0xab: {  	v61 =	vld [tilespmem:s10+$0x100]  }
0xac: {  	v25 =	vld [tilespmem:s10+$0x180];
	v6 =	vadd.f32 v6, v7  }
0xad: {  	v63 =	vld [tilespmem:s10+$0xFFFFFE00]  }
0xae: {  	v5 =	vadd.f32 v9, v5;
	v11 =	vld [tilespmem:s7+$0xFFFFFE00];
	v7 =	vadd.f32 v12, v10;
	[tilespmem:s6+$0xB0] =	vst v6  }
0xaf: {  	v4 =	vadd.f32 v13, v4;
	v6 =	vadd.f32 v15, v14;
	v8 =	vld [tilespmem:s7+$0x40]  }
0xb0: {  	v5 =	vadd.f32 v7, v5;
	v7 =	vld [tilespmem:s7+$0xC0]  }
0xb1: {  	v9 =	vld [tilespmem:s7+$0x140];
	v6 =	vadd.f32 v6, v4  }
0xb2: {  	[tilespmem:s0+$0xE0] =	vst v5;
	v5 =	vld [tilespmem:s7+$0x1C0]  }
0xb3: {  	v4 =	vld [tilespmem:s20+$0x70];
	[tilespmem:s0+$0x10] =	vst v6  }
0xb4: {  	v10 =	vld [tilespmem:s20+$0xFFFFFE20]  }
0xb5: {  	v12 =	vld [tilespmem:s20+$0xFFFFFEA0]  }
0xb6: {  	v17 =	vadd.f32 v18, v17;
	s9 =	simm.s32 $0xD200;
	v13 =	vld [tilespmem:s20+$0xFFFFFF20]  }
0xb7: {  	v16 =	vadd.f32 v16, v11;
	v6 =	vadd.f32 v7, v8;
	v7 =	vld [tilespmem:s9+$0x0]  }
0xb8: {  	v8 =	vld [tilespmem:s9+$0x80];
	v5 =	vadd.f32 v5, v9  }
0xb9: {  	s18 =	sadd.s32 $0x2, s12;
	v16 =	vadd.f32 v17, v16;
	v9 =	vld [tilespmem:s9+$0x180]  }
0xba: {  	s12 =	smulhi.u32 $0x51EB851F, s18;
	v5 =	vadd.f32 v5, v6;
	v6 =	vld [tilespmem:s9+$0x100]  }
0xbb: {  	v14 =	vld [tilespmem:s20+$0xFFFFFFA0];
	[tilespmem:s13+$0x14800] =	vst v16  }
0xbc: {  	s12 =	sshrl.u32 s12, $0x4;
	v41 =	vld [tilespmem:s7+$0xFFFFFE10];
	[tilespmem:s6+$0xC0] =	vst v5  }
0xbd: {  	s2 =	smul.u32 $0x6400, s12;
	s12 =	sand.u32 $0x3, s12;
	v15 =	vld [tilespmem:s7+$0x50]  }
0xbe: {  	s23 =	smul.u32 $0x7000, s12;
	s14 =	sadd.s32 $0x400, s8;
	v19 =	vld [tilespmem:s7+$0xD0]  }
0xbf: {  	s12 =	ssub.s32 s14, s2;
	v7 =	vadd.f32 v8, v7;
	v20 =	vld [tilespmem:s7+$0x150];
	v8 =	vadd.f32 v9, v6  }
0xc0: {  	s19 =	sshra.s32 s12, $0x2;
	s21 =	sshrl.u32 s23, $0x2;
	v21 =	vld [tilespmem:s7+$0x1D0]  }
0xc1: {  	s8 =	sadd.s32 s21, s19;
	v42 =	vld [tilespmem:s7+$0xFFFFFE90];
	v9 =	vadd.f32 v8, v7  }
0xc2: {  	s8 =	sadd.s32 $0x14800, s8;
	v43 =	vld [tilespmem:s7+$0xFFFFFF10];
	v10 =	vadd.f32 v12, v10;
	v12 =	vadd.f32 v14, v13  }
0xc3: {  	v44 =	vld [tilespmem:s7+$0xFFFFFF90];
	[tilespmem:s8+$0x80] =	vst v9  }
0xc4: {  	v10 =	vadd.f32 v12, v10;
	v14 =	vld [tilespmem:s9+$0x10]  }
0xc5: {  	v13 =	vadd.f32 v21, v20;
	v9 =	vadd.f32 v19, v15;
	v12 =	vld [tilespmem:s9+$0x90]  }
0xc6: {  	[tilespmem:s0+$0x20] =	vst v10;
	v10 =	vld [tilespmem:s9+$0x190]  }
0xc7: {  	v9 =	vadd.f32 v13, v9;
	v13 =	vld [tilespmem:s9+$0x110]  }
0xc8: {  	v5 =	vld [tilespmem:s20+$0xF0]  }
0xc9: {  	v22 =	vld [tilespmem:s20+$0xFFFFFFB0]  }
0xca: {  	v15 =	vld [tilespmem:s20+$0xFFFFFE30];
	[tilespmem:s6+$0xD0] =	vst v9  }
0xcb: {  	v9 =	vld [tilespmem:s7+$0x60]  }
0xcc: {  	v29 =	vld [tilespmem:s7+$0xE0];
	v12 =	vadd.f32 v12, v14;
	v10 =	vadd.f32 v10, v13  }
0xcd: {  	v30 =	vld [tilespmem:s7+$0x160]  }
0xce: {  	v31 =	vld [tilespmem:s7+$0x1E0];
	v10 =	vadd.f32 v10, v12  }
0xcf: {  	v13 =	vld [tilespmem:s20+$0xFFFFFEB0]  }
0xd0: {  	v14 =	vld [tilespmem:s20+$0xFFFFFF30];
	[tilespmem:s8+$0x90] =	vst v10  }
0xd1: {  	v23 =	vld [tilespmem:s9+$0x20]  }
0xd2: {  	v32 =	vld [tilespmem:s9+$0xA0]  }
0xd3: {  	v9 =	vadd.f32 v29, v9;
	v10 =	vadd.f32 v31, v30;
	v33 =	vld [tilespmem:s9+$0x120]  }
0xd4: {  	v15 =	vadd.f32 v13, v15;
	v34 =	vld [tilespmem:s9+$0x1A0]  }
0xd5: {  	v6 =	vld [tilespmem:s20+$0x170];
	v9 =	vadd.f32 v10, v9;
	v10 =	vadd.f32 v22, v14  }
0xd6: {  	v7 =	vld [tilespmem:s20+$0x1F0]  }
0xd7: {  	v8 =	vld [tilespmem:s9+$0xFFFFFE00];
	v15 =	vadd.f32 v10, v15  }
0xd8: {  	v12 =	vld [tilespmem:s9+$0xFFFFFE80]  }
0xd9: {  	v13 =	vld [tilespmem:s9+$0xFFFFFF00];
	[tilespmem:s0+$0x30] =	vst v15;
	v19 =	vadd.f32 v32, v23;
	v20 =	vadd.f32 v34, v33  }
0xda: {  	v15 =	vld [tilespmem:s20+$0xFFFFFE40]  }
0xdb: {  	v35 =	vld [tilespmem:s20+$0xFFFFFEC0];
	v19 =	vadd.f32 v20, v19  }
0xdc: {  	v36 =	vld [tilespmem:s20+$0xFFFFFF40]  }
0xdd: {  	v37 =	vld [tilespmem:s20+$0xFFFFFFC0];
	[tilespmem:s8+$0xA0] =	vst v19  }
0xde: {  	v38 =	vld [tilespmem:s9+$0x30]  }
0xdf: {  	v39 =	vld [tilespmem:s9+$0xB0]  }
0xe0: {  	v19 =	vld [tilespmem:s9+$0x130]  }
0xe1: {  	v40 =	vld [tilespmem:s9+$0x1B0]  }
0xe2: {  	v14 =	vld [tilespmem:s9+$0xFFFFFF80];
	[tilespmem:s6+$0xE0] =	vst v9;
	v15 =	vadd.f32 v35, v15;
	v20 =	vadd.f32 v37, v36  }
0xe3: {  	v9 =	vld [tilespmem:s7+$0x70]  }
0xe4: {  	v10 =	vld [tilespmem:s7+$0xF0];
	v15 =	vadd.f32 v20, v15  }
0xe5: {  	v11 =	vld [tilespmem:s7+$0x170]  }
0xe6: {  	v33 =	vld [tilespmem:s10+$0xFFFFFE80];
	[tilespmem:s0+$0x40] =	vst v15;
	v15 =	vadd.f32 v39, v38;
	v16 =	vadd.f32 v40, v19  }
0xe7: {  	v45 =	vld [tilespmem:s20+$0xFFFFFE50]  }
0xe8: {  	v46 =	vld [tilespmem:s20+$0xFFFFFED0];
	v16 =	vadd.f32 v16, v15  }
0xe9: {  	v47 =	vld [tilespmem:s20+$0xFFFFFF50]  }
0xea: {  	v24 =	vld [tilespmem:s20+$0xFFFFFFD0];
	[tilespmem:s8+$0xB0] =	vst v16  }
0xeb: {  	v49 =	vld [tilespmem:s9+$0x40]  }
0xec: {  	v8 =	vadd.f32 v12, v8;
	v12 =	vadd.f32 v14, v13;
	v50 =	vld [tilespmem:s9+$0xC0]  }
0xed: {  	v48 =	vadd.f32 v44, v43;
	v20 =	vadd.f32 v42, v41;
	v51 =	vld [tilespmem:s9+$0x140]  }
0xee: {  	s12 =	sadd.s32 s12, s23;
	v8 =	vadd.f32 v12, v8;
	v52 =	vld [tilespmem:s9+$0x1C0]  }
0xef: {  	s12 =	sshra.s32 s12, $0x2;
	v34 =	vld [tilespmem:s10+$0xFFFFFF00];
	v16 =	vadd.f32 v48, v20  }
0xf0: {  	[tilespmem:s12+$0x14800] =	vst v8;
	v35 =	vld [tilespmem:s10+$0xFFFFFF80];
	v17 =	vadd.f32 v46, v45;
	v53 =	vadd.f32 v24, v47  }
0xf1: {  	s21 =	sadd.s32 $0x2, s18;
	v21 =	vadd.f32 v60, v59;
	v59 =	vld [tilespmem:s9+$0xFFFFFE90]  }
0xf2: {  	s22 =	smulhi.u32 $0x51EB851F, s21;
	v60 =	vld [tilespmem:s9+$0xFFFFFF10];
	[tilespmem:s6+$0x10] =	vst v16;
	v16 =	vadd.f32 v53, v17  }
0xf3: {  	v15 =	vld [tilespmem:s7+$0x1F0];
	v58 =	vadd.f32 v50, v49;
	v18 =	vadd.f32 v52, v51  }
0xf4: {  	s16 =	sshrl.u32 s22, $0x4;
	v54 =	vld [tilespmem:s7+$0xFFFFFE20]  }
0xf5: {  	s2 =	smul.u32 $0x6400, s16;
	s16 =	sand.u32 $0x3, s16;
	v55 =	vld [tilespmem:s7+$0xFFFFFEA0];
	[tilespmem:s0+$0x50] =	vst v16;
	v16 =	vadd.f32 v18, v58  }
0xf6: {  	s22 =	sadd.s32 $0x400, s14;
	s19 =	smul.u32 $0x7000, s16;
	v56 =	vld [tilespmem:s7+$0xFFFFFF20]  }
0xf7: {  	s18 =	ssub.s32 s22, s2;
	v57 =	vld [tilespmem:s7+$0xFFFFFFA0];
	v18 =	vadd.f32 v25, v61;
	[tilespmem:s8+$0xC0] =	vst v16  }
0xf8: {  	s2 =	sshra.s32 s18, $0x2;
	s16 =	sshrl.u32 s19, $0x2;
	v16 =	vld [tilespmem:s9+$0x50]  }
0xf9: {  	s14 =	sadd.s32 s16, s2;
	v18 =	vadd.f32 v18, v21;
	v26 =	vld [tilespmem:s9+$0xD0]  }
0xfa: {  	s14 =	sadd.s32 $0x14800, s14;
	v27 =	vld [tilespmem:s9+$0x150]  }
0xfb: {  	v62 =	vld [tilespmem:s9+$0x1D0];
	[tilespmem:s14+$0x80] =	vst v18  }
0xfc: {  	v38 =	vld [tilespmem:s10+$0x10]  }
0xfd: {  	v39 =	vld [tilespmem:s10+$0x90]  }
0xfe: {  	v19 =	vadd.f32 v55, v54;
	v17 =	vadd.f32 v57, v56;
	v40 =	vld [tilespmem:s10+$0x110]  }
0xff: {  	v41 =	vld [tilespmem:s10+$0x190]  }
0x100: {  	v20 =	vld [tilespmem:s20+$0xFFFFFE60];
	v17 =	vadd.f32 v17, v19  }
0x101: {  	v30 =	vld [tilespmem:s20+$0xFFFFFEE0];
	v16 =	vadd.f32 v26, v16;
	v36 =	vadd.f32 v62, v27  }
0x102: {  	v47 =	vld [tilespmem:s20+$0xFFFFFF60];
	[tilespmem:s6+$0x20] =	vst v17  }
0x103: {  	v37 =	vld [tilespmem:s7+$0xFFFFFE30];
	v16 =	vadd.f32 v36, v16  }
0x104: {  	v43 =	vld [tilespmem:s7+$0xFFFFFEB0];
	v23 =	vadd.f32 v39, v38;
	v18 =	vadd.f32 v41, v40  }
0x105: {  	v44 =	vld [tilespmem:s7+$0xFFFFFF30]  }
0x106: {  	v45 =	vld [tilespmem:s7+$0xFFFFFFB0];
	[tilespmem:s8+$0xD0] =	vst v16;
	v18 =	vadd.f32 v18, v23  }
0x107: {  	v28 =	vld [tilespmem:s9+$0x160]  }
0x108: {  	v29 =	vld [tilespmem:s9+$0x1E0];
	[tilespmem:s14+$0x90] =	vst v18  }
0x109: {  	v48 =	vld [tilespmem:s10+$0x20]  }
0x10a: {  	v49 =	vld [tilespmem:s10+$0xA0]  }
0x10b: {  	v50 =	vld [tilespmem:s10+$0x120]  }
0x10c: {  	v21 =	vadd.f32 v43, v37;
	v23 =	vadd.f32 v45, v44;
	v51 =	vld [tilespmem:s10+$0x1A0]  }
0x10d: {  	v13 =	vld [tilespmem:s20+$0xFFFFFFE0]  }
0x10e: {  	v58 =	vld [tilespmem:s9+$0xFFFFFE10];
	v21 =	vadd.f32 v23, v21  }
0x10f: {  	v16 =	vld [tilespmem:s9+$0x60]  }
0x110: {  	v42 =	vld [tilespmem:s9+$0xE0];
	[tilespmem:s6+$0x30] =	vst v21;
	v46 =	vadd.f32 v29, v28  }
0x111: {  	v31 =	vld [tilespmem:s7+$0xFFFFFE40];
	v28 =	vadd.f32 v49, v48;
	v18 =	vadd.f32 v51, v50  }
0x112: {  	v55 =	vld [tilespmem:s7+$0xFFFFFEC0]  }
0x113: {  	v56 =	vld [tilespmem:s7+$0xFFFFFF40];
	v18 =	vadd.f32 v18, v28  }
0x114: {  	v57 =	vld [tilespmem:s7+$0xFFFFFFC0]  }
0x115: {  	v61 =	vld [tilespmem:s9+$0xFFFFFF90];
	v20 =	vadd.f32 v30, v20;
	v13 =	vadd.f32 v13, v47;
	[tilespmem:s14+$0xA0] =	vst v18  }
0x116: {  	v16 =	vadd.f32 v42, v16;
	v14 =	vld [tilespmem:s10+$0x30]  }
0x117: {  	v13 =	vadd.f32 v13, v20;
	v12 =	vld [tilespmem:s10+$0xB0]  }
0x118: {  	v16 =	vadd.f32 v46, v16;
	v18 =	vld [tilespmem:s10+$0x130]  }
0x119: {  	[tilespmem:s0+$0x60] =	vst v13;
	v25 =	vadd.f32 v55, v31;
	v28 =	vadd.f32 v57, v56;
	v8 =	vld [tilespmem:s10+$0x1B0]  }
0x11a: {  	v5 =	vadd.f32 v5, v4;
	v4 =	vld [tilespmem:s20+$0xFFFFFE70];
	[tilespmem:s8+$0xE0] =	vst v16  }
0x11b: {  	v16 =	vld [tilespmem:s9+$0x70];
	v25 =	vadd.f32 v28, v25  }
0x11c: {  	v52 =	vld [tilespmem:s9+$0xF0]  }
0x11d: {  	v53 =	vld [tilespmem:s9+$0x170];
	[tilespmem:s6+$0x40] =	vst v25  }
0x11e: {  	v62 =	vld [tilespmem:s7+$0xFFFFFED0];
	v12 =	vadd.f32 v12, v14;
	v8 =	vadd.f32 v8, v18  }
0x11f: {  	v6 =	vadd.f32 v7, v6;
	v7 =	vld [tilespmem:s7+$0xFFFFFFD0]  }
0x120: {  	v14 =	vld [tilespmem:s7+$0xFFFFFE50];
	v8 =	vadd.f32 v8, v12  }
0x121: {  	v12 =	vld [tilespmem:s7+$0xFFFFFF50]  }
0x122: {  	v13 =	vadd.f32 v59, v58;
	v54 =	vld [tilespmem:s9+$0x1F0];
	[tilespmem:s14+$0xB0] =	vst v8;
	v8 =	vadd.f32 v61, v60  }
0x123: {  	v9 =	vadd.f32 v10, v9;
	v10 =	vadd.f32 v15, v11;
	v11 =	vld [tilespmem:s10+$0x40]  }
0x124: {  	v5 =	vadd.f32 v6, v5;
	v15 =	vld [tilespmem:s10+$0x140];
	v6 =	vadd.f32 v8, v13  }
0x125: {  	v16 =	vadd.f32 v52, v16;
	v14 =	vadd.f32 v62, v14;
	v13 =	vld [tilespmem:s10+$0xC0]  }
0x126: {  	v8 =	vadd.f32 v10, v9;
	[tilespmem:s8+$0x10] =	vst v6;
	v6 =	vadd.f32 v7, v12;
	v12 =	vld [tilespmem:s10+$0x1C0]  }
0x127: {  	v10 =	vadd.f32 v33, v63;
	v63 =	vadd.f32 v54, v53;
	v7 =	vld [tilespmem:s9+$0xFFFFFE20]  }
0x128: {  	[tilespmem:s24+$0x148F0] =	vst v5;
	v5 =	vadd.f32 v35, v34;
	v9 =	vld [tilespmem:s9+$0xFFFFFEA0];
	v6 =	vadd.f32 v6, v14  }
0x129: {  	[tilespmem:s13+$0x148F0] =	vst v8;
	v8 =	vld [tilespmem:s9+$0xFFFFFF20];
	v14 =	vadd.f32 v63, v16  }
0x12a: {  	v5 =	vadd.f32 v5, v10;
	v10 =	vld [tilespmem:s9+$0xFFFFFFA0];
	[tilespmem:s6+$0x50] =	vst v6  }
0x12b: {  	s23 =	simm.s32 $0xDA00;
	s24 =	simm.s32 $0x6;
	v11 =	vadd.f32 v13, v11;
	[tilespmem:s12+$0x148F0] =	vst v14;
	v12 =	vadd.f32 v12, v15;
	v6 =	vld [tilespmem:s7+$0xFFFFFE60]  }
.LBB2_7:
0x12c: {  	v13 =	vld [tilespmem:s23+$0x0]  }
0x12d: {  	v14 =	vld [tilespmem:s23+$0x80];
	v11 =	vadd.f32 v12, v11;
	v7 =	vadd.f32 v9, v7  }
0x12e: {  	s21 =	sadd.s32 $0x2, s21;
	v9 =	vld [tilespmem:s23+$0x100]  }
0x12f: {  	s12 =	smulhi.u32 $0x51EB851F, s21;
	v12 =	vld [tilespmem:s23+$0x180];
	[tilespmem:s14+$0xC0] =	vst v11;
	v8 =	vadd.f32 v10, v8  }
0x130: {  	v10 =	vld [tilespmem:s10+$0x50]  }
0x131: {  	s12 =	sshrl.u32 s12, $0x4;
	v11 =	vld [tilespmem:s10+$0xD0];
	v7 =	vadd.f32 v8, v7  }
0x132: {  	s16 =	smul.u32 $0x6400, s12;
	s12 =	sand.u32 $0x3, s12;
	v8 =	vld [tilespmem:s10+$0x150]  }
0x133: {  	s22 =	sadd.s32 $0x400, s22;
	s13 =	smul.u32 $0x7000, s12;
	v15 =	vld [tilespmem:s10+$0x1D0];
	[tilespmem:s8+$0x20] =	vst v7  }
0x134: {  	s16 =	ssub.s32 s22, s16;
	v13 =	vadd.f32 v14, v13;
	v7 =	vld [tilespmem:s23+$0xFFFFFE00];
	v9 =	vadd.f32 v12, v9  }
0x135: {  	s12 =	sshra.s32 s16, $0x2;
	s2 =	sshrl.u32 s13, $0x2;
	v12 =	vld [tilespmem:s23+$0xFFFFFE80]  }
0x136: {  	s2 =	sadd.s32 s2, s12;
	v14 =	vld [tilespmem:s23+$0xFFFFFF00];
	v9 =	vadd.f32 v9, v13  }
0x137: {  	s12 =	sadd.s32 $0x14800, s2;
	v13 =	vld [tilespmem:s23+$0xFFFFFF80]  }
0x138: {  	[tilespmem:s12+$0x80] =	vst v9;
	v9 =	vadd.f32 v11, v10;
	v8 =	vadd.f32 v15, v8;
	v10 =	vld [tilespmem:s9+$0xFFFFFE30]  }
0x139: {  	v11 =	vld [tilespmem:s23+$0x10]  }
0x13a: {  	v7 =	vadd.f32 v12, v7;
	v12 =	vld [tilespmem:s23+$0x90];
	v8 =	vadd.f32 v8, v9  }
0x13b: {  	v9 =	vld [tilespmem:s23+$0x110]  }
0x13c: {  	v13 =	vadd.f32 v13, v14;
	v14 =	vld [tilespmem:s23+$0x190];
	[tilespmem:s14+$0xD0] =	vst v8  }
0x13d: {  	v8 =	vld [tilespmem:s10+$0x60]  }
0x13e: {  	v7 =	vadd.f32 v13, v7;
	v13 =	vld [tilespmem:s10+$0xE0]  }
0x13f: {  	v15 =	vld [tilespmem:s10+$0x160]  }
0x140: {  	v16 =	vld [tilespmem:s10+$0x1E0]  }
0x141: {  	v11 =	vadd.f32 v12, v11;
	v9 =	vadd.f32 v14, v9;
	v12 =	vld [tilespmem:s9+$0xFFFFFEB0]  }
0x142: {  	v14 =	vld [tilespmem:s9+$0xFFFFFF30]  }
0x143: {  	v9 =	vadd.f32 v9, v11;
	v11 =	vld [tilespmem:s9+$0xFFFFFFB0]  }
0x144: {  	v17 =	vld [tilespmem:s7+$0xFFFFFEE0]  }
0x145: {  	v8 =	vadd.f32 v13, v8;
	[tilespmem:s12+$0x90] =	vst v9;
	v9 =	vadd.f32 v16, v15;
	v13 =	vld [tilespmem:s7+$0xFFFFFF60]  }
0x146: {  	v15 =	vld [tilespmem:s23+$0x20];
	v10 =	vadd.f32 v12, v10  }
0x147: {  	s24 =	sadd.s32 $0x2, s24;
	v12 =	vld [tilespmem:s23+$0xA0];
	v8 =	vadd.f32 v9, v8  }
0x148: {  	p0 =	slt.u32 s24, $0x1E;
	v9 =	vld [tilespmem:s23+$0x120];
	v11 =	vadd.f32 v11, v14  }
0x149: {  	v14 =	vld [tilespmem:s23+$0x1A0];
	[tilespmem:s14+$0xE0] =	vst v8;
	v6 =	vadd.f32 v17, v6  }
0x14a: {  	v8 =	vld [tilespmem:s10+$0x70];
	v10 =	vadd.f32 v11, v10  }
0x14b: {  	v11 =	vld [tilespmem:s10+$0xF0]  }
0x14c: {  	v16 =	vld [tilespmem:s10+$0x170];
	[tilespmem:s8+$0x30] =	vst v10  }
0x14d: {  	v10 =	vld [tilespmem:s10+$0x1F0]  }
0x14e: {  	v17 =	vld [tilespmem:s9+$0xFFFFFE40]  }
0x14f: {  	v18 =	vld [tilespmem:s9+$0xFFFFFEC0]  }
0x150: {  	v19 =	vld [tilespmem:s9+$0xFFFFFF40]  }
0x151: {  	v12 =	vadd.f32 v12, v15;
	v9 =	vadd.f32 v14, v9;
	v14 =	vld [tilespmem:s9+$0xFFFFFFC0]  }
0x152: {  	v8 =	vadd.f32 v11, v8;
	v10 =	vadd.f32 v10, v16;
	v11 =	vld [tilespmem:s7+$0xFFFFFFE0]  }
0x153: {  	v9 =	vadd.f32 v9, v12;
	v12 =	vld [tilespmem:s20+$0xFFFFFEF0]  }
0x154: {  	s2 =	sadd.s32 s18, s19;
	s19 =	smov.u32 s13;
	s18 =	smov.u32 s16;
	v8 =	vadd.f32 v10, v8;
	v10 =	vadd.f32 v18, v17;
	v15 =	vld [tilespmem:s20+$0xFFFFFF70]  }
0x155: {  	s2 =	sshra.s32 s2, $0x2;
	[tilespmem:s12+$0xA0] =	vst v9;
	v9 =	vld [tilespmem:s20+$0xFFFFFFF0];
	s20 =	smov.u32 s7;
	s7 =	smov.u32 s9  }
0x156: {  	s9 =	smov.u32 s10;
	s10 =	smov.u32 s23;
	v16 =	vld [tilespmem:s23+$0x30];
	[tilespmem:s2+$0x148F0] =	vst v8;
	v8 =	vadd.f32 v14, v19  }
0x157: {  	v14 =	vld [tilespmem:s23+$0xB0];
	[tilespmem:s2+$0x14800] =	vst v5;
	v11 =	vadd.f32 v11, v13;
	v5 =	vmov v7  }
0x158: {  	v7 =	vld [tilespmem:s23+$0x130];
	v8 =	vadd.f32 v8, v10;
	v4 =	vadd.f32 v12, v4  }
0x159: {  	v10 =	vld [tilespmem:s23+$0x1B0];
	v6 =	vadd.f32 v11, v6  }
0x15a: {  	v11 =	vld [tilespmem:s9+$0xFFFFFE10];
	[tilespmem:s8+$0x40] =	vst v8;
	v8 =	vadd.f32 v9, v15  }
0x15b: {  	v9 =	vld [tilespmem:s9+$0xFFFFFE90];
	[tilespmem:s6+$0x60] =	vst v6  }
0x15c: {  	v6 =	vld [tilespmem:s9+$0xFFFFFF10];
	v4 =	vadd.f32 v8, v4  }
0x15d: {  	v8 =	vld [tilespmem:s9+$0xFFFFFF90]  }
0x15e: {  	v12 =	vadd.f32 v14, v16;
	v7 =	vadd.f32 v10, v7;
	v10 =	vld [tilespmem:s7+$0xFFFFFE50];
	[tilespmem:s0+$0x70] =	vst v4;
	s0 =	smov.u32 s6;
	s6 =	smov.u32 s8;
	s8 =	smov.u32 s14  }
0x15f: {  	s14 =	smov.u32 s12;
	v13 =	vld [tilespmem:s7+$0xFFFFFED0]  }
0x160: {  	v4 =	vadd.f32 v7, v12;
	v7 =	vadd.f32 v9, v11;
	v9 =	vld [tilespmem:s7+$0xFFFFFF50]  }
0x161: {  	v11 =	vld [tilespmem:s7+$0xFFFFFFD0]  }
0x162: {  	[tilespmem:s14+$0xB0] =	vst v4;
	v6 =	vadd.f32 v8, v6;
	v4 =	vld [tilespmem:s20+$0xFFFFFE70]  }
0x163: {  	v12 =	vld [tilespmem:s23+$0x40]  }
0x164: {  	v14 =	vld [tilespmem:s23+$0xC0];
	v6 =	vadd.f32 v6, v7;
	v8 =	vadd.f32 v13, v10  }
0x165: {  	v13 =	vld [tilespmem:s23+$0x140]  }
0x166: {  	v15 =	vld [tilespmem:s23+$0x1C0];
	[tilespmem:s8+$0x10] =	vst v6;
	v6 =	vadd.f32 v11, v9  }
.Ltmp4:
0x167: {  	v7 =	vld [tilespmem:s9+$0xFFFFFE20];
	(pc) =	sbr.rel @p0 .LBB2_7-.Ltmp4, $4  }
0x168: {  	v9 =	vld [tilespmem:s9+$0xFFFFFEA0];
	v6 =	vadd.f32 v6, v8  }
0x169: {  	v8 =	vld [tilespmem:s9+$0xFFFFFF20]  }
0x16a: {  	v10 =	vld [tilespmem:s9+$0xFFFFFFA0];
	[tilespmem:s6+$0x50] =	vst v6  }
0x16b: {  	s23 =	sadd.s32 $0x400, s23;
	v11 =	vadd.f32 v14, v12;
	v12 =	vadd.f32 v15, v13;
	v6 =	vld [tilespmem:s7+$0xFFFFFE60]  }
0x16c: {  	s2 =	sadd.s32 s18, s19  }
0x16d: {  	s12 =	sshra.s32 s2, $0x2  }
0x16e: {  	[tilespmem:s12+$0x14800] =	vst v5  }
0x16f: {  	v5 =	vld [tilespmem:s10+$0xFFFFFE10]  }
0x170: {  	v13 =	vld [tilespmem:s10+$0xFFFFFE90]  }
0x171: {  	v14 =	vld [tilespmem:s10+$0xFFFFFF10]  }
0x172: {  	v15 =	vld [tilespmem:s10+$0xFFFFFF90];
	_ =	sdelay $0x4  }
0x173: {  	v5 =	vadd.f32 v13, v5;
	v47 =	vadd.f32 v15, v14;
	_ =	sdelay $0x1  }
0x174: {  	v5 =	vadd.f32 v47, v5;
	_ =	sdelay $0x1  }
0x175: {  	[tilespmem:s14+$0x10] =	vst v5  }
0x176: {  	v5 =	vld [tilespmem:s10+$0xFFFFFE20]  }
0x177: {  	v48 =	vld [tilespmem:s10+$0xFFFFFEA0]  }
0x178: {  	v11 =	vadd.f32 v12, v11;
	v49 =	vld [tilespmem:s10+$0xFFFFFF20]  }
0x179: {  	v50 =	vld [tilespmem:s10+$0xFFFFFFA0]  }
0x17a: {  	v7 =	vadd.f32 v9, v7;
	[tilespmem:s14+$0xC0] =	vst v11;
	v8 =	vadd.f32 v10, v8  }
0x17b: {  	v51 =	vld [tilespmem:s10+$0x50]  }
0x17c: {  	v52 =	vld [tilespmem:s10+$0xD0];
	v7 =	vadd.f32 v8, v7  }
0x17d: {  	v53 =	vld [tilespmem:s10+$0x150]  }
0x17e: {  	v11 =	vld [tilespmem:s10+$0x1D0];
	[tilespmem:s8+$0x20] =	vst v7;
	v5 =	vadd.f32 v48, v5;
	v54 =	vadd.f32 v50, v49  }
0x17f: {  	v55 =	vld [tilespmem:s9+$0xFFFFFE30]  }
0x180: {  	v56 =	vld [tilespmem:s9+$0xFFFFFEB0];
	v5 =	vadd.f32 v54, v5  }
0x181: {  	v57 =	vld [tilespmem:s9+$0xFFFFFF30]  }
0x182: {  	v58 =	vld [tilespmem:s9+$0xFFFFFFB0];
	[tilespmem:s14+$0x20] =	vst v5  }
0x183: {  	v8 =	vadd.f32 v11, v53;
	v5 =	vadd.f32 v52, v51;
	v59 =	vld [tilespmem:s10+$0xFFFFFE30]  }
0x184: {  	v60 =	vld [tilespmem:s10+$0xFFFFFEB0]  }
0x185: {  	v61 =	vld [tilespmem:s10+$0xFFFFFF30];
	v5 =	vadd.f32 v8, v5  }
0x186: {  	v62 =	vld [tilespmem:s10+$0xFFFFFFB0]  }
0x187: {  	v7 =	vadd.f32 v58, v57;
	[tilespmem:s14+$0xD0] =	vst v5;
	v5 =	vadd.f32 v56, v55;
	_ =	sdelay $0x1  }
0x188: {  	v26 =	vld [tilespmem:s7+$0xFFFFFEE0];
	v5 =	vadd.f32 v7, v5  }
0x189: {  	v27 =	vld [tilespmem:s7+$0xFFFFFF60]  }
0x18a: {  	v38 =	vld [tilespmem:s7+$0xFFFFFFE0];
	v8 =	vadd.f32 v62, v61;
	[tilespmem:s8+$0x30] =	vst v5;
	v5 =	vadd.f32 v60, v59  }
0x18b: {  	v19 =	vld [tilespmem:s9+$0xFFFFFE40]  }
0x18c: {  	v20 =	vld [tilespmem:s9+$0xFFFFFEC0];
	v5 =	vadd.f32 v8, v5  }
0x18d: {  	v21 =	vld [tilespmem:s9+$0xFFFFFF40]  }
0x18e: {  	v22 =	vld [tilespmem:s9+$0xFFFFFFC0];
	[tilespmem:s14+$0x30] =	vst v5  }
0x18f: {  	v5 =	vld [tilespmem:s10+$0xFFFFFE40]  }
0x190: {  	v23 =	vld [tilespmem:s10+$0xFFFFFEC0]  }
0x191: {  	v24 =	vld [tilespmem:s10+$0xFFFFFF40]  }
0x192: {  	v25 =	vld [tilespmem:s10+$0xFFFFFFC0]  }
0x193: {  	v39 =	vld [tilespmem:s20+$0xFFFFFEF0];
	v9 =	vadd.f32 v20, v19;
	v8 =	vadd.f32 v22, v21  }
0x194: {  	v63 =	vld [tilespmem:s10+$0x60]  }
0x195: {  	v16 =	vld [tilespmem:s10+$0xE0];
	v28 =	vadd.f32 v8, v9  }
0x196: {  	v17 =	vld [tilespmem:s10+$0x160]  }
0x197: {  	v18 =	vld [tilespmem:s10+$0x1E0];
	[tilespmem:s8+$0x40] =	vst v28;
	v5 =	vadd.f32 v23, v5;
	v31 =	vadd.f32 v25, v24  }
0x198: {  	v32 =	vld [tilespmem:s9+$0xFFFFFE50]  }
0x199: {  	v33 =	vld [tilespmem:s9+$0xFFFFFED0];
	v5 =	vadd.f32 v31, v5  }
0x19a: {  	v34 =	vld [tilespmem:s9+$0xFFFFFF50]  }
0x19b: {  	v35 =	vld [tilespmem:s9+$0xFFFFFFD0];
	[tilespmem:s14+$0x40] =	vst v5  }
0x19c: {  	v12 =	vadd.f32 v16, v63;
	v7 =	vadd.f32 v18, v17;
	v5 =	vld [tilespmem:s10+$0xFFFFFE50]  }
0x19d: {  	v36 =	vld [tilespmem:s10+$0xFFFFFED0]  }
0x19e: {  	v7 =	vadd.f32 v7, v12;
	v16 =	vld [tilespmem:s10+$0xFFFFFF50]  }
0x19f: {  	v17 =	vld [tilespmem:s10+$0xFFFFFFD0]  }
0x1a0: {  	[tilespmem:s14+$0xE0] =	vst v7;
	v19 =	vld [tilespmem:s20+$0xFFFFFF70];
	v12 =	vadd.f32 v33, v32;
	v7 =	vadd.f32 v35, v34  }
0x1a1: {  	v20 =	vld [tilespmem:s20+$0xFFFFFFF0]  }
0x1a2: {  	v29 =	vld [tilespmem:s10+$0x70];
	v7 =	vadd.f32 v7, v12  }
0x1a3: {  	v30 =	vld [tilespmem:s10+$0xF0]  }
0x1a4: {  	v18 =	vld [tilespmem:s10+$0x170];
	[tilespmem:s8+$0x50] =	vst v7;
	v5 =	vadd.f32 v36, v5;
	v40 =	vadd.f32 v17, v16  }
0x1a5: {  	v41 =	vld [tilespmem:s9+$0xFFFFFE60]  }
0x1a6: {  	v42 =	vld [tilespmem:s9+$0xFFFFFEE0];
	v5 =	vadd.f32 v40, v5  }
0x1a7: {  	v43 =	vld [tilespmem:s9+$0xFFFFFF60]  }
0x1a8: {  	v44 =	vld [tilespmem:s9+$0xFFFFFFE0];
	[tilespmem:s14+$0x50] =	vst v5  }
0x1a9: {  	v45 =	vadd.f32 v38, v27;
	v5 =	vadd.f32 v26, v6;
	v46 =	vld [tilespmem:s10+$0xFFFFFE60]  }
0x1aa: {  	v47 =	vld [tilespmem:s10+$0xFFFFFEE0]  }
0x1ab: {  	v48 =	vld [tilespmem:s10+$0xFFFFFF60];
	v5 =	vadd.f32 v45, v5  }
0x1ac: {  	v49 =	vld [tilespmem:s10+$0xFFFFFFE0]  }
0x1ad: {  	v37 =	vld [tilespmem:s10+$0x1F0];
	v7 =	vadd.f32 v44, v43;
	[tilespmem:s6+$0x60] =	vst v5;
	v5 =	vadd.f32 v42, v41  }
0x1ae: {  	v50 =	vld [tilespmem:s7+$0xFFFFFE70]  }
0x1af: {  	v51 =	vld [tilespmem:s7+$0xFFFFFEF0];
	v5 =	vadd.f32 v7, v5  }
0x1b0: {  	v52 =	vld [tilespmem:s7+$0xFFFFFF70]  }
0x1b1: {  	v53 =	vld [tilespmem:s7+$0xFFFFFFF0];
	v6 =	vadd.f32 v49, v48;
	[tilespmem:s8+$0x60] =	vst v5;
	v5 =	vadd.f32 v47, v46  }
0x1b2: {  	v54 =	vld [tilespmem:s9+$0xFFFFFE70]  }
0x1b3: {  	v55 =	vld [tilespmem:s9+$0xFFFFFEF0];
	v5 =	vadd.f32 v6, v5  }
0x1b4: {  	v56 =	vld [tilespmem:s9+$0xFFFFFF70]  }
0x1b5: {  	v57 =	vld [tilespmem:s9+$0xFFFFFFF0];
	[tilespmem:s14+$0x60] =	vst v5  }
0x1b6: {  	s22 =	sor.u32 $0x20, s31;
	v5 =	vld [tilespmem:s10+$0xFFFFFE70]  }
0x1b7: {  	s2 =	smulhi.u32 $0x51EB851F, s22;
	v4 =	vadd.f32 v39, v4;
	v60 =	vadd.f32 v20, v19;
	v21 =	vld [tilespmem:s10+$0xFFFFFEF0]  }
0x1b8: {  	s23 =	smulhi.u32 $0x51EB851F, s31;
	v8 =	vadd.f32 v30, v29;
	v59 =	vld [tilespmem:s10+$0xFFFFFF70]  }
0x1b9: {  	s20 =	sshrl.u32 s2, $0x4;
	v58 =	vadd.f32 v37, v18;
	v4 =	vadd.f32 v60, v4;
	v61 =	vld [tilespmem:s10+$0xFFFFFFF0]  }
0x1ba: {  	s24 =	sshrl.u32 s23, $0x4;
	s7 =	sadd.s32 $0xFFFFFFFF, s20;
	v15 =	vadd.f32 v51, v50;
	v7 =	vadd.f32 v53, v52  }
0x1bb: {  	p0 =	sle.u32 s20, s24;
	[tilespmem:s0+$0x70] =	vst v4;
	s0 =	sand.u32 $0x3, s7  }
0x1bc: {  	v8 =	vadd.f32 v58, v8;
	p1 =	sne.s32 @!p0 s0, $0x0;
	v7 =	vadd.f32 v7, v15  }
0x1bd: {  	p1 =	por p0, p1;
	v62 =	vadd.f32 v55, v54;
	v6 =	vadd.f32 v57, v56  }
.Ltmp5:
0x1be: {  	v5 =	vadd.f32 v21, v5;
	v63 =	vadd.f32 v61, v59;
	(pc) =	sbr.rel @p1 .LBB2_10-.Ltmp5, $4  }
0x1bf: {  	[tilespmem:s12+$0x148F0] =	vst v8;
	v4 =	vadd.f32 v6, v62  }
0x1c0: {  	[tilespmem:s6+$0x70] =	vst v7;
	v5 =	vadd.f32 v63, v5  }
0x1c1: {  	[tilespmem:s8+$0x70] =	vst v4  }
0x1c2: {  	[tilespmem:s14+$0x70] =	vst v5  }
0x1c3: {  	s0 =	sadd.s32 s5, s7  }
0x1c4: {  	s0 =	smul.u32 $0x1C00, s0  }
.Ltmp6:
0x1c5: {  	_ = 	snop;
	(pc) =	sbr.rel .LBB2_15-.Ltmp6, $4  }
0x1c6: {  	_ = 	snop  }
0x1c7: {  	s2 =	simm.s32 $0x14800;
	s0 =	sshrl.u32 s0, $0x3  }
0x1c8: {  	s12 =	smov.u32 s11;
	s11 =	simm.s32 $0x80;
	s0 =	sadd.s32 s4, s0  }
0x1c9: {  	[hbm4b:s0+s3] =	stream.linear.scatter [tilespmem:s2], [sflag:$0x3], $0x1C00, $0x38;
	[tilespmem:$0x1B800] =	vst v63  }
.LBB2_10:
0x1ca: {  	p1 =	sne.s32 @!p0 s0, $0x1  }
0x1cb: {  	p1 =	por p0, p1  }
.Ltmp7:
0x1cc: {  	_ = 	snop;
	(pc) =	sbr.rel @p1 .LBB2_12-.Ltmp7, $2  }
0x1cd: {  	_ =	sdelay $0x2  }
0x1ce: {  	s12 =	smov.u32 s11  }
0x1cf: {  	s0 =	sadd.s32 s5, s7  }
0x1d0: {  	s0 =	smul.u32 $0x1C00, s0  }
.Ltmp8:
0x1d1: {  	_ = 	snop;
	(pc) =	sbr.rel .LBB2_15-.Ltmp8, $4  }
0x1d2: {  	_ = 	snop  }
0x1d3: {  	s0 =	sshrl.u32 s0, $0x3  }
0x1d4: {  	s2 =	simm.s32 $0x16400;
	s11 =	simm.s32 $0x80;
	s0 =	sadd.s32 s4, s0  }
0x1d5: {  	[hbm4b:s0+s3] =	stream.linear.scatter [tilespmem:s2], [sflag:$0x4], $0x1C00, $0x38;
	[tilespmem:$0x1B800] =	vst v63  }
.LBB2_12:
0x1d6: {  	p1 =	sne.s32 @!p0 s0, $0x2  }
0x1d7: {  	p1 =	por p0, p1  }
.Ltmp9:
0x1d8: {  	_ = 	snop;
	(pc) =	sbr.rel @p1 .LBB2_14-.Ltmp9, $2  }
0x1d9: {  	_ =	sdelay $0x2  }
0x1da: {  	s11 =	simm.s32 $0x80  }
0x1db: {  	s0 =	sadd.s32 s5, s7  }
0x1dc: {  	s0 =	smul.u32 $0x1C00, s0  }
.Ltmp10:
0x1dd: {  	_ = 	snop;
	(pc) =	sbr.rel .LBB2_15-.Ltmp10, $4  }
0x1de: {  	_ = 	snop  }
0x1df: {  	s0 =	sshrl.u32 s0, $0x3  }
0x1e0: {  	s2 =	simm.s32 $0x18000;
	s0 =	sadd.s32 s4, s0  }
0x1e1: {  	[hbm4b:s0+s3] =	stream.linear.scatter [tilespmem:s2], [sflag:$0x5], $0x1C00, $0x38;
	[tilespmem:$0x1B800] =	vst v63  }
.LBB2_14:
0x1e2: {  	p1 =	sne.s32 @!p0 s0, $0x3  }
0x1e3: {  	p0 =	por p1, p0  }
0x1e4: {  	s0 =	sadd.s32 @!p0 s5, s7  }
0x1e5: {  	s0 =	smul.u32 @!p0 $0x1C00, s0;
	_ =	sdelay $0x1  }
0x1e6: {  	s0 =	sshrl.u32 @!p0 s0, $0x3  }
0x1e7: {  	s2 =	simm.s32 @!p0 $0x0;
	s6 =	simm.s32 @!p0 $0x19C00;
	s0 =	sadd.s32 @!p0 s4, s0  }
0x1e8: {  	[hbm4b:s0+s2] =	stream.linear.scatter @!p0 [tilespmem:s6], [sflag:$0x6], $0x1C00, $0x38;
	[tilespmem:$0x1B800] =	vst v63  }
.LBB2_15:
0x1e9: {  	s2 =	sor.u32 $0x3E, s31  }
0x1ea: {  	s7 =	smulhi.u32 $0x51EB851F, s2;
	_ =	sdelay $0x1  }
0x1eb: {  	s24 =	sshrl.u32 s7, $0x4  }
0x1ec: {  	p1 =	sgt.u32 s2, $0xC7;
	p0 =	sgt.u32 s24, s1  }
0x1ed: {  	s1 =	sand.u32 $0x3, s24;
	p0 =	por !p1, !p0  }
0x1ee: {  	p6 =	sne.s32 s1, $0x0;
	p3 =	por !p0, !p0  }
0x1ef: {  	p0 =	por p6, !p3  }
0x1f0: {  	p1 =	seq.s32 @p0 s1, $0x1  }
0x1f1: {  	p1 =	por @p0 !p1, !p3  }
0x1f2: {  	p1 =	por @p0 !p1, !p1  }
0x1f3: {  	p1 =	por !p0, p1  }
0x1f4: {  	p2 =	seq.s32 @!p1 s1, $0x2  }
0x1f5: {  	p2 =	por @!p1 !p2, !p3  }
0x1f6: {  	p2 =	por @!p1 !p2, !p2  }
0x1f7: {  	p2 =	por p1, p2  }
0x1f8: {  	p4 =	sne.s32 @!p2 s1, $0x3;
	p3 =	por @!p2 !p3, !p3  }
0x1f9: {  	p3 =	por @!p2 p4, p3  }
0x1fa: {  	p3 =	por p2, !p3  }
.Ltmp11:
0x1fb: {  	_ = 	snop;
	(pc) =	sbr.rel @!p3 .LBB2_17-.Ltmp11, $4  }
0x1fc: {  	s0 =	sshll.u32 s30, $0x8  }
0x1fd: {  	s0 =	sand.u32 $0x3FFFFF00, s0  }
0x1fe: {  	s8 =	simm.s32 $0xC800;
	s6 =	sadd.s32 $0x100, s0  }
0x1ff: {  	[tilespmem:s8], [sflag:$0x1] =	stream.indirect.gather [hbm4b:s12+s11], $0x80, s6, s11, $0xb8;
	[tilespmem:$0x1B800] =	vst v63  }
0x200: {  	s1 =	simm.s32 $0x3  }
0x201: {  	s1 =	simm.s32 @p0 $0x4  }
0x202: {  	s1 =	simm.s32 @!p1 $0x5  }
0x203: {  	s1 =	simm.s32 @!p2 $0x6  }
0x204: {  	_ =	swait.ge [sflag:s1], $0x1C00  }
0x205: {  	[sflag:s1] =	ssyncset.done $0x0  }
0x206: {  	[sflag:s1] =	ssyncadd.s32 $0xFFFFE400  }
.LBB2_17:
0x207: {  	_ =	swait.ge [sflag:s17], $0x4000  }
0x208: {  	[sflag:s17] =	ssyncset.done $0x0  }
0x209: {  	s14 =	simm.s32 $0x10BF0;
	[sflag:s17] =	ssyncadd.s32 $0xFFFFC000  }
0x20a: {  	v5 =	vld [tilespmem:s14+$0xFFFFFE10]  }
0x20b: {  	v6 =	vld [tilespmem:s14+$0xFFFFFE90]  }
0x20c: {  	v7 =	vld [tilespmem:s14+$0xFFFFFF10]  }
0x20d: {  	v8 =	vld [tilespmem:s14+$0xFFFFFF90]  }
0x20e: {  	s1 =	smulhi.u32 $0x51EB851F, s28  }
0x20f: {  	v9 =	vld [tilespmem:s14+$0xFFFFFC10]  }
0x210: {  	s1 =	sshrl.u32 s1, $0x4;
	v10 =	vld [tilespmem:s14+$0xFFFFFC90]  }
0x211: {  	v4 =	vmov s26;
	v11 =	vld [tilespmem:s14+$0xFFFFFD10];
	s2 =	sand.u32 $0x3, s1;
	s1 =	smul.u32 $0x6400, s1  }
0x212: {  	v12 =	vld [tilespmem:s14+$0xFFFFFD90];
	s2 =	smul.u32 $0x7000, s2;
	v5 =	vadd.f32 v6, v5;
	v6 =	vadd.f32 v8, v7  }
0x213: {  	s1 =	ssub.s32 $0x0, s1  }
0x214: {  	s1 =	sadd.s32 s1, s2;
	v5 =	vadd.f32 v6, v5  }
0x215: {  	s1 =	sshra.s32 s1, $0x2  }
0x216: {  	[tilespmem:v4+s1+$0x1080 ss:$0x1] =	vst.idx.msk $0xffff, v5  }
0x217: {  	v6 =	vadd.f32 v12, v11;
	v5 =	vadd.f32 v10, v9;
	v7 =	vld [tilespmem:s14+$0xFFFFFE20]  }
0x218: {  	v8 =	vld [tilespmem:s14+$0xFFFFFEA0]  }
0x219: {  	v9 =	vld [tilespmem:s14+$0xFFFFFFA0];
	v5 =	vadd.f32 v6, v5  }
0x21a: {  	v6 =	vld [tilespmem:s14+$0xFFFFFF20]  }
0x21b: {  	[tilespmem:v4+s1+$0x1000 ss:$0x1] =	vst.idx.msk $0xffff, v5  }
0x21c: {  	v5 =	vld [tilespmem:s14+$0xFFFFFC20]  }
0x21d: {  	v10 =	vld [tilespmem:s14+$0xFFFFFCA0]  }
0x21e: {  	v11 =	vld [tilespmem:s14+$0xFFFFFD20]  }
0x21f: {  	v12 =	vld [tilespmem:s14+$0xFFFFFDA0];
	v7 =	vadd.f32 v8, v7;
	v6 =	vadd.f32 v9, v6;
	_ =	sdelay $0x1  }
0x220: {  	v6 =	vadd.f32 v6, v7;
	_ =	sdelay $0x1  }
0x221: {  	[tilespmem:v4+s1+$0x1090 ss:$0x1] =	vst.idx.msk $0xffff, v6  }
0x222: {  	v5 =	vadd.f32 v10, v5;
	v6 =	vadd.f32 v12, v11;
	v7 =	vld [tilespmem:s14+$0xFFFFFE30]  }
0x223: {  	v8 =	vld [tilespmem:s14+$0xFFFFFEB0]  }
0x224: {  	v9 =	vld [tilespmem:s14+$0xFFFFFFB0];
	v5 =	vadd.f32 v6, v5  }
0x225: {  	v6 =	vld [tilespmem:s14+$0xFFFFFF30]  }
0x226: {  	[tilespmem:v4+s1+$0x1010 ss:$0x1] =	vst.idx.msk $0xffff, v5  }
0x227: {  	v5 =	vld [tilespmem:s14+$0xFFFFFC30]  }
0x228: {  	v10 =	vld [tilespmem:s14+$0xFFFFFCB0]  }
0x229: {  	v11 =	vld [tilespmem:s14+$0xFFFFFD30]  }
0x22a: {  	v12 =	vld [tilespmem:s14+$0xFFFFFDB0];
	v7 =	vadd.f32 v8, v7;
	v6 =	vadd.f32 v9, v6;
	_ =	sdelay $0x1  }
0x22b: {  	v6 =	vadd.f32 v6, v7;
	_ =	sdelay $0x1  }
0x22c: {  	[tilespmem:v4+s1+$0x10A0 ss:$0x1] =	vst.idx.msk $0xffff, v6  }
0x22d: {  	v5 =	vadd.f32 v10, v5;
	v6 =	vadd.f32 v12, v11;
	v7 =	vld [tilespmem:s14+$0xFFFFFE40]  }
0x22e: {  	v8 =	vld [tilespmem:s14+$0xFFFFFEC0]  }
0x22f: {  	v9 =	vld [tilespmem:s14+$0xFFFFFFC0];
	v5 =	vadd.f32 v6, v5  }
0x230: {  	v6 =	vld [tilespmem:s14+$0xFFFFFF40]  }
0x231: {  	[tilespmem:v4+s1+$0x1020 ss:$0x1] =	vst.idx.msk $0xffff, v5  }
0x232: {  	v5 =	vld [tilespmem:s14+$0xFFFFFC40]  }
0x233: {  	v10 =	vld [tilespmem:s14+$0xFFFFFCC0]  }
0x234: {  	v11 =	vld [tilespmem:s14+$0xFFFFFD40]  }
0x235: {  	v12 =	vld [tilespmem:s14+$0xFFFFFDC0];
	v7 =	vadd.f32 v8, v7;
	v6 =	vadd.f32 v9, v6  }
0x236: {  	s6 =	simm.s32 $0x10FF0  }
0x237: {  	v13 =	vld [tilespmem:s6+$0xFFFFFE90];
	v6 =	vadd.f32 v6, v7  }
0x238: {  	v14 =	vld [tilespmem:s6+$0xFFFFFF10]  }
0x239: {  	v15 =	vld [tilespmem:s6+$0xFFFFFF90];
	[tilespmem:v4+s1+$0x10B0 ss:$0x1] =	vst.idx.msk $0xffff, v6  }
0x23a: {  	v5 =	vadd.f32 v10, v5;
	v6 =	vadd.f32 v12, v11;
	v7 =	vld [tilespmem:s14+$0xFFFFFE50]  }
0x23b: {  	v8 =	vld [tilespmem:s14+$0xFFFFFED0]  }
0x23c: {  	v9 =	vld [tilespmem:s14+$0xFFFFFFD0];
	v5 =	vadd.f32 v6, v5  }
0x23d: {  	v6 =	vld [tilespmem:s14+$0xFFFFFF50]  }
0x23e: {  	v12 =	vld [tilespmem:s6+$0xFFFFFE10];
	[tilespmem:v4+s1+$0x1030 ss:$0x1] =	vst.idx.msk $0xffff, v5  }
0x23f: {  	v5 =	vld [tilespmem:s14+$0xFFFFFC50]  }
0x240: {  	v10 =	vld [tilespmem:s14+$0xFFFFFCD0]  }
0x241: {  	s9 =	sadd.s32 $0x2, s28;
	v11 =	vld [tilespmem:s14+$0xFFFFFD50]  }
0x242: {  	s22 =	smulhi.u32 $0x51EB851F, s9;
	v16 =	vld [tilespmem:s14+$0xFFFFFDD0];
	v7 =	vadd.f32 v8, v7;
	v6 =	vadd.f32 v9, v6  }
0x243: {  	v8 =	vld [tilespmem:s6+$0xFFFFFC10]  }
0x244: {  	s2 =	sshrl.u32 s22, $0x4;
	v9 =	vld [tilespmem:s6+$0xFFFFFD10];
	v6 =	vadd.f32 v6, v7  }
0x245: {  	s7 =	sand.u32 $0x3, s2;
	s2 =	smul.u32 $0x6400, s2;
	v7 =	vld [tilespmem:s6+$0xFFFFFC90]  }
0x246: {  	s7 =	smul.u32 $0x7000, s7;
	[tilespmem:v4+s1+$0x10C0 ss:$0x1] =	vst.idx.msk $0xffff, v6;
	v6 =	vadd.f32 v13, v12;
	v12 =	vadd.f32 v15, v14;
	v13 =	vld [tilespmem:s6+$0xFFFFFD90]  }
0x247: {  	s2 =	ssub.s32 $0x400, s2;
	v14 =	vld [tilespmem:s14+$0xFFFFFE60]  }
0x248: {  	s2 =	sadd.s32 s2, s7;
	v15 =	vld [tilespmem:s14+$0xFFFFFEE0];
	v6 =	vadd.f32 v12, v6  }
0x249: {  	s7 =	sshra.s32 s2, $0x2;
	v5 =	vadd.f32 v10, v5;
	v10 =	vadd.f32 v16, v11;
	v11 =	vld [tilespmem:s14+$0xFFFFFFE0]  }
0x24a: {  	v12 =	vld [tilespmem:s14+$0xFFFFFF60];
	[tilespmem:v4+s7+$0x1080 ss:$0x1] =	vst.idx.msk $0xffff, v6  }
0x24b: {  	v7 =	vadd.f32 v7, v8;
	v6 =	vld [tilespmem:s6+$0xFFFFFE20];
	v8 =	vadd.f32 v13, v9  }
0x24c: {  	v5 =	vadd.f32 v10, v5;
	v9 =	vld [tilespmem:s6+$0xFFFFFEA0]  }
0x24d: {  	v10 =	vld [tilespmem:s6+$0xFFFFFF20];
	v7 =	vadd.f32 v8, v7  }
0x24e: {  	s8 =	simm.s32 $0x113F0;
	[tilespmem:v4+s1+$0x1040 ss:$0x1] =	vst.idx.msk $0xffff, v5;
	v5 =	vld [tilespmem:s6+$0xFFFFFFA0]  }
0x24f: {  	v21 =	vld [tilespmem:s8+$0xFFFFFF90];
	v8 =	vadd.f32 v15, v14;
	v11 =	vadd.f32 v11, v12;
	[tilespmem:v4+s7+$0x1000 ss:$0x1] =	vst.idx.msk $0xffff, v7  }
0x250: {  	v7 =	vld [tilespmem:s6+$0xFFFFFC20]  }
0x251: {  	v8 =	vadd.f32 v11, v8;
	v11 =	vld [tilespmem:s6+$0xFFFFFCA0]  }
0x252: {  	v12 =	vld [tilespmem:s6+$0xFFFFFD20]  }
0x253: {  	v6 =	vadd.f32 v9, v6;
	v5 =	vadd.f32 v5, v10;
	[tilespmem:v4+s1+$0x10D0 ss:$0x1] =	vst.idx.msk $0xffff, v8;
	v8 =	vld [tilespmem:s6+$0xFFFFFDA0]  }
0x254: {  	v9 =	vld [tilespmem:s14+$0xFFFFFE70]  }
0x255: {  	v10 =	vld [tilespmem:s14+$0xFFFFFEF0];
	v5 =	vadd.f32 v5, v6  }
0x256: {  	v6 =	vld [tilespmem:s14+$0xFFFFFF70]  }
0x257: {  	v14 =	vld [tilespmem:s14+$0xFFFFFFF0];
	[tilespmem:v4+s7+$0x1090 ss:$0x1] =	vst.idx.msk $0xffff, v5  }
0x258: {  	v5 =	vld [tilespmem:s6+$0xFFFFFE30]  }
0x259: {  	v7 =	vadd.f32 v11, v7;
	v11 =	vld [tilespmem:s6+$0xFFFFFEB0];
	v8 =	vadd.f32 v8, v12  }
0x25a: {  	v12 =	vld [tilespmem:s6+$0xFFFFFF30]  }
0x25b: {  	v7 =	vadd.f32 v8, v7;
	v8 =	vld [tilespmem:s6+$0xFFFFFFB0]  }
0x25c: {  	v35 =	vld [tilespmem:s8+$0xFFFFFC10]  }
0x25d: {  	v13 =	vld [tilespmem:s14+$0xFFFFFC60];
	v9 =	vadd.f32 v10, v9;
	v6 =	vadd.f32 v14, v6;
	[tilespmem:v4+s7+$0x1010 ss:$0x1] =	vst.idx.msk $0xffff, v7  }
0x25e: {  	v7 =	vld [tilespmem:s6+$0xFFFFFC30]  }
0x25f: {  	v6 =	vadd.f32 v6, v9;
	v9 =	vld [tilespmem:s6+$0xFFFFFCB0]  }
0x260: {  	v11 =	vadd.f32 v11, v5;
	v10 =	vld [tilespmem:s6+$0xFFFFFD30];
	v8 =	vadd.f32 v8, v12  }
0x261: {  	v14 =	vld [tilespmem:s6+$0xFFFFFDB0]  }
0x262: {  	v15 =	vld [tilespmem:s14+$0xFFFFFCE0];
	v8 =	vadd.f32 v8, v11  }
0x263: {  	v12 =	vld [tilespmem:s14+$0xFFFFFDE0]  }
0x264: {  	v11 =	vld [tilespmem:s14+$0xFFFFFD60];
	[tilespmem:v4+s7+$0x10A0 ss:$0x1] =	vst.idx.msk $0xffff, v8  }
0x265: {  	v7 =	vadd.f32 v9, v7;
	v9 =	vld [tilespmem:s6+$0xFFFFFE40]  }
0x266: {  	v8 =	vadd.f32 v14, v10;
	v10 =	vld [tilespmem:s6+$0xFFFFFEC0]  }
0x267: {  	v14 =	vld [tilespmem:s6+$0xFFFFFF40]  }
0x268: {  	v31 =	vld [tilespmem:s6+$0xFFFFFFC0];
	v7 =	vadd.f32 v8, v7  }
0x269: {  	v36 =	vld [tilespmem:s8+$0xFFFFFD10];
	[tilespmem:v4+s1+$0x10E0 ss:$0x1] =	vst.idx.msk $0xffff, v6  }
0x26a: {  	v5 =	vld [tilespmem:s14+$0xFFFFFE80];
	v11 =	vadd.f32 v12, v11;
	[tilespmem:v4+s7+$0x1020 ss:$0x1] =	vst.idx.msk $0xffff, v7;
	v7 =	vadd.f32 v15, v13  }
0x26b: {  	v12 =	vld [tilespmem:s6+$0xFFFFFC40]  }
0x26c: {  	v13 =	vld [tilespmem:s6+$0xFFFFFCC0];
	v7 =	vadd.f32 v11, v7  }
0x26d: {  	v15 =	vld [tilespmem:s6+$0xFFFFFDC0];
	v10 =	vadd.f32 v10, v9;
	v14 =	vadd.f32 v31, v14  }
0x26e: {  	v11 =	vld [tilespmem:s6+$0xFFFFFD40]  }
0x26f: {  	v6 =	vld [tilespmem:s14+$0xFFFFFF00];
	[tilespmem:v4+s1+$0x1050 ss:$0x1] =	vst.idx.msk $0xffff, v7;
	v10 =	vadd.f32 v14, v10  }
0x270: {  	v7 =	vld [tilespmem:s14+$0xFFFFFC70]  }
0x271: {  	v14 =	vld [tilespmem:s14+$0xFFFFFCF0];
	[tilespmem:v4+s7+$0x10B0 ss:$0x1] =	vst.idx.msk $0xffff, v10  }
0x272: {  	v10 =	vadd.f32 v13, v12;
	v12 =	vld [tilespmem:s6+$0xFFFFFE50]  }
0x273: {  	v11 =	vadd.f32 v15, v11;
	v13 =	vld [tilespmem:s6+$0xFFFFFED0]  }
0x274: {  	v15 =	vld [tilespmem:s6+$0xFFFFFFD0]  }
0x275: {  	v10 =	vadd.f32 v11, v10;
	v11 =	vld [tilespmem:s6+$0xFFFFFF50]  }
0x276: {  	v32 =	vld [tilespmem:s14+$0xFFFFFD70]  }
0x277: {  	v17 =	vld [tilespmem:s14+$0xFFFFFDF0];
	[tilespmem:v4+s7+$0x1030 ss:$0x1] =	vst.idx.msk $0xffff, v10  }
0x278: {  	v10 =	vld [tilespmem:s6+$0xFFFFFC50]  }
0x279: {  	v18 =	vld [tilespmem:s6+$0xFFFFFCD0]  }
0x27a: {  	v19 =	vld [tilespmem:s6+$0xFFFFFD50];
	v12 =	vadd.f32 v13, v12;
	v11 =	vadd.f32 v15, v11  }
0x27b: {  	v20 =	vld [tilespmem:s6+$0xFFFFFDD0]  }
0x27c: {  	v13 =	vld [tilespmem:s8+$0xFFFFFE10];
	v11 =	vadd.f32 v11, v12  }
0x27d: {  	v15 =	vld [tilespmem:s8+$0xFFFFFE90]  }
0x27e: {  	s10 =	sadd.s32 $0x2, s9;
	v12 =	vld [tilespmem:s8+$0xFFFFFF10];
	[tilespmem:v4+s7+$0x10C0 ss:$0x1] =	vst.idx.msk $0xffff, v11  }
0x27f: {  	s23 =	smulhi.u32 $0x51EB851F, s10;
	v7 =	vadd.f32 v14, v7;
	v14 =	vadd.f32 v17, v32;
	v11 =	vld [tilespmem:s6+$0xFFFFFE60]  }
0x280: {  	v22 =	vld [tilespmem:s6+$0xFFFFFEE0]  }
0x281: {  	s2 =	sshrl.u32 s23, $0x4;
	v7 =	vadd.f32 v14, v7;
	v23 =	vld [tilespmem:s6+$0xFFFFFF60]  }
0x282: {  	s24 =	sand.u32 $0x3, s2;
	s2 =	smul.u32 $0x6400, s2;
	v10 =	vadd.f32 v18, v10;
	v33 =	vadd.f32 v20, v19;
	v34 =	vld [tilespmem:s6+$0xFFFFFFE0]  }
0x283: {  	s9 =	smul.u32 $0x7000, s24;
	v8 =	vld [tilespmem:s14+$0xFFFFFF80];
	v13 =	vadd.f32 v15, v13;
	v12 =	vadd.f32 v21, v12  }
0x284: {  	s2 =	ssub.s32 $0x800, s2;
	v9 =	vld [tilespmem:s14+$0x0];
	v10 =	vadd.f32 v33, v10  }
0x285: {  	s2 =	sadd.s32 s2, s9;
	[tilespmem:v4+s1+$0x1060 ss:$0x1] =	vst.idx.msk $0xffff, v7;
	v15 =	vld [tilespmem:s8+$0xFFFFFC90];
	v12 =	vadd.f32 v12, v13  }
0x286: {  	s9 =	sshra.s32 s2, $0x2;
	[tilespmem:v4+s7+$0x1040 ss:$0x1] =	vst.idx.msk $0xffff, v10;
	v10 =	vld [tilespmem:s8+$0xFFFFFD90]  }
0x287: {  	v54 =	vld [tilespmem:s14+$0xFFFFFD00];
	v11 =	vadd.f32 v22, v11;
	v13 =	vadd.f32 v34, v23;
	[tilespmem:v4+s9+$0x1080 ss:$0x1] =	vst.idx.msk $0xffff, v12  }
0x288: {  	v37 =	vld [tilespmem:s8+$0xFFFFFE20]  }
0x289: {  	v38 =	vld [tilespmem:s8+$0xFFFFFEA0];
	v11 =	vadd.f32 v13, v11  }
0x28a: {  	v13 =	vld [tilespmem:s8+$0xFFFFFF20]  }
0x28b: {  	v15 =	vadd.f32 v15, v35;
	v10 =	vadd.f32 v10, v36;
	v39 =	vld [tilespmem:s8+$0xFFFFFFA0];
	[tilespmem:v4+s7+$0x10D0 ss:$0x1] =	vst.idx.msk $0xffff, v11  }
0x28c: {  	v11 =	vld [tilespmem:s6+$0xFFFFFE70]  }
0x28d: {  	v10 =	vadd.f32 v10, v15;
	v15 =	vld [tilespmem:s6+$0xFFFFFEF0]  }
0x28e: {  	v40 =	vld [tilespmem:s6+$0xFFFFFF70]  }
0x28f: {  	[tilespmem:v4+s9+$0x1000 ss:$0x1] =	vst.idx.msk $0xffff, v10;
	v10 =	vld [tilespmem:s6+$0xFFFFFFF0]  }
0x290: {  	v41 =	vld [tilespmem:s8+$0xFFFFFC20]  }
0x291: {  	v42 =	vld [tilespmem:s8+$0xFFFFFCA0]  }
0x292: {  	v19 =	vadd.f32 v38, v37;
	v13 =	vadd.f32 v39, v13;
	v43 =	vld [tilespmem:s8+$0xFFFFFD20]  }
0x293: {  	v44 =	vld [tilespmem:s8+$0xFFFFFDA0]  }
0x294: {  	v53 =	vld [tilespmem:s6+$0xFFFFFD60];
	v13 =	vadd.f32 v13, v19  }
0x295: {  	v12 =	vld [tilespmem:s6+$0xFFFFFC60]  }
0x296: {  	v11 =	vadd.f32 v15, v11;
	[tilespmem:v4+s9+$0x1090 ss:$0x1] =	vst.idx.msk $0xffff, v13;
	v13 =	vld [tilespmem:s6+$0xFFFFFCE0];
	v10 =	vadd.f32 v10, v40  }
0x297: {  	v15 =	vld [tilespmem:s8+$0xFFFFFE30];
	v18 =	vadd.f32 v42, v41  }
0x298: {  	v45 =	vld [tilespmem:s8+$0xFFFFFEB0];
	v19 =	vadd.f32 v44, v43;
	v10 =	vadd.f32 v10, v11  }
0x299: {  	v46 =	vld [tilespmem:s8+$0xFFFFFFB0]  }
0x29a: {  	v11 =	vld [tilespmem:s8+$0xFFFFFF30];
	v18 =	vadd.f32 v19, v18;
	[tilespmem:v4+s7+$0x10E0 ss:$0x1] =	vst.idx.msk $0xffff, v10  }
0x29b: {  	v10 =	vld [tilespmem:s6+$0xFFFFFE80]  }
0x29c: {  	v47 =	vld [tilespmem:s6+$0xFFFFFF00];
	[tilespmem:v4+s9+$0x1010 ss:$0x1] =	vst.idx.msk $0xffff, v18  }
0x29d: {  	v50 =	vld [tilespmem:s8+$0xFFFFFC30]  }
0x29e: {  	v51 =	vld [tilespmem:s8+$0xFFFFFCB0]  }
0x29f: {  	v14 =	vld [tilespmem:s8+$0xFFFFFD30]  }
0x2a0: {  	v52 =	vld [tilespmem:s8+$0xFFFFFDB0];
	v15 =	vadd.f32 v45, v15;
	v11 =	vadd.f32 v46, v11  }
0x2a1: {  	v48 =	vld [tilespmem:s6+$0xFFFFFF80]  }
0x2a2: {  	v49 =	vld [tilespmem:s6+$0x0];
	v7 =	vadd.f32 v11, v15  }
0x2a3: {  	v11 =	vld [tilespmem:s6+$0xFFFFFDE0]  }
0x2a4: {  	v15 =	vld [tilespmem:s14+$0xFFFFFC80];
	[tilespmem:v4+s9+$0x10A0 ss:$0x1] =	vst.idx.msk $0xffff, v7  }
0x2a5: {  	v7 =	vadd.f32 v51, v50;
	v14 =	vadd.f32 v52, v14;
	v55 =	vld [tilespmem:s8+$0xFFFFFE40]  }
0x2a6: {  	v56 =	vld [tilespmem:s8+$0xFFFFFEC0]  }
0x2a7: {  	v57 =	vld [tilespmem:s8+$0xFFFFFFC0];
	v7 =	vadd.f32 v14, v7  }
0x2a8: {  	v14 =	vld [tilespmem:s8+$0xFFFFFF40]  }
0x2a9: {  	v12 =	vadd.f32 v13, v12;
	v11 =	vadd.f32 v11, v53;
	[tilespmem:v4+s9+$0x1020 ss:$0x1] =	vst.idx.msk $0xffff, v7;
	v7 =	vld [tilespmem:s14+$0xFFFFFD80]  }
0x2aa: {  	v13 =	vld [tilespmem:s8+$0xFFFFFC40]  }
0x2ab: {  	v11 =	vadd.f32 v11, v12;
	v12 =	vld [tilespmem:s8+$0xFFFFFCC0]  }
0x2ac: {  	v58 =	vld [tilespmem:s8+$0xFFFFFD40]  }
0x2ad: {  	v16 =	vadd.f32 v56, v55;
	[tilespmem:v4+s7+$0x1050 ss:$0x1] =	vst.idx.msk $0xffff, v11;
	v11 =	vld [tilespmem:s8+$0xFFFFFDC0];
	v14 =	vadd.f32 v57, v14  }
0x2ae: {  	v59 =	vld [tilespmem:s6+$0xFFFFFC70]  }
0x2af: {  	v60 =	vld [tilespmem:s6+$0xFFFFFCF0];
	v14 =	vadd.f32 v14, v16  }
0x2b0: {  	v61 =	vld [tilespmem:s6+$0xFFFFFD70]  }
0x2b1: {  	v5 =	vadd.f32 v6, v5;
	v6 =	vadd.f32 v9, v8;
	v8 =	vld [tilespmem:s6+$0xFFFFFDF0];
	[tilespmem:v4+s9+$0x10B0 ss:$0x1] =	vst.idx.msk $0xffff, v14  }
0x2b2: {  	v9 =	vadd.f32 v12, v13;
	v11 =	vadd.f32 v11, v58;
	v12 =	vld [tilespmem:s8+$0xFFFFFE50]  }
0x2b3: {  	v13 =	vld [tilespmem:s8+$0xFFFFFED0]  }
0x2b4: {  	v5 =	vadd.f32 v6, v5;
	v14 =	vld [tilespmem:s8+$0xFFFFFF50];
	v6 =	vadd.f32 v11, v9  }
0x2b5: {  	v62 =	vld [tilespmem:s8+$0xFFFFFFD0];
	v9 =	vadd.f32 v47, v10;
	v10 =	vadd.f32 v49, v48  }
0x2b6: {  	v63 =	vadd.f32 v8, v61;
	v11 =	vadd.f32 v60, v59;
	[tilespmem:v4+s9+$0x1030 ss:$0x1] =	vst.idx.msk $0xffff, v6;
	v6 =	vld [tilespmem:s14+$0xFFFFFE00]  }
0x2b7: {  	v9 =	vadd.f32 v10, v9;
	v8 =	vld [tilespmem:s8+$0xFFFFFC50]  }
0x2b8: {  	[tilespmem:v4+s1+$0x10F0 ss:$0x1] =	vst.idx.msk $0xffff, v5;
	v16 =	vadd.f32 v63, v11;
	v10 =	vld [tilespmem:s8+$0xFFFFFCD0]  }
0x2b9: {  	v5 =	vadd.f32 v54, v15;
	v11 =	vld [tilespmem:s8+$0xFFFFFDD0];
	[tilespmem:v4+s7+$0x10F0 ss:$0x1] =	vst.idx.msk $0xffff, v9  }
0x2ba: {  	s18 =	simm.s32 $0x4;
	s19 =	simm.s32 $0x117F0;
	s14 =	simm.s32 $0x800;
	v12 =	vadd.f32 v13, v12;
	v13 =	vadd.f32 v62, v14;
	v9 =	vld [tilespmem:s8+$0xFFFFFD50];
	[tilespmem:v4+s7+$0x1060 ss:$0x1] =	vst.idx.msk $0xffff, v16  }
.LBB2_18:
0x2bb: {  	v14 =	vld [tilespmem:s19+$0xFFFFFE10];
	v6 =	vadd.f32 v6, v7  }
0x2bc: {  	v7 =	vld [tilespmem:s19+$0xFFFFFE90];
	v12 =	vadd.f32 v13, v12  }
0x2bd: {  	v13 =	vld [tilespmem:s19+$0xFFFFFF10];
	v8 =	vadd.f32 v10, v8;
	v5 =	vadd.f32 v6, v5  }
0x2be: {  	s10 =	sadd.s32 $0x2, s10;
	v6 =	vld [tilespmem:s19+$0xFFFFFF90];
	[tilespmem:v4+s9+$0x10C0 ss:$0x1] =	vst.idx.msk $0xffff, v12  }
0x2bf: {  	s2 =	smulhi.u32 $0x51EB851F, s10;
	v9 =	vadd.f32 v11, v9;
	v10 =	vld [tilespmem:s8+$0xFFFFFE60];
	[tilespmem:v4+s1+$0x1070 ss:$0x1] =	vst.idx.msk $0xffff, v5;
	s1 =	smov.u32 s7;
	s7 =	smov.u32 s9  }
0x2c0: {  	v5 =	vld [tilespmem:s8+$0xFFFFFEE0]  }
0x2c1: {  	s2 =	sshrl.u32 s2, $0x4;
	v8 =	vadd.f32 v9, v8;
	v9 =	vld [tilespmem:s8+$0xFFFFFF60]  }
0x2c2: {  	s9 =	sand.u32 $0x3, s2;
	s2 =	smul.u32 $0x6400, s2;
	v11 =	vld [tilespmem:s8+$0xFFFFFFE0]  }
0x2c3: {  	s14 =	sadd.s32 $0x400, s14;
	s9 =	smul.u32 $0x7000, s9;
	v7 =	vadd.f32 v7, v14;
	v12 =	vld [tilespmem:s19+$0xFFFFFC10];
	v6 =	vadd.f32 v6, v13;
	[tilespmem:v4+s7+$0x1040 ss:$0x1] =	vst.idx.msk $0xffff, v8  }
0x2c4: {  	s2 =	ssub.s32 s14, s2;
	v8 =	vld [tilespmem:s19+$0xFFFFFC90]  }
0x2c5: {  	s2 =	sadd.s32 s2, s9;
	v13 =	vld [tilespmem:s19+$0xFFFFFD10];
	v6 =	vadd.f32 v6, v7  }
0x2c6: {  	s9 =	sshra.s32 s2, $0x2;
	v7 =	vld [tilespmem:s19+$0xFFFFFD90]  }
0x2c7: {  	v5 =	vadd.f32 v5, v10;
	[tilespmem:v4+s9+$0x1080 ss:$0x1] =	vst.idx.msk $0xffff, v6;
	v6 =	vld [tilespmem:s8+$0xFFFFFC60];
	v9 =	vadd.f32 v11, v9  }
0x2c8: {  	v10 =	vld [tilespmem:s19+$0xFFFFFE20]  }
0x2c9: {  	v8 =	vadd.f32 v8, v12;
	v11 =	vld [tilespmem:s19+$0xFFFFFEA0];
	v5 =	vadd.f32 v9, v5  }
0x2ca: {  	v9 =	vld [tilespmem:s19+$0xFFFFFF20]  }
0x2cb: {  	v7 =	vadd.f32 v7, v13;
	v12 =	vld [tilespmem:s19+$0xFFFFFFA0];
	[tilespmem:v4+s7+$0x10D0 ss:$0x1] =	vst.idx.msk $0xffff, v5  }
0x2cc: {  	v5 =	vld [tilespmem:s8+$0xFFFFFE70]  }
0x2cd: {  	v7 =	vadd.f32 v7, v8;
	v8 =	vld [tilespmem:s8+$0xFFFFFEF0]  }
0x2ce: {  	v13 =	vld [tilespmem:s8+$0xFFFFFF70]  }
0x2cf: {  	[tilespmem:v4+s9+$0x1000 ss:$0x1] =	vst.idx.msk $0xffff, v7;
	v7 =	vld [tilespmem:s8+$0xFFFFFFF0]  }
0x2d0: {  	v10 =	vadd.f32 v11, v10;
	v14 =	vld [tilespmem:s19+$0xFFFFFC20];
	v9 =	vadd.f32 v12, v9  }
0x2d1: {  	v11 =	vld [tilespmem:s19+$0xFFFFFCA0]  }
0x2d2: {  	v12 =	vld [tilespmem:s19+$0xFFFFFD20];
	v9 =	vadd.f32 v9, v10  }
0x2d3: {  	v10 =	vld [tilespmem:s19+$0xFFFFFDA0]  }
0x2d4: {  	v5 =	vadd.f32 v8, v5;
	[tilespmem:v4+s9+$0x1090 ss:$0x1] =	vst.idx.msk $0xffff, v9;
	v9 =	vld [tilespmem:s8+$0xFFFFFCE0];
	v7 =	vadd.f32 v7, v13  }
0x2d5: {  	v8 =	vld [tilespmem:s19+$0xFFFFFE30]  }
0x2d6: {  	s18 =	sadd.s32 $0x2, s18;
	v11 =	vadd.f32 v11, v14;
	v13 =	vld [tilespmem:s19+$0xFFFFFEB0];
	v5 =	vadd.f32 v7, v5  }
0x2d7: {  	p0 =	slt.u32 s18, $0x1E;
	v7 =	vld [tilespmem:s19+$0xFFFFFF30]  }
0x2d8: {  	v10 =	vadd.f32 v10, v12;
	v12 =	vld [tilespmem:s19+$0xFFFFFFB0];
	[tilespmem:v4+s7+$0x10E0 ss:$0x1] =	vst.idx.msk $0xffff, v5  }
0x2d9: {  	v5 =	vadd.f32 v9, v6;
	v6 =	vld [tilespmem:s8+$0xFFFFFE80]  }
0x2da: {  	v9 =	vadd.f32 v10, v11;
	v10 =	vld [tilespmem:s8+$0xFFFFFF00]  }
0x2db: {  	v11 =	vld [tilespmem:s8+$0xFFFFFF80]  }
0x2dc: {  	[tilespmem:v4+s9+$0x1010 ss:$0x1] =	vst.idx.msk $0xffff, v9;
	v9 =	vld [tilespmem:s8+$0x0]  }
0x2dd: {  	v14 =	vld [tilespmem:s19+$0xFFFFFC30]  }
0x2de: {  	v15 =	vld [tilespmem:s19+$0xFFFFFCB0]  }
0x2df: {  	v16 =	vld [tilespmem:s19+$0xFFFFFD30]  }
0x2e0: {  	v8 =	vadd.f32 v13, v8;
	v7 =	vadd.f32 v12, v7;
	v17 =	vld [tilespmem:s19+$0xFFFFFDB0]  }
0x2e1: {  	v6 =	vadd.f32 v10, v6;
	v12 =	vld [tilespmem:s8+$0xFFFFFD60];
	v9 =	vadd.f32 v9, v11  }
0x2e2: {  	v7 =	vadd.f32 v7, v8;
	v8 =	vld [tilespmem:s8+$0xFFFFFDE0]  }
0x2e3: {  	v10 =	vadd.f32 v15, v14;
	v6 =	vadd.f32 v9, v6;
	v9 =	vld [tilespmem:s6+$0xFFFFFC80]  }
0x2e4: {  	[tilespmem:v4+s9+$0x10A0 ss:$0x1] =	vst.idx.msk $0xffff, v7;
	v11 =	vld [tilespmem:s6+$0xFFFFFD00]  }
0x2e5: {  	v7 =	vadd.f32 v17, v16;
	v13 =	vld [tilespmem:s19+$0xFFFFFE40];
	[tilespmem:v4+s7+$0x10F0 ss:$0x1] =	vst.idx.msk $0xffff, v6  }
0x2e6: {  	v6 =	vld [tilespmem:s19+$0xFFFFFEC0]  }
0x2e7: {  	v7 =	vadd.f32 v7, v10;
	v10 =	vld [tilespmem:s19+$0xFFFFFF40];
	v8 =	vadd.f32 v8, v12  }
0x2e8: {  	v12 =	vld [tilespmem:s19+$0xFFFFFFC0]  }
0x2e9: {  	[tilespmem:v4+s9+$0x1020 ss:$0x1] =	vst.idx.msk $0xffff, v7;
	v8 =	vadd.f32 v8, v5;
	v7 =	vld [tilespmem:s6+$0xFFFFFD80];
	v5 =	vadd.f32 v11, v9  }
0x2ea: {  	v9 =	vld [tilespmem:s19+$0xFFFFFC40]  }
0x2eb: {  	v11 =	vld [tilespmem:s19+$0xFFFFFCC0];
	[tilespmem:v4+s7+$0x1050 ss:$0x1] =	vst.idx.msk $0xffff, v8  }
0x2ec: {  	v8 =	vld [tilespmem:s19+$0xFFFFFD40]  }
0x2ed: {  	v6 =	vadd.f32 v6, v13;
	v14 =	vld [tilespmem:s19+$0xFFFFFDC0];
	v10 =	vadd.f32 v12, v10  }
0x2ee: {  	v12 =	vld [tilespmem:s8+$0xFFFFFC70]  }
0x2ef: {  	v6 =	vadd.f32 v10, v6;
	v10 =	vld [tilespmem:s8+$0xFFFFFCF0]  }
0x2f0: {  	v9 =	vadd.f32 v11, v9;
	v11 =	vld [tilespmem:s8+$0xFFFFFD70]  }
0x2f1: {  	[tilespmem:v4+s9+$0x10B0 ss:$0x1] =	vst.idx.msk $0xffff, v6;
	v6 =	vld [tilespmem:s8+$0xFFFFFDF0]  }
0x2f2: {  	v8 =	vadd.f32 v14, v8;
	v13 =	vld [tilespmem:s19+$0xFFFFFE50]  }
0x2f3: {  	v14 =	vld [tilespmem:s19+$0xFFFFFED0]  }
0x2f4: {  	v8 =	vadd.f32 v8, v9;
	v15 =	vld [tilespmem:s19+$0xFFFFFF50];
	v9 =	vadd.f32 v10, v12  }
0x2f5: {  	v16 =	vld [tilespmem:s19+$0xFFFFFFD0]  }
.Ltmp12:
0x2f6: {  	[tilespmem:v4+s9+$0x1030 ss:$0x1] =	vst.idx.msk $0xffff, v8;
	v11 =	vadd.f32 v6, v11;
	v6 =	vld [tilespmem:s6+$0xFFFFFE00];
	s6 =	smov.u32 s8;
	s8 =	smov.u32 s19;
	(pc) =	sbr.rel @p0 .LBB2_18-.Ltmp12, $4  }
0x2f7: {  	v8 =	vld [tilespmem:s19+$0xFFFFFC50]  }
0x2f8: {  	v10 =	vld [tilespmem:s19+$0xFFFFFCD0];
	v17 =	vadd.f32 v11, v9  }
0x2f9: {  	v9 =	vld [tilespmem:s19+$0xFFFFFD50]  }
0x2fa: {  	v12 =	vadd.f32 v14, v13;
	s19 =	sadd.s32 $0x400, s19;
	v11 =	vld [tilespmem:s8+$0xFFFFFDD0];
	v13 =	vadd.f32 v16, v15;
	[tilespmem:v4+s7+$0x1060 ss:$0x1] =	vst.idx.msk $0xffff, v17  }
0x2fb: {  	_ =	sdelay $0x1  }
0x2fc: {  	v12 =	vadd.f32 v13, v12;
	_ =	sdelay $0x1  }
0x2fd: {  	v8 =	vadd.f32 v10, v8;
	[tilespmem:v4+s9+$0x10C0 ss:$0x1] =	vst.idx.msk $0xffff, v12;
	v9 =	vadd.f32 v11, v9  }
0x2fe: {  	v12 =	vld [tilespmem:s8+$0xFFFFFE60]  }
0x2ff: {  	v39 =	vld [tilespmem:s8+$0xFFFFFEE0];
	v8 =	vadd.f32 v9, v8  }
0x300: {  	v14 =	vld [tilespmem:s8+$0xFFFFFF60]  }
0x301: {  	v40 =	vld [tilespmem:s8+$0xFFFFFFE0];
	[tilespmem:v4+s9+$0x1040 ss:$0x1] =	vst.idx.msk $0xffff, v8  }
0x302: {  	v8 =	vld [tilespmem:s8+$0xFFFFFC60]  }
0x303: {  	v42 =	vld [tilespmem:s8+$0xFFFFFCE0]  }
0x304: {  	v43 =	vld [tilespmem:s8+$0xFFFFFD60]  }
0x305: {  	v44 =	vld [tilespmem:s8+$0xFFFFFDE0]  }
0x306: {  	v41 =	vadd.f32 v39, v12;
	v10 =	vadd.f32 v40, v14;
	_ =	sdelay $0x1  }
0x307: {  	v9 =	vadd.f32 v10, v41;
	_ =	sdelay $0x1  }
0x308: {  	[tilespmem:v4+s9+$0x10D0 ss:$0x1] =	vst.idx.msk $0xffff, v9;
	v8 =	vadd.f32 v42, v8;
	v10 =	vadd.f32 v44, v43  }
0x309: {  	v9 =	vld [tilespmem:s8+$0xFFFFFE70]  }
0x30a: {  	v45 =	vld [tilespmem:s8+$0xFFFFFEF0];
	v8 =	vadd.f32 v10, v8  }
0x30b: {  	v46 =	vld [tilespmem:s8+$0xFFFFFF70]  }
0x30c: {  	v15 =	vld [tilespmem:s8+$0xFFFFFFF0];
	[tilespmem:v4+s9+$0x1050 ss:$0x1] =	vst.idx.msk $0xffff, v8  }
0x30d: {  	v49 =	vld [tilespmem:s8+$0xFFFFFC70]  }
0x30e: {  	v50 =	vld [tilespmem:s8+$0xFFFFFCF0]  }
0x30f: {  	v51 =	vld [tilespmem:s8+$0xFFFFFD70]  }
0x310: {  	v52 =	vld [tilespmem:s8+$0xFFFFFDF0]  }
0x311: {  	v47 =	vadd.f32 v45, v9;
	v48 =	vadd.f32 v15, v46  }
0x312: {  	v56 =	vld [tilespmem:s6+$0xFFFFFC80]  }
0x313: {  	v57 =	vld [tilespmem:s6+$0xFFFFFD00];
	v8 =	vadd.f32 v48, v47  }
0x314: {  	v58 =	vld [tilespmem:s6+$0xFFFFFD80]  }
0x315: {  	v16 =	vld [tilespmem:s6+$0xFFFFFE00];
	[tilespmem:v4+s9+$0x10E0 ss:$0x1] =	vst.idx.msk $0xffff, v8;
	v10 =	vadd.f32 v50, v49;
	v9 =	vadd.f32 v52, v51  }
0x316: {  	v8 =	vld [tilespmem:s8+$0xFFFFFE80]  }
0x317: {  	v53 =	vld [tilespmem:s8+$0xFFFFFF00];
	v9 =	vadd.f32 v9, v10  }
0x318: {  	v54 =	vld [tilespmem:s8+$0xFFFFFF80]  }
0x319: {  	v55 =	vld [tilespmem:s8+$0x0];
	[tilespmem:v4+s9+$0x1060 ss:$0x1] =	vst.idx.msk $0xffff, v9  }
0x31a: {  	s2 =	sadd.s32 $0x40, s31;
	v9 =	vld [tilespmem:s8+$0xFFFFFC80]  }
0x31b: {  	v6 =	vadd.f32 v6, v7;
	s2 =	smulhi.u32 $0x51EB851F, s2;
	v17 =	vld [tilespmem:s8+$0xFFFFFD00]  }
0x31c: {  	v18 =	vld [tilespmem:s8+$0xFFFFFD80]  }
0x31d: {  	v5 =	vadd.f32 v6, v5;
	s2 =	sshrl.u32 s2, $0x4;
	v59 =	vld [tilespmem:s8+$0xFFFFFE00]  }
0x31e: {  	s6 =	sadd.s32 $0xFFFFFFFF, s2;
	v62 =	vadd.f32 v57, v56;
	v10 =	vadd.f32 v16, v58  }
0x31f: {  	[tilespmem:v4+s1+$0x1070 ss:$0x1] =	vst.idx.msk $0xffff, v5;
	p0 =	sle.u32 s2, s20;
	s1 =	sand.u32 $0x3, s6  }
0x320: {  	p1 =	sne.s32 @!p0 s1, $0x0;
	v5 =	vadd.f32 v10, v62  }
0x321: {  	p1 =	por p0, p1;
	v8 =	vadd.f32 v53, v8;
	v60 =	vadd.f32 v55, v54  }
.Ltmp13:
0x322: {  	v9 =	vadd.f32 v17, v9;
	v7 =	vadd.f32 v59, v18;
	(pc) =	sbr.rel @!p1 .LBB2_20-.Ltmp13, $4  }
0x323: {  	v61 =	vadd.f32 v60, v8  }
0x324: {  	[tilespmem:v4+s7+$0x1070 ss:$0x1] =	vst.idx.msk $0xffff, v5;
	v63 =	vadd.f32 v7, v9  }
0x325: {  	[tilespmem:v4+s9+$0x10F0 ss:$0x1] =	vst.idx.msk $0xffff, v61  }
0x326: {  	[tilespmem:v4+s9+$0x1070 ss:$0x1] =	vst.idx.msk $0xffff, v63  }
0x327: {  	p1 =	sne.s32 @!p0 s1, $0x1  }
0x328: {  	p1 =	por p0, p1  }
.Ltmp14:
0x329: {  	_ = 	snop;
	(pc) =	sbr.rel @p1 .LBB2_23-.Ltmp14, $1  }
0x32a: {  	_ =	sdelay $0x3  }
0x32b: {  	s1 =	sadd.s32 s5, s6  }
0x32c: {  	s1 =	smul.u32 $0x1C00, s1  }
.Ltmp15:
0x32d: {  	_ = 	snop;
	(pc) =	sbr.rel .LBB2_26-.Ltmp15, $4  }
0x32e: {  	_ = 	snop  }
0x32f: {  	s1 =	sshrl.u32 s1, $0x3  }
0x330: {  	s2 =	simm.s32 $0x16400;
	s1 =	sadd.s32 s4, s1  }
0x331: {  	[hbm4b:s1+s3] =	stream.linear.scatter [tilespmem:s2], [sflag:$0x4], $0x1C00, $0x38;
	[tilespmem:$0x1B800] =	vst v63  }
.LBB2_23:
0x332: {  	p1 =	sne.s32 @!p0 s1, $0x2  }
0x333: {  	p1 =	por p0, p1  }
.Ltmp16:
0x334: {  	_ = 	snop;
	(pc) =	sbr.rel @p1 .LBB2_25-.Ltmp16, $1  }
0x335: {  	_ =	sdelay $0x3  }
0x336: {  	s1 =	sadd.s32 s5, s6  }
0x337: {  	s1 =	smul.u32 $0x1C00, s1  }
.Ltmp17:
0x338: {  	_ = 	snop;
	(pc) =	sbr.rel .LBB2_26-.Ltmp17, $4  }
0x339: {  	_ = 	snop  }
0x33a: {  	s1 =	sshrl.u32 s1, $0x3  }
0x33b: {  	s2 =	simm.s32 $0x18000;
	s1 =	sadd.s32 s4, s1  }
0x33c: {  	[hbm4b:s1+s3] =	stream.linear.scatter [tilespmem:s2], [sflag:$0x5], $0x1C00, $0x38;
	[tilespmem:$0x1B800] =	vst v63  }
.LBB2_25:
0x33d: {  	p1 =	sne.s32 @!p0 s1, $0x3  }
0x33e: {  	p0 =	por p1, p0  }
0x33f: {  	s1 =	sadd.s32 @!p0 s5, s6  }
0x340: {  	s1 =	smul.u32 @!p0 $0x1C00, s1  }
.Ltmp18:
0x341: {  	_ = 	snop;
	(pc) =	sbr.rel .LBB2_26-.Ltmp18, $4  }
0x342: {  	_ = 	snop  }
0x343: {  	s1 =	sshrl.u32 @!p0 s1, $0x3  }
0x344: {  	s2 =	simm.s32 @!p0 $0x0;
	s6 =	simm.s32 @!p0 $0x19C00;
	s1 =	sadd.s32 @!p0 s4, s1  }
0x345: {  	[hbm4b:s1+s2] =	stream.linear.scatter @!p0 [tilespmem:s6], [sflag:$0x6], $0x1C00, $0x38;
	[tilespmem:$0x1B800] =	vst v63  }
.LBB2_27:
0x346: {  	s13 =	simm.s32 $0x6  }
0x347: {  	_ =	swait.ge [sflag:s13], $0x1C00  }
0x348: {  	[sflag:s13] =	ssyncset.done $0x0  }
0x349: {  	[sflag:s13] =	ssyncadd.s32 $0xFFFFE400  }
0x34a: {  	_ =	swait.ge [sflag:s15], $0x4000  }
0x34b: {  	[sflag:s15] =	ssyncset.done $0x0  }
0x34c: {  	s10 =	simm.s32 $0xCA00;
	[sflag:s15] =	ssyncadd.s32 $0xFFFFC000  }
0x34d: {  	v4 =	vld [tilespmem:s10+$0x0]  }
0x34e: {  	v5 =	vld [tilespmem:s10+$0x80]  }
0x34f: {  	s0 =	simm.s32 $0x18C0;
	v6 =	vld [tilespmem:s10+$0x100]  }
0x350: {  	s0 =	smulhi.u32 $0x51EB851F, s0;
	v7 =	vld [tilespmem:s10+$0x180];
	_ =	sdelay $0x1  }
0x351: {  	s0 =	sshrl.u32 s0, $0x4;
	v8 =	vld [tilespmem:s10+$0xFFFFFE00]  }
0x352: {  	s1 =	sand.u32 $0x3, s0;
	s0 =	smul.u32 $0x6400, s0;
	v9 =	vld [tilespmem:s10+$0xFFFFFE80]  }
0x353: {  	s1 =	smul.u32 $0x7000, s1;
	v10 =	vld [tilespmem:s10+$0xFFFFFF00]  }
0x354: {  	v11 =	vld [tilespmem:s10+$0xFFFFFF80];
	v4 =	vadd.f32 v5, v4;
	v5 =	vadd.f32 v7, v6  }
0x355: {  	s0 =	ssub.s32 s1, s0  }
0x356: {  	s0 =	sshra.s32 s0, $0x2;
	v4 =	vadd.f32 v5, v4  }
0x357: {  	s0 =	sadd.s32 $0xDA800, s0  }
0x358: {  	[tilespmem:s0+$0x80] =	vst v4  }
0x359: {  	v5 =	vadd.f32 v11, v10;
	v4 =	vadd.f32 v9, v8;
	v6 =	vld [tilespmem:s10+$0x10]  }
0x35a: {  	v7 =	vld [tilespmem:s10+$0x90]  }
0x35b: {  	v8 =	vld [tilespmem:s10+$0x190];
	v4 =	vadd.f32 v5, v4  }
0x35c: {  	v5 =	vld [tilespmem:s10+$0x110]  }
0x35d: {  	[tilespmem:s0+$0x0] =	vst v4  }
0x35e: {  	v4 =	vld [tilespmem:s10+$0xFFFFFE10]  }
0x35f: {  	v9 =	vld [tilespmem:s10+$0xFFFFFE90]  }
0x360: {  	v10 =	vld [tilespmem:s10+$0xFFFFFF10]  }
0x361: {  	v11 =	vld [tilespmem:s10+$0xFFFFFF90];
	v6 =	vadd.f32 v7, v6;
	v5 =	vadd.f32 v8, v5;
	_ =	sdelay $0x1  }
0x362: {  	v5 =	vadd.f32 v5, v6;
	_ =	sdelay $0x1  }
0x363: {  	[tilespmem:s0+$0x90] =	vst v5  }
0x364: {  	v4 =	vadd.f32 v9, v4;
	v5 =	vadd.f32 v11, v10;
	v6 =	vld [tilespmem:s10+$0x20]  }
0x365: {  	v7 =	vld [tilespmem:s10+$0xA0]  }
0x366: {  	v8 =	vld [tilespmem:s10+$0x1A0];
	v4 =	vadd.f32 v5, v4  }
0x367: {  	v5 =	vld [tilespmem:s10+$0x120]  }
0x368: {  	[tilespmem:s0+$0x10] =	vst v4  }
0x369: {  	v4 =	vld [tilespmem:s10+$0xFFFFFE20]  }
0x36a: {  	v9 =	vld [tilespmem:s10+$0xFFFFFEA0]  }
0x36b: {  	v10 =	vld [tilespmem:s10+$0xFFFFFF20]  }
0x36c: {  	v11 =	vld [tilespmem:s10+$0xFFFFFFA0];
	v6 =	vadd.f32 v7, v6;
	v5 =	vadd.f32 v8, v5;
	_ =	sdelay $0x1  }
0x36d: {  	v5 =	vadd.f32 v5, v6;
	_ =	sdelay $0x1  }
0x36e: {  	[tilespmem:s0+$0xA0] =	vst v5  }
0x36f: {  	v4 =	vadd.f32 v9, v4;
	v5 =	vadd.f32 v11, v10;
	v6 =	vld [tilespmem:s10+$0x30]  }
0x370: {  	v7 =	vld [tilespmem:s10+$0xB0]  }
0x371: {  	v8 =	vld [tilespmem:s10+$0x1B0];
	v4 =	vadd.f32 v5, v4  }
0x372: {  	v5 =	vld [tilespmem:s10+$0x130]  }
0x373: {  	[tilespmem:s0+$0x20] =	vst v4  }
0x374: {  	v4 =	vld [tilespmem:s10+$0xFFFFFE30]  }
0x375: {  	v9 =	vld [tilespmem:s10+$0xFFFFFEB0]  }
0x376: {  	v10 =	vld [tilespmem:s10+$0xFFFFFF30]  }
0x377: {  	v11 =	vld [tilespmem:s10+$0xFFFFFFB0];
	v6 =	vadd.f32 v7, v6;
	v5 =	vadd.f32 v8, v5  }
0x378: {  	s1 =	simm.s32 $0xCE00  }
0x379: {  	v12 =	vld [tilespmem:s1+$0x80];
	v5 =	vadd.f32 v5, v6  }
0x37a: {  	v13 =	vld [tilespmem:s1+$0x100]  }
0x37b: {  	v14 =	vld [tilespmem:s1+$0x180];
	[tilespmem:s0+$0xB0] =	vst v5  }
0x37c: {  	v4 =	vadd.f32 v9, v4;
	v5 =	vadd.f32 v11, v10;
	v6 =	vld [tilespmem:s10+$0x40]  }
0x37d: {  	v7 =	vld [tilespmem:s10+$0xC0]  }
0x37e: {  	v8 =	vld [tilespmem:s10+$0x1C0];
	v4 =	vadd.f32 v5, v4  }
0x37f: {  	v5 =	vld [tilespmem:s10+$0x140]  }
0x380: {  	v11 =	vld [tilespmem:s1+$0x0];
	[tilespmem:s0+$0x30] =	vst v4  }
0x381: {  	v4 =	vld [tilespmem:s10+$0xFFFFFE40]  }
0x382: {  	s2 =	simm.s32 $0x18C2;
	v9 =	vld [tilespmem:s10+$0xFFFFFEC0]  }
0x383: {  	s2 =	smulhi.u32 $0x51EB851F, s2;
	v10 =	vld [tilespmem:s10+$0xFFFFFF40]  }
0x384: {  	v15 =	vld [tilespmem:s10+$0xFFFFFFC0];
	v6 =	vadd.f32 v7, v6;
	v5 =	vadd.f32 v8, v5  }
0x385: {  	s2 =	sshrl.u32 s2, $0x4;
	v7 =	vld [tilespmem:s1+$0xFFFFFE00]  }
0x386: {  	s6 =	sand.u32 $0x3, s2;
	s2 =	smul.u32 $0x6400, s2;
	v8 =	vld [tilespmem:s1+$0xFFFFFF00];
	v5 =	vadd.f32 v5, v6  }
0x387: {  	s6 =	smul.u32 $0x7000, s6;
	v6 =	vld [tilespmem:s1+$0xFFFFFE80]  }
0x388: {  	[tilespmem:s0+$0xC0] =	vst v5;
	v5 =	vadd.f32 v12, v11;
	v11 =	vadd.f32 v14, v13;
	v12 =	vld [tilespmem:s1+$0xFFFFFF80]  }
0x389: {  	s2 =	ssub.s32 s6, s2;
	v13 =	vld [tilespmem:s10+$0x50]  }
0x38a: {  	s2 =	sshra.s32 s2, $0x2;
	v14 =	vld [tilespmem:s10+$0xD0];
	v5 =	vadd.f32 v11, v5  }
0x38b: {  	s6 =	sadd.s32 $0xDA900, s2;
	v4 =	vadd.f32 v9, v4;
	v9 =	vadd.f32 v15, v10;
	v10 =	vld [tilespmem:s10+$0x1D0]  }
0x38c: {  	v11 =	vld [tilespmem:s10+$0x150];
	[tilespmem:s6+$0x80] =	vst v5  }
0x38d: {  	v6 =	vadd.f32 v6, v7;
	v5 =	vld [tilespmem:s1+$0x10];
	v7 =	vadd.f32 v12, v8  }
0x38e: {  	v4 =	vadd.f32 v9, v4;
	v8 =	vld [tilespmem:s1+$0x90]  }
0x38f: {  	v9 =	vld [tilespmem:s1+$0x110];
	v6 =	vadd.f32 v7, v6  }
0x390: {  	s7 =	simm.s32 $0xD200;
	[tilespmem:s0+$0x40] =	vst v4;
	v4 =	vld [tilespmem:s1+$0x190]  }
0x391: {  	v20 =	vld [tilespmem:s7+$0x180];
	v7 =	vadd.f32 v14, v13;
	v10 =	vadd.f32 v10, v11;
	[tilespmem:s6+$0x0] =	vst v6  }
0x392: {  	v6 =	vld [tilespmem:s1+$0xFFFFFE10]  }
0x393: {  	v7 =	vadd.f32 v10, v7;
	v10 =	vld [tilespmem:s1+$0xFFFFFE90]  }
0x394: {  	v11 =	vld [tilespmem:s1+$0xFFFFFF10]  }
0x395: {  	v5 =	vadd.f32 v8, v5;
	v4 =	vadd.f32 v4, v9;
	[tilespmem:s0+$0xD0] =	vst v7;
	v7 =	vld [tilespmem:s1+$0xFFFFFF90]  }
0x396: {  	v8 =	vld [tilespmem:s10+$0x60]  }
0x397: {  	v9 =	vld [tilespmem:s10+$0xE0];
	v4 =	vadd.f32 v4, v5  }
0x398: {  	v5 =	vld [tilespmem:s10+$0x160]  }
0x399: {  	v13 =	vld [tilespmem:s10+$0x1E0];
	[tilespmem:s6+$0x90] =	vst v4  }
0x39a: {  	v4 =	vld [tilespmem:s1+$0x20]  }
0x39b: {  	v6 =	vadd.f32 v10, v6;
	v10 =	vld [tilespmem:s1+$0xA0];
	v7 =	vadd.f32 v7, v11  }
0x39c: {  	v11 =	vld [tilespmem:s1+$0x120]  }
0x39d: {  	v6 =	vadd.f32 v7, v6;
	v7 =	vld [tilespmem:s1+$0x1A0]  }
0x39e: {  	v39 =	vld [tilespmem:s7+$0xFFFFFE00]  }
0x39f: {  	v12 =	vld [tilespmem:s10+$0xFFFFFE50];
	v8 =	vadd.f32 v9, v8;
	v5 =	vadd.f32 v13, v5;
	[tilespmem:s6+$0x10] =	vst v6  }
0x3a0: {  	v6 =	vld [tilespmem:s1+$0xFFFFFE20]  }
0x3a1: {  	v5 =	vadd.f32 v5, v8;
	v8 =	vld [tilespmem:s1+$0xFFFFFEA0]  }
0x3a2: {  	v10 =	vadd.f32 v10, v4;
	v9 =	vld [tilespmem:s1+$0xFFFFFF20];
	v7 =	vadd.f32 v7, v11  }
0x3a3: {  	v13 =	vld [tilespmem:s1+$0xFFFFFFA0]  }
0x3a4: {  	v14 =	vld [tilespmem:s10+$0xFFFFFED0];
	v7 =	vadd.f32 v7, v10  }
0x3a5: {  	v11 =	vld [tilespmem:s10+$0xFFFFFFD0]  }
0x3a6: {  	v10 =	vld [tilespmem:s10+$0xFFFFFF50];
	[tilespmem:s6+$0xA0] =	vst v7  }
0x3a7: {  	v6 =	vadd.f32 v8, v6;
	v8 =	vld [tilespmem:s1+$0x30]  }
0x3a8: {  	v7 =	vadd.f32 v13, v9;
	v9 =	vld [tilespmem:s1+$0xB0]  }
0x3a9: {  	v13 =	vld [tilespmem:s1+$0x130]  }
0x3aa: {  	v15 =	vld [tilespmem:s1+$0x1B0];
	v6 =	vadd.f32 v7, v6  }
0x3ab: {  	v40 =	vld [tilespmem:s7+$0xFFFFFF00];
	[tilespmem:s0+$0xE0] =	vst v5  }
0x3ac: {  	v4 =	vld [tilespmem:s10+$0x70];
	v10 =	vadd.f32 v11, v10;
	[tilespmem:s6+$0x20] =	vst v6;
	v6 =	vadd.f32 v14, v12  }
0x3ad: {  	v11 =	vld [tilespmem:s1+$0xFFFFFE30]  }
0x3ae: {  	v12 =	vld [tilespmem:s1+$0xFFFFFEB0];
	v6 =	vadd.f32 v10, v6  }
0x3af: {  	v14 =	vld [tilespmem:s1+$0xFFFFFFB0];
	v9 =	vadd.f32 v9, v8;
	v13 =	vadd.f32 v15, v13  }
0x3b0: {  	v10 =	vld [tilespmem:s1+$0xFFFFFF30]  }
0x3b1: {  	v5 =	vld [tilespmem:s10+$0xF0];
	[tilespmem:s0+$0x50] =	vst v6;
	v9 =	vadd.f32 v13, v9  }
0x3b2: {  	v6 =	vld [tilespmem:s10+$0xFFFFFE60]  }
0x3b3: {  	v13 =	vld [tilespmem:s10+$0xFFFFFEE0];
	[tilespmem:s6+$0xB0] =	vst v9  }
0x3b4: {  	v9 =	vadd.f32 v12, v11;
	v11 =	vld [tilespmem:s1+$0x40]  }
0x3b5: {  	v10 =	vadd.f32 v14, v10;
	v12 =	vld [tilespmem:s1+$0xC0]  }
0x3b6: {  	v14 =	vld [tilespmem:s1+$0x1C0]  }
0x3b7: {  	v9 =	vadd.f32 v10, v9;
	v10 =	vld [tilespmem:s1+$0x140]  }
0x3b8: {  	v15 =	vld [tilespmem:s10+$0xFFFFFF60]  }
0x3b9: {  	v16 =	vld [tilespmem:s10+$0xFFFFFFE0];
	[tilespmem:s6+$0x30] =	vst v9  }
0x3ba: {  	v9 =	vld [tilespmem:s1+$0xFFFFFE40]  }
0x3bb: {  	v17 =	vld [tilespmem:s1+$0xFFFFFEC0]  }
0x3bc: {  	v18 =	vld [tilespmem:s1+$0xFFFFFF40];
	v11 =	vadd.f32 v12, v11;
	v10 =	vadd.f32 v14, v10  }
0x3bd: {  	v19 =	vld [tilespmem:s1+$0xFFFFFFC0]  }
0x3be: {  	v12 =	vld [tilespmem:s7+$0x0];
	v10 =	vadd.f32 v10, v11  }
0x3bf: {  	s9 =	simm.s32 $0x18C4;
	v14 =	vld [tilespmem:s7+$0x80]  }
0x3c0: {  	s31 =	smulhi.u32 $0x51EB851F, s9;
	v11 =	vld [tilespmem:s7+$0x100];
	[tilespmem:s6+$0xC0] =	vst v10  }
0x3c1: {  	v6 =	vadd.f32 v13, v6;
	v13 =	vadd.f32 v16, v15;
	v10 =	vld [tilespmem:s1+$0x50]  }
0x3c2: {  	s2 =	sshrl.u32 s31, $0x4;
	v21 =	vld [tilespmem:s1+$0xD0]  }
0x3c3: {  	s8 =	sand.u32 $0x3, s2;
	s2 =	smul.u32 $0x6400, s2;
	v6 =	vadd.f32 v13, v6;
	v22 =	vld [tilespmem:s1+$0x150]  }
0x3c4: {  	s8 =	smul.u32 $0x7000, s8;
	v9 =	vadd.f32 v17, v9;
	v37 =	vadd.f32 v19, v18;
	v38 =	vld [tilespmem:s1+$0x1D0]  }
0x3c5: {  	v7 =	vld [tilespmem:s10+$0x170];
	v12 =	vadd.f32 v14, v12;
	v11 =	vadd.f32 v20, v11  }
0x3c6: {  	s2 =	ssub.s32 s8, s2;
	v8 =	vld [tilespmem:s10+$0x1F0];
	v9 =	vadd.f32 v37, v9  }
0x3c7: {  	s2 =	sshra.s32 s2, $0x2;
	[tilespmem:s0+$0x60] =	vst v6;
	v14 =	vld [tilespmem:s7+$0xFFFFFE80];
	v11 =	vadd.f32 v11, v12  }
0x3c8: {  	s8 =	sadd.s32 $0xDAA00, s2;
	[tilespmem:s6+$0x40] =	vst v9;
	v9 =	vld [tilespmem:s7+$0xFFFFFF80]  }
0x3c9: {  	v57 =	vld [tilespmem:s10+$0xFFFFFEF0];
	v10 =	vadd.f32 v21, v10;
	v12 =	vadd.f32 v38, v22;
	[tilespmem:s8+$0x80] =	vst v11  }
0x3ca: {  	v41 =	vld [tilespmem:s7+$0x10]  }
0x3cb: {  	v42 =	vld [tilespmem:s7+$0x90];
	v10 =	vadd.f32 v12, v10  }
0x3cc: {  	v12 =	vld [tilespmem:s7+$0x110]  }
0x3cd: {  	v14 =	vadd.f32 v14, v39;
	v9 =	vadd.f32 v9, v40;
	v43 =	vld [tilespmem:s7+$0x190];
	[tilespmem:s6+$0xD0] =	vst v10  }
0x3ce: {  	v10 =	vld [tilespmem:s1+$0x60]  }
0x3cf: {  	v9 =	vadd.f32 v9, v14;
	v14 =	vld [tilespmem:s1+$0xE0]  }
0x3d0: {  	v44 =	vld [tilespmem:s1+$0x160]  }
0x3d1: {  	[tilespmem:s8+$0x0] =	vst v9;
	v9 =	vld [tilespmem:s1+$0x1E0]  }
0x3d2: {  	v45 =	vld [tilespmem:s7+$0xFFFFFE10]  }
0x3d3: {  	v46 =	vld [tilespmem:s7+$0xFFFFFE90]  }
0x3d4: {  	v18 =	vadd.f32 v42, v41;
	v12 =	vadd.f32 v43, v12;
	v47 =	vld [tilespmem:s7+$0xFFFFFF10]  }
0x3d5: {  	v48 =	vld [tilespmem:s7+$0xFFFFFF90]  }
0x3d6: {  	v56 =	vld [tilespmem:s1+$0xFFFFFF50];
	v12 =	vadd.f32 v12, v18  }
0x3d7: {  	v11 =	vld [tilespmem:s1+$0xFFFFFE50]  }
0x3d8: {  	v10 =	vadd.f32 v14, v10;
	[tilespmem:s8+$0x90] =	vst v12;
	v12 =	vld [tilespmem:s1+$0xFFFFFED0];
	v9 =	vadd.f32 v9, v44  }
0x3d9: {  	v14 =	vld [tilespmem:s7+$0x20];
	v17 =	vadd.f32 v46, v45  }
0x3da: {  	v49 =	vld [tilespmem:s7+$0xA0];
	v18 =	vadd.f32 v48, v47;
	v9 =	vadd.f32 v9, v10  }
0x3db: {  	v50 =	vld [tilespmem:s7+$0x1A0]  }
0x3dc: {  	v10 =	vld [tilespmem:s7+$0x120];
	v17 =	vadd.f32 v18, v17;
	[tilespmem:s6+$0xE0] =	vst v9  }
0x3dd: {  	v9 =	vld [tilespmem:s1+$0x70]  }
0x3de: {  	v51 =	vld [tilespmem:s1+$0xF0];
	[tilespmem:s8+$0x10] =	vst v17  }
0x3df: {  	v15 =	vld [tilespmem:s7+$0xFFFFFE20]  }
0x3e0: {  	v54 =	vld [tilespmem:s7+$0xFFFFFEA0]  }
0x3e1: {  	v13 =	vld [tilespmem:s7+$0xFFFFFF20]  }
0x3e2: {  	v55 =	vld [tilespmem:s7+$0xFFFFFFA0];
	v14 =	vadd.f32 v49, v14;
	v10 =	vadd.f32 v50, v10  }
0x3e3: {  	v52 =	vld [tilespmem:s1+$0x170]  }
0x3e4: {  	v53 =	vld [tilespmem:s1+$0x1F0];
	v6 =	vadd.f32 v10, v14  }
0x3e5: {  	v10 =	vld [tilespmem:s1+$0xFFFFFFD0]  }
0x3e6: {  	v14 =	vld [tilespmem:s10+$0xFFFFFE70];
	[tilespmem:s8+$0xA0] =	vst v6  }
0x3e7: {  	v6 =	vadd.f32 v54, v15;
	v13 =	vadd.f32 v55, v13;
	v15 =	vld [tilespmem:s7+$0x30]  }
0x3e8: {  	v58 =	vld [tilespmem:s7+$0xB0]  }
0x3e9: {  	v59 =	vld [tilespmem:s7+$0x1B0];
	v6 =	vadd.f32 v13, v6  }
0x3ea: {  	v13 =	vld [tilespmem:s7+$0x130]  }
0x3eb: {  	v11 =	vadd.f32 v12, v11;
	v10 =	vadd.f32 v10, v56;
	[tilespmem:s8+$0x20] =	vst v6;
	v6 =	vld [tilespmem:s10+$0xFFFFFF70]  }
0x3ec: {  	v12 =	vld [tilespmem:s7+$0xFFFFFE30]  }
0x3ed: {  	v10 =	vadd.f32 v10, v11;
	v11 =	vld [tilespmem:s7+$0xFFFFFEB0]  }
0x3ee: {  	v60 =	vld [tilespmem:s7+$0xFFFFFF30]  }
0x3ef: {  	v15 =	vadd.f32 v58, v15;
	[tilespmem:s6+$0x50] =	vst v10;
	v10 =	vld [tilespmem:s7+$0xFFFFFFB0];
	v13 =	vadd.f32 v59, v13  }
0x3f0: {  	v61 =	vld [tilespmem:s1+$0xFFFFFE60]  }
0x3f1: {  	v62 =	vld [tilespmem:s1+$0xFFFFFF60];
	v13 =	vadd.f32 v13, v15  }
0x3f2: {  	v4 =	vadd.f32 v5, v4;
	v5 =	vadd.f32 v8, v7;
	v7 =	vld [tilespmem:s1+$0xFFFFFFE0]  }
0x3f3: {  	v15 =	vld [tilespmem:s1+$0xFFFFFEE0];
	[tilespmem:s8+$0xB0] =	vst v13  }
0x3f4: {  	v8 =	vadd.f32 v11, v12;
	v10 =	vadd.f32 v10, v60;
	v11 =	vld [tilespmem:s7+$0x40]  }
0x3f5: {  	v12 =	vld [tilespmem:s7+$0xC0]  }
0x3f6: {  	v4 =	vadd.f32 v5, v4;
	v13 =	vld [tilespmem:s7+$0x140];
	v5 =	vadd.f32 v10, v8  }
0x3f7: {  	v63 =	vld [tilespmem:s7+$0x1C0];
	v8 =	vadd.f32 v51, v9;
	v9 =	vadd.f32 v53, v52  }
0x3f8: {  	v10 =	vadd.f32 v15, v61;
	v15 =	vadd.f32 v7, v62;
	[tilespmem:s8+$0x30] =	vst v5;
	v5 =	vld [tilespmem:s10+$0xFFFFFFF0]  }
0x3f9: {  	v8 =	vadd.f32 v9, v8;
	v7 =	vld [tilespmem:s7+$0xFFFFFE40]  }
0x3fa: {  	[tilespmem:s0+$0xF0] =	vst v4;
	v15 =	vadd.f32 v15, v10;
	v9 =	vld [tilespmem:s7+$0xFFFFFEC0]  }
0x3fb: {  	v4 =	vadd.f32 v57, v14;
	v10 =	vld [tilespmem:s7+$0xFFFFFFC0];
	[tilespmem:s6+$0xF0] =	vst v8  }
0x3fc: {  	s14 =	simm.s32 $0x4;
	s18 =	simm.s32 $0xD600;
	s10 =	simm.s32 $0xDAA00;
	v11 =	vadd.f32 v12, v11;
	v12 =	vadd.f32 v63, v13;
	v8 =	vld [tilespmem:s7+$0xFFFFFF40];
	[tilespmem:s6+$0x60] =	vst v15  }
.LBB2_28:
0x3fd: {  	v13 =	vld [tilespmem:s18+$0x0];
	v5 =	vadd.f32 v5, v6  }
0x3fe: {  	v6 =	vld [tilespmem:s18+$0x80];
	v11 =	vadd.f32 v12, v11  }
0x3ff: {  	s9 =	sadd.s32 $0x2, s9;
	v12 =	vld [tilespmem:s18+$0x100];
	v7 =	vadd.f32 v9, v7;
	v4 =	vadd.f32 v5, v4  }
0x400: {  	s2 =	smulhi.u32 $0x51EB851F, s9;
	v5 =	vld [tilespmem:s18+$0x180];
	[tilespmem:s8+$0xC0] =	vst v11  }
0x401: {  	v8 =	vadd.f32 v10, v8;
	v9 =	vld [tilespmem:s7+$0x50];
	[tilespmem:s0+$0x70] =	vst v4;
	s0 =	smov.u32 s6;
	s6 =	smov.u32 s8  }
0x402: {  	s2 =	sshrl.u32 s2, $0x4;
	v4 =	vld [tilespmem:s7+$0xD0]  }
0x403: {  	s8 =	sand.u32 $0x3, s2;
	s2 =	smul.u32 $0x6400, s2;
	v7 =	vadd.f32 v8, v7;
	v8 =	vld [tilespmem:s7+$0x150]  }
0x404: {  	s8 =	smul.u32 $0x7000, s8;
	v10 =	vld [tilespmem:s7+$0x1D0]  }
0x405: {  	v6 =	vadd.f32 v6, v13;
	v11 =	vld [tilespmem:s18+$0xFFFFFE00];
	v5 =	vadd.f32 v5, v12;
	[tilespmem:s6+$0x40] =	vst v7  }
0x406: {  	s2 =	ssub.s32 s8, s2;
	v7 =	vld [tilespmem:s18+$0xFFFFFE80]  }
0x407: {  	s10 =	sadd.s32 $0x100, s10;
	s2 =	sshra.s32 s2, $0x2;
	v12 =	vld [tilespmem:s18+$0xFFFFFF00];
	v5 =	vadd.f32 v5, v6  }
0x408: {  	s8 =	sadd.s32 s2, s10;
	v6 =	vld [tilespmem:s18+$0xFFFFFF80]  }
0x409: {  	v4 =	vadd.f32 v4, v9;
	[tilespmem:s8+$0x80] =	vst v5;
	v5 =	vld [tilespmem:s7+$0xFFFFFE50];
	v8 =	vadd.f32 v10, v8  }
0x40a: {  	v9 =	vld [tilespmem:s18+$0x10]  }
0x40b: {  	v7 =	vadd.f32 v7, v11;
	v10 =	vld [tilespmem:s18+$0x90];
	v4 =	vadd.f32 v8, v4  }
0x40c: {  	v8 =	vld [tilespmem:s18+$0x110]  }
0x40d: {  	v6 =	vadd.f32 v6, v12;
	v11 =	vld [tilespmem:s18+$0x190];
	[tilespmem:s6+$0xD0] =	vst v4  }
0x40e: {  	v4 =	vld [tilespmem:s7+$0x60]  }
0x40f: {  	v6 =	vadd.f32 v6, v7;
	v7 =	vld [tilespmem:s7+$0xE0]  }
0x410: {  	v12 =	vld [tilespmem:s7+$0x160]  }
0x411: {  	[tilespmem:s8+$0x0] =	vst v6;
	v6 =	vld [tilespmem:s7+$0x1E0]  }
0x412: {  	v9 =	vadd.f32 v10, v9;
	v13 =	vld [tilespmem:s18+$0xFFFFFE10];
	v8 =	vadd.f32 v11, v8  }
0x413: {  	v10 =	vld [tilespmem:s18+$0xFFFFFE90]  }
0x414: {  	v11 =	vld [tilespmem:s18+$0xFFFFFF10];
	v8 =	vadd.f32 v8, v9  }
0x415: {  	v9 =	vld [tilespmem:s18+$0xFFFFFF90]  }
0x416: {  	v4 =	vadd.f32 v7, v4;
	[tilespmem:s8+$0x90] =	vst v8;
	v8 =	vld [tilespmem:s7+$0xFFFFFED0];
	v6 =	vadd.f32 v6, v12  }
0x417: {  	v7 =	vld [tilespmem:s18+$0x20]  }
0x418: {  	s14 =	sadd.s32 $0x2, s14;
	v10 =	vadd.f32 v10, v13;
	v12 =	vld [tilespmem:s18+$0xA0];
	v4 =	vadd.f32 v6, v4  }
0x419: {  	p0 =	slt.u32 s14, $0x1E;
	v6 =	vld [tilespmem:s18+$0x120]  }
0x41a: {  	v9 =	vadd.f32 v9, v11;
	v11 =	vld [tilespmem:s18+$0x1A0];
	[tilespmem:s6+$0xE0] =	vst v4  }
0x41b: {  	v4 =	vadd.f32 v8, v5;
	v5 =	vld [tilespmem:s7+$0x70]  }
0x41c: {  	v8 =	vadd.f32 v9, v10;
	v9 =	vld [tilespmem:s7+$0xF0]  }
0x41d: {  	v10 =	vld [tilespmem:s7+$0x170]  }
0x41e: {  	[tilespmem:s8+$0x10] =	vst v8;
	v8 =	vld [tilespmem:s7+$0x1F0]  }
0x41f: {  	v13 =	vld [tilespmem:s18+$0xFFFFFE20]  }
0x420: {  	v14 =	vld [tilespmem:s18+$0xFFFFFEA0]  }
0x421: {  	v15 =	vld [tilespmem:s18+$0xFFFFFF20]  }
0x422: {  	v7 =	vadd.f32 v12, v7;
	v6 =	vadd.f32 v11, v6;
	v16 =	vld [tilespmem:s18+$0xFFFFFFA0]  }
0x423: {  	v5 =	vadd.f32 v9, v5;
	v11 =	vld [tilespmem:s7+$0xFFFFFF50];
	v8 =	vadd.f32 v8, v10  }
0x424: {  	v6 =	vadd.f32 v6, v7;
	v7 =	vld [tilespmem:s7+$0xFFFFFFD0]  }
0x425: {  	v9 =	vadd.f32 v14, v13;
	v5 =	vadd.f32 v8, v5;
	v8 =	vld [tilespmem:s1+$0xFFFFFE70]  }
0x426: {  	[tilespmem:s8+$0xA0] =	vst v6;
	v10 =	vld [tilespmem:s1+$0xFFFFFEF0]  }
0x427: {  	v6 =	vadd.f32 v16, v15;
	v12 =	vld [tilespmem:s18+$0x30];
	[tilespmem:s6+$0xF0] =	vst v5  }
0x428: {  	v5 =	vld [tilespmem:s18+$0xB0]  }
0x429: {  	v6 =	vadd.f32 v6, v9;
	v9 =	vld [tilespmem:s18+$0x130];
	v7 =	vadd.f32 v7, v11  }
0x42a: {  	v11 =	vld [tilespmem:s18+$0x1B0]  }
0x42b: {  	[tilespmem:s8+$0x20] =	vst v6;
	v7 =	vadd.f32 v7, v4;
	v6 =	vld [tilespmem:s1+$0xFFFFFF70];
	v4 =	vadd.f32 v10, v8  }
0x42c: {  	v8 =	vld [tilespmem:s18+$0xFFFFFE30]  }
0x42d: {  	v10 =	vld [tilespmem:s18+$0xFFFFFEB0];
	[tilespmem:s6+$0x50] =	vst v7  }
0x42e: {  	v7 =	vld [tilespmem:s18+$0xFFFFFF30]  }
0x42f: {  	v5 =	vadd.f32 v5, v12;
	v13 =	vld [tilespmem:s18+$0xFFFFFFB0];
	v9 =	vadd.f32 v11, v9  }
0x430: {  	v11 =	vld [tilespmem:s7+$0xFFFFFE60]  }
0x431: {  	v5 =	vadd.f32 v9, v5;
	v9 =	vld [tilespmem:s7+$0xFFFFFEE0]  }
0x432: {  	v8 =	vadd.f32 v10, v8;
	v10 =	vld [tilespmem:s7+$0xFFFFFF60]  }
0x433: {  	[tilespmem:s8+$0xB0] =	vst v5;
	v5 =	vld [tilespmem:s7+$0xFFFFFFE0]  }
0x434: {  	v7 =	vadd.f32 v13, v7;
	v12 =	vld [tilespmem:s18+$0x40]  }
0x435: {  	v13 =	vld [tilespmem:s18+$0xC0]  }
0x436: {  	v7 =	vadd.f32 v7, v8;
	v14 =	vld [tilespmem:s18+$0x140];
	v8 =	vadd.f32 v9, v11  }
0x437: {  	v15 =	vld [tilespmem:s18+$0x1C0]  }
.Ltmp19:
0x438: {  	[tilespmem:s8+$0x30] =	vst v7;
	v10 =	vadd.f32 v5, v10;
	v5 =	vld [tilespmem:s1+$0xFFFFFFF0];
	s1 =	smov.u32 s7;
	s7 =	smov.u32 s18;
	(pc) =	sbr.rel @p0 .LBB2_28-.Ltmp19, $4  }
0x439: {  	v7 =	vld [tilespmem:s18+$0xFFFFFE40]  }
0x43a: {  	v9 =	vld [tilespmem:s18+$0xFFFFFEC0];
	v16 =	vadd.f32 v10, v8  }
0x43b: {  	v8 =	vld [tilespmem:s18+$0xFFFFFF40]  }
0x43c: {  	v11 =	vadd.f32 v13, v12;
	s18 =	sadd.s32 $0x400, s18;
	v10 =	vld [tilespmem:s7+$0xFFFFFFC0];
	v12 =	vadd.f32 v15, v14;
	[tilespmem:s6+$0x60] =	vst v16  }
0x43d: {  	_ = 	snop  }
0x43e: {  	v11 =	vadd.f32 v12, v11;
	_ =	sdelay $0x1  }
0x43f: {  	[tilespmem:s8+$0xC0] =	vst v11  }
0x440: {  	v11 =	vld [tilespmem:s7+$0x50]  }
0x441: {  	v12 =	vld [tilespmem:s7+$0xD0]  }
0x442: {  	v7 =	vadd.f32 v9, v7;
	v13 =	vld [tilespmem:s7+$0x150];
	v8 =	vadd.f32 v10, v8  }
0x443: {  	v9 =	vld [tilespmem:s7+$0x1D0]  }
0x444: {  	v7 =	vadd.f32 v8, v7;
	_ =	sdelay $0x1  }
0x445: {  	[tilespmem:s8+$0x40] =	vst v7  }
0x446: {  	v7 =	vld [tilespmem:s7+$0xFFFFFE50]  }
0x447: {  	v8 =	vadd.f32 v12, v11;
	v9 =	vadd.f32 v9, v13;
	v10 =	vld [tilespmem:s7+$0xFFFFFED0]  }
0x448: {  	v11 =	vld [tilespmem:s7+$0xFFFFFFD0]  }
0x449: {  	v8 =	vadd.f32 v9, v8;
	v9 =	vld [tilespmem:s7+$0xFFFFFF50];
	_ =	sdelay $0x1  }
0x44a: {  	[tilespmem:s8+$0xD0] =	vst v8  }
0x44b: {  	v8 =	vld [tilespmem:s7+$0x60]  }
0x44c: {  	v12 =	vld [tilespmem:s7+$0xE0]  }
0x44d: {  	v13 =	vld [tilespmem:s7+$0x160];
	v7 =	vadd.f32 v10, v7;
	v9 =	vadd.f32 v11, v9  }
0x44e: {  	v14 =	vld [tilespmem:s7+$0x1E0]  }
0x44f: {  	v7 =	vadd.f32 v9, v7;
	_ =	sdelay $0x1  }
0x450: {  	[tilespmem:s8+$0x50] =	vst v7  }
0x451: {  	v9 =	vld [tilespmem:s7+$0xFFFFFE60]  }
0x452: {  	v7 =	vadd.f32 v12, v8;
	v8 =	vadd.f32 v14, v13;
	v10 =	vld [tilespmem:s7+$0xFFFFFEE0]  }
0x453: {  	v11 =	vld [tilespmem:s7+$0xFFFFFFE0]  }
0x454: {  	v7 =	vadd.f32 v8, v7;
	v8 =	vld [tilespmem:s7+$0xFFFFFF60];
	_ =	sdelay $0x1  }
0x455: {  	v15 =	vld [tilespmem:s1+$0xFFFFFFF0];
	[tilespmem:s8+$0xE0] =	vst v7  }
0x456: {  	v7 =	vld [tilespmem:s7+$0x70]  }
0x457: {  	v12 =	vld [tilespmem:s7+$0xF0]  }
0x458: {  	v13 =	vld [tilespmem:s7+$0x170];
	v9 =	vadd.f32 v10, v9;
	v8 =	vadd.f32 v11, v8  }
0x459: {  	v14 =	vld [tilespmem:s7+$0x1F0]  }
0x45a: {  	v10 =	vld [tilespmem:s1+$0xFFFFFE70];
	v8 =	vadd.f32 v8, v9  }
0x45b: {  	v11 =	vld [tilespmem:s1+$0xFFFFFEF0]  }
0x45c: {  	v9 =	vld [tilespmem:s1+$0xFFFFFF70];
	[tilespmem:s8+$0x60] =	vst v8  }
0x45d: {  	v8 =	vld [tilespmem:s7+$0xFFFFFE70]  }
0x45e: {  	v16 =	vld [tilespmem:s7+$0xFFFFFEF0]  }
0x45f: {  	v17 =	vld [tilespmem:s7+$0xFFFFFF70]  }
0x460: {  	v5 =	vadd.f32 v5, v6;
	v6 =	vld [tilespmem:s7+$0xFFFFFFF0]  }
0x461: {  	v7 =	vadd.f32 v12, v7;
	v12 =	vadd.f32 v14, v13;
	_ =	sdelay $0x1  }
0x462: {  	v4 =	vadd.f32 v5, v4;
	v5 =	vadd.f32 v12, v7  }
0x463: {  	v7 =	vadd.f32 v11, v10;
	v9 =	vadd.f32 v15, v9  }
0x464: {  	v8 =	vadd.f32 v16, v8;
	v6 =	vadd.f32 v6, v17  }
0x465: {  	[tilespmem:s0+$0x70] =	vst v4;
	v4 =	vadd.f32 v9, v7  }
0x466: {  	[tilespmem:s8+$0xF0] =	vst v5;
	v5 =	vadd.f32 v6, v8  }
0x467: {  	[tilespmem:s6+$0x70] =	vst v4  }
0x468: {  	[tilespmem:s8+$0x70] =	vst v5  }
0x469: {  	s25 =	simm.s32 $0x18000;
	s0 =	rddreg [dreg:$0x4]  }
0x46a: {  	[hbm4b:s0+s3] =	stream.linear.scatter [tilespmem:s25], [sflag:$0x5], $0x1C00, $0x38;
	[tilespmem:$0x1B800] =	vst v63  }
0x46b: {  	_ =	swait.ge [sflag:s17], $0x4000  }
0x46c: {  	[sflag:s17] =	ssyncset.done $0x0  }
0x46d: {  	s10 =	simm.s32 $0x10800;
	[sflag:s17] =	ssyncadd.s32 $0xFFFFC000  }
0x46e: {  	v4 =	vld [tilespmem:s10+$0x200]  }
0x46f: {  	v5 =	vld [tilespmem:s10+$0x280]  }
0x470: {  	s26 =	simm.s32 $0x18E0;
	v6 =	vld [tilespmem:s10+$0x300]  }
0x471: {  	s0 =	smulhi.u32 $0x51EB851F, s26;
	v7 =	vld [tilespmem:s10+$0x380];
	_ =	sdelay $0x1  }
0x472: {  	s0 =	sshrl.u32 s0, $0x4;
	v8 =	vld [tilespmem:s10+$0x0]  }
0x473: {  	s28 =	sand.u32 $0x3, s0;
	s0 =	smul.u32 $0x6400, s0;
	v9 =	vld [tilespmem:s10+$0x80]  }
0x474: {  	v10 =	vld [tilespmem:s10+$0x100];
	s1 =	smul.u32 $0x7000, s28  }
0x475: {  	v11 =	vld [tilespmem:s10+$0x180];
	v4 =	vadd.f32 v5, v4;
	v5 =	vadd.f32 v7, v6  }
0x476: {  	s0 =	ssub.s32 s1, s0  }
0x477: {  	s0 =	sshra.s32 s0, $0x2;
	v4 =	vadd.f32 v5, v4  }
0x478: {  	s0 =	sadd.s32 $0xDB8F0, s0  }
0x479: {  	[tilespmem:s0+$0xFFFFFF90] =	vst v4  }
0x47a: {  	v5 =	vadd.f32 v11, v10;
	v4 =	vadd.f32 v9, v8;
	v6 =	vld [tilespmem:s10+$0x210]  }
0x47b: {  	v7 =	vld [tilespmem:s10+$0x290]  }
0x47c: {  	v8 =	vld [tilespmem:s10+$0x390];
	v4 =	vadd.f32 v5, v4  }
0x47d: {  	v5 =	vld [tilespmem:s10+$0x310]  }
0x47e: {  	[tilespmem:s0+$0xFFFFFF10] =	vst v4  }
0x47f: {  	v4 =	vld [tilespmem:s10+$0x10]  }
0x480: {  	v9 =	vld [tilespmem:s10+$0x90]  }
0x481: {  	v10 =	vld [tilespmem:s10+$0x110]  }
0x482: {  	v11 =	vld [tilespmem:s10+$0x190];
	v6 =	vadd.f32 v7, v6;
	v5 =	vadd.f32 v8, v5;
	_ =	sdelay $0x1  }
0x483: {  	v5 =	vadd.f32 v5, v6;
	_ =	sdelay $0x1  }
0x484: {  	[tilespmem:s0+$0xFFFFFFA0] =	vst v5  }
0x485: {  	v4 =	vadd.f32 v9, v4;
	v5 =	vadd.f32 v11, v10;
	v6 =	vld [tilespmem:s10+$0x220]  }
0x486: {  	v7 =	vld [tilespmem:s10+$0x2A0]  }
0x487: {  	v8 =	vld [tilespmem:s10+$0x3A0];
	v4 =	vadd.f32 v5, v4  }
0x488: {  	v5 =	vld [tilespmem:s10+$0x320]  }
0x489: {  	[tilespmem:s0+$0xFFFFFF20] =	vst v4  }
0x48a: {  	v4 =	vld [tilespmem:s10+$0x20]  }
0x48b: {  	v9 =	vld [tilespmem:s10+$0xA0]  }
0x48c: {  	v10 =	vld [tilespmem:s10+$0x120]  }
0x48d: {  	v11 =	vld [tilespmem:s10+$0x1A0];
	v6 =	vadd.f32 v7, v6;
	v5 =	vadd.f32 v8, v5;
	_ =	sdelay $0x1  }
0x48e: {  	v5 =	vadd.f32 v5, v6;
	_ =	sdelay $0x1  }
0x48f: {  	[tilespmem:s0+$0xFFFFFFB0] =	vst v5  }
0x490: {  	v4 =	vadd.f32 v9, v4;
	v5 =	vadd.f32 v11, v10;
	v6 =	vld [tilespmem:s10+$0x230]  }
0x491: {  	v7 =	vld [tilespmem:s10+$0x2B0]  }
0x492: {  	v8 =	vld [tilespmem:s10+$0x3B0];
	v4 =	vadd.f32 v5, v4  }
0x493: {  	v5 =	vld [tilespmem:s10+$0x330]  }
0x494: {  	[tilespmem:s0+$0xFFFFFF30] =	vst v4  }
0x495: {  	v4 =	vld [tilespmem:s10+$0x30]  }
0x496: {  	v9 =	vld [tilespmem:s10+$0xB0]  }
0x497: {  	v10 =	vld [tilespmem:s10+$0x130]  }
0x498: {  	v11 =	vld [tilespmem:s10+$0x1B0];
	v6 =	vadd.f32 v7, v6;
	v5 =	vadd.f32 v8, v5  }
0x499: {  	s1 =	simm.s32 $0x10C00  }
0x49a: {  	v12 =	vld [tilespmem:s1+$0x280];
	v5 =	vadd.f32 v5, v6  }
0x49b: {  	v13 =	vld [tilespmem:s1+$0x300]  }
0x49c: {  	v14 =	vld [tilespmem:s1+$0x380];
	[tilespmem:s0+$0xFFFFFFC0] =	vst v5  }
0x49d: {  	v4 =	vadd.f32 v9, v4;
	v5 =	vadd.f32 v11, v10;
	v6 =	vld [tilespmem:s10+$0x240]  }
0x49e: {  	v7 =	vld [tilespmem:s10+$0x2C0]  }
0x49f: {  	v8 =	vld [tilespmem:s10+$0x3C0];
	v4 =	vadd.f32 v5, v4  }
0x4a0: {  	v5 =	vld [tilespmem:s10+$0x340]  }
0x4a1: {  	v11 =	vld [tilespmem:s1+$0x200];
	[tilespmem:s0+$0xFFFFFF40] =	vst v4  }
0x4a2: {  	v4 =	vld [tilespmem:s10+$0x40]  }
0x4a3: {  	s2 =	simm.s32 $0x18E2;
	v9 =	vld [tilespmem:s10+$0xC0]  }
0x4a4: {  	s2 =	smulhi.u32 $0x51EB851F, s2;
	v10 =	vld [tilespmem:s10+$0x140]  }
0x4a5: {  	v15 =	vld [tilespmem:s10+$0x1C0];
	v6 =	vadd.f32 v7, v6;
	v5 =	vadd.f32 v8, v5  }
0x4a6: {  	s2 =	sshrl.u32 s2, $0x4;
	v7 =	vld [tilespmem:s1+$0x0]  }
0x4a7: {  	s29 =	sand.u32 $0x3, s2;
	s2 =	smul.u32 $0x6400, s2;
	v8 =	vld [tilespmem:s1+$0x100];
	v5 =	vadd.f32 v5, v6  }
0x4a8: {  	s6 =	smul.u32 $0x7000, s29;
	v6 =	vld [tilespmem:s1+$0x80]  }
0x4a9: {  	[tilespmem:s0+$0xFFFFFFD0] =	vst v5;
	v5 =	vadd.f32 v12, v11;
	v11 =	vadd.f32 v14, v13;
	v12 =	vld [tilespmem:s1+$0x180]  }
0x4aa: {  	s2 =	ssub.s32 s6, s2;
	v13 =	vld [tilespmem:s10+$0x250]  }
0x4ab: {  	s2 =	sshra.s32 s2, $0x2;
	v14 =	vld [tilespmem:s10+$0x2D0];
	v5 =	vadd.f32 v11, v5  }
0x4ac: {  	s6 =	sadd.s32 $0xDB9F0, s2;
	v4 =	vadd.f32 v9, v4;
	v9 =	vadd.f32 v15, v10;
	v10 =	vld [tilespmem:s10+$0x3D0]  }
0x4ad: {  	v11 =	vld [tilespmem:s10+$0x350];
	[tilespmem:s6+$0xFFFFFF90] =	vst v5  }
0x4ae: {  	v6 =	vadd.f32 v6, v7;
	v5 =	vld [tilespmem:s1+$0x210];
	v7 =	vadd.f32 v12, v8  }
0x4af: {  	v4 =	vadd.f32 v9, v4;
	v8 =	vld [tilespmem:s1+$0x290]  }
0x4b0: {  	v9 =	vld [tilespmem:s1+$0x310];
	v6 =	vadd.f32 v7, v6  }
0x4b1: {  	s7 =	simm.s32 $0x11000;
	[tilespmem:s0+$0xFFFFFF50] =	vst v4;
	v4 =	vld [tilespmem:s1+$0x390]  }
0x4b2: {  	v20 =	vld [tilespmem:s7+$0x380];
	v7 =	vadd.f32 v14, v13;
	v10 =	vadd.f32 v10, v11;
	[tilespmem:s6+$0xFFFFFF10] =	vst v6  }
0x4b3: {  	v6 =	vld [tilespmem:s1+$0x10]  }
0x4b4: {  	v7 =	vadd.f32 v10, v7;
	v10 =	vld [tilespmem:s1+$0x90]  }
0x4b5: {  	v11 =	vld [tilespmem:s1+$0x110]  }
0x4b6: {  	v5 =	vadd.f32 v8, v5;
	v4 =	vadd.f32 v4, v9;
	[tilespmem:s0+$0xFFFFFFE0] =	vst v7;
	v7 =	vld [tilespmem:s1+$0x190]  }
0x4b7: {  	v8 =	vld [tilespmem:s10+$0x260]  }
0x4b8: {  	v9 =	vld [tilespmem:s10+$0x2E0];
	v4 =	vadd.f32 v4, v5  }
0x4b9: {  	v5 =	vld [tilespmem:s10+$0x360]  }
0x4ba: {  	v13 =	vld [tilespmem:s10+$0x3E0];
	[tilespmem:s6+$0xFFFFFFA0] =	vst v4  }
0x4bb: {  	v4 =	vld [tilespmem:s1+$0x220]  }
0x4bc: {  	v6 =	vadd.f32 v10, v6;
	v10 =	vld [tilespmem:s1+$0x2A0];
	v7 =	vadd.f32 v7, v11  }
0x4bd: {  	v11 =	vld [tilespmem:s1+$0x320]  }
0x4be: {  	v6 =	vadd.f32 v7, v6;
	v7 =	vld [tilespmem:s1+$0x3A0]  }
0x4bf: {  	v39 =	vld [tilespmem:s7+$0x0]  }
0x4c0: {  	v12 =	vld [tilespmem:s10+$0x50];
	v8 =	vadd.f32 v9, v8;
	v5 =	vadd.f32 v13, v5;
	[tilespmem:s6+$0xFFFFFF20] =	vst v6  }
0x4c1: {  	v6 =	vld [tilespmem:s1+$0x20]  }
0x4c2: {  	v5 =	vadd.f32 v5, v8;
	v8 =	vld [tilespmem:s1+$0xA0]  }
0x4c3: {  	v10 =	vadd.f32 v10, v4;
	v9 =	vld [tilespmem:s1+$0x120];
	v7 =	vadd.f32 v7, v11  }
0x4c4: {  	v13 =	vld [tilespmem:s1+$0x1A0]  }
0x4c5: {  	v14 =	vld [tilespmem:s10+$0xD0];
	v7 =	vadd.f32 v7, v10  }
0x4c6: {  	v11 =	vld [tilespmem:s10+$0x1D0]  }
0x4c7: {  	v10 =	vld [tilespmem:s10+$0x150];
	[tilespmem:s6+$0xFFFFFFB0] =	vst v7  }
0x4c8: {  	v6 =	vadd.f32 v8, v6;
	v8 =	vld [tilespmem:s1+$0x230]  }
0x4c9: {  	v7 =	vadd.f32 v13, v9;
	v9 =	vld [tilespmem:s1+$0x2B0]  }
0x4ca: {  	v13 =	vld [tilespmem:s1+$0x330]  }
0x4cb: {  	v15 =	vld [tilespmem:s1+$0x3B0];
	v6 =	vadd.f32 v7, v6  }
0x4cc: {  	v40 =	vld [tilespmem:s7+$0x100];
	[tilespmem:s0+$0xFFFFFFF0] =	vst v5  }
0x4cd: {  	v4 =	vld [tilespmem:s10+$0x270];
	v10 =	vadd.f32 v11, v10;
	[tilespmem:s6+$0xFFFFFF30] =	vst v6;
	v6 =	vadd.f32 v14, v12  }
0x4ce: {  	v11 =	vld [tilespmem:s1+$0x30]  }
0x4cf: {  	v12 =	vld [tilespmem:s1+$0xB0];
	v6 =	vadd.f32 v10, v6  }
0x4d0: {  	v14 =	vld [tilespmem:s1+$0x1B0];
	v9 =	vadd.f32 v9, v8;
	v13 =	vadd.f32 v15, v13  }
0x4d1: {  	v10 =	vld [tilespmem:s1+$0x130]  }
0x4d2: {  	v5 =	vld [tilespmem:s10+$0x2F0];
	[tilespmem:s0+$0xFFFFFF60] =	vst v6;
	v9 =	vadd.f32 v13, v9  }
0x4d3: {  	v6 =	vld [tilespmem:s10+$0x60]  }
0x4d4: {  	v13 =	vld [tilespmem:s10+$0xE0];
	[tilespmem:s6+$0xFFFFFFC0] =	vst v9  }
0x4d5: {  	v9 =	vadd.f32 v12, v11;
	v11 =	vld [tilespmem:s1+$0x240]  }
0x4d6: {  	v10 =	vadd.f32 v14, v10;
	v12 =	vld [tilespmem:s1+$0x2C0]  }
0x4d7: {  	v14 =	vld [tilespmem:s1+$0x3C0]  }
0x4d8: {  	v9 =	vadd.f32 v10, v9;
	v10 =	vld [tilespmem:s1+$0x340]  }
0x4d9: {  	v15 =	vld [tilespmem:s10+$0x160]  }
0x4da: {  	v35 =	vld [tilespmem:s10+$0x1E0];
	[tilespmem:s6+$0xFFFFFF40] =	vst v9  }
0x4db: {  	v9 =	vld [tilespmem:s1+$0x40]  }
0x4dc: {  	v36 =	vld [tilespmem:s1+$0xC0]  }
0x4dd: {  	v18 =	vld [tilespmem:s1+$0x140];
	v11 =	vadd.f32 v12, v11;
	v10 =	vadd.f32 v14, v10  }
0x4de: {  	v19 =	vld [tilespmem:s1+$0x1C0]  }
0x4df: {  	v12 =	vld [tilespmem:s7+$0x200];
	v10 =	vadd.f32 v10, v11  }
0x4e0: {  	s9 =	simm.s32 $0x18E4;
	v14 =	vld [tilespmem:s7+$0x280]  }
0x4e1: {  	s30 =	smulhi.u32 $0x51EB851F, s9;
	v11 =	vld [tilespmem:s7+$0x300];
	[tilespmem:s6+$0xFFFFFFD0] =	vst v10  }
0x4e2: {  	v6 =	vadd.f32 v13, v6;
	v13 =	vadd.f32 v35, v15;
	v10 =	vld [tilespmem:s1+$0x250]  }
0x4e3: {  	s2 =	sshrl.u32 s30, $0x4;
	v21 =	vld [tilespmem:s1+$0x2D0]  }
0x4e4: {  	s31 =	sand.u32 $0x3, s2;
	s2 =	smul.u32 $0x6400, s2;
	v6 =	vadd.f32 v13, v6;
	v22 =	vld [tilespmem:s1+$0x350]  }
0x4e5: {  	s8 =	smul.u32 $0x7000, s31;
	v9 =	vadd.f32 v36, v9;
	v37 =	vadd.f32 v19, v18;
	v38 =	vld [tilespmem:s1+$0x3D0]  }
0x4e6: {  	v7 =	vld [tilespmem:s10+$0x370];
	v12 =	vadd.f32 v14, v12;
	v11 =	vadd.f32 v20, v11  }
0x4e7: {  	s2 =	ssub.s32 s8, s2;
	v8 =	vld [tilespmem:s10+$0x3F0];
	v9 =	vadd.f32 v37, v9  }
0x4e8: {  	s2 =	sshra.s32 s2, $0x2;
	[tilespmem:s0+$0xFFFFFF70] =	vst v6;
	v14 =	vld [tilespmem:s7+$0x80];
	v11 =	vadd.f32 v11, v12  }
0x4e9: {  	s8 =	sadd.s32 $0xDBAF0, s2;
	[tilespmem:s6+$0xFFFFFF50] =	vst v9;
	v9 =	vld [tilespmem:s7+$0x180]  }
0x4ea: {  	v57 =	vld [tilespmem:s10+$0xF0];
	v10 =	vadd.f32 v21, v10;
	v12 =	vadd.f32 v38, v22;
	[tilespmem:s8+$0xFFFFFF90] =	vst v11  }
0x4eb: {  	v41 =	vld [tilespmem:s7+$0x210]  }
0x4ec: {  	v42 =	vld [tilespmem:s7+$0x290];
	v10 =	vadd.f32 v12, v10  }
0x4ed: {  	v12 =	vld [tilespmem:s7+$0x310]  }
0x4ee: {  	v14 =	vadd.f32 v14, v39;
	v9 =	vadd.f32 v9, v40;
	v43 =	vld [tilespmem:s7+$0x390];
	[tilespmem:s6+$0xFFFFFFE0] =	vst v10  }
0x4ef: {  	v10 =	vld [tilespmem:s1+$0x260]  }
0x4f0: {  	v9 =	vadd.f32 v9, v14;
	v14 =	vld [tilespmem:s1+$0x2E0]  }
0x4f1: {  	v44 =	vld [tilespmem:s1+$0x360]  }
0x4f2: {  	[tilespmem:s8+$0xFFFFFF10] =	vst v9;
	v9 =	vld [tilespmem:s1+$0x3E0]  }
0x4f3: {  	v45 =	vld [tilespmem:s7+$0x10]  }
0x4f4: {  	v46 =	vld [tilespmem:s7+$0x90]  }
0x4f5: {  	v18 =	vadd.f32 v42, v41;
	v12 =	vadd.f32 v43, v12;
	v47 =	vld [tilespmem:s7+$0x110]  }
0x4f6: {  	v48 =	vld [tilespmem:s7+$0x190]  }
0x4f7: {  	v56 =	vld [tilespmem:s1+$0x150];
	v12 =	vadd.f32 v12, v18  }
0x4f8: {  	v11 =	vld [tilespmem:s1+$0x50]  }
0x4f9: {  	v10 =	vadd.f32 v14, v10;
	[tilespmem:s8+$0xFFFFFFA0] =	vst v12;
	v12 =	vld [tilespmem:s1+$0xD0];
	v9 =	vadd.f32 v9, v44  }
0x4fa: {  	v14 =	vld [tilespmem:s7+$0x220];
	v17 =	vadd.f32 v46, v45  }
0x4fb: {  	v49 =	vld [tilespmem:s7+$0x2A0];
	v18 =	vadd.f32 v48, v47;
	v9 =	vadd.f32 v9, v10  }
0x4fc: {  	v50 =	vld [tilespmem:s7+$0x3A0]  }
0x4fd: {  	v10 =	vld [tilespmem:s7+$0x320];
	v17 =	vadd.f32 v18, v17;
	[tilespmem:s6+$0xFFFFFFF0] =	vst v9  }
0x4fe: {  	v9 =	vld [tilespmem:s1+$0x270]  }
0x4ff: {  	v51 =	vld [tilespmem:s1+$0x2F0];
	[tilespmem:s8+$0xFFFFFF20] =	vst v17  }
0x500: {  	v15 =	vld [tilespmem:s7+$0x20]  }
0x501: {  	v54 =	vld [tilespmem:s7+$0xA0]  }
0x502: {  	v13 =	vld [tilespmem:s7+$0x120]  }
0x503: {  	v55 =	vld [tilespmem:s7+$0x1A0];
	v14 =	vadd.f32 v49, v14;
	v10 =	vadd.f32 v50, v10  }
0x504: {  	v52 =	vld [tilespmem:s1+$0x370]  }
0x505: {  	v53 =	vld [tilespmem:s1+$0x3F0];
	v6 =	vadd.f32 v10, v14  }
0x506: {  	v10 =	vld [tilespmem:s1+$0x1D0]  }
0x507: {  	v14 =	vld [tilespmem:s10+$0x70];
	[tilespmem:s8+$0xFFFFFFB0] =	vst v6  }
0x508: {  	v6 =	vadd.f32 v54, v15;
	v13 =	vadd.f32 v55, v13;
	v15 =	vld [tilespmem:s7+$0x230]  }
0x509: {  	v58 =	vld [tilespmem:s7+$0x2B0]  }
0x50a: {  	v59 =	vld [tilespmem:s7+$0x3B0];
	v6 =	vadd.f32 v13, v6  }
0x50b: {  	v13 =	vld [tilespmem:s7+$0x330]  }
0x50c: {  	v11 =	vadd.f32 v12, v11;
	v10 =	vadd.f32 v10, v56;
	[tilespmem:s8+$0xFFFFFF30] =	vst v6;
	v6 =	vld [tilespmem:s10+$0x170]  }
0x50d: {  	v12 =	vld [tilespmem:s7+$0x30]  }
0x50e: {  	v10 =	vadd.f32 v10, v11;
	v11 =	vld [tilespmem:s7+$0xB0]  }
0x50f: {  	v60 =	vld [tilespmem:s7+$0x130]  }
0x510: {  	v15 =	vadd.f32 v58, v15;
	[tilespmem:s6+$0xFFFFFF60] =	vst v10;
	v10 =	vld [tilespmem:s7+$0x1B0];
	v13 =	vadd.f32 v59, v13  }
0x511: {  	v61 =	vld [tilespmem:s1+$0x60]  }
0x512: {  	v62 =	vld [tilespmem:s1+$0x160];
	v13 =	vadd.f32 v13, v15  }
0x513: {  	v4 =	vadd.f32 v5, v4;
	v5 =	vadd.f32 v8, v7;
	v7 =	vld [tilespmem:s1+$0x1E0]  }
0x514: {  	v15 =	vld [tilespmem:s1+$0xE0];
	[tilespmem:s8+$0xFFFFFFC0] =	vst v13  }
0x515: {  	v8 =	vadd.f32 v11, v12;
	v10 =	vadd.f32 v10, v60;
	v11 =	vld [tilespmem:s7+$0x240]  }
0x516: {  	v12 =	vld [tilespmem:s7+$0x2C0]  }
0x517: {  	v4 =	vadd.f32 v5, v4;
	v13 =	vld [tilespmem:s7+$0x340];
	v5 =	vadd.f32 v10, v8  }
0x518: {  	v63 =	vld [tilespmem:s7+$0x3C0];
	v8 =	vadd.f32 v51, v9;
	v9 =	vadd.f32 v53, v52  }
0x519: {  	v10 =	vadd.f32 v15, v61;
	v15 =	vadd.f32 v7, v62;
	[tilespmem:s8+$0xFFFFFF40] =	vst v5;
	v5 =	vld [tilespmem:s10+$0x1F0]  }
0x51a: {  	v8 =	vadd.f32 v9, v8;
	v7 =	vld [tilespmem:s7+$0x40]  }
0x51b: {  	[tilespmem:s0+$0x0] =	vst v4;
	v15 =	vadd.f32 v15, v10;
	v9 =	vld [tilespmem:s7+$0xC0]  }
0x51c: {  	v4 =	vadd.f32 v57, v14;
	v10 =	vld [tilespmem:s7+$0x1C0];
	[tilespmem:s6+$0x0] =	vst v8  }
0x51d: {  	s14 =	simm.s32 $0x4;
	s18 =	simm.s32 $0x11400;
	s10 =	simm.s32 $0xDBAF0;
	v11 =	vadd.f32 v12, v11;
	v12 =	vadd.f32 v63, v13;
	v8 =	vld [tilespmem:s7+$0x140];
	[tilespmem:s6+$0xFFFFFF70] =	vst v15  }
.LBB2_30:
0x51e: {  	v13 =	vld [tilespmem:s18+$0x200];
	v5 =	vadd.f32 v5, v6  }
0x51f: {  	v6 =	vld [tilespmem:s18+$0x280];
	v11 =	vadd.f32 v12, v11  }
0x520: {  	s9 =	sadd.s32 $0x2, s9;
	v12 =	vld [tilespmem:s18+$0x300];
	v7 =	vadd.f32 v9, v7;
	v4 =	vadd.f32 v5, v4  }
0x521: {  	s2 =	smulhi.u32 $0x51EB851F, s9;
	v5 =	vld [tilespmem:s18+$0x380];
	[tilespmem:s8+$0xFFFFFFD0] =	vst v11  }
0x522: {  	v8 =	vadd.f32 v10, v8;
	v9 =	vld [tilespmem:s7+$0x250];
	[tilespmem:s0+$0xFFFFFF80] =	vst v4;
	s0 =	smov.u32 s6;
	s6 =	smov.u32 s8  }
0x523: {  	s2 =	sshrl.u32 s2, $0x4;
	v4 =	vld [tilespmem:s7+$0x2D0]  }
0x524: {  	s8 =	sand.u32 $0x3, s2;
	s2 =	smul.u32 $0x6400, s2;
	v7 =	vadd.f32 v8, v7;
	v8 =	vld [tilespmem:s7+$0x350]  }
0x525: {  	s8 =	smul.u32 $0x7000, s8;
	v10 =	vld [tilespmem:s7+$0x3D0]  }
0x526: {  	v6 =	vadd.f32 v6, v13;
	v11 =	vld [tilespmem:s18+$0x0];
	v5 =	vadd.f32 v5, v12;
	[tilespmem:s6+$0xFFFFFF50] =	vst v7  }
0x527: {  	s2 =	ssub.s32 s8, s2;
	v7 =	vld [tilespmem:s18+$0x80]  }
0x528: {  	s10 =	sadd.s32 $0x100, s10;
	s2 =	sshra.s32 s2, $0x2;
	v12 =	vld [tilespmem:s18+$0x100];
	v5 =	vadd.f32 v5, v6  }
0x529: {  	s8 =	sadd.s32 s2, s10;
	v6 =	vld [tilespmem:s18+$0x180]  }
0x52a: {  	v4 =	vadd.f32 v4, v9;
	[tilespmem:s8+$0xFFFFFF90] =	vst v5;
	v5 =	vld [tilespmem:s7+$0x50];
	v8 =	vadd.f32 v10, v8  }
0x52b: {  	v9 =	vld [tilespmem:s18+$0x210]  }
0x52c: {  	v7 =	vadd.f32 v7, v11;
	v10 =	vld [tilespmem:s18+$0x290];
	v4 =	vadd.f32 v8, v4  }
0x52d: {  	v8 =	vld [tilespmem:s18+$0x310]  }
0x52e: {  	v6 =	vadd.f32 v6, v12;
	v11 =	vld [tilespmem:s18+$0x390];
	[tilespmem:s6+$0xFFFFFFE0] =	vst v4  }
0x52f: {  	v4 =	vld [tilespmem:s7+$0x260]  }
0x530: {  	v6 =	vadd.f32 v6, v7;
	v7 =	vld [tilespmem:s7+$0x2E0]  }
0x531: {  	v12 =	vld [tilespmem:s7+$0x360]  }
0x532: {  	[tilespmem:s8+$0xFFFFFF10] =	vst v6;
	v6 =	vld [tilespmem:s7+$0x3E0]  }
0x533: {  	v9 =	vadd.f32 v10, v9;
	v13 =	vld [tilespmem:s18+$0x10];
	v8 =	vadd.f32 v11, v8  }
0x534: {  	v10 =	vld [tilespmem:s18+$0x90]  }
0x535: {  	v11 =	vld [tilespmem:s18+$0x110];
	v8 =	vadd.f32 v8, v9  }
0x536: {  	v9 =	vld [tilespmem:s18+$0x190]  }
0x537: {  	v4 =	vadd.f32 v7, v4;
	[tilespmem:s8+$0xFFFFFFA0] =	vst v8;
	v8 =	vld [tilespmem:s7+$0xD0];
	v6 =	vadd.f32 v6, v12  }
0x538: {  	v7 =	vld [tilespmem:s18+$0x220]  }
0x539: {  	s14 =	sadd.s32 $0x2, s14;
	v10 =	vadd.f32 v10, v13;
	v12 =	vld [tilespmem:s18+$0x2A0];
	v4 =	vadd.f32 v6, v4  }
0x53a: {  	p0 =	slt.u32 s14, $0x1E;
	v6 =	vld [tilespmem:s18+$0x320]  }
0x53b: {  	v9 =	vadd.f32 v9, v11;
	v11 =	vld [tilespmem:s18+$0x3A0];
	[tilespmem:s6+$0xFFFFFFF0] =	vst v4  }
0x53c: {  	v4 =	vadd.f32 v8, v5;
	v5 =	vld [tilespmem:s7+$0x270]  }
0x53d: {  	v8 =	vadd.f32 v9, v10;
	v9 =	vld [tilespmem:s7+$0x2F0]  }
0x53e: {  	v10 =	vld [tilespmem:s7+$0x370]  }
0x53f: {  	[tilespmem:s8+$0xFFFFFF20] =	vst v8;
	v8 =	vld [tilespmem:s7+$0x3F0]  }
0x540: {  	v13 =	vld [tilespmem:s18+$0x20]  }
0x541: {  	v14 =	vld [tilespmem:s18+$0xA0]  }
0x542: {  	v15 =	vld [tilespmem:s18+$0x120]  }
0x543: {  	v7 =	vadd.f32 v12, v7;
	v6 =	vadd.f32 v11, v6;
	v16 =	vld [tilespmem:s18+$0x1A0]  }
0x544: {  	v5 =	vadd.f32 v9, v5;
	v11 =	vld [tilespmem:s7+$0x150];
	v8 =	vadd.f32 v8, v10  }
0x545: {  	v6 =	vadd.f32 v6, v7;
	v7 =	vld [tilespmem:s7+$0x1D0]  }
0x546: {  	v9 =	vadd.f32 v14, v13;
	v5 =	vadd.f32 v8, v5;
	v8 =	vld [tilespmem:s1+$0x70]  }
0x547: {  	[tilespmem:s8+$0xFFFFFFB0] =	vst v6;
	v10 =	vld [tilespmem:s1+$0xF0]  }
0x548: {  	v6 =	vadd.f32 v16, v15;
	v12 =	vld [tilespmem:s18+$0x230];
	[tilespmem:s6+$0x0] =	vst v5  }
0x549: {  	v5 =	vld [tilespmem:s18+$0x2B0]  }
0x54a: {  	v6 =	vadd.f32 v6, v9;
	v9 =	vld [tilespmem:s18+$0x330];
	v7 =	vadd.f32 v7, v11  }
0x54b: {  	v11 =	vld [tilespmem:s18+$0x3B0]  }
0x54c: {  	[tilespmem:s8+$0xFFFFFF30] =	vst v6;
	v7 =	vadd.f32 v7, v4;
	v6 =	vld [tilespmem:s1+$0x170];
	v4 =	vadd.f32 v10, v8  }
0x54d: {  	v8 =	vld [tilespmem:s18+$0x30]  }
0x54e: {  	v10 =	vld [tilespmem:s18+$0xB0];
	[tilespmem:s6+$0xFFFFFF60] =	vst v7  }
0x54f: {  	v7 =	vld [tilespmem:s18+$0x130]  }
0x550: {  	v5 =	vadd.f32 v5, v12;
	v13 =	vld [tilespmem:s18+$0x1B0];
	v9 =	vadd.f32 v11, v9  }
0x551: {  	v11 =	vld [tilespmem:s7+$0x60]  }
0x552: {  	v5 =	vadd.f32 v9, v5;
	v9 =	vld [tilespmem:s7+$0xE0]  }
0x553: {  	v8 =	vadd.f32 v10, v8;
	v10 =	vld [tilespmem:s7+$0x160]  }
0x554: {  	[tilespmem:s8+$0xFFFFFFC0] =	vst v5;
	v5 =	vld [tilespmem:s7+$0x1E0]  }
0x555: {  	v7 =	vadd.f32 v13, v7;
	v12 =	vld [tilespmem:s18+$0x240]  }
0x556: {  	v13 =	vld [tilespmem:s18+$0x2C0]  }
0x557: {  	v7 =	vadd.f32 v7, v8;
	v14 =	vld [tilespmem:s18+$0x340];
	v8 =	vadd.f32 v9, v11  }
0x558: {  	v15 =	vld [tilespmem:s18+$0x3C0]  }
.Ltmp20:
0x559: {  	[tilespmem:s8+$0xFFFFFF40] =	vst v7;
	v10 =	vadd.f32 v5, v10;
	v5 =	vld [tilespmem:s1+$0x1F0];
	s1 =	smov.u32 s7;
	s7 =	smov.u32 s18;
	(pc) =	sbr.rel @p0 .LBB2_30-.Ltmp20, $4  }
0x55a: {  	v7 =	vld [tilespmem:s18+$0x40]  }
0x55b: {  	v9 =	vld [tilespmem:s18+$0xC0];
	v16 =	vadd.f32 v10, v8  }
0x55c: {  	v8 =	vld [tilespmem:s18+$0x140]  }
0x55d: {  	v11 =	vadd.f32 v13, v12;
	s18 =	sadd.s32 $0x400, s18;
	v10 =	vld [tilespmem:s7+$0x1C0];
	v12 =	vadd.f32 v15, v14;
	[tilespmem:s6+$0xFFFFFF70] =	vst v16  }
0x55e: {  	_ =	sdelay $0x1  }
0x55f: {  	v11 =	vadd.f32 v12, v11;
	_ =	sdelay $0x1  }
0x560: {  	v7 =	vadd.f32 v9, v7;
	[tilespmem:s8+$0xFFFFFFD0] =	vst v11;
	v8 =	vadd.f32 v10, v8  }
0x561: {  	v11 =	vld [tilespmem:s7+$0x250]  }
0x562: {  	v41 =	vld [tilespmem:s7+$0x2D0];
	v7 =	vadd.f32 v8, v7  }
0x563: {  	v13 =	vld [tilespmem:s7+$0x350]  }
0x564: {  	v42 =	vld [tilespmem:s7+$0x3D0];
	[tilespmem:s8+$0xFFFFFF50] =	vst v7  }
0x565: {  	v7 =	vld [tilespmem:s7+$0x50]  }
0x566: {  	v44 =	vld [tilespmem:s7+$0xD0]  }
0x567: {  	v45 =	vld [tilespmem:s7+$0x150]  }
0x568: {  	v46 =	vld [tilespmem:s7+$0x1D0]  }
0x569: {  	v43 =	vadd.f32 v41, v11;
	v9 =	vadd.f32 v42, v13;
	_ =	sdelay $0x1  }
0x56a: {  	v8 =	vadd.f32 v9, v43;
	_ =	sdelay $0x1  }
0x56b: {  	[tilespmem:s8+$0xFFFFFFE0] =	vst v8;
	v7 =	vadd.f32 v44, v7;
	v9 =	vadd.f32 v46, v45  }
0x56c: {  	v8 =	vld [tilespmem:s7+$0x260]  }
0x56d: {  	v47 =	vld [tilespmem:s7+$0x2E0];
	v7 =	vadd.f32 v9, v7  }
0x56e: {  	v48 =	vld [tilespmem:s7+$0x360]  }
0x56f: {  	v14 =	vld [tilespmem:s7+$0x3E0];
	[tilespmem:s8+$0xFFFFFF60] =	vst v7  }
0x570: {  	v51 =	vld [tilespmem:s7+$0x60]  }
0x571: {  	v52 =	vld [tilespmem:s7+$0xE0]  }
0x572: {  	v53 =	vld [tilespmem:s7+$0x160]  }
0x573: {  	v54 =	vld [tilespmem:s7+$0x1E0]  }
0x574: {  	v49 =	vadd.f32 v47, v8;
	v50 =	vadd.f32 v14, v48  }
0x575: {  	v58 =	vld [tilespmem:s1+$0x70]  }
0x576: {  	v59 =	vld [tilespmem:s1+$0xF0];
	v7 =	vadd.f32 v50, v49  }
0x577: {  	v60 =	vld [tilespmem:s1+$0x170]  }
0x578: {  	v15 =	vld [tilespmem:s1+$0x1F0];
	[tilespmem:s8+$0xFFFFFFF0] =	vst v7;
	v9 =	vadd.f32 v52, v51;
	v8 =	vadd.f32 v54, v53  }
0x579: {  	v7 =	vld [tilespmem:s7+$0x270]  }
0x57a: {  	v55 =	vld [tilespmem:s7+$0x2F0];
	v8 =	vadd.f32 v8, v9  }
0x57b: {  	v56 =	vld [tilespmem:s7+$0x370]  }
0x57c: {  	v57 =	vld [tilespmem:s7+$0x3F0];
	[tilespmem:s8+$0xFFFFFF70] =	vst v8  }
0x57d: {  	v8 =	vld [tilespmem:s7+$0x70]  }
0x57e: {  	v16 =	vld [tilespmem:s7+$0xF0]  }
0x57f: {  	v17 =	vld [tilespmem:s7+$0x170]  }
0x580: {  	v61 =	vld [tilespmem:s7+$0x1F0]  }
0x581: {  	v5 =	vadd.f32 v5, v6  }
0x582: {  	v7 =	vadd.f32 v55, v7;
	v62 =	vadd.f32 v57, v56  }
0x583: {  	v4 =	vadd.f32 v5, v4;
	v63 =	vadd.f32 v59, v58  }
0x584: {  	v9 =	vadd.f32 v15, v60;
	v5 =	vadd.f32 v62, v7  }
0x585: {  	v8 =	vadd.f32 v16, v8;
	v6 =	vadd.f32 v61, v17  }
0x586: {  	[tilespmem:s0+$0xFFFFFF80] =	vst v4;
	v4 =	vadd.f32 v9, v63  }
0x587: {  	[tilespmem:s8+$0x0] =	vst v5;
	v5 =	vadd.f32 v6, v8  }
0x588: {  	[tilespmem:s6+$0xFFFFFF80] =	vst v4  }
0x589: {  	[tilespmem:s8+$0xFFFFFF80] =	vst v5  }
0x58a: {  	s25 =	simm.s32 $0x19C00;
	s26 =	simm.s32 $0x3;
	s0 =	rddreg [dreg:$0x5]  }
0x58b: {  	[hbm4b:s0+s3] =	stream.linear.scatter [tilespmem:s25], [sflag:$0x6], $0x1C00, $0x38;
	[tilespmem:$0x1B800] =	vst v63  }
0x58c: {  	_ =	swait.ge [sflag:s26], $0x1C00  }
0x58d: {  	[sflag:s26] =	ssyncset.done $0x0  }
0x58e: {  	s28 =	simm.s32 $0x4;
	[sflag:s26] =	ssyncadd.s32 $0xFFFFE400  }
0x58f: {  	_ =	swait.ge [sflag:s28], $0x1C00  }
0x590: {  	[sflag:s28] =	ssyncset.done $0x0  }
0x591: {  	s29 =	simm.s32 $0x5;
	[sflag:s28] =	ssyncadd.s32 $0xFFFFE400  }
0x592: {  	_ =	swait.ge [sflag:s29], $0x1C00  }
0x593: {  	[sflag:s29] =	ssyncset.done $0x0  }
0x594: {  	[sflag:s29] =	ssyncadd.s32 $0xFFFFE400  }
0x595: {  	_ =	swait.ge [sflag:s13], $0x1C00  }
0x596: {  	s30 =	rddreg [dreg:$0x7]  }
0x597: {  	s31 =	rddreg [dreg:$0x6];
	s1 =	sadd.s32 $0x1, s30  }
0x598: {  	p0 =	sne.s32 s1, s31  }
.Ltmp21:
0x599: {  	_ = 	snop;
	(pc) =	sbr.rel @p0 .LBB2_1-.Ltmp21, $3  }
0x59a: {  	_ =	sdelay $0x1  }
0x59b: {  	[sflag:s13] =	ssyncset.done $0x0  }
0x59c: {  	[sflag:s13] =	ssyncadd.s32 $0xFFFFE400  }
0x59d: {  	_ =	sfence.sel $0x180000  }
0x59e: {  	[bflag:$0x0] =	sbarrier.arrive $0xFFFF  }
0x59f: {  	_ =	strace $0x90000047  }
0x5a0: {  	s0 =	stileid.u32;
	[bflag:$0x2] =	sbarrier.arrive $0xFFFF  }
0x5a1: {  	p0 =	sne.s32 s0, $0x0;
	s0 =	rddreg [dreg:$0x2]  }
0x5a2: {  	s0 =	sadd.s32 @!p0 $0x100000, s0  }
0x5a3: {  	[sflag:s0] =	ssyncadd.tile.s32 @!p0 $0x1;
	_ =	shalt  }
.Lfunc_end2:
_tile_overlayer_lowered:
.L_overlay_start_2:
0x5a4: {  	(tag) =	ssettag $0x2  }
0x5a5: {  	s0 =	rddreg [dreg:$0x0];
	s2 =	stileid.u32  }
0x5a6: {  	s1 =	rddreg [dreg:$0x1];
	p0 =	sne.s32 s2, $0x0  }
0x5a7: {  	s3 =	rddreg [dreg:$0x2];
	[bflag:$0x3] =	sbarrier.arrive $0xFFFF;
	s2 =	simm.s32 @!p0 $0x1C07  }
0x5a8: {  	[timem:s3], [sflag:s2] =	dma.local @!p0 [hbm:s0], s1  }
0x5a9: {  	s0 =	simm.s32 @!p0 $0x7  }
0x5aa: {  	_ =	swait.ge @!p0 [sflag:s0], s1  }
0x5ab: {  	s1 =	ssub.s32 @!p0 $0x0, s1;
	[sflag:s0] =	ssyncset.done @!p0 $0x0  }
0x5ac: {  	[sflag:s0] =	ssyncadd.s32 @!p0 s1  }
0x5ad: {  	[bflag:$0x3] =	sbarrier.arrive $0xFFFF  }
0x5ae: {  	_ =	shalt  }

// kernel: sparse-core-data-format-call.cloned.1.call-start
scs
called_computation_lowered:
.L_overlay_start_0:
0x0: {  	s2 =	sld [smem:$0x3FD9]  }
0x1: {  	s3 =	sld [smem:$0x3FFE];
	_ =	sdelay $0x1  }
0x2: {  	s1 =	srdreg.scid  }
0x3: {  	s0 =	sand.u32 $0x1, s1  }
0x4: {  	s18 =	sshll.u32 s0, $0xA;
	s2 =	sadd.s32 s3, s2  }
0x5: {  	s2 =	sadd.s32 s2, s18  }
0x6: {  	[smem:$0x3FC6] =	sst s2  }
0x7: {  	_ = 	snop  }
0x8: {  	s2 =	sld [smem:$0x3FD0];
	(tm) =	ssettm $0x1  }
0x9: {  	s19 =	sld [smem:$0x3FFB];
	_ =	sdelay $0x3  }
0xa: {  	_ =	strace s19  }
0xb: {  	s3 =	sld [smem:$0x3FFC];
	_ =	sdelay $0x3  }
0xc: {  	_ =	strace s3  }
0xd: {  	s3 =	sld [smem:$0x3FFD];
	_ =	sdelay $0x3  }
0xe: {  	_ =	strace s3  }
0xf: {  	_ =	strace $0x8FFFFFFF  }
0x10: {  	s20 =	sld [smem:$0x3FDB];
	_ =	sdelay $0x1  }
0x11: {  	s4 =	simm.s32 $_scs_section_size  }
0x12: {  	s5 =	simm.s32 $_size__tile_overlayer_lowered;
	s6 =	simm.s32 $_tile_overlayer_lowered  }
0x13: {  	s23 =	simm.s32 $0x1BFF;
	s22 =	sshll.u32 s6, $0x1;
	s3 =	sadd.s32 s4, s20  }
0x14: {  	s7 =	simm.s32 $0x0;
	s21 =	sshll.u32 s5, $0x1;
	s5 =	sadd.s32 s22, s3  }
0x15: {  	[timem:s7], [sflag:s23] =	dma.local [hbm:s5], s21  }
0x16: {  	_ =	swait.ge [sflag:s23], s21  }
0x17: {  	s4 =	ssub.s32 $0x0, s21;
	[sflag:s23] =	ssyncset.done $0x0  }
0x18: {  	[sflag:s23] =	ssyncadd.s32 s4;
	_ =	sdelay $0x1  }
0x19: {  	s24 =	simm.s32 $0x1B8B  }
0x1a: {  	_ =	swait.ge [sflag:s24], $0x1  }
0x1b: {  	[sflag:s24] =	ssyncset.done $0x0  }
0x1c: {  	s26 =	simm.s32 $0x1B8E;
	s25 =	sld [smem:$0x3FFE];
	[sflag:s24] =	ssyncadd.s32 $0xFFFFFFFF  }
0x1d: {  	s27 =	simm.s32 $execute0_lowered;
	[smem:$0x3FD2] =	sst s26  }
0x1e: {  	s5 =	sshll.u32 s27, $0x1;
	_ =	strace $0x80000049;
	[dreg:$0x1] =	wrdreg $0xFFFFFFFF  }
0x1f: {  	s28 =	simm.s32 $_size_execute0_lowered;
	s3 =	sadd.s32 s3, s5;
	[dreg:$0x0] =	wrdreg $0x0  }
0x20: {  	s5 =	sshll.u32 s28, $0x1;
	[dreg:$0x2] =	wrdreg s3  }
0x21: {  	[dreg:$0x3] =	wrdreg s5  }
0x22: {  	[dreg:$0x4] =	wrdreg $0xC0  }
0x23: {  	_ =	task [dreg:s7], $0x5FFFF  }
0x24: {  	[dreg:$0x1] =	wrdreg $0xFFFFFFFF  }
0x25: {  	[dreg:$0x0] =	wrdreg $0x60  }
0x26: {  	[dreg:$0x2] =	wrdreg s25  }
0x27: {  	[dreg:$0x3] =	wrdreg s2  }
0x28: {  	[dreg:$0x4] =	wrdreg $0x9  }
0x29: {  	_ =	task.clear_ibuf [dreg:s7], $0x5FFFF;
	_ =	strace $0x90000049  }
0x2a: {  	s29 =	simm.s32 $0x9;
	_ =	strace $0x8000004B  }
0x2b: {  	_ =	swait.ge [sflag:s29], $0x1  }
0x2c: {  	[sflag:s29] =	ssyncadd.s32 $0xFFFFFFFF  }
0x2d: {  	_ =	strace $0x9000004B  }
0x2e: {  	_ =	sfence  }
0x2f: {  	s30 =	sld [smem:$0x0];
	_ =	sdelay $0x2  }
0x30: {  	s31 =	sshll.u32 s1, $0xD;
	s1 =	sshrl.u32 s1, $0x2  }
0x31: {  	s3 =	sand.u32 $0x4000, s31;
	s1 =	sadd.s32 s1, s30  }
0x32: {  	s0 =	sor.u32 s3, s0;
	s1 =	sshll.u32 s1, $0x11  }
0x33: {  	s0 =	sor.u32 s1, s0  }
0x34: {  	s0 =	sadd.s32 $0x8F2B, s0  }
0x35: {  	[sflag:s0] =	ssyncadd.remote.s32 $0x1  }
0x36: {  	_ =	sfence.sel $0xFFFF  }
0x37: {  	[dreg:$0x0] =	wrdreg $0xFFFFFFFF;
	(pc) =	sbr.abs _section_cstart, $3  }
0x38: {  	[dreg:$0x1] =	wrdreg $0xFFFFFFFF  }
0x39: {  	_ =	task.clear_ibuf [dreg:s7], $0x2FFFF;
	_ =	strace $0x9FFFFFFF  }
0x3a: {  	(tm) =	ssettm $0x7FFFFFFF  }
0x3b: {  	_ =	shalt  }
tec
execute0_lowered:
.L_overlay_start_1:
0x0: {  	(tag) =	ssettag $0x1  }
0x1: {  	s0 =	srdreg.scid  }
0x2: {  	s1 =	sshll.u32 s0, $0x4  }
0x3: {  	s0 =	stileid.u32;
	s1 =	sand.u32 $0x10, s1  }
0x4: {  	s1 =	sor.u32 s0, s1  }
0x5: {  	s6 =	rddreg [dreg:$0x0];
	s4 =	simm.s32 $0x1;
	s2 =	sshll.u32 s1, $0x6  }
0x6: {  	s7 =	simm.s32 $0x2;
	s13 =	simm.s32 $0x0;
	s1 =	ssub.s32 $0x1000, s2  }
0x7: {  	s8 =	simm.s32 $0x2000;
	s9 =	simm.s32 $0x80000;
	s3 =	sand.u32 $0x7C0, s1  }
0x8: {  	s14 =	simm.s32 $0x0;
	s5 =	sshrl.u32 s1, $0xB;
	p0 =	sne.s32 s3, $0x0  }
.Ltmp0:
0x9: {  	s1 =	rddreg [dreg:$0x2];
	s4 =	simm.s32 @!p0 $0x0;
	(pc) =	sbr.rel .LBB1_1-.Ltmp0, $4  }
0xa: {  	s10 =	simm.s32 $0x0;
	s3 =	rddreg [dreg:$0x1];
	s5 =	sadd.s32 s4, s5  }
0xb: {  	_ =	strace $0x8000004A;
	s4 =	simm.s32 $0x1;
	s5 =	smul.u32 $0x19, s5  }
0xc: {  	s12 =	simm.s32 $0x0;
	s6 =	sadd.s32 $0x1200, s6;
	[sflag:s4] =	ssyncpa.u1 $0x0  }
0xd: {  	s11 =	smov.u32 s2;
	[sflag:s7] =	ssyncpa.u1 $0x0;
	s7 =	sadd.s32 $0x1, s5  }
.LBB1_7:
0xe: {  	s15 =	sadd.s32 $0x2, s10  }
0xf: {  	s13 =	sadd.s32 $0x800, s11;
	s17 =	smov.u32 s11;
	p1 =	sgt.s32 s15, $0x31  }
0x10: {  	s17 =	smov.u32 @p1 s13  }
0x11: {  	s15 =	simm.s32 @p1 $0x0;
	p1 =	sgt.s32 s17, $0xFFF  }
0x12: {  	s17 =	smov.u32 @p1 s2;
	p1 =	sne.s32 s12, s7  }
.Ltmp1:
0x13: {  	p0 =	slt.u32 s12, $0x2;
	(pc) =	sbr.rel @!p1 .LBB1_8-.Ltmp1, $4  }
0x14: {  	s16 =	simm.s32 @!p0 $0x2  }
0x15: {  	s14 =	smov.u32 s11;
	_ =	swait.ge @!p0 [sflag:s16], $0x4000  }
0x16: {  	s13 =	smov.u32 s10;
	[sflag:s16] =	ssyncset.done @!p0 $0x0;
	s10 =	smov.u32 s15  }
0x17: {  	s12 =	sadd.s32 $0x1, s12;
	[sflag:s16] =	ssyncadd.s32 @!p0 $0xFFFFC000;
	s11 =	smov.u32 s17  }
.LBB1_1:
0x18: {  	p0 =	sge.u32 s12, s5  }
0x19: {  	s15 =	sand.u32 @!p0 $0x1FFFFFF, s10  }
0x1a: {  	s16 =	smulhi.u32 @!p0 $0x4924925, s15;
	_ =	sdelay $0x1  }
0x1b: {  	s16 =	smul.u32 @!p0 $0x38, s16  }
0x1c: {  	s17 =	sxor.u32 @!p0 $0xFFFFFFFF, s12;
	s18 =	smul.u32 @!p0 $0x380, s11  }
0x1d: {  	s31 =	sadd.s32 $0xFFFFFFFF, s12;
	s17 =	sshll.u32 @!p0 s17, $0xE;
	s15 =	ssub.s32 @!p0 s15, s16  }
0x1e: {  	s16 =	sand.u32 @!p0 $0x4000, s17;
	s17 =	sadd.s32 @!p0 s6, s18;
	s15 =	sshll.u32 @!p0 s15, $0x4  }
0x1f: {  	s18 =	simm.s32 @!p0 $0x1C00;
	s15 =	sadd.s32 @!p0 s15, s17;
	s17 =	simm.s32 @!p0 $0x100  }
0x20: {  	[tilespmem:s16], [sflag:$0x1] =	stream.strided.gather @!p0 [hbm4b:s15+s17], $0x4000, s18, s17, $0x38;
	[tilespmem:$0x10000] =	vst v63  }
0x21: {  	p0 =	sge.u32 s31, s5  }
.Ltmp2:
0x22: {  	_ = 	snop;
	(pc) =	sbr.rel @p0 .LBB1_7-.Ltmp2, $1  }
0x23: {  	_ =	sdelay $0x3  }
0x24: {  	_ =	swait.ge [sflag:s4], $0x4000;
	s15 =	sshll.u32 s12, $0xE  }
0x25: {  	[sflag:s4] =	ssyncset.done $0x0;
	s16 =	sand.u32 $0x4000, s15  }
0x26: {  	s17 =	simm.s32 $0x0;
	[sflag:s4] =	ssyncadd.s32 $0xFFFFC000;
	s15 =	sor.u32 $0x8000, s16  }
.LBB1_3:
0x27: {  	s18 =	sshll.u32 s17, $0x8  }
0x28: {  	s18 =	sand.u32 $0x3FFFFF00, s18  }
0x29: {  	s19 =	sshll.u32 s17, $0x7;
	s18 =	sadd.s32 s18, s16  }
0x2a: {  	s19 =	sand.u32 $0x3FFFFF80, s19;
	v0 =	vmov s18  }
0x2b: {  	s19 =	sadd.s32 s19, s15  }
0x2c: {  	p0 =	por $0x1, $0x1;
	v1 =	vmov s19;
	s18 =	simm.s32 $0x0  }
.LBB1_4:
0x2d: {  	s19 =	sshll.u32 s18, $0x7  }
0x2e: {  	s19 =	sand.u32 $0x3FFFFF80, s19  }
0x2f: {  	v2 =	vld.idx.msk [tilespmem:v0+s19+$0x0 ss:$0x1], $0xffff  }
0x30: {  	v3 =	vld.idx.msk [tilespmem:v0+s19+$0x10 ss:$0x1], $0xffff  }
0x31: {  	v4 =	vld.idx.msk [tilespmem:v0+s19+$0x20 ss:$0x1], $0xffff  }
0x32: {  	s31 =	sshll.u32 s18, $0xD;
	v5 =	vld.idx.msk [tilespmem:v0+s19+$0x30 ss:$0x1], $0xffff  }
0x33: {  	s18 =	sand.u32 $0x3FFFE000, s31;
	v6 =	vld.idx.msk [tilespmem:v0+s19+$0x40 ss:$0x1], $0xffff  }
0x34: {  	v63 =	vld.idx.msk [tilespmem:v0+s19+$0x70 ss:$0x1], $0xffff;
	[tilespmem:v1+s18+$0x0 ss:$0x1] =	vst.idx.msk $0xffff, v2  }
0x35: {  	v2 =	vld.idx.msk [tilespmem:v0+s19+$0x50 ss:$0x1], $0xffff;
	[tilespmem:v1+s18+$0x10 ss:$0x1] =	vst.idx.msk $0xffff, v3  }
0x36: {  	p1 =	por p0, p0;
	v3 =	vld.idx.msk [tilespmem:v0+s19+$0x60 ss:$0x1], $0xffff;
	[tilespmem:v1+s18+$0x20 ss:$0x1] =	vst.idx.msk $0xffff, v4  }
.Ltmp3:
0x37: {  	[tilespmem:v1+s18+$0x30 ss:$0x1] =	vst.idx.msk $0xffff, v5;
	(pc) =	sbr.rel @p1 .LBB1_4-.Ltmp3, $4  }
0x38: {  	[tilespmem:v1+s18+$0x40 ss:$0x1] =	vst.idx.msk $0xffff, v6  }
0x39: {  	[tilespmem:v1+s18+$0x70 ss:$0x1] =	vst.idx.msk $0xffff, v63  }
0x3a: {  	[tilespmem:v1+s18+$0x50 ss:$0x1] =	vst.idx.msk $0xffff, v2  }
0x3b: {  	p0 =	por $0x0, $0x0;
	[tilespmem:v1+s18+$0x60 ss:$0x1] =	vst.idx.msk $0xffff, v3;
	s18 =	simm.s32 $0x1  }
0x3c: {  	s17 =	sadd.s32 $0x1, s17  }
0x3d: {  	p0 =	sne.s32 s17, $0x40  }
.Ltmp4:
0x3e: {  	_ = 	snop;
	(pc) =	sbr.rel @p0 .LBB1_3-.Ltmp4, $1  }
0x3f: {  	_ =	sdelay $0x3  }
.Ltmp5:
0x40: {  	s14 =	sshll.u32 s14, $0x4;
	(pc) =	sbr.rel .LBB1_7-.Ltmp5, $4  }
0x41: {  	s14 =	sand.u32 $0xFFF0, s14  }
0x42: {  	s13 =	sshll.u32 s13, $0x10;
	s14 =	sadd.s32 s3, s14  }
0x43: {  	s13 =	sadd.s32 s13, s14  }
0x44: {  	[hbm4b:s13+s8] =	stream.strided.scatter [tilespmem:s15], [sflag:$0x2], $0x4000, s9, s8, $0x38;
	[tilespmem:$0x10000] =	vst v63  }
.LBB1_8:
0x45: {  	_ =	sfence.sel $0x180000  }
0x46: {  	s2 =	simm.s32 $0x1;
	[bflag:$0x0] =	sbarrier.arrive $0xFFFF  }
0x47: {  	s31 =	simm.s32 $0x2;
	[sflag:s2] =	ssyncpa.u1 $0x1  }
0x48: {  	[sflag:s31] =	ssyncpa.u1 $0x1  }
0x49: {  	p0 =	sne.s32 s0, $0x0;
	_ =	strace $0x9000004A  }
0x4a: {  	s0 =	sadd.s32 @!p0 $0x100000, s1;
	[bflag:$0x2] =	sbarrier.arrive $0xFFFF  }
0x4b: {  	[sflag:s0] =	ssyncadd.tile.s32 @!p0 $0x1;
	_ =	shalt  }
.Lfunc_end1:
_tile_overlayer_lowered:
.L_overlay_start_2:
0x4c: {  	(tag) =	ssettag $0x2  }
0x4d: {  	s0 =	rddreg [dreg:$0x0];
	s2 =	stileid.u32  }
0x4e: {  	s1 =	rddreg [dreg:$0x1];
	p0 =	sne.s32 s2, $0x0  }
0x4f: {  	s3 =	rddreg [dreg:$0x2];
	[bflag:$0x3] =	sbarrier.arrive $0xFFFF;
	s2 =	simm.s32 @!p0 $0x1C01  }
0x50: {  	[timem:s3], [sflag:s2] =	dma.local @!p0 [hbm:s0], s1  }
0x51: {  	s0 =	simm.s32 @!p0 $0x1  }
0x52: {  	_ =	swait.ge @!p0 [sflag:s0], s1  }
0x53: {  	s1 =	ssub.s32 @!p0 $0x0, s1;
	[sflag:s0] =	ssyncset.done @!p0 $0x0  }
0x54: {  	[sflag:s0] =	ssyncadd.s32 @!p0 s1  }
0x55: {  	[bflag:$0x3] =	sbarrier.arrive $0xFFFF  }
0x56: {  	_ =	shalt  }

</sc_bundles>
